<compile_context>
chip_gen: v7x
topology: tpu7x:2x2x1
jax: 0.10.2.dev20260603
libtpu: 0.0.44.dev20260713+nightly
codegen_flags: <defaults>
</compile_context>

<pallas_src>
import functools

import jax
import jax.numpy as jnp
from jax import lax
from jax.experimental import pallas as pl
from jax.experimental.pallas import tpu as pltpu
from jax.experimental.pallas import tpu_sc as plsc

_NE = 1024
_D = 64
_B = 32
_BR = 1024
_NROWS = _B * _BR
_NC, _NS = 2, 16
_L = 16
_DCH = 16


_BB = 8


def _tc_body(xt_ref, e_ref, idx_ref, loss_ref):
    i = pl.program_id(0)
    part = 0.0
    for j in range(_BB):
        xt = xt_ref[j]
        ssq = jnp.sum(xt * xt, axis=0, keepdims=True)
        norm = jnp.sqrt(ssq)
        inv = 1.0 / jnp.maximum(norm, 1e-12)
        xnt = xt * inv

        s = lax.dot_general(e_ref[...], xnt, (((0,), (0,)), ((), ())),
                            preferred_element_type=jnp.float32)
        m = jnp.max(s, axis=0, keepdims=True)
        idx = jnp.argmax(s, axis=0)[None].astype(jnp.int32)
        idx_ref[j] = idx

        xnsq = ssq * (inv * inv)
        part += jnp.sum(xnsq - 2.0 * m + 1.0) * (1.0 / (_NROWS * _D))

    @pl.when(i == 0)
    def _():
        loss_ref[0, 0] = 0.0

    loss_ref[0, 0] += part


_tc_call = pl.pallas_call(
    _tc_body,
    grid=(_B // _BB,),
    in_specs=[
        pl.BlockSpec((_BB, _D, _BR), lambda i: (i, 0, 0)),
        pl.BlockSpec((_D, _NE), lambda i: (0, 0)),
    ],
    out_specs=[
        pl.BlockSpec((_BB, 1, _BR), lambda i: (i, 0, 0)),
        pl.BlockSpec(memory_space=pltpu.SMEM, block_shape=(1, 1),
                     index_map=lambda i: (0, 0)),
    ],
    out_shape=[
        jax.ShapeDtypeStruct((_B, 1, _BR), jnp.int32),
        jax.ShapeDtypeStruct((1, 1), jnp.float32),
    ],
    compiler_params=pltpu.CompilerParams(dimension_semantics=("arbitrary",)),
)


@functools.cache
def _sc_gather_call():
    @functools.partial(
        pl.kernel,
        mesh=plsc.VectorSubcoreMesh(core_axis_name="c", subcore_axis_name="s"),
        out_type=jax.ShapeDtypeStruct((_B, _D * _BR), jnp.float32),
        scratch_types=[
            pltpu.VMEM((_D * _NE,), jnp.float32),
            pltpu.VMEM((_BR,), jnp.int32),
            pltpu.VMEM((_DCH * _BR,), jnp.float32),
        ],
        compiler_params=pltpu.CompilerParams(use_tc_tiling_on_sc=False,
                                             needs_layout_passes=False),
    )
    def _sc_gather(etf_hbm, idx_hbm, out_hbm, et_v, idx_v, q_v):
        b = lax.axis_index("s") * _NC + lax.axis_index("c")
        pltpu.sync_copy(etf_hbm, et_v)
        pltpu.sync_copy(idx_hbm.at[b], idx_v)

        for c in range(_D // _DCH):
            @plsc.parallel_loop(0, _BR // _L, 1, unroll=8)
            def _(r, c=c):
                base = r * _L
                ct = base // 128
                cc = base % 128
                cols = idx_v[pl.ds(base, _L)]
                for dd in range(_DCH):
                    d = c * _DCH + dd
                    off = (dd // 8) * 8192 + (dd % 8) * 128 + cc
                    q_v[pl.ds(ct * 1024 + off, _L)] = plsc.load_gather(
                        et_v, [cols + d * _NE])

            pltpu.sync_copy(q_v, out_hbm.at[b, pl.ds(c * _DCH * _BR,
                                                     _DCH * _BR)])

    return _sc_gather


def kernel(inputs, embeddings):
    orig_shape = inputs.shape
    xt3 = jnp.swapaxes(inputs, 1, 2)
    idx3, loss11 = _tc_call(xt3, embeddings.T)
    idx2d = idx3.reshape(_B, _BR)
    etf = embeddings.T.reshape(-1)
    qt = _sc_gather_call()(etf, idx2d)
    quantized = jnp.transpose(qt.reshape(_B, 8, 8, 8, 128),
                              (0, 2, 4, 1, 3)).reshape(orig_shape)
    loss = loss11[0, 0]
    encoding_indices = idx2d.reshape(orig_shape[:-1])
    return (quantized, loss, encoding_indices)

# --- scband reference (transcript-rebuilt; emitter-appended) ---
"""Pipeline reference for scband-vector-quantizer-31696858644923 (READ-ONLY COPY).

The authoritative reference and input builder live on the scoring server;
editing this copy changes nothing except your own understanding.
"""

import jax, jax.numpy as jnp
import numpy as np

NUM_EMBEDDINGS = 1024
EMBEDDING_DIM = 64


def _l2_normalize(x, axis):
    norm = jnp.linalg.norm(x, axis=axis, keepdims=True)
    return x / jnp.maximum(norm, 1e-12)


def setup_inputs(seed: int = 0) -> dict:
    key = jax.random.key(seed)
    k1, k2 = jax.random.split(key)
    inputs = jax.random.normal(k1, (32, 1024, 64), dtype=jnp.float32)
    embeddings = jax.random.normal(k2, (NUM_EMBEDDINGS, EMBEDDING_DIM), dtype=jnp.float32)
    embeddings = _l2_normalize(embeddings, axis=1)  # normalized at init like the torch module
    return {"inputs": inputs, "embeddings": embeddings}


def reference(inputs, embeddings):
    # eval-mode forward (no EMA update, use_commitment=False)
    orig_shape = inputs.shape
    x = inputs
    if x.ndim == 2:
        x = x[None, :, :]
    if x.ndim > 3:
        x = x.reshape(-1, x.shape[-2], x.shape[-1])
    x = _l2_normalize(x, axis=-1)
    distances = (
        jnp.sum(x ** 2, axis=-1, keepdims=True)
        + jnp.sum(embeddings ** 2, axis=1)
        - 2.0 * jnp.matmul(x, embeddings.T)
    )
    encoding_indices = jnp.argmin(distances, axis=-1)
    encodings = jax.nn.one_hot(encoding_indices.reshape(-1), NUM_EMBEDDINGS, dtype=x.dtype)
    quantized = jnp.matmul(encodings, embeddings).reshape(x.shape)
    # use_commitment=False branch: loss = mse(quantized, inputs.detach())
    loss = jnp.mean((quantized - jax.lax.stop_gradient(x)) ** 2)
    # straight-through estimator
    quantized = x + jax.lax.stop_gradient(quantized - x)
    if len(orig_shape) != quantized.ndim:
        quantized = quantized.reshape(orig_shape)
        encoding_indices = encoding_indices.reshape(orig_shape[:-1])
    return (quantized, loss, encoding_indices)

if __name__ == "__main__":
    import jax
    _d = setup_inputs()
    print(jax.jit(kernel)(*tuple(_d.values())))

</pallas_src>

<mosaic_0001>
#map = affine_map<(d0, d1) -> (0)>
#map1 = affine_map<(d0, d1) -> (0, 0)>
module attributes {stable_mosaic.version = 14 : i64} {
  func.func @_sc_gather(%arg0: i32, %arg1: i32, %arg2: memref<65536xf32, #tpu.memory_space<hbm>>, %arg3: memref<32x1024xi32, #tpu.memory_space<hbm>>, %arg4: memref<32x65536xf32, #tpu.memory_space<hbm>>, %arg5: memref<65536xf32, #tpu.memory_space<vmem>>, %arg6: memref<1024xi32, #tpu.memory_space<vmem>>, %arg7: memref<16384xf32, #tpu.memory_space<vmem>>) attributes {dimension_semantics = [#tpu.dimension_semantics<core_parallel>, #tpu.dimension_semantics<subcore_parallel>], iteration_bounds = array<i64: 2, 16>, scalar_prefetch = 0 : i64, scratch_operands = 3 : i64, tpu.core_type = #tpu.core_type<sc_vector_subcore>, window_params = [{transform_indices = #map}, {transform_indices = #map1}, {transform_indices = #map1}]} {
    %mul3A = arith.constant 2 : i32
    %mul3A_0 = arith.muli %arg1, %mul3A : i32
    %add3A = arith.addi %mul3A_0, %arg0 : i32
    "tpu.region"() ({
      %run_scoped3A = tpu.sem_alloc : memref<!tpu.dma_semaphore, #tpu.memory_space<semaphore_mem>>
      tpu.enqueue_dma source(%arg2 : memref<65536xf32, #tpu.memory_space<hbm>>) target(%arg5 : memref<65536xf32, #tpu.memory_space<vmem>>) target_semaphore(%run_scoped3A : memref<!tpu.dma_semaphore, #tpu.memory_space<semaphore_mem>>)
      tpu.wait_dma2 semaphore(%run_scoped3A : memref<!tpu.dma_semaphore, #tpu.memory_space<semaphore_mem>>) src(%arg2 : memref<65536xf32, #tpu.memory_space<hbm>>) dst(%arg5 : memref<65536xf32, #tpu.memory_space<vmem>>)
      tpu.yield
    }) : () -> ()
    "tpu.region"() ({
      %run_scoped3A = tpu.sem_alloc : memref<!tpu.dma_semaphore, #tpu.memory_space<semaphore_mem>>
      %dma_start3A = arith.constant 0 : i32
      %dma_start3A_12 = tpu.memref_slice %arg3[%add3A, %dma_start3A] : memref<32x1024xi32, #tpu.memory_space<hbm>> -> memref<1x1024xi32, #tpu.memory_space<hbm>>
      %dma_start3A_13 = tpu.memref_squeeze %dma_start3A_12 : memref<1x1024xi32, #tpu.memory_space<hbm>> -> memref<1024xi32, #tpu.memory_space<hbm>>
      %dma_start3A_14 = arith.constant 0 : i32
      %dma_start3A_15 = tpu.memref_slice %arg3[%add3A, %dma_start3A_14] : memref<32x1024xi32, #tpu.memory_space<hbm>> -> memref<1x1024xi32, #tpu.memory_space<hbm>>
      %dma_start3A_16 = tpu.memref_squeeze %dma_start3A_15 : memref<1x1024xi32, #tpu.memory_space<hbm>> -> memref<1024xi32, #tpu.memory_space<hbm>>
      tpu.enqueue_dma source(%dma_start3A_16 : memref<1024xi32, #tpu.memory_space<hbm>>) target(%arg6 : memref<1024xi32, #tpu.memory_space<vmem>>) target_semaphore(%run_scoped3A : memref<!tpu.dma_semaphore, #tpu.memory_space<semaphore_mem>>)
      %dma_wait3A = arith.constant 0 : i32
      %dma_wait3A_17 = tpu.memref_slice %arg3[%add3A, %dma_wait3A] : memref<32x1024xi32, #tpu.memory_space<hbm>> -> memref<1x1024xi32, #tpu.memory_space<hbm>>
      %dma_wait3A_18 = tpu.memref_squeeze %dma_wait3A_17 : memref<1x1024xi32, #tpu.memory_space<hbm>> -> memref<1024xi32, #tpu.memory_space<hbm>>
      %dma_wait3A_19 = arith.constant 0 : i32
      %dma_wait3A_20 = tpu.memref_slice %arg3[%add3A, %dma_wait3A_19] : memref<32x1024xi32, #tpu.memory_space<hbm>> -> memref<1x1024xi32, #tpu.memory_space<hbm>>
      %dma_wait3A_21 = tpu.memref_squeeze %dma_wait3A_20 : memref<1x1024xi32, #tpu.memory_space<hbm>> -> memref<1024xi32, #tpu.memory_space<hbm>>
      tpu.wait_dma2 semaphore(%run_scoped3A : memref<!tpu.dma_semaphore, #tpu.memory_space<semaphore_mem>>) src(%dma_wait3A_21 : memref<1024xi32, #tpu.memory_space<hbm>>) dst(%arg6 : memref<1024xi32, #tpu.memory_space<vmem>>)
      tpu.yield
    }) : () -> ()
    %parallel_loop3A = arith.constant 0 : i32
    %parallel_loop3A_1 = arith.constant 64 : i32
    %parallel_loop3A_2 = arith.constant 1 : i32
    scf.for %parallel_loop3A_12 = %parallel_loop3A to %parallel_loop3A_1 step %parallel_loop3A_2  : i32 {
      %parallel_loop3A_13 = arith.constant 16 : i32
      %parallel_loop3A_14 = arith.muli %parallel_loop3A_12, %parallel_loop3A_13 : i32
      %parallel_loop3A_15 = arith.constant 128 : i32
      %parallel_loop3A_16 = arith.divsi %parallel_loop3A_14, %parallel_loop3A_15 : i32
      %parallel_loop3A_17 = arith.constant 0 : i32
      %parallel_loop3A_18 = arith.cmpi sgt, %parallel_loop3A_14, %parallel_loop3A_17 : i32
      %parallel_loop3A_19 = arith.extui %parallel_loop3A_18 : i1 to i32
      %parallel_loop3A_20 = arith.constant 0 : i32
      %parallel_loop3A_21 = arith.cmpi slt, %parallel_loop3A_14, %parallel_loop3A_20 : i32
      %parallel_loop3A_22 = arith.extui %parallel_loop3A_21 : i1 to i32
      %parallel_loop3A_23 = arith.subi %parallel_loop3A_19, %parallel_loop3A_22 : i32
      %parallel_loop3A_24 = arith.constant 0 : i32
      %parallel_loop3A_25 = arith.cmpi sgt, %parallel_loop3A_15, %parallel_loop3A_24 : i32
      %parallel_loop3A_26 = arith.extui %parallel_loop3A_25 : i1 to i32
      %parallel_loop3A_27 = arith.constant 0 : i32
      %parallel_loop3A_28 = arith.cmpi slt, %parallel_loop3A_15, %parallel_loop3A_27 : i32
      %parallel_loop3A_29 = arith.extui %parallel_loop3A_28 : i1 to i32
      %parallel_loop3A_30 = arith.subi %parallel_loop3A_26, %parallel_loop3A_29 : i32
      %parallel_loop3A_31 = arith.cmpi ne, %parallel_loop3A_23, %parallel_loop3A_30 : i32
      %parallel_loop3A_32 = arith.remsi %parallel_loop3A_14, %parallel_loop3A_15 : i32
      %parallel_loop3A_33 = arith.constant 0 : i32
      %parallel_loop3A_34 = arith.cmpi ne, %parallel_loop3A_32, %parallel_loop3A_33 : i32
      %parallel_loop3A_35 = arith.andi %parallel_loop3A_31, %parallel_loop3A_34 : i1
      %parallel_loop3A_36 = arith.constant 1 : i32
      %parallel_loop3A_37 = arith.subi %parallel_loop3A_16, %parallel_loop3A_36 : i32
      %parallel_loop3A_38 = arith.select %parallel_loop3A_35, %parallel_loop3A_37, %parallel_loop3A_16 : i32
      %parallel_loop3A_39 = arith.constant 128 : i32
      %parallel_loop3A_40 = arith.constant 0 : i32
      %parallel_loop3A_41 = arith.cmpi eq, %parallel_loop3A_39, %parallel_loop3A_40 : i32
      %parallel_loop3A_42 = arith.constant 1 : i32
      %parallel_loop3A_43 = arith.select %parallel_loop3A_41, %parallel_loop3A_42, %parallel_loop3A_39 : i32
      %parallel_loop3A_44 = arith.remsi %parallel_loop3A_14, %parallel_loop3A_43 : i32
      %parallel_loop3A_45 = arith.constant 0 : i32
      %parallel_loop3A_46 = arith.cmpi ne, %parallel_loop3A_44, %parallel_loop3A_45 : i32
      %parallel_loop3A_47 = arith.constant 0 : i32
      %parallel_loop3A_48 = arith.cmpi slt, %parallel_loop3A_44, %parallel_loop3A_47 : i32
      %parallel_loop3A_49 = arith.constant 0 : i32
      %parallel_loop3A_50 = arith.cmpi slt, %parallel_loop3A_43, %parallel_loop3A_49 : i32
      %parallel_loop3A_51 = arith.xori %parallel_loop3A_48, %parallel_loop3A_50 : i1
      %parallel_loop3A_52 = arith.andi %parallel_loop3A_51, %parallel_loop3A_46 : i1
      %parallel_loop3A_53 = arith.addi %parallel_loop3A_44, %parallel_loop3A_43 : i32
      %parallel_loop3A_54 = arith.select %parallel_loop3A_52, %parallel_loop3A_53, %parallel_loop3A_44 : i32
      %parallel_loop3A_55 = arith.index_cast %parallel_loop3A_14 : i32 to index
      %parallel_loop3A_56 = tpu.vector_load %arg6[%parallel_loop3A_55] {strides = array<i32>} : memref<1024xi32, #tpu.memory_space<vmem>>, vector<16xi32>,
      %parallel_loop3A_57 = arith.constant 0 : i32
      %parallel_loop3A_58 = arith.addi %parallel_loop3A_57, %parallel_loop3A_54 : i32
      %parallel_loop3A_59 = arith.constant 0 : i32
      %parallel_loop3A_60 = vector.broadcast %parallel_loop3A_59 : i32 to vector<16xi32>
      %parallel_loop3A_61 = arith.addi %parallel_loop3A_56, %parallel_loop3A_60 : vector<16xi32>
      %parallel_loop3A_62 = tpu.vector_load_idx %arg5[%parallel_loop3A_61] : memref<65536xf32, #tpu.memory_space<vmem>>[vector<16xi32>], vector<16xf32>,
      %parallel_loop3A_63 = arith.constant 1024 : i32
      %parallel_loop3A_64 = arith.muli %parallel_loop3A_38, %parallel_loop3A_63 : i32
      %parallel_loop3A_65 = arith.addi %parallel_loop3A_64, %parallel_loop3A_58 : i32
      %parallel_loop3A_66 = arith.index_cast %parallel_loop3A_65 : i32 to index
      %parallel_loop3A_67 = tpu.vector_load %arg7[%parallel_loop3A_66] {strides = array<i32>} : memref<16384xf32, #tpu.memory_space<vmem>>, vector<16xf32>,
      tpu.vector_store %arg7[%parallel_loop3A_66], %parallel_loop3A_62 {strides = array<i32>} : memref<16384xf32, #tpu.memory_space<vmem>>, vector<16xf32>,
      %parallel_loop3A_68 = arith.constant 128 : i32
      %parallel_loop3A_69 = arith.addi %parallel_loop3A_68, %parallel_loop3A_54 : i32
      %parallel_loop3A_70 = arith.constant 1024 : i32
      %parallel_loop3A_71 = vector.broadcast %parallel_loop3A_70 : i32 to vector<16xi32>
      %parallel_loop3A_72 = arith.addi %parallel_loop3A_56, %parallel_loop3A_71 : vector<16xi32>
      %parallel_loop3A_73 = tpu.vector_load_idx %arg5[%parallel_loop3A_72] : memref<65536xf32, #tpu.memory_space<vmem>>[vector<16xi32>], vector<16xf32>,
      %parallel_loop3A_74 = arith.constant 1024 : i32
      %parallel_loop3A_75 = arith.muli %parallel_loop3A_38, %parallel_loop3A_74 : i32
      %parallel_loop3A_76 = arith.addi %parallel_loop3A_75, %parallel_loop3A_69 : i32
      %parallel_loop3A_77 = arith.index_cast %parallel_loop3A_76 : i32 to index
      %parallel_loop3A_78 = tpu.vector_load %arg7[%parallel_loop3A_77] {strides = array<i32>} : memref<16384xf32, #tpu.memory_space<vmem>>, vector<16xf32>,
      tpu.vector_store %arg7[%parallel_loop3A_77], %parallel_loop3A_73 {strides = array<i32>} : memref<16384xf32, #tpu.memory_space<vmem>>, vector<16xf32>,
      %parallel_loop3A_79 = arith.constant 256 : i32
      %parallel_loop3A_80 = arith.addi %parallel_loop3A_79, %parallel_loop3A_54 : i32
      %parallel_loop3A_81 = arith.constant 2048 : i32
      %parallel_loop3A_82 = vector.broadcast %parallel_loop3A_81 : i32 to vector<16xi32>
      %parallel_loop3A_83 = arith.addi %parallel_loop3A_56, %parallel_loop3A_82 : vector<16xi32>
      %parallel_loop3A_84 = tpu.vector_load_idx %arg5[%parallel_loop3A_83] : memref<65536xf32, #tpu.memory_space<vmem>>[vector<16xi32>], vector<16xf32>,
      %parallel_loop3A_85 = arith.constant 1024 : i32
      %parallel_loop3A_86 = arith.muli %parallel_loop3A_38, %parallel_loop3A_85 : i32
      %parallel_loop3A_87 = arith.addi %parallel_loop3A_86, %parallel_loop3A_80 : i32
      %parallel_loop3A_88 = arith.index_cast %parallel_loop3A_87 : i32 to index
      %parallel_loop3A_89 = tpu.vector_load %arg7[%parallel_loop3A_88] {strides = array<i32>} : memref<16384xf32, #tpu.memory_space<vmem>>, vector<16xf32>,
      tpu.vector_store %arg7[%parallel_loop3A_88], %parallel_loop3A_84 {strides = array<i32>} : memref<16384xf32, #tpu.memory_space<vmem>>, vector<16xf32>,
      %parallel_loop3A_90 = arith.constant 384 : i32
      %parallel_loop3A_91 = arith.addi %parallel_loop3A_90, %parallel_loop3A_54 : i32
      %parallel_loop3A_92 = arith.constant 3072 : i32
      %parallel_loop3A_93 = vector.broadcast %parallel_loop3A_92 : i32 to vector<16xi32>
      %parallel_loop3A_94 = arith.addi %parallel_loop3A_56, %parallel_loop3A_93 : vector<16xi32>
      %parallel_loop3A_95 = tpu.vector_load_idx %arg5[%parallel_loop3A_94] : memref<65536xf32, #tpu.memory_space<vmem>>[vector<16xi32>], vector<16xf32>,
      %parallel_loop3A_96 = arith.constant 1024 : i32
      %parallel_loop3A_97 = arith.muli %parallel_loop3A_38, %parallel_loop3A_96 : i32
      %parallel_loop3A_98 = arith.addi %parallel_loop3A_97, %parallel_loop3A_91 : i32
      %parallel_loop3A_99 = arith.index_cast %parallel_loop3A_98 : i32 to index
      %parallel_loop3A_100 = tpu.vector_load %arg7[%parallel_loop3A_99] {strides = array<i32>} : memref<16384xf32, #tpu.memory_space<vmem>>, vector<16xf32>,
      tpu.vector_store %arg7[%parallel_loop3A_99], %parallel_loop3A_95 {strides = array<i32>} : memref<16384xf32, #tpu.memory_space<vmem>>, vector<16xf32>,
      %parallel_loop3A_101 = arith.constant 512 : i32
      %parallel_loop3A_102 = arith.addi %parallel_loop3A_101, %parallel_loop3A_54 : i32
      %parallel_loop3A_103 = arith.constant 4096 : i32
      %parallel_loop3A_104 = vector.broadcast %parallel_loop3A_103 : i32 to vector<16xi32>
      %parallel_loop3A_105 = arith.addi %parallel_loop3A_56, %parallel_loop3A_104 : vector<16xi32>
      %parallel_loop3A_106 = tpu.vector_load_idx %arg5[%parallel_loop3A_105] : memref<65536xf32, #tpu.memory_space<vmem>>[vector<16xi32>], vector<16xf32>,
      %parallel_loop3A_107 = arith.constant 1024 : i32
      %parallel_loop3A_108 = arith.muli %parallel_loop3A_38, %parallel_loop3A_107 : i32
      %parallel_loop3A_109 = arith.addi %parallel_loop3A_108, %parallel_loop3A_102 : i32
      %parallel_loop3A_110 = arith.index_cast %parallel_loop3A_109 : i32 to index
      %parallel_loop3A_111 = tpu.vector_load %arg7[%parallel_loop3A_110] {strides = array<i32>} : memref<16384xf32, #tpu.memory_space<vmem>>, vector<16xf32>,
      tpu.vector_store %arg7[%parallel_loop3A_110], %parallel_loop3A_106 {strides = array<i32>} : memref<16384xf32, #tpu.memory_space<vmem>>, vector<16xf32>,
      %parallel_loop3A_112 = arith.constant 640 : i32
      %parallel_loop3A_113 = arith.addi %parallel_loop3A_112, %parallel_loop3A_54 : i32
      %parallel_loop3A_114 = arith.constant 5120 : i32
      %parallel_loop3A_115 = vector.broadcast %parallel_loop3A_114 : i32 to vector<16xi32>
      %parallel_loop3A_116 = arith.addi %parallel_loop3A_56, %parallel_loop3A_115 : vector<16xi32>
      %parallel_loop3A_117 = tpu.vector_load_idx %arg5[%parallel_loop3A_116] : memref<65536xf32, #tpu.memory_space<vmem>>[vector<16xi32>], vector<16xf32>,
      %parallel_loop3A_118 = arith.constant 1024 : i32
      %parallel_loop3A_119 = arith.muli %parallel_loop3A_38, %parallel_loop3A_118 : i32
      %parallel_loop3A_120 = arith.addi %parallel_loop3A_119, %parallel_loop3A_113 : i32
      %parallel_loop3A_121 = arith.index_cast %parallel_loop3A_120 : i32 to index
      %parallel_loop3A_122 = tpu.vector_load %arg7[%parallel_loop3A_121] {strides = array<i32>} : memref<16384xf32, #tpu.memory_space<vmem>>, vector<16xf32>,
      tpu.vector_store %arg7[%parallel_loop3A_121], %parallel_loop3A_117 {strides = array<i32>} : memref<16384xf32, #tpu.memory_space<vmem>>, vector<16xf32>,
      %parallel_loop3A_123 = arith.constant 768 : i32
      %parallel_loop3A_124 = arith.addi %parallel_loop3A_123, %parallel_loop3A_54 : i32
      %parallel_loop3A_125 = arith.constant 6144 : i32
      %parallel_loop3A_126 = vector.broadcast %parallel_loop3A_125 : i32 to vector<16xi32>
      %parallel_loop3A_127 = arith.addi %parallel_loop3A_56, %parallel_loop3A_126 : vector<16xi32>
      %parallel_loop3A_128 = tpu.vector_load_idx %arg5[%parallel_loop3A_127] : memref<65536xf32, #tpu.memory_space<vmem>>[vector<16xi32>], vector<16xf32>,
      %parallel_loop3A_129 = arith.constant 1024 : i32
      %parallel_loop3A_130 = arith.muli %parallel_loop3A_38, %parallel_loop3A_129 : i32
      %parallel_loop3A_131 = arith.addi %parallel_loop3A_130, %parallel_loop3A_124 : i32
      %parallel_loop3A_132 = arith.index_cast %parallel_loop3A_131 : i32 to index
      %parallel_loop3A_133 = tpu.vector_load %arg7[%parallel_loop3A_132] {strides = array<i32>} : memref<16384xf32, #tpu.memory_space<vmem>>, vector<16xf32>,
      tpu.vector_store %arg7[%parallel_loop3A_132], %parallel_loop3A_128 {strides = array<i32>} : memref<16384xf32, #tpu.memory_space<vmem>>, vector<16xf32>,
      %parallel_loop3A_134 = arith.constant 896 : i32
      %parallel_loop3A_135 = arith.addi %parallel_loop3A_134, %parallel_loop3A_54 : i32
      %parallel_loop3A_136 = arith.constant 7168 : i32
      %parallel_loop3A_137 = vector.broadcast %parallel_loop3A_136 : i32 to vector<16xi32>
      %parallel_loop3A_138 = arith.addi %parallel_loop3A_56, %parallel_loop3A_137 : vector<16xi32>
      %parallel_loop3A_139 = tpu.vector_load_idx %arg5[%parallel_loop3A_138] : memref<65536xf32, #tpu.memory_space<vmem>>[vector<16xi32>], vector<16xf32>,
      %parallel_loop3A_140 = arith.constant 1024 : i32
      %parallel_loop3A_141 = arith.muli %parallel_loop3A_38, %parallel_loop3A_140 : i32
      %parallel_loop3A_142 = arith.addi %parallel_loop3A_141, %parallel_loop3A_135 : i32
      %parallel_loop3A_143 = arith.index_cast %parallel_loop3A_142 : i32 to index
      %parallel_loop3A_144 = tpu.vector_load %arg7[%parallel_loop3A_143] {strides = array<i32>} : memref<16384xf32, #tpu.memory_space<vmem>>, vector<16xf32>,
      tpu.vector_store %arg7[%parallel_loop3A_143], %parallel_loop3A_139 {strides = array<i32>} : memref<16384xf32, #tpu.memory_space<vmem>>, vector<16xf32>,
      %parallel_loop3A_145 = arith.constant 8192 : i32
      %parallel_loop3A_146 = arith.addi %parallel_loop3A_145, %parallel_loop3A_54 : i32
      %parallel_loop3A_147 = arith.constant 8192 : i32
      %parallel_loop3A_148 = vector.broadcast %parallel_loop3A_147 : i32 to vector<16xi32>
      %parallel_loop3A_149 = arith.addi %parallel_loop3A_56, %parallel_loop3A_148 : vector<16xi32>
      %parallel_loop3A_150 = tpu.vector_load_idx %arg5[%parallel_loop3A_149] : memref<65536xf32, #tpu.memory_space<vmem>>[vector<16xi32>], vector<16xf32>,
      %parallel_loop3A_151 = arith.constant 1024 : i32
      %parallel_loop3A_152 = arith.muli %parallel_loop3A_38, %parallel_loop3A_151 : i32
      %parallel_loop3A_153 = arith.addi %parallel_loop3A_152, %parallel_loop3A_146 : i32
      %parallel_loop3A_154 = arith.index_cast %parallel_loop3A_153 : i32 to index
      %parallel_loop3A_155 = tpu.vector_load %arg7[%parallel_loop3A_154] {strides = array<i32>} : memref<16384xf32, #tpu.memory_space<vmem>>, vector<16xf32>,
      tpu.vector_store %arg7[%parallel_loop3A_154], %parallel_loop3A_150 {strides = array<i32>} : memref<16384xf32, #tpu.memory_space<vmem>>, vector<16xf32>,
      %parallel_loop3A_156 = arith.constant 8320 : i32
      %parallel_loop3A_157 = arith.addi %parallel_loop3A_156, %parallel_loop3A_54 : i32
      %parallel_loop3A_158 = arith.constant 9216 : i32
      %parallel_loop3A_159 = vector.broadcast %parallel_loop3A_158 : i32 to vector<16xi32>
      %parallel_loop3A_160 = arith.addi %parallel_loop3A_56, %parallel_loop3A_159 : vector<16xi32>
      %parallel_loop3A_161 = tpu.vector_load_idx %arg5[%parallel_loop3A_160] : memref<65536xf32, #tpu.memory_space<vmem>>[vector<16xi32>], vector<16xf32>,
      %parallel_loop3A_162 = arith.constant 1024 : i32
      %parallel_loop3A_163 = arith.muli %parallel_loop3A_38, %parallel_loop3A_162 : i32
      %parallel_loop3A_164 = arith.addi %parallel_loop3A_163, %parallel_loop3A_157 : i32
      %parallel_loop3A_165 = arith.index_cast %parallel_loop3A_164 : i32 to index
      %parallel_loop3A_166 = tpu.vector_load %arg7[%parallel_loop3A_165] {strides = array<i32>} : memref<16384xf32, #tpu.memory_space<vmem>>, vector<16xf32>,
      tpu.vector_store %arg7[%parallel_loop3A_165], %parallel_loop3A_161 {strides = array<i32>} : memref<16384xf32, #tpu.memory_space<vmem>>, vector<16xf32>,
      %parallel_loop3A_167 = arith.constant 8448 : i32
      %parallel_loop3A_168 = arith.addi %parallel_loop3A_167, %parallel_loop3A_54 : i32
      %parallel_loop3A_169 = arith.constant 10240 : i32
      %parallel_loop3A_170 = vector.broadcast %parallel_loop3A_169 : i32 to vector<16xi32>
      %parallel_loop3A_171 = arith.addi %parallel_loop3A_56, %parallel_loop3A_170 : vector<16xi32>
      %parallel_loop3A_172 = tpu.vector_load_idx %arg5[%parallel_loop3A_171] : memref<65536xf32, #tpu.memory_space<vmem>>[vector<16xi32>], vector<16xf32>,
      %parallel_loop3A_173 = arith.constant 1024 : i32
      %parallel_loop3A_174 = arith.muli %parallel_loop3A_38, %parallel_loop3A_173 : i32
      %parallel_loop3A_175 = arith.addi %parallel_loop3A_174, %parallel_loop3A_168 : i32
      %parallel_loop3A_176 = arith.index_cast %parallel_loop3A_175 : i32 to index
      %parallel_loop3A_177 = tpu.vector_load %arg7[%parallel_loop3A_176] {strides = array<i32>} : memref<16384xf32, #tpu.memory_space<vmem>>, vector<16xf32>,
      tpu.vector_store %arg7[%parallel_loop3A_176], %parallel_loop3A_172 {strides = array<i32>} : memref<16384xf32, #tpu.memory_space<vmem>>, vector<16xf32>,
      %parallel_loop3A_178 = arith.constant 8576 : i32
      %parallel_loop3A_179 = arith.addi %parallel_loop3A_178, %parallel_loop3A_54 : i32
      %parallel_loop3A_180 = arith.constant 11264 : i32
      %parallel_loop3A_181 = vector.broadcast %parallel_loop3A_180 : i32 to vector<16xi32>
      %parallel_loop3A_182 = arith.addi %parallel_loop3A_56, %parallel_loop3A_181 : vector<16xi32>
      %parallel_loop3A_183 = tpu.vector_load_idx %arg5[%parallel_loop3A_182] : memref<65536xf32, #tpu.memory_space<vmem>>[vector<16xi32>], vector<16xf32>,
      %parallel_loop3A_184 = arith.constant 1024 : i32
      %parallel_loop3A_185 = arith.muli %parallel_loop3A_38, %parallel_loop3A_184 : i32
      %parallel_loop3A_186 = arith.addi %parallel_loop3A_185, %parallel_loop3A_179 : i32
      %parallel_loop3A_187 = arith.index_cast %parallel_loop3A_186 : i32 to index
      %parallel_loop3A_188 = tpu.vector_load %arg7[%parallel_loop3A_187] {strides = array<i32>} : memref<16384xf32, #tpu.memory_space<vmem>>, vector<16xf32>,
      tpu.vector_store %arg7[%parallel_loop3A_187], %parallel_loop3A_183 {strides = array<i32>} : memref<16384xf32, #tpu.memory_space<vmem>>, vector<16xf32>,
      %parallel_loop3A_189 = arith.constant 8704 : i32
      %parallel_loop3A_190 = arith.addi %parallel_loop3A_189, %parallel_loop3A_54 : i32
      %parallel_loop3A_191 = arith.constant 12288 : i32
      %parallel_loop3A_192 = vector.broadcast %parallel_loop3A_191 : i32 to vector<16xi32>
      %parallel_loop3A_193 = arith.addi %parallel_loop3A_56, %parallel_loop3A_192 : vector<16xi32>
      %parallel_loop3A_194 = tpu.vector_load_idx %arg5[%parallel_loop3A_193] : memref<65536xf32, #tpu.memory_space<vmem>>[vector<16xi32>], vector<16xf32>,
      %parallel_loop3A_195 = arith.constant 1024 : i32
      %parallel_loop3A_196 = arith.muli %parallel_loop3A_38, %parallel_loop3A_195 : i32
      %parallel_loop3A_197 = arith.addi %parallel_loop3A_196, %parallel_loop3A_190 : i32
      %parallel_loop3A_198 = arith.index_cast %parallel_loop3A_197 : i32 to index
      %parallel_loop3A_199 = tpu.vector_load %arg7[%parallel_loop3A_198] {strides = array<i32>} : memref<16384xf32, #tpu.memory_space<vmem>>, vector<16xf32>,
      tpu.vector_store %arg7[%parallel_loop3A_198], %parallel_loop3A_194 {strides = array<i32>} : memref<16384xf32, #tpu.memory_space<vmem>>, vector<16xf32>,
      %parallel_loop3A_200 = arith.constant 8832 : i32
      %parallel_loop3A_201 = arith.addi %parallel_loop3A_200, %parallel_loop3A_54 : i32
      %parallel_loop3A_202 = arith.constant 13312 : i32
      %parallel_loop3A_203 = vector.broadcast %parallel_loop3A_202 : i32 to vector<16xi32>
      %parallel_loop3A_204 = arith.addi %parallel_loop3A_56, %parallel_loop3A_203 : vector<16xi32>
      %parallel_loop3A_205 = tpu.vector_load_idx %arg5[%parallel_loop3A_204] : memref<65536xf32, #tpu.memory_space<vmem>>[vector<16xi32>], vector<16xf32>,
      %parallel_loop3A_206 = arith.constant 1024 : i32
      %parallel_loop3A_207 = arith.muli %parallel_loop3A_38, %parallel_loop3A_206 : i32
      %parallel_loop3A_208 = arith.addi %parallel_loop3A_207, %parallel_loop3A_201 : i32
      %parallel_loop3A_209 = arith.index_cast %parallel_loop3A_208 : i32 to index
      %parallel_loop3A_210 = tpu.vector_load %arg7[%parallel_loop3A_209] {strides = array<i32>} : memref<16384xf32, #tpu.memory_space<vmem>>, vector<16xf32>,
      tpu.vector_store %arg7[%parallel_loop3A_209], %parallel_loop3A_205 {strides = array<i32>} : memref<16384xf32, #tpu.memory_space<vmem>>, vector<16xf32>,
      %parallel_loop3A_211 = arith.constant 8960 : i32
      %parallel_loop3A_212 = arith.addi %parallel_loop3A_211, %parallel_loop3A_54 : i32
      %parallel_loop3A_213 = arith.constant 14336 : i32
      %parallel_loop3A_214 = vector.broadcast %parallel_loop3A_213 : i32 to vector<16xi32>
      %parallel_loop3A_215 = arith.addi %parallel_loop3A_56, %parallel_loop3A_214 : vector<16xi32>
      %parallel_loop3A_216 = tpu.vector_load_idx %arg5[%parallel_loop3A_215] : memref<65536xf32, #tpu.memory_space<vmem>>[vector<16xi32>], vector<16xf32>,
      %parallel_loop3A_217 = arith.constant 1024 : i32
      %parallel_loop3A_218 = arith.muli %parallel_loop3A_38, %parallel_loop3A_217 : i32
      %parallel_loop3A_219 = arith.addi %parallel_loop3A_218, %parallel_loop3A_212 : i32
      %parallel_loop3A_220 = arith.index_cast %parallel_loop3A_219 : i32 to index
      %parallel_loop3A_221 = tpu.vector_load %arg7[%parallel_loop3A_220] {strides = array<i32>} : memref<16384xf32, #tpu.memory_space<vmem>>, vector<16xf32>,
      tpu.vector_store %arg7[%parallel_loop3A_220], %parallel_loop3A_216 {strides = array<i32>} : memref<16384xf32, #tpu.memory_space<vmem>>, vector<16xf32>,
      %parallel_loop3A_222 = arith.constant 9088 : i32
      %parallel_loop3A_223 = arith.addi %parallel_loop3A_222, %parallel_loop3A_54 : i32
      %parallel_loop3A_224 = arith.constant 15360 : i32
      %parallel_loop3A_225 = vector.broadcast %parallel_loop3A_224 : i32 to vector<16xi32>
      %parallel_loop3A_226 = arith.addi %parallel_loop3A_56, %parallel_loop3A_225 : vector<16xi32>
      %parallel_loop3A_227 = tpu.vector_load_idx %arg5[%parallel_loop3A_226] : memref<65536xf32, #tpu.memory_space<vmem>>[vector<16xi32>], vector<16xf32>,
      %parallel_loop3A_228 = arith.constant 1024 : i32
      %parallel_loop3A_229 = arith.muli %parallel_loop3A_38, %parallel_loop3A_228 : i32
      %parallel_loop3A_230 = arith.addi %parallel_loop3A_229, %parallel_loop3A_223 : i32
      %parallel_loop3A_231 = arith.index_cast %parallel_loop3A_230 : i32 to index
      %parallel_loop3A_232 = tpu.vector_load %arg7[%parallel_loop3A_231] {strides = array<i32>} : memref<16384xf32, #tpu.memory_space<vmem>>, vector<16xf32>,
      tpu.vector_store %arg7[%parallel_loop3A_231], %parallel_loop3A_227 {strides = array<i32>} : memref<16384xf32, #tpu.memory_space<vmem>>, vector<16xf32>,
    } {sc.loop_unroll_factor = 8 : i64, sc.parallel_access}
    "tpu.region"() ({
      %run_scoped3A = tpu.sem_alloc : memref<!tpu.dma_semaphore, #tpu.memory_space<semaphore_mem>>
      %dma_start3A = arith.constant 0 : i32
      %dma_start3A_12 = tpu.memref_slice %arg4[%add3A, %dma_start3A] : memref<32x65536xf32, #tpu.memory_space<hbm>> -> memref<1x16384xf32, #tpu.memory_space<hbm>>
      %dma_start3A_13 = tpu.memref_squeeze %dma_start3A_12 : memref<1x16384xf32, #tpu.memory_space<hbm>> -> memref<16384xf32, #tpu.memory_space<hbm>>
      %dma_start3A_14 = arith.constant 0 : i32
      %dma_start3A_15 = tpu.memref_slice %arg4[%add3A, %dma_start3A_14] : memref<32x65536xf32, #tpu.memory_space<hbm>> -> memref<1x16384xf32, #tpu.memory_space<hbm>>
      %dma_start3A_16 = tpu.memref_squeeze %dma_start3A_15 : memref<1x16384xf32, #tpu.memory_space<hbm>> -> memref<16384xf32, #tpu.memory_space<hbm>>
      tpu.enqueue_dma source(%arg7 : memref<16384xf32, #tpu.memory_space<vmem>>) target(%dma_start3A_16 : memref<16384xf32, #tpu.memory_space<hbm>>) target_semaphore(%run_scoped3A : memref<!tpu.dma_semaphore, #tpu.memory_space<semaphore_mem>>)
      %dma_wait3A = arith.constant 0 : i32
      %dma_wait3A_17 = tpu.memref_slice %arg4[%add3A, %dma_wait3A] : memref<32x65536xf32, #tpu.memory_space<hbm>> -> memref<1x16384xf32, #tpu.memory_space<hbm>>
      %dma_wait3A_18 = tpu.memref_squeeze %dma_wait3A_17 : memref<1x16384xf32, #tpu.memory_space<hbm>> -> memref<16384xf32, #tpu.memory_space<hbm>>
      %dma_wait3A_19 = arith.constant 0 : i32
      %dma_wait3A_20 = tpu.memref_slice %arg4[%add3A, %dma_wait3A_19] : memref<32x65536xf32, #tpu.memory_space<hbm>> -> memref<1x16384xf32, #tpu.memory_space<hbm>>
      %dma_wait3A_21 = tpu.memref_squeeze %dma_wait3A_20 : memref<1x16384xf32, #tpu.memory_space<hbm>> -> memref<16384xf32, #tpu.memory_space<hbm>>
      tpu.wait_dma2 semaphore(%run_scoped3A : memref<!tpu.dma_semaphore, #tpu.memory_space<semaphore_mem>>) src(%arg7 : memref<16384xf32, #tpu.memory_space<vmem>>) dst(%dma_wait3A_21 : memref<16384xf32, #tpu.memory_space<hbm>>)
      tpu.yield
    }) : () -> ()
    %parallel_loop3A_3 = arith.constant 0 : i32
    %parallel_loop3A_4 = arith.constant 64 : i32
    %parallel_loop3A_5 = arith.constant 1 : i32
    scf.for %parallel_loop3A_12 = %parallel_loop3A_3 to %parallel_loop3A_4 step %parallel_loop3A_5  : i32 {
      %parallel_loop3A_13 = arith.constant 16 : i32
      %parallel_loop3A_14 = arith.muli %parallel_loop3A_12, %parallel_loop3A_13 : i32
      %parallel_loop3A_15 = arith.constant 128 : i32
      %parallel_loop3A_16 = arith.divsi %parallel_loop3A_14, %parallel_loop3A_15 : i32
      %parallel_loop3A_17 = arith.constant 0 : i32
      %parallel_loop3A_18 = arith.cmpi sgt, %parallel_loop3A_14, %parallel_loop3A_17 : i32
      %parallel_loop3A_19 = arith.extui %parallel_loop3A_18 : i1 to i32
      %parallel_loop3A_20 = arith.constant 0 : i32
      %parallel_loop3A_21 = arith.cmpi slt, %parallel_loop3A_14, %parallel_loop3A_20 : i32
      %parallel_loop3A_22 = arith.extui %parallel_loop3A_21 : i1 to i32
      %parallel_loop3A_23 = arith.subi %parallel_loop3A_19, %parallel_loop3A_22 : i32
      %parallel_loop3A_24 = arith.constant 0 : i32
      %parallel_loop3A_25 = arith.cmpi sgt, %parallel_loop3A_15, %parallel_loop3A_24 : i32
      %parallel_loop3A_26 = arith.extui %parallel_loop3A_25 : i1 to i32
      %parallel_loop3A_27 = arith.constant 0 : i32
      %parallel_loop3A_28 = arith.cmpi slt, %parallel_loop3A_15, %parallel_loop3A_27 : i32
      %parallel_loop3A_29 = arith.extui %parallel_loop3A_28 : i1 to i32
      %parallel_loop3A_30 = arith.subi %parallel_loop3A_26, %parallel_loop3A_29 : i32
      %parallel_loop3A_31 = arith.cmpi ne, %parallel_loop3A_23, %parallel_loop3A_30 : i32
      %parallel_loop3A_32 = arith.remsi %parallel_loop3A_14, %parallel_loop3A_15 : i32
      %parallel_loop3A_33 = arith.constant 0 : i32
      %parallel_loop3A_34 = arith.cmpi ne, %parallel_loop3A_32, %parallel_loop3A_33 : i32
      %parallel_loop3A_35 = arith.andi %parallel_loop3A_31, %parallel_loop3A_34 : i1
      %parallel_loop3A_36 = arith.constant 1 : i32
      %parallel_loop3A_37 = arith.subi %parallel_loop3A_16, %parallel_loop3A_36 : i32
      %parallel_loop3A_38 = arith.select %parallel_loop3A_35, %parallel_loop3A_37, %parallel_loop3A_16 : i32
      %parallel_loop3A_39 = arith.constant 128 : i32
      %parallel_loop3A_40 = arith.constant 0 : i32
      %parallel_loop3A_41 = arith.cmpi eq, %parallel_loop3A_39, %parallel_loop3A_40 : i32
      %parallel_loop3A_42 = arith.constant 1 : i32
      %parallel_loop3A_43 = arith.select %parallel_loop3A_41, %parallel_loop3A_42, %parallel_loop3A_39 : i32
      %parallel_loop3A_44 = arith.remsi %parallel_loop3A_14, %parallel_loop3A_43 : i32
      %parallel_loop3A_45 = arith.constant 0 : i32
      %parallel_loop3A_46 = arith.cmpi ne, %parallel_loop3A_44, %parallel_loop3A_45 : i32
      %parallel_loop3A_47 = arith.constant 0 : i32
      %parallel_loop3A_48 = arith.cmpi slt, %parallel_loop3A_44, %parallel_loop3A_47 : i32
      %parallel_loop3A_49 = arith.constant 0 : i32
      %parallel_loop3A_50 = arith.cmpi slt, %parallel_loop3A_43, %parallel_loop3A_49 : i32
      %parallel_loop3A_51 = arith.xori %parallel_loop3A_48, %parallel_loop3A_50 : i1
      %parallel_loop3A_52 = arith.andi %parallel_loop3A_51, %parallel_loop3A_46 : i1
      %parallel_loop3A_53 = arith.addi %parallel_loop3A_44, %parallel_loop3A_43 : i32
      %parallel_loop3A_54 = arith.select %parallel_loop3A_52, %parallel_loop3A_53, %parallel_loop3A_44 : i32
      %parallel_loop3A_55 = arith.index_cast %parallel_loop3A_14 : i32 to index
      %parallel_loop3A_56 = tpu.vector_load %arg6[%parallel_loop3A_55] {strides = array<i32>} : memref<1024xi32, #tpu.memory_space<vmem>>, vector<16xi32>,
      %parallel_loop3A_57 = arith.constant 0 : i32
      %parallel_loop3A_58 = arith.addi %parallel_loop3A_57, %parallel_loop3A_54 : i32
      %parallel_loop3A_59 = arith.constant 16384 : i32
      %parallel_loop3A_60 = vector.broadcast %parallel_loop3A_59 : i32 to vector<16xi32>
      %parallel_loop3A_61 = arith.addi %parallel_loop3A_56, %parallel_loop3A_60 : vector<16xi32>
      %parallel_loop3A_62 = tpu.vector_load_idx %arg5[%parallel_loop3A_61] : memref<65536xf32, #tpu.memory_space<vmem>>[vector<16xi32>], vector<16xf32>,
      %parallel_loop3A_63 = arith.constant 1024 : i32
      %parallel_loop3A_64 = arith.muli %parallel_loop3A_38, %parallel_loop3A_63 : i32
      %parallel_loop3A_65 = arith.addi %parallel_loop3A_64, %parallel_loop3A_58 : i32
      %parallel_loop3A_66 = arith.index_cast %parallel_loop3A_65 : i32 to index
      %parallel_loop3A_67 = tpu.vector_load %arg7[%parallel_loop3A_66] {strides = array<i32>} : memref<16384xf32, #tpu.memory_space<vmem>>, vector<16xf32>,
      tpu.vector_store %arg7[%parallel_loop3A_66], %parallel_loop3A_62 {strides = array<i32>} : memref<16384xf32, #tpu.memory_space<vmem>>, vector<16xf32>,
      %parallel_loop3A_68 = arith.constant 128 : i32
      %parallel_loop3A_69 = arith.addi %parallel_loop3A_68, %parallel_loop3A_54 : i32
      %parallel_loop3A_70 = arith.constant 17408 : i32
      %parallel_loop3A_71 = vector.broadcast %parallel_loop3A_70 : i32 to vector<16xi32>
      %parallel_loop3A_72 = arith.addi %parallel_loop3A_56, %parallel_loop3A_71 : vector<16xi32>
      %parallel_loop3A_73 = tpu.vector_load_idx %arg5[%parallel_loop3A_72] : memref<65536xf32, #tpu.memory_space<vmem>>[vector<16xi32>], vector<16xf32>,
      %parallel_loop3A_74 = arith.constant 1024 : i32
      %parallel_loop3A_75 = arith.muli %parallel_loop3A_38, %parallel_loop3A_74 : i32
      %parallel_loop3A_76 = arith.addi %parallel_loop3A_75, %parallel_loop3A_69 : i32
      %parallel_loop3A_77 = arith.index_cast %parallel_loop3A_76 : i32 to index
      %parallel_loop3A_78 = tpu.vector_load %arg7[%parallel_loop3A_77] {strides = array<i32>} : memref<16384xf32, #tpu.memory_space<vmem>>, vector<16xf32>,
      tpu.vector_store %arg7[%parallel_loop3A_77], %parallel_loop3A_73 {strides = array<i32>} : memref<16384xf32, #tpu.memory_space<vmem>>, vector<16xf32>,
      %parallel_loop3A_79 = arith.constant 256 : i32
      %parallel_loop3A_80 = arith.addi %parallel_loop3A_79, %parallel_loop3A_54 : i32
      %parallel_loop3A_81 = arith.constant 18432 : i32
      %parallel_loop3A_82 = vector.broadcast %parallel_loop3A_81 : i32 to vector<16xi32>
      %parallel_loop3A_83 = arith.addi %parallel_loop3A_56, %parallel_loop3A_82 : vector<16xi32>
      %parallel_loop3A_84 = tpu.vector_load_idx %arg5[%parallel_loop3A_83] : memref<65536xf32, #tpu.memory_space<vmem>>[vector<16xi32>], vector<16xf32>,
      %parallel_loop3A_85 = arith.constant 1024 : i32
      %parallel_loop3A_86 = arith.muli %parallel_loop3A_38, %parallel_loop3A_85 : i32
      %parallel_loop3A_87 = arith.addi %parallel_loop3A_86, %parallel_loop3A_80 : i32
      %parallel_loop3A_88 = arith.index_cast %parallel_loop3A_87 : i32 to index
      %parallel_loop3A_89 = tpu.vector_load %arg7[%parallel_loop3A_88] {strides = array<i32>} : memref<16384xf32, #tpu.memory_space<vmem>>, vector<16xf32>,
      tpu.vector_store %arg7[%parallel_loop3A_88], %parallel_loop3A_84 {strides = array<i32>} : memref<16384xf32, #tpu.memory_space<vmem>>, vector<16xf32>,
      %parallel_loop3A_90 = arith.constant 384 : i32
      %parallel_loop3A_91 = arith.addi %parallel_loop3A_90, %parallel_loop3A_54 : i32
      %parallel_loop3A_92 = arith.constant 19456 : i32
      %parallel_loop3A_93 = vector.broadcast %parallel_loop3A_92 : i32 to vector<16xi32>
      %parallel_loop3A_94 = arith.addi %parallel_loop3A_56, %parallel_loop3A_93 : vector<16xi32>
      %parallel_loop3A_95 = tpu.vector_load_idx %arg5[%parallel_loop3A_94] : memref<65536xf32, #tpu.memory_space<vmem>>[vector<16xi32>], vector<16xf32>,
      %parallel_loop3A_96 = arith.constant 1024 : i32
      %parallel_loop3A_97 = arith.muli %parallel_loop3A_38, %parallel_loop3A_96 : i32
      %parallel_loop3A_98 = arith.addi %parallel_loop3A_97, %parallel_loop3A_91 : i32
      %parallel_loop3A_99 = arith.index_cast %parallel_loop3A_98 : i32 to index
      %parallel_loop3A_100 = tpu.vector_load %arg7[%parallel_loop3A_99] {strides = array<i32>} : memref<16384xf32, #tpu.memory_space<vmem>>, vector<16xf32>,
      tpu.vector_store %arg7[%parallel_loop3A_99], %parallel_loop3A_95 {strides = array<i32>} : memref<16384xf32, #tpu.memory_space<vmem>>, vector<16xf32>,
      %parallel_loop3A_101 = arith.constant 512 : i32
      %parallel_loop3A_102 = arith.addi %parallel_loop3A_101, %parallel_loop3A_54 : i32
      %parallel_loop3A_103 = arith.constant 20480 : i32
      %parallel_loop3A_104 = vector.broadcast %parallel_loop3A_103 : i32 to vector<16xi32>
      %parallel_loop3A_105 = arith.addi %parallel_loop3A_56, %parallel_loop3A_104 : vector<16xi32>
      %parallel_loop3A_106 = tpu.vector_load_idx %arg5[%parallel_loop3A_105] : memref<65536xf32, #tpu.memory_space<vmem>>[vector<16xi32>], vector<16xf32>,
      %parallel_loop3A_107 = arith.constant 1024 : i32
      %parallel_loop3A_108 = arith.muli %parallel_loop3A_38, %parallel_loop3A_107 : i32
      %parallel_loop3A_109 = arith.addi %parallel_loop3A_108, %parallel_loop3A_102 : i32
      %parallel_loop3A_110 = arith.index_cast %parallel_loop3A_109 : i32 to index
      %parallel_loop3A_111 = tpu.vector_load %arg7[%parallel_loop3A_110] {strides = array<i32>} : memref<16384xf32, #tpu.memory_space<vmem>>, vector<16xf32>,
      tpu.vector_store %arg7[%parallel_loop3A_110], %parallel_loop3A_106 {strides = array<i32>} : memref<16384xf32, #tpu.memory_space<vmem>>, vector<16xf32>,
      %parallel_loop3A_112 = arith.constant 640 : i32
      %parallel_loop3A_113 = arith.addi %parallel_loop3A_112, %parallel_loop3A_54 : i32
      %parallel_loop3A_114 = arith.constant 21504 : i32
      %parallel_loop3A_115 = vector.broadcast %parallel_loop3A_114 : i32 to vector<16xi32>
      %parallel_loop3A_116 = arith.addi %parallel_loop3A_56, %parallel_loop3A_115 : vector<16xi32>
      %parallel_loop3A_117 = tpu.vector_load_idx %arg5[%parallel_loop3A_116] : memref<65536xf32, #tpu.memory_space<vmem>>[vector<16xi32>], vector<16xf32>,
      %parallel_loop3A_118 = arith.constant 1024 : i32
      %parallel_loop3A_119 = arith.muli %parallel_loop3A_38, %parallel_loop3A_118 : i32
      %parallel_loop3A_120 = arith.addi %parallel_loop3A_119, %parallel_loop3A_113 : i32
      %parallel_loop3A_121 = arith.index_cast %parallel_loop3A_120 : i32 to index
      %parallel_loop3A_122 = tpu.vector_load %arg7[%parallel_loop3A_121] {strides = array<i32>} : memref<16384xf32, #tpu.memory_space<vmem>>, vector<16xf32>,
      tpu.vector_store %arg7[%parallel_loop3A_121], %parallel_loop3A_117 {strides = array<i32>} : memref<16384xf32, #tpu.memory_space<vmem>>, vector<16xf32>,
      %parallel_loop3A_123 = arith.constant 768 : i32
      %parallel_loop3A_124 = arith.addi %parallel_loop3A_123, %parallel_loop3A_54 : i32
      %parallel_loop3A_125 = arith.constant 22528 : i32
      %parallel_loop3A_126 = vector.broadcast %parallel_loop3A_125 : i32 to vector<16xi32>
      %parallel_loop3A_127 = arith.addi %parallel_loop3A_56, %parallel_loop3A_126 : vector<16xi32>
      %parallel_loop3A_128 = tpu.vector_load_idx %arg5[%parallel_loop3A_127] : memref<65536xf32, #tpu.memory_space<vmem>>[vector<16xi32>], vector<16xf32>,
      %parallel_loop3A_129 = arith.constant 1024 : i32
      %parallel_loop3A_130 = arith.muli %parallel_loop3A_38, %parallel_loop3A_129 : i32
      %parallel_loop3A_131 = arith.addi %parallel_loop3A_130, %parallel_loop3A_124 : i32
      %parallel_loop3A_132 = arith.index_cast %parallel_loop3A_131 : i32 to index
      %parallel_loop3A_133 = tpu.vector_load %arg7[%parallel_loop3A_132] {strides = array<i32>} : memref<16384xf32, #tpu.memory_space<vmem>>, vector<16xf32>,
      tpu.vector_store %arg7[%parallel_loop3A_132], %parallel_loop3A_128 {strides = array<i32>} : memref<16384xf32, #tpu.memory_space<vmem>>, vector<16xf32>,
      %parallel_loop3A_134 = arith.constant 896 : i32
      %parallel_loop3A_135 = arith.addi %parallel_loop3A_134, %parallel_loop3A_54 : i32
      %parallel_loop3A_136 = arith.constant 23552 : i32
      %parallel_loop3A_137 = vector.broadcast %parallel_loop3A_136 : i32 to vector<16xi32>
      %parallel_loop3A_138 = arith.addi %parallel_loop3A_56, %parallel_loop3A_137 : vector<16xi32>
      %parallel_loop3A_139 = tpu.vector_load_idx %arg5[%parallel_loop3A_138] : memref<65536xf32, #tpu.memory_space<vmem>>[vector<16xi32>], vector<16xf32>,
      %parallel_loop3A_140 = arith.constant 1024 : i32
      %parallel_loop3A_141 = arith.muli %parallel_loop3A_38, %parallel_loop3A_140 : i32
      %parallel_loop3A_142 = arith.addi %parallel_loop3A_141, %parallel_loop3A_135 : i32
      %parallel_loop3A_143 = arith.index_cast %parallel_loop3A_142 : i32 to index
      %parallel_loop3A_144 = tpu.vector_load %arg7[%parallel_loop3A_143] {strides = array<i32>} : memref<16384xf32, #tpu.memory_space<vmem>>, vector<16xf32>,
      tpu.vector_store %arg7[%parallel_loop3A_143], %parallel_loop3A_139 {strides = array<i32>} : memref<16384xf32, #tpu.memory_space<vmem>>, vector<16xf32>,
      %parallel_loop3A_145 = arith.constant 8192 : i32
      %parallel_loop3A_146 = arith.addi %parallel_loop3A_145, %parallel_loop3A_54 : i32
      %parallel_loop3A_147 = arith.constant 24576 : i32
      %parallel_loop3A_148 = vector.broadcast %parallel_loop3A_147 : i32 to vector<16xi32>
      %parallel_loop3A_149 = arith.addi %parallel_loop3A_56, %parallel_loop3A_148 : vector<16xi32>
      %parallel_loop3A_150 = tpu.vector_load_idx %arg5[%parallel_loop3A_149] : memref<65536xf32, #tpu.memory_space<vmem>>[vector<16xi32>], vector<16xf32>,
      %parallel_loop3A_151 = arith.constant 1024 : i32
      %parallel_loop3A_152 = arith.muli %parallel_loop3A_38, %parallel_loop3A_151 : i32
      %parallel_loop3A_153 = arith.addi %parallel_loop3A_152, %parallel_loop3A_146 : i32
      %parallel_loop3A_154 = arith.index_cast %parallel_loop3A_153 : i32 to index
      %parallel_loop3A_155 = tpu.vector_load %arg7[%parallel_loop3A_154] {strides = array<i32>} : memref<16384xf32, #tpu.memory_space<vmem>>, vector<16xf32>,
      tpu.vector_store %arg7[%parallel_loop3A_154], %parallel_loop3A_150 {strides = array<i32>} : memref<16384xf32, #tpu.memory_space<vmem>>, vector<16xf32>,
      %parallel_loop3A_156 = arith.constant 8320 : i32
      %parallel_loop3A_157 = arith.addi %parallel_loop3A_156, %parallel_loop3A_54 : i32
      %parallel_loop3A_158 = arith.constant 25600 : i32
      %parallel_loop3A_159 = vector.broadcast %parallel_loop3A_158 : i32 to vector<16xi32>
      %parallel_loop3A_160 = arith.addi %parallel_loop3A_56, %parallel_loop3A_159 : vector<16xi32>
      %parallel_loop3A_161 = tpu.vector_load_idx %arg5[%parallel_loop3A_160] : memref<65536xf32, #tpu.memory_space<vmem>>[vector<16xi32>], vector<16xf32>,
      %parallel_loop3A_162 = arith.constant 1024 : i32
      %parallel_loop3A_163 = arith.muli %parallel_loop3A_38, %parallel_loop3A_162 : i32
      %parallel_loop3A_164 = arith.addi %parallel_loop3A_163, %parallel_loop3A_157 : i32
      %parallel_loop3A_165 = arith.index_cast %parallel_loop3A_164 : i32 to index
      %parallel_loop3A_166 = tpu.vector_load %arg7[%parallel_loop3A_165] {strides = array<i32>} : memref<16384xf32, #tpu.memory_space<vmem>>, vector<16xf32>,
      tpu.vector_store %arg7[%parallel_loop3A_165], %parallel_loop3A_161 {strides = array<i32>} : memref<16384xf32, #tpu.memory_space<vmem>>, vector<16xf32>,
      %parallel_loop3A_167 = arith.constant 8448 : i32
      %parallel_loop3A_168 = arith.addi %parallel_loop3A_167, %parallel_loop3A_54 : i32
      %parallel_loop3A_169 = arith.constant 26624 : i32
      %parallel_loop3A_170 = vector.broadcast %parallel_loop3A_169 : i32 to vector<16xi32>
      %parallel_loop3A_171 = arith.addi %parallel_loop3A_56, %parallel_loop3A_170 : vector<16xi32>
      %parallel_loop3A_172 = tpu.vector_load_idx %arg5[%parallel_loop3A_171] : memref<65536xf32, #tpu.memory_space<vmem>>[vector<16xi32>], vector<16xf32>,
      %parallel_loop3A_173 = arith.constant 1024 : i32
      %parallel_loop3A_174 = arith.muli %parallel_loop3A_38, %parallel_loop3A_173 : i32
      %parallel_loop3A_175 = arith.addi %parallel_loop3A_174, %parallel_loop3A_168 : i32
      %parallel_loop3A_176 = arith.index_cast %parallel_loop3A_175 : i32 to index
      %parallel_loop3A_177 = tpu.vector_load %arg7[%parallel_loop3A_176] {strides = array<i32>} : memref<16384xf32, #tpu.memory_space<vmem>>, vector<16xf32>,
      tpu.vector_store %arg7[%parallel_loop3A_176], %parallel_loop3A_172 {strides = array<i32>} : memref<16384xf32, #tpu.memory_space<vmem>>, vector<16xf32>,
      %parallel_loop3A_178 = arith.constant 8576 : i32
      %parallel_loop3A_179 = arith.addi %parallel_loop3A_178, %parallel_loop3A_54 : i32
      %parallel_loop3A_180 = arith.constant 27648 : i32
      %parallel_loop3A_181 = vector.broadcast %parallel_loop3A_180 : i32 to vector<16xi32>
      %parallel_loop3A_182 = arith.addi %parallel_loop3A_56, %parallel_loop3A_181 : vector<16xi32>
      %parallel_loop3A_183 = tpu.vector_load_idx %arg5[%parallel_loop3A_182] : memref<65536xf32, #tpu.memory_space<vmem>>[vector<16xi32>], vector<16xf32>,
      %parallel_loop3A_184 = arith.constant 1024 : i32
      %parallel_loop3A_185 = arith.muli %parallel_loop3A_38, %parallel_loop3A_184 : i32
      %parallel_loop3A_186 = arith.addi %parallel_loop3A_185, %parallel_loop3A_179 : i32
      %parallel_loop3A_187 = arith.index_cast %parallel_loop3A_186 : i32 to index
      %parallel_loop3A_188 = tpu.vector_load %arg7[%parallel_loop3A_187] {strides = array<i32>} : memref<16384xf32, #tpu.memory_space<vmem>>, vector<16xf32>,
      tpu.vector_store %arg7[%parallel_loop3A_187], %parallel_loop3A_183 {strides = array<i32>} : memref<16384xf32, #tpu.memory_space<vmem>>, vector<16xf32>,
      %parallel_loop3A_189 = arith.constant 8704 : i32
      %parallel_loop3A_190 = arith.addi %parallel_loop3A_189, %parallel_loop3A_54 : i32
      %parallel_loop3A_191 = arith.constant 28672 : i32
      %parallel_loop3A_192 = vector.broadcast %parallel_loop3A_191 : i32 to vector<16xi32>
      %parallel_loop3A_193 = arith.addi %parallel_loop3A_56, %parallel_loop3A_192 : vector<16xi32>
      %parallel_loop3A_194 = tpu.vector_load_idx %arg5[%parallel_loop3A_193] : memref<65536xf32, #tpu.memory_space<vmem>>[vector<16xi32>], vector<16xf32>,
      %parallel_loop3A_195 = arith.constant 1024 : i32
      %parallel_loop3A_196 = arith.muli %parallel_loop3A_38, %parallel_loop3A_195 : i32
      %parallel_loop3A_197 = arith.addi %parallel_loop3A_196, %parallel_loop3A_190 : i32
      %parallel_loop3A_198 = arith.index_cast %parallel_loop3A_197 : i32 to index
      %parallel_loop3A_199 = tpu.vector_load %arg7[%parallel_loop3A_198] {strides = array<i32>} : memref<16384xf32, #tpu.memory_space<vmem>>, vector<16xf32>,
      tpu.vector_store %arg7[%parallel_loop3A_198], %parallel_loop3A_194 {strides = array<i32>} : memref<16384xf32, #tpu.memory_space<vmem>>, vector<16xf32>,
      %parallel_loop3A_200 = arith.constant 8832 : i32
      %parallel_loop3A_201 = arith.addi %parallel_loop3A_200, %parallel_loop3A_54 : i32
      %parallel_loop3A_202 = arith.constant 29696 : i32
      %parallel_loop3A_203 = vector.broadcast %parallel_loop3A_202 : i32 to vector<16xi32>
      %parallel_loop3A_204 = arith.addi %parallel_loop3A_56, %parallel_loop3A_203 : vector<16xi32>
      %parallel_loop3A_205 = tpu.vector_load_idx %arg5[%parallel_loop3A_204] : memref<65536xf32, #tpu.memory_space<vmem>>[vector<16xi32>], vector<16xf32>,
      %parallel_loop3A_206 = arith.constant 1024 : i32
      %parallel_loop3A_207 = arith.muli %parallel_loop3A_38, %parallel_loop3A_206 : i32
      %parallel_loop3A_208 = arith.addi %parallel_loop3A_207, %parallel_loop3A_201 : i32
      %parallel_loop3A_209 = arith.index_cast %parallel_loop3A_208 : i32 to index
      %parallel_loop3A_210 = tpu.vector_load %arg7[%parallel_loop3A_209] {strides = array<i32>} : memref<16384xf32, #tpu.memory_space<vmem>>, vector<16xf32>,
      tpu.vector_store %arg7[%parallel_loop3A_209], %parallel_loop3A_205 {strides = array<i32>} : memref<16384xf32, #tpu.memory_space<vmem>>, vector<16xf32>,
      %parallel_loop3A_211 = arith.constant 8960 : i32
      %parallel_loop3A_212 = arith.addi %parallel_loop3A_211, %parallel_loop3A_54 : i32
      %parallel_loop3A_213 = arith.constant 30720 : i32
      %parallel_loop3A_214 = vector.broadcast %parallel_loop3A_213 : i32 to vector<16xi32>
      %parallel_loop3A_215 = arith.addi %parallel_loop3A_56, %parallel_loop3A_214 : vector<16xi32>
      %parallel_loop3A_216 = tpu.vector_load_idx %arg5[%parallel_loop3A_215] : memref<65536xf32, #tpu.memory_space<vmem>>[vector<16xi32>], vector<16xf32>,
      %parallel_loop3A_217 = arith.constant 1024 : i32
      %parallel_loop3A_218 = arith.muli %parallel_loop3A_38, %parallel_loop3A_217 : i32
      %parallel_loop3A_219 = arith.addi %parallel_loop3A_218, %parallel_loop3A_212 : i32
      %parallel_loop3A_220 = arith.index_cast %parallel_loop3A_219 : i32 to index
      %parallel_loop3A_221 = tpu.vector_load %arg7[%parallel_loop3A_220] {strides = array<i32>} : memref<16384xf32, #tpu.memory_space<vmem>>, vector<16xf32>,
      tpu.vector_store %arg7[%parallel_loop3A_220], %parallel_loop3A_216 {strides = array<i32>} : memref<16384xf32, #tpu.memory_space<vmem>>, vector<16xf32>,
      %parallel_loop3A_222 = arith.constant 9088 : i32
      %parallel_loop3A_223 = arith.addi %parallel_loop3A_222, %parallel_loop3A_54 : i32
      %parallel_loop3A_224 = arith.constant 31744 : i32
      %parallel_loop3A_225 = vector.broadcast %parallel_loop3A_224 : i32 to vector<16xi32>
      %parallel_loop3A_226 = arith.addi %parallel_loop3A_56, %parallel_loop3A_225 : vector<16xi32>
      %parallel_loop3A_227 = tpu.vector_load_idx %arg5[%parallel_loop3A_226] : memref<65536xf32, #tpu.memory_space<vmem>>[vector<16xi32>], vector<16xf32>,
      %parallel_loop3A_228 = arith.constant 1024 : i32
      %parallel_loop3A_229 = arith.muli %parallel_loop3A_38, %parallel_loop3A_228 : i32
      %parallel_loop3A_230 = arith.addi %parallel_loop3A_229, %parallel_loop3A_223 : i32
      %parallel_loop3A_231 = arith.index_cast %parallel_loop3A_230 : i32 to index
      %parallel_loop3A_232 = tpu.vector_load %arg7[%parallel_loop3A_231] {strides = array<i32>} : memref<16384xf32, #tpu.memory_space<vmem>>, vector<16xf32>,
      tpu.vector_store %arg7[%parallel_loop3A_231], %parallel_loop3A_227 {strides = array<i32>} : memref<16384xf32, #tpu.memory_space<vmem>>, vector<16xf32>,
    } {sc.loop_unroll_factor = 8 : i64, sc.parallel_access}
    "tpu.region"() ({
      %run_scoped3A = tpu.sem_alloc : memref<!tpu.dma_semaphore, #tpu.memory_space<semaphore_mem>>
      %dma_start3A = arith.constant 16384 : i32
      %dma_start3A_12 = tpu.memref_slice %arg4[%add3A, %dma_start3A] : memref<32x65536xf32, #tpu.memory_space<hbm>> -> memref<1x16384xf32, #tpu.memory_space<hbm>>
      %dma_start3A_13 = tpu.memref_squeeze %dma_start3A_12 : memref<1x16384xf32, #tpu.memory_space<hbm>> -> memref<16384xf32, #tpu.memory_space<hbm>>
      %dma_start3A_14 = arith.constant 16384 : i32
      %dma_start3A_15 = tpu.memref_slice %arg4[%add3A, %dma_start3A_14] : memref<32x65536xf32, #tpu.memory_space<hbm>> -> memref<1x16384xf32, #tpu.memory_space<hbm>>
      %dma_start3A_16 = tpu.memref_squeeze %dma_start3A_15 : memref<1x16384xf32, #tpu.memory_space<hbm>> -> memref<16384xf32, #tpu.memory_space<hbm>>
      tpu.enqueue_dma source(%arg7 : memref<16384xf32, #tpu.memory_space<vmem>>) target(%dma_start3A_16 : memref<16384xf32, #tpu.memory_space<hbm>>) target_semaphore(%run_scoped3A : memref<!tpu.dma_semaphore, #tpu.memory_space<semaphore_mem>>)
      %dma_wait3A = arith.constant 16384 : i32
      %dma_wait3A_17 = tpu.memref_slice %arg4[%add3A, %dma_wait3A] : memref<32x65536xf32, #tpu.memory_space<hbm>> -> memref<1x16384xf32, #tpu.memory_space<hbm>>
      %dma_wait3A_18 = tpu.memref_squeeze %dma_wait3A_17 : memref<1x16384xf32, #tpu.memory_space<hbm>> -> memref<16384xf32, #tpu.memory_space<hbm>>
      %dma_wait3A_19 = arith.constant 16384 : i32
      %dma_wait3A_20 = tpu.memref_slice %arg4[%add3A, %dma_wait3A_19] : memref<32x65536xf32, #tpu.memory_space<hbm>> -> memref<1x16384xf32, #tpu.memory_space<hbm>>
      %dma_wait3A_21 = tpu.memref_squeeze %dma_wait3A_20 : memref<1x16384xf32, #tpu.memory_space<hbm>> -> memref<16384xf32, #tpu.memory_space<hbm>>
      tpu.wait_dma2 semaphore(%run_scoped3A : memref<!tpu.dma_semaphore, #tpu.memory_space<semaphore_mem>>) src(%arg7 : memref<16384xf32, #tpu.memory_space<vmem>>) dst(%dma_wait3A_21 : memref<16384xf32, #tpu.memory_space<hbm>>)
      tpu.yield
    }) : () -> ()
    %parallel_loop3A_6 = arith.constant 0 : i32
    %parallel_loop3A_7 = arith.constant 64 : i32
    %parallel_loop3A_8 = arith.constant 1 : i32
    scf.for %parallel_loop3A_12 = %parallel_loop3A_6 to %parallel_loop3A_7 step %parallel_loop3A_8  : i32 {
      %parallel_loop3A_13 = arith.constant 16 : i32
      %parallel_loop3A_14 = arith.muli %parallel_loop3A_12, %parallel_loop3A_13 : i32
      %parallel_loop3A_15 = arith.constant 128 : i32
      %parallel_loop3A_16 = arith.divsi %parallel_loop3A_14, %parallel_loop3A_15 : i32
      %parallel_loop3A_17 = arith.constant 0 : i32
      %parallel_loop3A_18 = arith.cmpi sgt, %parallel_loop3A_14, %parallel_loop3A_17 : i32
      %parallel_loop3A_19 = arith.extui %parallel_loop3A_18 : i1 to i32
      %parallel_loop3A_20 = arith.constant 0 : i32
      %parallel_loop3A_21 = arith.cmpi slt, %parallel_loop3A_14, %parallel_loop3A_20 : i32
      %parallel_loop3A_22 = arith.extui %parallel_loop3A_21 : i1 to i32
      %parallel_loop3A_23 = arith.subi %parallel_loop3A_19, %parallel_loop3A_22 : i32
      %parallel_loop3A_24 = arith.constant 0 : i32
      %parallel_loop3A_25 = arith.cmpi sgt, %parallel_loop3A_15, %parallel_loop3A_24 : i32
      %parallel_loop3A_26 = arith.extui %parallel_loop3A_25 : i1 to i32
      %parallel_loop3A_27 = arith.constant 0 : i32
      %parallel_loop3A_28 = arith.cmpi slt, %parallel_loop3A_15, %parallel_loop3A_27 : i32
      %parallel_loop3A_29 = arith.extui %parallel_loop3A_28 : i1 to i32
      %parallel_loop3A_30 = arith.subi %parallel_loop3A_26, %parallel_loop3A_29 : i32
      %parallel_loop3A_31 = arith.cmpi ne, %parallel_loop3A_23, %parallel_loop3A_30 : i32
      %parallel_loop3A_32 = arith.remsi %parallel_loop3A_14, %parallel_loop3A_15 : i32
      %parallel_loop3A_33 = arith.constant 0 : i32
      %parallel_loop3A_34 = arith.cmpi ne, %parallel_loop3A_32, %parallel_loop3A_33 : i32
      %parallel_loop3A_35 = arith.andi %parallel_loop3A_31, %parallel_loop3A_34 : i1
      %parallel_loop3A_36 = arith.constant 1 : i32
      %parallel_loop3A_37 = arith.subi %parallel_loop3A_16, %parallel_loop3A_36 : i32
      %parallel_loop3A_38 = arith.select %parallel_loop3A_35, %parallel_loop3A_37, %parallel_loop3A_16 : i32
      %parallel_loop3A_39 = arith.constant 128 : i32
      %parallel_loop3A_40 = arith.constant 0 : i32
      %parallel_loop3A_41 = arith.cmpi eq, %parallel_loop3A_39, %parallel_loop3A_40 : i32
      %parallel_loop3A_42 = arith.constant 1 : i32
      %parallel_loop3A_43 = arith.select %parallel_loop3A_41, %parallel_loop3A_42, %parallel_loop3A_39 : i32
      %parallel_loop3A_44 = arith.remsi %parallel_loop3A_14, %parallel_loop3A_43 : i32
      %parallel_loop3A_45 = arith.constant 0 : i32
      %parallel_loop3A_46 = arith.cmpi ne, %parallel_loop3A_44, %parallel_loop3A_45 : i32
      %parallel_loop3A_47 = arith.constant 0 : i32
      %parallel_loop3A_48 = arith.cmpi slt, %parallel_loop3A_44, %parallel_loop3A_47 : i32
      %parallel_loop3A_49 = arith.constant 0 : i32
      %parallel_loop3A_50 = arith.cmpi slt, %parallel_loop3A_43, %parallel_loop3A_49 : i32
      %parallel_loop3A_51 = arith.xori %parallel_loop3A_48, %parallel_loop3A_50 : i1
      %parallel_loop3A_52 = arith.andi %parallel_loop3A_51, %parallel_loop3A_46 : i1
      %parallel_loop3A_53 = arith.addi %parallel_loop3A_44, %parallel_loop3A_43 : i32
      %parallel_loop3A_54 = arith.select %parallel_loop3A_52, %parallel_loop3A_53, %parallel_loop3A_44 : i32
      %parallel_loop3A_55 = arith.index_cast %parallel_loop3A_14 : i32 to index
      %parallel_loop3A_56 = tpu.vector_load %arg6[%parallel_loop3A_55] {strides = array<i32>} : memref<1024xi32, #tpu.memory_space<vmem>>, vector<16xi32>,
      %parallel_loop3A_57 = arith.constant 0 : i32
      %parallel_loop3A_58 = arith.addi %parallel_loop3A_57, %parallel_loop3A_54 : i32
      %parallel_loop3A_59 = arith.constant 32768 : i32
      %parallel_loop3A_60 = vector.broadcast %parallel_loop3A_59 : i32 to vector<16xi32>
      %parallel_loop3A_61 = arith.addi %parallel_loop3A_56, %parallel_loop3A_60 : vector<16xi32>
      %parallel_loop3A_62 = tpu.vector_load_idx %arg5[%parallel_loop3A_61] : memref<65536xf32, #tpu.memory_space<vmem>>[vector<16xi32>], vector<16xf32>,
      %parallel_loop3A_63 = arith.constant 1024 : i32
      %parallel_loop3A_64 = arith.muli %parallel_loop3A_38, %parallel_loop3A_63 : i32
      %parallel_loop3A_65 = arith.addi %parallel_loop3A_64, %parallel_loop3A_58 : i32
      %parallel_loop3A_66 = arith.index_cast %parallel_loop3A_65 : i32 to index
      %parallel_loop3A_67 = tpu.vector_load %arg7[%parallel_loop3A_66] {strides = array<i32>} : memref<16384xf32, #tpu.memory_space<vmem>>, vector<16xf32>,
      tpu.vector_store %arg7[%parallel_loop3A_66], %parallel_loop3A_62 {strides = array<i32>} : memref<16384xf32, #tpu.memory_space<vmem>>, vector<16xf32>,
      %parallel_loop3A_68 = arith.constant 128 : i32
      %parallel_loop3A_69 = arith.addi %parallel_loop3A_68, %parallel_loop3A_54 : i32
      %parallel_loop3A_70 = arith.constant 33792 : i32
      %parallel_loop3A_71 = vector.broadcast %parallel_loop3A_70 : i32 to vector<16xi32>
      %parallel_loop3A_72 = arith.addi %parallel_loop3A_56, %parallel_loop3A_71 : vector<16xi32>
      %parallel_loop3A_73 = tpu.vector_load_idx %arg5[%parallel_loop3A_72] : memref<65536xf32, #tpu.memory_space<vmem>>[vector<16xi32>], vector<16xf32>,
      %parallel_loop3A_74 = arith.constant 1024 : i32
      %parallel_loop3A_75 = arith.muli %parallel_loop3A_38, %parallel_loop3A_74 : i32
      %parallel_loop3A_76 = arith.addi %parallel_loop3A_75, %parallel_loop3A_69 : i32
      %parallel_loop3A_77 = arith.index_cast %parallel_loop3A_76 : i32 to index
      %parallel_loop3A_78 = tpu.vector_load %arg7[%parallel_loop3A_77] {strides = array<i32>} : memref<16384xf32, #tpu.memory_space<vmem>>, vector<16xf32>,
      tpu.vector_store %arg7[%parallel_loop3A_77], %parallel_loop3A_73 {strides = array<i32>} : memref<16384xf32, #tpu.memory_space<vmem>>, vector<16xf32>,
      %parallel_loop3A_79 = arith.constant 256 : i32
      %parallel_loop3A_80 = arith.addi %parallel_loop3A_79, %parallel_loop3A_54 : i32
      %parallel_loop3A_81 = arith.constant 34816 : i32
      %parallel_loop3A_82 = vector.broadcast %parallel_loop3A_81 : i32 to vector<16xi32>
      %parallel_loop3A_83 = arith.addi %parallel_loop3A_56, %parallel_loop3A_82 : vector<16xi32>
      %parallel_loop3A_84 = tpu.vector_load_idx %arg5[%parallel_loop3A_83] : memref<65536xf32, #tpu.memory_space<vmem>>[vector<16xi32>], vector<16xf32>,
      %parallel_loop3A_85 = arith.constant 1024 : i32
      %parallel_loop3A_86 = arith.muli %parallel_loop3A_38, %parallel_loop3A_85 : i32
      %parallel_loop3A_87 = arith.addi %parallel_loop3A_86, %parallel_loop3A_80 : i32
      %parallel_loop3A_88 = arith.index_cast %parallel_loop3A_87 : i32 to index
      %parallel_loop3A_89 = tpu.vector_load %arg7[%parallel_loop3A_88] {strides = array<i32>} : memref<16384xf32, #tpu.memory_space<vmem>>, vector<16xf32>,
      tpu.vector_store %arg7[%parallel_loop3A_88], %parallel_loop3A_84 {strides = array<i32>} : memref<16384xf32, #tpu.memory_space<vmem>>, vector<16xf32>,
      %parallel_loop3A_90 = arith.constant 384 : i32
      %parallel_loop3A_91 = arith.addi %parallel_loop3A_90, %parallel_loop3A_54 : i32
      %parallel_loop3A_92 = arith.constant 35840 : i32
      %parallel_loop3A_93 = vector.broadcast %parallel_loop3A_92 : i32 to vector<16xi32>
      %parallel_loop3A_94 = arith.addi %parallel_loop3A_56, %parallel_loop3A_93 : vector<16xi32>
      %parallel_loop3A_95 = tpu.vector_load_idx %arg5[%parallel_loop3A_94] : memref<65536xf32, #tpu.memory_space<vmem>>[vector<16xi32>], vector<16xf32>,
      %parallel_loop3A_96 = arith.constant 1024 : i32
      %parallel_loop3A_97 = arith.muli %parallel_loop3A_38, %parallel_loop3A_96 : i32
      %parallel_loop3A_98 = arith.addi %parallel_loop3A_97, %parallel_loop3A_91 : i32
      %parallel_loop3A_99 = arith.index_cast %parallel_loop3A_98 : i32 to index
      %parallel_loop3A_100 = tpu.vector_load %arg7[%parallel_loop3A_99] {strides = array<i32>} : memref<16384xf32, #tpu.memory_space<vmem>>, vector<16xf32>,
      tpu.vector_store %arg7[%parallel_loop3A_99], %parallel_loop3A_95 {strides = array<i32>} : memref<16384xf32, #tpu.memory_space<vmem>>, vector<16xf32>,
      %parallel_loop3A_101 = arith.constant 512 : i32
      %parallel_loop3A_102 = arith.addi %parallel_loop3A_101, %parallel_loop3A_54 : i32
      %parallel_loop3A_103 = arith.constant 36864 : i32
      %parallel_loop3A_104 = vector.broadcast %parallel_loop3A_103 : i32 to vector<16xi32>
      %parallel_loop3A_105 = arith.addi %parallel_loop3A_56, %parallel_loop3A_104 : vector<16xi32>
      %parallel_loop3A_106 = tpu.vector_load_idx %arg5[%parallel_loop3A_105] : memref<65536xf32, #tpu.memory_space<vmem>>[vector<16xi32>], vector<16xf32>,
      %parallel_loop3A_107 = arith.constant 1024 : i32
      %parallel_loop3A_108 = arith.muli %parallel_loop3A_38, %parallel_loop3A_107 : i32
      %parallel_loop3A_109 = arith.addi %parallel_loop3A_108, %parallel_loop3A_102 : i32
      %parallel_loop3A_110 = arith.index_cast %parallel_loop3A_109 : i32 to index
      %parallel_loop3A_111 = tpu.vector_load %arg7[%parallel_loop3A_110] {strides = array<i32>} : memref<16384xf32, #tpu.memory_space<vmem>>, vector<16xf32>,
      tpu.vector_store %arg7[%parallel_loop3A_110], %parallel_loop3A_106 {strides = array<i32>} : memref<16384xf32, #tpu.memory_space<vmem>>, vector<16xf32>,
      %parallel_loop3A_112 = arith.constant 640 : i32
      %parallel_loop3A_113 = arith.addi %parallel_loop3A_112, %parallel_loop3A_54 : i32
      %parallel_loop3A_114 = arith.constant 37888 : i32
      %parallel_loop3A_115 = vector.broadcast %parallel_loop3A_114 : i32 to vector<16xi32>
      %parallel_loop3A_116 = arith.addi %parallel_loop3A_56, %parallel_loop3A_115 : vector<16xi32>
      %parallel_loop3A_117 = tpu.vector_load_idx %arg5[%parallel_loop3A_116] : memref<65536xf32, #tpu.memory_space<vmem>>[vector<16xi32>], vector<16xf32>,
      %parallel_loop3A_118 = arith.constant 1024 : i32
      %parallel_loop3A_119 = arith.muli %parallel_loop3A_38, %parallel_loop3A_118 : i32
      %parallel_loop3A_120 = arith.addi %parallel_loop3A_119, %parallel_loop3A_113 : i32
      %parallel_loop3A_121 = arith.index_cast %parallel_loop3A_120 : i32 to index
      %parallel_loop3A_122 = tpu.vector_load %arg7[%parallel_loop3A_121] {strides = array<i32>} : memref<16384xf32, #tpu.memory_space<vmem>>, vector<16xf32>,
      tpu.vector_store %arg7[%parallel_loop3A_121], %parallel_loop3A_117 {strides = array<i32>} : memref<16384xf32, #tpu.memory_space<vmem>>, vector<16xf32>,
      %parallel_loop3A_123 = arith.constant 768 : i32
      %parallel_loop3A_124 = arith.addi %parallel_loop3A_123, %parallel_loop3A_54 : i32
      %parallel_loop3A_125 = arith.constant 38912 : i32
      %parallel_loop3A_126 = vector.broadcast %parallel_loop3A_125 : i32 to vector<16xi32>
      %parallel_loop3A_127 = arith.addi %parallel_loop3A_56, %parallel_loop3A_126 : vector<16xi32>
      %parallel_loop3A_128 = tpu.vector_load_idx %arg5[%parallel_loop3A_127] : memref<65536xf32, #tpu.memory_space<vmem>>[vector<16xi32>], vector<16xf32>,
      %parallel_loop3A_129 = arith.constant 1024 : i32
      %parallel_loop3A_130 = arith.muli %parallel_loop3A_38, %parallel_loop3A_129 : i32
      %parallel_loop3A_131 = arith.addi %parallel_loop3A_130, %parallel_loop3A_124 : i32
      %parallel_loop3A_132 = arith.index_cast %parallel_loop3A_131 : i32 to index
      %parallel_loop3A_133 = tpu.vector_load %arg7[%parallel_loop3A_132] {strides = array<i32>} : memref<16384xf32, #tpu.memory_space<vmem>>, vector<16xf32>,
      tpu.vector_store %arg7[%parallel_loop3A_132], %parallel_loop3A_128 {strides = array<i32>} : memref<16384xf32, #tpu.memory_space<vmem>>, vector<16xf32>,
      %parallel_loop3A_134 = arith.constant 896 : i32
      %parallel_loop3A_135 = arith.addi %parallel_loop3A_134, %parallel_loop3A_54 : i32
      %parallel_loop3A_136 = arith.constant 39936 : i32
      %parallel_loop3A_137 = vector.broadcast %parallel_loop3A_136 : i32 to vector<16xi32>
      %parallel_loop3A_138 = arith.addi %parallel_loop3A_56, %parallel_loop3A_137 : vector<16xi32>
      %parallel_loop3A_139 = tpu.vector_load_idx %arg5[%parallel_loop3A_138] : memref<65536xf32, #tpu.memory_space<vmem>>[vector<16xi32>], vector<16xf32>,
      %parallel_loop3A_140 = arith.constant 1024 : i32
      %parallel_loop3A_141 = arith.muli %parallel_loop3A_38, %parallel_loop3A_140 : i32
      %parallel_loop3A_142 = arith.addi %parallel_loop3A_141, %parallel_loop3A_135 : i32
      %parallel_loop3A_143 = arith.index_cast %parallel_loop3A_142 : i32 to index
      %parallel_loop3A_144 = tpu.vector_load %arg7[%parallel_loop3A_143] {strides = array<i32>} : memref<16384xf32, #tpu.memory_space<vmem>>, vector<16xf32>,
      tpu.vector_store %arg7[%parallel_loop3A_143], %parallel_loop3A_139 {strides = array<i32>} : memref<16384xf32, #tpu.memory_space<vmem>>, vector<16xf32>,
      %parallel_loop3A_145 = arith.constant 8192 : i32
      %parallel_loop3A_146 = arith.addi %parallel_loop3A_145, %parallel_loop3A_54 : i32
      %parallel_loop3A_147 = arith.constant 40960 : i32
      %parallel_loop3A_148 = vector.broadcast %parallel_loop3A_147 : i32 to vector<16xi32>
      %parallel_loop3A_149 = arith.addi %parallel_loop3A_56, %parallel_loop3A_148 : vector<16xi32>
      %parallel_loop3A_150 = tpu.vector_load_idx %arg5[%parallel_loop3A_149] : memref<65536xf32, #tpu.memory_space<vmem>>[vector<16xi32>], vector<16xf32>,
      %parallel_loop3A_151 = arith.constant 1024 : i32
      %parallel_loop3A_152 = arith.muli %parallel_loop3A_38, %parallel_loop3A_151 : i32
      %parallel_loop3A_153 = arith.addi %parallel_loop3A_152, %parallel_loop3A_146 : i32
      %parallel_loop3A_154 = arith.index_cast %parallel_loop3A_153 : i32 to index
      %parallel_loop3A_155 = tpu.vector_load %arg7[%parallel_loop3A_154] {strides = array<i32>} : memref<16384xf32, #tpu.memory_space<vmem>>, vector<16xf32>,
      tpu.vector_store %arg7[%parallel_loop3A_154], %parallel_loop3A_150 {strides = array<i32>} : memref<16384xf32, #tpu.memory_space<vmem>>, vector<16xf32>,
      %parallel_loop3A_156 = arith.constant 8320 : i32
      %parallel_loop3A_157 = arith.addi %parallel_loop3A_156, %parallel_loop3A_54 : i32
      %parallel_loop3A_158 = arith.constant 41984 : i32
      %parallel_loop3A_159 = vector.broadcast %parallel_loop3A_158 : i32 to vector<16xi32>
      %parallel_loop3A_160 = arith.addi %parallel_loop3A_56, %parallel_loop3A_159 : vector<16xi32>
      %parallel_loop3A_161 = tpu.vector_load_idx %arg5[%parallel_loop3A_160] : memref<65536xf32, #tpu.memory_space<vmem>>[vector<16xi32>], vector<16xf32>,
      %parallel_loop3A_162 = arith.constant 1024 : i32
      %parallel_loop3A_163 = arith.muli %parallel_loop3A_38, %parallel_loop3A_162 : i32
      %parallel_loop3A_164 = arith.addi %parallel_loop3A_163, %parallel_loop3A_157 : i32
      %parallel_loop3A_165 = arith.index_cast %parallel_loop3A_164 : i32 to index
      %parallel_loop3A_166 = tpu.vector_load %arg7[%parallel_loop3A_165] {strides = array<i32>} : memref<16384xf32, #tpu.memory_space<vmem>>, vector<16xf32>,
      tpu.vector_store %arg7[%parallel_loop3A_165], %parallel_loop3A_161 {strides = array<i32>} : memref<16384xf32, #tpu.memory_space<vmem>>, vector<16xf32>,
      %parallel_loop3A_167 = arith.constant 8448 : i32
      %parallel_loop3A_168 = arith.addi %parallel_loop3A_167, %parallel_loop3A_54 : i32
      %parallel_loop3A_169 = arith.constant 43008 : i32
      %parallel_loop3A_170 = vector.broadcast %parallel_loop3A_169 : i32 to vector<16xi32>
      %parallel_loop3A_171 = arith.addi %parallel_loop3A_56, %parallel_loop3A_170 : vector<16xi32>
      %parallel_loop3A_172 = tpu.vector_load_idx %arg5[%parallel_loop3A_171] : memref<65536xf32, #tpu.memory_space<vmem>>[vector<16xi32>], vector<16xf32>,
      %parallel_loop3A_173 = arith.constant 1024 : i32
      %parallel_loop3A_174 = arith.muli %parallel_loop3A_38, %parallel_loop3A_173 : i32
      %parallel_loop3A_175 = arith.addi %parallel_loop3A_174, %parallel_loop3A_168 : i32
      %parallel_loop3A_176 = arith.index_cast %parallel_loop3A_175 : i32 to index
      %parallel_loop3A_177 = tpu.vector_load %arg7[%parallel_loop3A_176] {strides = array<i32>} : memref<16384xf32, #tpu.memory_space<vmem>>, vector<16xf32>,
      tpu.vector_store %arg7[%parallel_loop3A_176], %parallel_loop3A_172 {strides = array<i32>} : memref<16384xf32, #tpu.memory_space<vmem>>, vector<16xf32>,
      %parallel_loop3A_178 = arith.constant 8576 : i32
      %parallel_loop3A_179 = arith.addi %parallel_loop3A_178, %parallel_loop3A_54 : i32
      %parallel_loop3A_180 = arith.constant 44032 : i32
      %parallel_loop3A_181 = vector.broadcast %parallel_loop3A_180 : i32 to vector<16xi32>
      %parallel_loop3A_182 = arith.addi %parallel_loop3A_56, %parallel_loop3A_181 : vector<16xi32>
      %parallel_loop3A_183 = tpu.vector_load_idx %arg5[%parallel_loop3A_182] : memref<65536xf32, #tpu.memory_space<vmem>>[vector<16xi32>], vector<16xf32>,
      %parallel_loop3A_184 = arith.constant 1024 : i32
      %parallel_loop3A_185 = arith.muli %parallel_loop3A_38, %parallel_loop3A_184 : i32
      %parallel_loop3A_186 = arith.addi %parallel_loop3A_185, %parallel_loop3A_179 : i32
      %parallel_loop3A_187 = arith.index_cast %parallel_loop3A_186 : i32 to index
      %parallel_loop3A_188 = tpu.vector_load %arg7[%parallel_loop3A_187] {strides = array<i32>} : memref<16384xf32, #tpu.memory_space<vmem>>, vector<16xf32>,
      tpu.vector_store %arg7[%parallel_loop3A_187], %parallel_loop3A_183 {strides = array<i32>} : memref<16384xf32, #tpu.memory_space<vmem>>, vector<16xf32>,
      %parallel_loop3A_189 = arith.constant 8704 : i32
      %parallel_loop3A_190 = arith.addi %parallel_loop3A_189, %parallel_loop3A_54 : i32
      %parallel_loop3A_191 = arith.constant 45056 : i32
      %parallel_loop3A_192 = vector.broadcast %parallel_loop3A_191 : i32 to vector<16xi32>
      %parallel_loop3A_193 = arith.addi %parallel_loop3A_56, %parallel_loop3A_192 : vector<16xi32>
      %parallel_loop3A_194 = tpu.vector_load_idx %arg5[%parallel_loop3A_193] : memref<65536xf32, #tpu.memory_space<vmem>>[vector<16xi32>], vector<16xf32>,
      %parallel_loop3A_195 = arith.constant 1024 : i32
      %parallel_loop3A_196 = arith.muli %parallel_loop3A_38, %parallel_loop3A_195 : i32
      %parallel_loop3A_197 = arith.addi %parallel_loop3A_196, %parallel_loop3A_190 : i32
      %parallel_loop3A_198 = arith.index_cast %parallel_loop3A_197 : i32 to index
      %parallel_loop3A_199 = tpu.vector_load %arg7[%parallel_loop3A_198] {strides = array<i32>} : memref<16384xf32, #tpu.memory_space<vmem>>, vector<16xf32>,
      tpu.vector_store %arg7[%parallel_loop3A_198], %parallel_loop3A_194 {strides = array<i32>} : memref<16384xf32, #tpu.memory_space<vmem>>, vector<16xf32>,
      %parallel_loop3A_200 = arith.constant 8832 : i32
      %parallel_loop3A_201 = arith.addi %parallel_loop3A_200, %parallel_loop3A_54 : i32
      %parallel_loop3A_202 = arith.constant 46080 : i32
      %parallel_loop3A_203 = vector.broadcast %parallel_loop3A_202 : i32 to vector<16xi32>
      %parallel_loop3A_204 = arith.addi %parallel_loop3A_56, %parallel_loop3A_203 : vector<16xi32>
      %parallel_loop3A_205 = tpu.vector_load_idx %arg5[%parallel_loop3A_204] : memref<65536xf32, #tpu.memory_space<vmem>>[vector<16xi32>], vector<16xf32>,
      %parallel_loop3A_206 = arith.constant 1024 : i32
      %parallel_loop3A_207 = arith.muli %parallel_loop3A_38, %parallel_loop3A_206 : i32
      %parallel_loop3A_208 = arith.addi %parallel_loop3A_207, %parallel_loop3A_201 : i32
      %parallel_loop3A_209 = arith.index_cast %parallel_loop3A_208 : i32 to index
      %parallel_loop3A_210 = tpu.vector_load %arg7[%parallel_loop3A_209] {strides = array<i32>} : memref<16384xf32, #tpu.memory_space<vmem>>, vector<16xf32>,
      tpu.vector_store %arg7[%parallel_loop3A_209], %parallel_loop3A_205 {strides = array<i32>} : memref<16384xf32, #tpu.memory_space<vmem>>, vector<16xf32>,
      %parallel_loop3A_211 = arith.constant 8960 : i32
      %parallel_loop3A_212 = arith.addi %parallel_loop3A_211, %parallel_loop3A_54 : i32
      %parallel_loop3A_213 = arith.constant 47104 : i32
      %parallel_loop3A_214 = vector.broadcast %parallel_loop3A_213 : i32 to vector<16xi32>
      %parallel_loop3A_215 = arith.addi %parallel_loop3A_56, %parallel_loop3A_214 : vector<16xi32>
      %parallel_loop3A_216 = tpu.vector_load_idx %arg5[%parallel_loop3A_215] : memref<65536xf32, #tpu.memory_space<vmem>>[vector<16xi32>], vector<16xf32>,
      %parallel_loop3A_217 = arith.constant 1024 : i32
      %parallel_loop3A_218 = arith.muli %parallel_loop3A_38, %parallel_loop3A_217 : i32
      %parallel_loop3A_219 = arith.addi %parallel_loop3A_218, %parallel_loop3A_212 : i32
      %parallel_loop3A_220 = arith.index_cast %parallel_loop3A_219 : i32 to index
      %parallel_loop3A_221 = tpu.vector_load %arg7[%parallel_loop3A_220] {strides = array<i32>} : memref<16384xf32, #tpu.memory_space<vmem>>, vector<16xf32>,
      tpu.vector_store %arg7[%parallel_loop3A_220], %parallel_loop3A_216 {strides = array<i32>} : memref<16384xf32, #tpu.memory_space<vmem>>, vector<16xf32>,
      %parallel_loop3A_222 = arith.constant 9088 : i32
      %parallel_loop3A_223 = arith.addi %parallel_loop3A_222, %parallel_loop3A_54 : i32
      %parallel_loop3A_224 = arith.constant 48128 : i32
      %parallel_loop3A_225 = vector.broadcast %parallel_loop3A_224 : i32 to vector<16xi32>
      %parallel_loop3A_226 = arith.addi %parallel_loop3A_56, %parallel_loop3A_225 : vector<16xi32>
      %parallel_loop3A_227 = tpu.vector_load_idx %arg5[%parallel_loop3A_226] : memref<65536xf32, #tpu.memory_space<vmem>>[vector<16xi32>], vector<16xf32>,
      %parallel_loop3A_228 = arith.constant 1024 : i32
      %parallel_loop3A_229 = arith.muli %parallel_loop3A_38, %parallel_loop3A_228 : i32
      %parallel_loop3A_230 = arith.addi %parallel_loop3A_229, %parallel_loop3A_223 : i32
      %parallel_loop3A_231 = arith.index_cast %parallel_loop3A_230 : i32 to index
      %parallel_loop3A_232 = tpu.vector_load %arg7[%parallel_loop3A_231] {strides = array<i32>} : memref<16384xf32, #tpu.memory_space<vmem>>, vector<16xf32>,
      tpu.vector_store %arg7[%parallel_loop3A_231], %parallel_loop3A_227 {strides = array<i32>} : memref<16384xf32, #tpu.memory_space<vmem>>, vector<16xf32>,
    } {sc.loop_unroll_factor = 8 : i64, sc.parallel_access}
    "tpu.region"() ({
      %run_scoped3A = tpu.sem_alloc : memref<!tpu.dma_semaphore, #tpu.memory_space<semaphore_mem>>
      %dma_start3A = arith.constant 32768 : i32
      %dma_start3A_12 = tpu.memref_slice %arg4[%add3A, %dma_start3A] : memref<32x65536xf32, #tpu.memory_space<hbm>> -> memref<1x16384xf32, #tpu.memory_space<hbm>>
      %dma_start3A_13 = tpu.memref_squeeze %dma_start3A_12 : memref<1x16384xf32, #tpu.memory_space<hbm>> -> memref<16384xf32, #tpu.memory_space<hbm>>
      %dma_start3A_14 = arith.constant 32768 : i32
      %dma_start3A_15 = tpu.memref_slice %arg4[%add3A, %dma_start3A_14] : memref<32x65536xf32, #tpu.memory_space<hbm>> -> memref<1x16384xf32, #tpu.memory_space<hbm>>
      %dma_start3A_16 = tpu.memref_squeeze %dma_start3A_15 : memref<1x16384xf32, #tpu.memory_space<hbm>> -> memref<16384xf32, #tpu.memory_space<hbm>>
      tpu.enqueue_dma source(%arg7 : memref<16384xf32, #tpu.memory_space<vmem>>) target(%dma_start3A_16 : memref<16384xf32, #tpu.memory_space<hbm>>) target_semaphore(%run_scoped3A : memref<!tpu.dma_semaphore, #tpu.memory_space<semaphore_mem>>)
      %dma_wait3A = arith.constant 32768 : i32
      %dma_wait3A_17 = tpu.memref_slice %arg4[%add3A, %dma_wait3A] : memref<32x65536xf32, #tpu.memory_space<hbm>> -> memref<1x16384xf32, #tpu.memory_space<hbm>>
      %dma_wait3A_18 = tpu.memref_squeeze %dma_wait3A_17 : memref<1x16384xf32, #tpu.memory_space<hbm>> -> memref<16384xf32, #tpu.memory_space<hbm>>
      %dma_wait3A_19 = arith.constant 32768 : i32
      %dma_wait3A_20 = tpu.memref_slice %arg4[%add3A, %dma_wait3A_19] : memref<32x65536xf32, #tpu.memory_space<hbm>> -> memref<1x16384xf32, #tpu.memory_space<hbm>>
      %dma_wait3A_21 = tpu.memref_squeeze %dma_wait3A_20 : memref<1x16384xf32, #tpu.memory_space<hbm>> -> memref<16384xf32, #tpu.memory_space<hbm>>
      tpu.wait_dma2 semaphore(%run_scoped3A : memref<!tpu.dma_semaphore, #tpu.memory_space<semaphore_mem>>) src(%arg7 : memref<16384xf32, #tpu.memory_space<vmem>>) dst(%dma_wait3A_21 : memref<16384xf32, #tpu.memory_space<hbm>>)
      tpu.yield
    }) : () -> ()
    %parallel_loop3A_9 = arith.constant 0 : i32
    %parallel_loop3A_10 = arith.constant 64 : i32
    %parallel_loop3A_11 = arith.constant 1 : i32
    scf.for %parallel_loop3A_12 = %parallel_loop3A_9 to %parallel_loop3A_10 step %parallel_loop3A_11  : i32 {
      %parallel_loop3A_13 = arith.constant 16 : i32
      %parallel_loop3A_14 = arith.muli %parallel_loop3A_12, %parallel_loop3A_13 : i32
      %parallel_loop3A_15 = arith.constant 128 : i32
      %parallel_loop3A_16 = arith.divsi %parallel_loop3A_14, %parallel_loop3A_15 : i32
      %parallel_loop3A_17 = arith.constant 0 : i32
      %parallel_loop3A_18 = arith.cmpi sgt, %parallel_loop3A_14, %parallel_loop3A_17 : i32
      %parallel_loop3A_19 = arith.extui %parallel_loop3A_18 : i1 to i32
      %parallel_loop3A_20 = arith.constant 0 : i32
      %parallel_loop3A_21 = arith.cmpi slt, %parallel_loop3A_14, %parallel_loop3A_20 : i32
      %parallel_loop3A_22 = arith.extui %parallel_loop3A_21 : i1 to i32
      %parallel_loop3A_23 = arith.subi %parallel_loop3A_19, %parallel_loop3A_22 : i32
      %parallel_loop3A_24 = arith.constant 0 : i32
      %parallel_loop3A_25 = arith.cmpi sgt, %parallel_loop3A_15, %parallel_loop3A_24 : i32
      %parallel_loop3A_26 = arith.extui %parallel_loop3A_25 : i1 to i32
      %parallel_loop3A_27 = arith.constant 0 : i32
      %parallel_loop3A_28 = arith.cmpi slt, %parallel_loop3A_15, %parallel_loop3A_27 : i32
      %parallel_loop3A_29 = arith.extui %parallel_loop3A_28 : i1 to i32
      %parallel_loop3A_30 = arith.subi %parallel_loop3A_26, %parallel_loop3A_29 : i32
      %parallel_loop3A_31 = arith.cmpi ne, %parallel_loop3A_23, %parallel_loop3A_30 : i32
      %parallel_loop3A_32 = arith.remsi %parallel_loop3A_14, %parallel_loop3A_15 : i32
      %parallel_loop3A_33 = arith.constant 0 : i32
      %parallel_loop3A_34 = arith.cmpi ne, %parallel_loop3A_32, %parallel_loop3A_33 : i32
      %parallel_loop3A_35 = arith.andi %parallel_loop3A_31, %parallel_loop3A_34 : i1
      %parallel_loop3A_36 = arith.constant 1 : i32
      %parallel_loop3A_37 = arith.subi %parallel_loop3A_16, %parallel_loop3A_36 : i32
      %parallel_loop3A_38 = arith.select %parallel_loop3A_35, %parallel_loop3A_37, %parallel_loop3A_16 : i32
      %parallel_loop3A_39 = arith.constant 128 : i32
      %parallel_loop3A_40 = arith.constant 0 : i32
      %parallel_loop3A_41 = arith.cmpi eq, %parallel_loop3A_39, %parallel_loop3A_40 : i32
      %parallel_loop3A_42 = arith.constant 1 : i32
      %parallel_loop3A_43 = arith.select %parallel_loop3A_41, %parallel_loop3A_42, %parallel_loop3A_39 : i32
      %parallel_loop3A_44 = arith.remsi %parallel_loop3A_14, %parallel_loop3A_43 : i32
      %parallel_loop3A_45 = arith.constant 0 : i32
      %parallel_loop3A_46 = arith.cmpi ne, %parallel_loop3A_44, %parallel_loop3A_45 : i32
      %parallel_loop3A_47 = arith.constant 0 : i32
      %parallel_loop3A_48 = arith.cmpi slt, %parallel_loop3A_44, %parallel_loop3A_47 : i32
      %parallel_loop3A_49 = arith.constant 0 : i32
      %parallel_loop3A_50 = arith.cmpi slt, %parallel_loop3A_43, %parallel_loop3A_49 : i32
      %parallel_loop3A_51 = arith.xori %parallel_loop3A_48, %parallel_loop3A_50 : i1
      %parallel_loop3A_52 = arith.andi %parallel_loop3A_51, %parallel_loop3A_46 : i1
      %parallel_loop3A_53 = arith.addi %parallel_loop3A_44, %parallel_loop3A_43 : i32
      %parallel_loop3A_54 = arith.select %parallel_loop3A_52, %parallel_loop3A_53, %parallel_loop3A_44 : i32
      %parallel_loop3A_55 = arith.index_cast %parallel_loop3A_14 : i32 to index
      %parallel_loop3A_56 = tpu.vector_load %arg6[%parallel_loop3A_55] {strides = array<i32>} : memref<1024xi32, #tpu.memory_space<vmem>>, vector<16xi32>,
      %parallel_loop3A_57 = arith.constant 0 : i32
      %parallel_loop3A_58 = arith.addi %parallel_loop3A_57, %parallel_loop3A_54 : i32
      %parallel_loop3A_59 = arith.constant 49152 : i32
      %parallel_loop3A_60 = vector.broadcast %parallel_loop3A_59 : i32 to vector<16xi32>
      %parallel_loop3A_61 = arith.addi %parallel_loop3A_56, %parallel_loop3A_60 : vector<16xi32>
      %parallel_loop3A_62 = tpu.vector_load_idx %arg5[%parallel_loop3A_61] : memref<65536xf32, #tpu.memory_space<vmem>>[vector<16xi32>], vector<16xf32>,
      %parallel_loop3A_63 = arith.constant 1024 : i32
      %parallel_loop3A_64 = arith.muli %parallel_loop3A_38, %parallel_loop3A_63 : i32
      %parallel_loop3A_65 = arith.addi %parallel_loop3A_64, %parallel_loop3A_58 : i32
      %parallel_loop3A_66 = arith.index_cast %parallel_loop3A_65 : i32 to index
      %parallel_loop3A_67 = tpu.vector_load %arg7[%parallel_loop3A_66] {strides = array<i32>} : memref<16384xf32, #tpu.memory_space<vmem>>, vector<16xf32>,
      tpu.vector_store %arg7[%parallel_loop3A_66], %parallel_loop3A_62 {strides = array<i32>} : memref<16384xf32, #tpu.memory_space<vmem>>, vector<16xf32>,
      %parallel_loop3A_68 = arith.constant 128 : i32
      %parallel_loop3A_69 = arith.addi %parallel_loop3A_68, %parallel_loop3A_54 : i32
      %parallel_loop3A_70 = arith.constant 50176 : i32
      %parallel_loop3A_71 = vector.broadcast %parallel_loop3A_70 : i32 to vector<16xi32>
      %parallel_loop3A_72 = arith.addi %parallel_loop3A_56, %parallel_loop3A_71 : vector<16xi32>
      %parallel_loop3A_73 = tpu.vector_load_idx %arg5[%parallel_loop3A_72] : memref<65536xf32, #tpu.memory_space<vmem>>[vector<16xi32>], vector<16xf32>,
      %parallel_loop3A_74 = arith.constant 1024 : i32
      %parallel_loop3A_75 = arith.muli %parallel_loop3A_38, %parallel_loop3A_74 : i32
      %parallel_loop3A_76 = arith.addi %parallel_loop3A_75, %parallel_loop3A_69 : i32
      %parallel_loop3A_77 = arith.index_cast %parallel_loop3A_76 : i32 to index
      %parallel_loop3A_78 = tpu.vector_load %arg7[%parallel_loop3A_77] {strides = array<i32>} : memref<16384xf32, #tpu.memory_space<vmem>>, vector<16xf32>,
      tpu.vector_store %arg7[%parallel_loop3A_77], %parallel_loop3A_73 {strides = array<i32>} : memref<16384xf32, #tpu.memory_space<vmem>>, vector<16xf32>,
      %parallel_loop3A_79 = arith.constant 256 : i32
      %parallel_loop3A_80 = arith.addi %parallel_loop3A_79, %parallel_loop3A_54 : i32
      %parallel_loop3A_81 = arith.constant 51200 : i32
      %parallel_loop3A_82 = vector.broadcast %parallel_loop3A_81 : i32 to vector<16xi32>
      %parallel_loop3A_83 = arith.addi %parallel_loop3A_56, %parallel_loop3A_82 : vector<16xi32>
      %parallel_loop3A_84 = tpu.vector_load_idx %arg5[%parallel_loop3A_83] : memref<65536xf32, #tpu.memory_space<vmem>>[vector<16xi32>], vector<16xf32>,
      %parallel_loop3A_85 = arith.constant 1024 : i32
      %parallel_loop3A_86 = arith.muli %parallel_loop3A_38, %parallel_loop3A_85 : i32
      %parallel_loop3A_87 = arith.addi %parallel_loop3A_86, %parallel_loop3A_80 : i32
      %parallel_loop3A_88 = arith.index_cast %parallel_loop3A_87 : i32 to index
      %parallel_loop3A_89 = tpu.vector_load %arg7[%parallel_loop3A_88] {strides = array<i32>} : memref<16384xf32, #tpu.memory_space<vmem>>, vector<16xf32>,
      tpu.vector_store %arg7[%parallel_loop3A_88], %parallel_loop3A_84 {strides = array<i32>} : memref<16384xf32, #tpu.memory_space<vmem>>, vector<16xf32>,
      %parallel_loop3A_90 = arith.constant 384 : i32
      %parallel_loop3A_91 = arith.addi %parallel_loop3A_90, %parallel_loop3A_54 : i32
      %parallel_loop3A_92 = arith.constant 52224 : i32
      %parallel_loop3A_93 = vector.broadcast %parallel_loop3A_92 : i32 to vector<16xi32>
      %parallel_loop3A_94 = arith.addi %parallel_loop3A_56, %parallel_loop3A_93 : vector<16xi32>
      %parallel_loop3A_95 = tpu.vector_load_idx %arg5[%parallel_loop3A_94] : memref<65536xf32, #tpu.memory_space<vmem>>[vector<16xi32>], vector<16xf32>,
      %parallel_loop3A_96 = arith.constant 1024 : i32
      %parallel_loop3A_97 = arith.muli %parallel_loop3A_38, %parallel_loop3A_96 : i32
      %parallel_loop3A_98 = arith.addi %parallel_loop3A_97, %parallel_loop3A_91 : i32
      %parallel_loop3A_99 = arith.index_cast %parallel_loop3A_98 : i32 to index
      %parallel_loop3A_100 = tpu.vector_load %arg7[%parallel_loop3A_99] {strides = array<i32>} : memref<16384xf32, #tpu.memory_space<vmem>>, vector<16xf32>,
      tpu.vector_store %arg7[%parallel_loop3A_99], %parallel_loop3A_95 {strides = array<i32>} : memref<16384xf32, #tpu.memory_space<vmem>>, vector<16xf32>,
      %parallel_loop3A_101 = arith.constant 512 : i32
      %parallel_loop3A_102 = arith.addi %parallel_loop3A_101, %parallel_loop3A_54 : i32
      %parallel_loop3A_103 = arith.constant 53248 : i32
      %parallel_loop3A_104 = vector.broadcast %parallel_loop3A_103 : i32 to vector<16xi32>
      %parallel_loop3A_105 = arith.addi %parallel_loop3A_56, %parallel_loop3A_104 : vector<16xi32>
      %parallel_loop3A_106 = tpu.vector_load_idx %arg5[%parallel_loop3A_105] : memref<65536xf32, #tpu.memory_space<vmem>>[vector<16xi32>], vector<16xf32>,
      %parallel_loop3A_107 = arith.constant 1024 : i32
      %parallel_loop3A_108 = arith.muli %parallel_loop3A_38, %parallel_loop3A_107 : i32
      %parallel_loop3A_109 = arith.addi %parallel_loop3A_108, %parallel_loop3A_102 : i32
      %parallel_loop3A_110 = arith.index_cast %parallel_loop3A_109 : i32 to index
      %parallel_loop3A_111 = tpu.vector_load %arg7[%parallel_loop3A_110] {strides = array<i32>} : memref<16384xf32, #tpu.memory_space<vmem>>, vector<16xf32>,
      tpu.vector_store %arg7[%parallel_loop3A_110], %parallel_loop3A_106 {strides = array<i32>} : memref<16384xf32, #tpu.memory_space<vmem>>, vector<16xf32>,
      %parallel_loop3A_112 = arith.constant 640 : i32
      %parallel_loop3A_113 = arith.addi %parallel_loop3A_112, %parallel_loop3A_54 : i32
      %parallel_loop3A_114 = arith.constant 54272 : i32
      %parallel_loop3A_115 = vector.broadcast %parallel_loop3A_114 : i32 to vector<16xi32>
      %parallel_loop3A_116 = arith.addi %parallel_loop3A_56, %parallel_loop3A_115 : vector<16xi32>
      %parallel_loop3A_117 = tpu.vector_load_idx %arg5[%parallel_loop3A_116] : memref<65536xf32, #tpu.memory_space<vmem>>[vector<16xi32>], vector<16xf32>,
      %parallel_loop3A_118 = arith.constant 1024 : i32
      %parallel_loop3A_119 = arith.muli %parallel_loop3A_38, %parallel_loop3A_118 : i32
      %parallel_loop3A_120 = arith.addi %parallel_loop3A_119, %parallel_loop3A_113 : i32
      %parallel_loop3A_121 = arith.index_cast %parallel_loop3A_120 : i32 to index
      %parallel_loop3A_122 = tpu.vector_load %arg7[%parallel_loop3A_121] {strides = array<i32>} : memref<16384xf32, #tpu.memory_space<vmem>>, vector<16xf32>,
      tpu.vector_store %arg7[%parallel_loop3A_121], %parallel_loop3A_117 {strides = array<i32>} : memref<16384xf32, #tpu.memory_space<vmem>>, vector<16xf32>,
      %parallel_loop3A_123 = arith.constant 768 : i32
      %parallel_loop3A_124 = arith.addi %parallel_loop3A_123, %parallel_loop3A_54 : i32
      %parallel_loop3A_125 = arith.constant 55296 : i32
      %parallel_loop3A_126 = vector.broadcast %parallel_loop3A_125 : i32 to vector<16xi32>
      %parallel_loop3A_127 = arith.addi %parallel_loop3A_56, %parallel_loop3A_126 : vector<16xi32>
      %parallel_loop3A_128 = tpu.vector_load_idx %arg5[%parallel_loop3A_127] : memref<65536xf32, #tpu.memory_space<vmem>>[vector<16xi32>], vector<16xf32>,
      %parallel_loop3A_129 = arith.constant 1024 : i32
      %parallel_loop3A_130 = arith.muli %parallel_loop3A_38, %parallel_loop3A_129 : i32
      %parallel_loop3A_131 = arith.addi %parallel_loop3A_130, %parallel_loop3A_124 : i32
      %parallel_loop3A_132 = arith.index_cast %parallel_loop3A_131 : i32 to index
      %parallel_loop3A_133 = tpu.vector_load %arg7[%parallel_loop3A_132] {strides = array<i32>} : memref<16384xf32, #tpu.memory_space<vmem>>, vector<16xf32>,
      tpu.vector_store %arg7[%parallel_loop3A_132], %parallel_loop3A_128 {strides = array<i32>} : memref<16384xf32, #tpu.memory_space<vmem>>, vector<16xf32>,
      %parallel_loop3A_134 = arith.constant 896 : i32
      %parallel_loop3A_135 = arith.addi %parallel_loop3A_134, %parallel_loop3A_54 : i32
      %parallel_loop3A_136 = arith.constant 56320 : i32
      %parallel_loop3A_137 = vector.broadcast %parallel_loop3A_136 : i32 to vector<16xi32>
      %parallel_loop3A_138 = arith.addi %parallel_loop3A_56, %parallel_loop3A_137 : vector<16xi32>
      %parallel_loop3A_139 = tpu.vector_load_idx %arg5[%parallel_loop3A_138] : memref<65536xf32, #tpu.memory_space<vmem>>[vector<16xi32>], vector<16xf32>,
      %parallel_loop3A_140 = arith.constant 1024 : i32
      %parallel_loop3A_141 = arith.muli %parallel_loop3A_38, %parallel_loop3A_140 : i32
      %parallel_loop3A_142 = arith.addi %parallel_loop3A_141, %parallel_loop3A_135 : i32
      %parallel_loop3A_143 = arith.index_cast %parallel_loop3A_142 : i32 to index
      %parallel_loop3A_144 = tpu.vector_load %arg7[%parallel_loop3A_143] {strides = array<i32>} : memref<16384xf32, #tpu.memory_space<vmem>>, vector<16xf32>,
      tpu.vector_store %arg7[%parallel_loop3A_143], %parallel_loop3A_139 {strides = array<i32>} : memref<16384xf32, #tpu.memory_space<vmem>>, vector<16xf32>,
      %parallel_loop3A_145 = arith.constant 8192 : i32
      %parallel_loop3A_146 = arith.addi %parallel_loop3A_145, %parallel_loop3A_54 : i32
      %parallel_loop3A_147 = arith.constant 57344 : i32
      %parallel_loop3A_148 = vector.broadcast %parallel_loop3A_147 : i32 to vector<16xi32>
      %parallel_loop3A_149 = arith.addi %parallel_loop3A_56, %parallel_loop3A_148 : vector<16xi32>
      %parallel_loop3A_150 = tpu.vector_load_idx %arg5[%parallel_loop3A_149] : memref<65536xf32, #tpu.memory_space<vmem>>[vector<16xi32>], vector<16xf32>,
      %parallel_loop3A_151 = arith.constant 1024 : i32
      %parallel_loop3A_152 = arith.muli %parallel_loop3A_38, %parallel_loop3A_151 : i32
      %parallel_loop3A_153 = arith.addi %parallel_loop3A_152, %parallel_loop3A_146 : i32
      %parallel_loop3A_154 = arith.index_cast %parallel_loop3A_153 : i32 to index
      %parallel_loop3A_155 = tpu.vector_load %arg7[%parallel_loop3A_154] {strides = array<i32>} : memref<16384xf32, #tpu.memory_space<vmem>>, vector<16xf32>,
      tpu.vector_store %arg7[%parallel_loop3A_154], %parallel_loop3A_150 {strides = array<i32>} : memref<16384xf32, #tpu.memory_space<vmem>>, vector<16xf32>,
      %parallel_loop3A_156 = arith.constant 8320 : i32
      %parallel_loop3A_157 = arith.addi %parallel_loop3A_156, %parallel_loop3A_54 : i32
      %parallel_loop3A_158 = arith.constant 58368 : i32
      %parallel_loop3A_159 = vector.broadcast %parallel_loop3A_158 : i32 to vector<16xi32>
      %parallel_loop3A_160 = arith.addi %parallel_loop3A_56, %parallel_loop3A_159 : vector<16xi32>
      %parallel_loop3A_161 = tpu.vector_load_idx %arg5[%parallel_loop3A_160] : memref<65536xf32, #tpu.memory_space<vmem>>[vector<16xi32>], vector<16xf32>,
      %parallel_loop3A_162 = arith.constant 1024 : i32
      %parallel_loop3A_163 = arith.muli %parallel_loop3A_38, %parallel_loop3A_162 : i32
      %parallel_loop3A_164 = arith.addi %parallel_loop3A_163, %parallel_loop3A_157 : i32
      %parallel_loop3A_165 = arith.index_cast %parallel_loop3A_164 : i32 to index
      %parallel_loop3A_166 = tpu.vector_load %arg7[%parallel_loop3A_165] {strides = array<i32>} : memref<16384xf32, #tpu.memory_space<vmem>>, vector<16xf32>,
      tpu.vector_store %arg7[%parallel_loop3A_165], %parallel_loop3A_161 {strides = array<i32>} : memref<16384xf32, #tpu.memory_space<vmem>>, vector<16xf32>,
      %parallel_loop3A_167 = arith.constant 8448 : i32
      %parallel_loop3A_168 = arith.addi %parallel_loop3A_167, %parallel_loop3A_54 : i32
      %parallel_loop3A_169 = arith.constant 59392 : i32
      %parallel_loop3A_170 = vector.broadcast %parallel_loop3A_169 : i32 to vector<16xi32>
      %parallel_loop3A_171 = arith.addi %parallel_loop3A_56, %parallel_loop3A_170 : vector<16xi32>
      %parallel_loop3A_172 = tpu.vector_load_idx %arg5[%parallel_loop3A_171] : memref<65536xf32, #tpu.memory_space<vmem>>[vector<16xi32>], vector<16xf32>,
      %parallel_loop3A_173 = arith.constant 1024 : i32
      %parallel_loop3A_174 = arith.muli %parallel_loop3A_38, %parallel_loop3A_173 : i32
      %parallel_loop3A_175 = arith.addi %parallel_loop3A_174, %parallel_loop3A_168 : i32
      %parallel_loop3A_176 = arith.index_cast %parallel_loop3A_175 : i32 to index
      %parallel_loop3A_177 = tpu.vector_load %arg7[%parallel_loop3A_176] {strides = array<i32>} : memref<16384xf32, #tpu.memory_space<vmem>>, vector<16xf32>,
      tpu.vector_store %arg7[%parallel_loop3A_176], %parallel_loop3A_172 {strides = array<i32>} : memref<16384xf32, #tpu.memory_space<vmem>>, vector<16xf32>,
      %parallel_loop3A_178 = arith.constant 8576 : i32
      %parallel_loop3A_179 = arith.addi %parallel_loop3A_178, %parallel_loop3A_54 : i32
      %parallel_loop3A_180 = arith.constant 60416 : i32
      %parallel_loop3A_181 = vector.broadcast %parallel_loop3A_180 : i32 to vector<16xi32>
      %parallel_loop3A_182 = arith.addi %parallel_loop3A_56, %parallel_loop3A_181 : vector<16xi32>
      %parallel_loop3A_183 = tpu.vector_load_idx %arg5[%parallel_loop3A_182] : memref<65536xf32, #tpu.memory_space<vmem>>[vector<16xi32>], vector<16xf32>,
      %parallel_loop3A_184 = arith.constant 1024 : i32
      %parallel_loop3A_185 = arith.muli %parallel_loop3A_38, %parallel_loop3A_184 : i32
      %parallel_loop3A_186 = arith.addi %parallel_loop3A_185, %parallel_loop3A_179 : i32
      %parallel_loop3A_187 = arith.index_cast %parallel_loop3A_186 : i32 to index
      %parallel_loop3A_188 = tpu.vector_load %arg7[%parallel_loop3A_187] {strides = array<i32>} : memref<16384xf32, #tpu.memory_space<vmem>>, vector<16xf32>,
      tpu.vector_store %arg7[%parallel_loop3A_187], %parallel_loop3A_183 {strides = array<i32>} : memref<16384xf32, #tpu.memory_space<vmem>>, vector<16xf32>,
      %parallel_loop3A_189 = arith.constant 8704 : i32
      %parallel_loop3A_190 = arith.addi %parallel_loop3A_189, %parallel_loop3A_54 : i32
      %parallel_loop3A_191 = arith.constant 61440 : i32
      %parallel_loop3A_192 = vector.broadcast %parallel_loop3A_191 : i32 to vector<16xi32>
      %parallel_loop3A_193 = arith.addi %parallel_loop3A_56, %parallel_loop3A_192 : vector<16xi32>
      %parallel_loop3A_194 = tpu.vector_load_idx %arg5[%parallel_loop3A_193] : memref<65536xf32, #tpu.memory_space<vmem>>[vector<16xi32>], vector<16xf32>,
      %parallel_loop3A_195 = arith.constant 1024 : i32
      %parallel_loop3A_196 = arith.muli %parallel_loop3A_38, %parallel_loop3A_195 : i32
      %parallel_loop3A_197 = arith.addi %parallel_loop3A_196, %parallel_loop3A_190 : i32
      %parallel_loop3A_198 = arith.index_cast %parallel_loop3A_197 : i32 to index
      %parallel_loop3A_199 = tpu.vector_load %arg7[%parallel_loop3A_198] {strides = array<i32>} : memref<16384xf32, #tpu.memory_space<vmem>>, vector<16xf32>,
      tpu.vector_store %arg7[%parallel_loop3A_198], %parallel_loop3A_194 {strides = array<i32>} : memref<16384xf32, #tpu.memory_space<vmem>>, vector<16xf32>,
      %parallel_loop3A_200 = arith.constant 8832 : i32
      %parallel_loop3A_201 = arith.addi %parallel_loop3A_200, %parallel_loop3A_54 : i32
      %parallel_loop3A_202 = arith.constant 62464 : i32
      %parallel_loop3A_203 = vector.broadcast %parallel_loop3A_202 : i32 to vector<16xi32>
      %parallel_loop3A_204 = arith.addi %parallel_loop3A_56, %parallel_loop3A_203 : vector<16xi32>
      %parallel_loop3A_205 = tpu.vector_load_idx %arg5[%parallel_loop3A_204] : memref<65536xf32, #tpu.memory_space<vmem>>[vector<16xi32>], vector<16xf32>,
      %parallel_loop3A_206 = arith.constant 1024 : i32
      %parallel_loop3A_207 = arith.muli %parallel_loop3A_38, %parallel_loop3A_206 : i32
      %parallel_loop3A_208 = arith.addi %parallel_loop3A_207, %parallel_loop3A_201 : i32
      %parallel_loop3A_209 = arith.index_cast %parallel_loop3A_208 : i32 to index
      %parallel_loop3A_210 = tpu.vector_load %arg7[%parallel_loop3A_209] {strides = array<i32>} : memref<16384xf32, #tpu.memory_space<vmem>>, vector<16xf32>,
      tpu.vector_store %arg7[%parallel_loop3A_209], %parallel_loop3A_205 {strides = array<i32>} : memref<16384xf32, #tpu.memory_space<vmem>>, vector<16xf32>,
      %parallel_loop3A_211 = arith.constant 8960 : i32
      %parallel_loop3A_212 = arith.addi %parallel_loop3A_211, %parallel_loop3A_54 : i32
      %parallel_loop3A_213 = arith.constant 63488 : i32
      %parallel_loop3A_214 = vector.broadcast %parallel_loop3A_213 : i32 to vector<16xi32>
      %parallel_loop3A_215 = arith.addi %parallel_loop3A_56, %parallel_loop3A_214 : vector<16xi32>
      %parallel_loop3A_216 = tpu.vector_load_idx %arg5[%parallel_loop3A_215] : memref<65536xf32, #tpu.memory_space<vmem>>[vector<16xi32>], vector<16xf32>,
      %parallel_loop3A_217 = arith.constant 1024 : i32
      %parallel_loop3A_218 = arith.muli %parallel_loop3A_38, %parallel_loop3A_217 : i32
      %parallel_loop3A_219 = arith.addi %parallel_loop3A_218, %parallel_loop3A_212 : i32
      %parallel_loop3A_220 = arith.index_cast %parallel_loop3A_219 : i32 to index
      %parallel_loop3A_221 = tpu.vector_load %arg7[%parallel_loop3A_220] {strides = array<i32>} : memref<16384xf32, #tpu.memory_space<vmem>>, vector<16xf32>,
      tpu.vector_store %arg7[%parallel_loop3A_220], %parallel_loop3A_216 {strides = array<i32>} : memref<16384xf32, #tpu.memory_space<vmem>>, vector<16xf32>,
      %parallel_loop3A_222 = arith.constant 9088 : i32
      %parallel_loop3A_223 = arith.addi %parallel_loop3A_222, %parallel_loop3A_54 : i32
      %parallel_loop3A_224 = arith.constant 64512 : i32
      %parallel_loop3A_225 = vector.broadcast %parallel_loop3A_224 : i32 to vector<16xi32>
      %parallel_loop3A_226 = arith.addi %parallel_loop3A_56, %parallel_loop3A_225 : vector<16xi32>
      %parallel_loop3A_227 = tpu.vector_load_idx %arg5[%parallel_loop3A_226] : memref<65536xf32, #tpu.memory_space<vmem>>[vector<16xi32>], vector<16xf32>,
      %parallel_loop3A_228 = arith.constant 1024 : i32
      %parallel_loop3A_229 = arith.muli %parallel_loop3A_38, %parallel_loop3A_228 : i32
      %parallel_loop3A_230 = arith.addi %parallel_loop3A_229, %parallel_loop3A_223 : i32
      %parallel_loop3A_231 = arith.index_cast %parallel_loop3A_230 : i32 to index
      %parallel_loop3A_232 = tpu.vector_load %arg7[%parallel_loop3A_231] {strides = array<i32>} : memref<16384xf32, #tpu.memory_space<vmem>>, vector<16xf32>,
      tpu.vector_store %arg7[%parallel_loop3A_231], %parallel_loop3A_227 {strides = array<i32>} : memref<16384xf32, #tpu.memory_space<vmem>>, vector<16xf32>,
    } {sc.loop_unroll_factor = 8 : i64, sc.parallel_access}
    "tpu.region"() ({
      %run_scoped3A = tpu.sem_alloc : memref<!tpu.dma_semaphore, #tpu.memory_space<semaphore_mem>>
      %dma_start3A = arith.constant 49152 : i32
      %dma_start3A_12 = tpu.memref_slice %arg4[%add3A, %dma_start3A] : memref<32x65536xf32, #tpu.memory_space<hbm>> -> memref<1x16384xf32, #tpu.memory_space<hbm>>
      %dma_start3A_13 = tpu.memref_squeeze %dma_start3A_12 : memref<1x16384xf32, #tpu.memory_space<hbm>> -> memref<16384xf32, #tpu.memory_space<hbm>>
      %dma_start3A_14 = arith.constant 49152 : i32
      %dma_start3A_15 = tpu.memref_slice %arg4[%add3A, %dma_start3A_14] : memref<32x65536xf32, #tpu.memory_space<hbm>> -> memref<1x16384xf32, #tpu.memory_space<hbm>>
      %dma_start3A_16 = tpu.memref_squeeze %dma_start3A_15 : memref<1x16384xf32, #tpu.memory_space<hbm>> -> memref<16384xf32, #tpu.memory_space<hbm>>
      tpu.enqueue_dma source(%arg7 : memref<16384xf32, #tpu.memory_space<vmem>>) target(%dma_start3A_16 : memref<16384xf32, #tpu.memory_space<hbm>>) target_semaphore(%run_scoped3A : memref<!tpu.dma_semaphore, #tpu.memory_space<semaphore_mem>>)
      %dma_wait3A = arith.constant 49152 : i32
      %dma_wait3A_17 = tpu.memref_slice %arg4[%add3A, %dma_wait3A] : memref<32x65536xf32, #tpu.memory_space<hbm>> -> memref<1x16384xf32, #tpu.memory_space<hbm>>
      %dma_wait3A_18 = tpu.memref_squeeze %dma_wait3A_17 : memref<1x16384xf32, #tpu.memory_space<hbm>> -> memref<16384xf32, #tpu.memory_space<hbm>>
      %dma_wait3A_19 = arith.constant 49152 : i32
      %dma_wait3A_20 = tpu.memref_slice %arg4[%add3A, %dma_wait3A_19] : memref<32x65536xf32, #tpu.memory_space<hbm>> -> memref<1x16384xf32, #tpu.memory_space<hbm>>
      %dma_wait3A_21 = tpu.memref_squeeze %dma_wait3A_20 : memref<1x16384xf32, #tpu.memory_space<hbm>> -> memref<16384xf32, #tpu.memory_space<hbm>>
      tpu.wait_dma2 semaphore(%run_scoped3A : memref<!tpu.dma_semaphore, #tpu.memory_space<semaphore_mem>>) src(%arg7 : memref<16384xf32, #tpu.memory_space<vmem>>) dst(%dma_wait3A_21 : memref<16384xf32, #tpu.memory_space<hbm>>)
      tpu.yield
    }) : () -> ()
    return
  }
}

module attributes {stable_mosaic.version = 14 : i64} {
  func.func @_tc_body(%arg0: i32, %arg1: memref<8x64x1024xf32, #tpu.memory_space<vmem>>, %arg2: memref<64x1024xf32, #tpu.memory_space<vmem>>, %arg3: memref<8x1x1024xi32, #tpu.memory_space<vmem>>, %arg4: memref<1x1xf32, #tpu.memory_space<smem>>) attributes {dimension_semantics = [#tpu.dimension_semantics<arbitrary>], iteration_bounds = array<i64: 4>, scalar_prefetch = 0 : i64, scratch_operands = 0 : i64, tpu.core_type = #tpu.core_type<tc>, window_params = [{transform_indices = @transform_0, window_bounds = array<i64: 8, 64, 1024>}, {pipeline_mode = #tpu.pipeline_mode<synchronous>, transform_indices = @transform_1, window_bounds = array<i64: 64, 1024>}, {transform_indices = @transform_2, window_bounds = array<i64: 8, 1, 1024>}, {transform_indices = @transform_3, window_bounds = array<i64: 1, 1>}]} {
    %get3A = arith.constant 0 : index
    %get3A_0 = arith.constant 0 : index
    %get3A_1 = arith.constant 0 : index
    %get3A_2 = vector.load %arg1[%get3A, %get3A_0, %get3A_1] : memref<8x64x1024xf32, #tpu.memory_space<vmem>>, vector<1x64x1024xf32>
    %get3A_3 = vector.shape_cast %get3A_2 : vector<1x64x1024xf32> to vector<64x1024xf32>
    %mul3A = arith.mulf %get3A_3, %get3A_3 : vector<64x1024xf32>
    %reduce_sum3A = arith.constant dense<0.000000e+00> : vector<1024xf32>
    %reduce_sum3A_4 = vector.multi_reduction <add>, %mul3A, %reduce_sum3A [0] : vector<64x1024xf32> to vector<1024xf32>
    %broadcast_in_dim3A = vector.shape_cast %reduce_sum3A_4 : vector<1024xf32> to vector<1x1024xf32>
    %sqrt3A = math.sqrt %broadcast_in_dim3A : vector<1x1024xf32>
    %max3A = arith.constant 9.99999996E-13 : f32
    %max3A_5 = vector.broadcast %max3A : f32 to vector<1x1024xf32>
    %max3A_6 = arith.maximumf %sqrt3A, %max3A_5 : vector<1x1024xf32>
    %div3A = arith.constant 1.000000e+00 : f32
    %div3A_7 = vector.broadcast %div3A : f32 to vector<1x1024xf32>
    %div3A_8 = arith.divf %div3A_7, %max3A_6 : vector<1x1024xf32>
    %mul3A_9 = vector.broadcast %div3A_8 : vector<1x1024xf32> to vector<64x1024xf32>
    %mul3A_10 = arith.mulf %get3A_3, %mul3A_9 : vector<64x1024xf32>
    %get3A_11 = arith.constant 0 : index
    %get3A_12 = arith.constant 0 : index
    %get3A_13 = vector.load %arg2[%get3A_11, %get3A_12] : memref<64x1024xf32, #tpu.memory_space<vmem>>, vector<64x1024xf32>
    %dot_general3A = arith.constant dense<0.000000e+00> : vector<1024x1024xf32>
    %dot_general3A_14 = tpu.matmul %get3A_13, %mul3A_10, %dot_general3A {dimension_numbers = #tpu.dot_dimension_numbers<[0], [0], [1], [1], [0, 1, 1, 1], [], []>, transpose_lhs_hint = false} : vector<64x1024xf32>, vector<64x1024xf32>, vector<1024x1024xf32> -> vector<1024x1024xf32>
    %reduce_max3A = arith.constant dense<0xFF800000> : vector<1024xf32>
    %reduce_max3A_15 = vector.multi_reduction <maximumf>, %dot_general3A_14, %reduce_max3A [0] : vector<1024x1024xf32> to vector<1024xf32>
    %broadcast_in_dim3A_16 = vector.shape_cast %reduce_max3A_15 : vector<1024xf32> to vector<1x1024xf32>
    %argmax3A = tpu.reduce_index %dot_general3A_14 {axis = 0 : i32, kind = #tpu.reduction_kind<arg_max>} : vector<1024x1024xf32> -> vector<1024xi32>
    %broadcast_in_dim3A_17 = vector.shape_cast %argmax3A : vector<1024xi32> to vector<1x1024xi32>
    %swap3A = arith.constant 0 : index
    %swap3A_18 = arith.constant 0 : index
    %swap3A_19 = arith.constant 0 : index
    %swap3A_20 = vector.load %arg3[%swap3A, %swap3A_18, %swap3A_19] : memref<8x1x1024xi32, #tpu.memory_space<vmem>>, vector<1x1x1024xi32>
    %swap3A_21 = vector.shape_cast %swap3A_20 : vector<1x1x1024xi32> to vector<1x1024xi32>
    %swap3A_22 = vector.shape_cast %broadcast_in_dim3A_17 : vector<1x1024xi32> to vector<1x1x1024xi32>
    tpu.vector_store %arg3[%swap3A, %swap3A_18, %swap3A_19], %swap3A_22 {strides = array<i32>} : memref<8x1x1024xi32, #tpu.memory_space<vmem>>, vector<1x1x1024xi32>,
    %mul3A_23 = arith.mulf %div3A_8, %div3A_8 : vector<1x1024xf32>
    %mul3A_24 = arith.mulf %broadcast_in_dim3A, %mul3A_23 : vector<1x1024xf32>
    %mul3A_25 = arith.constant 2.000000e+00 : f32
    %mul3A_26 = vector.broadcast %mul3A_25 : f32 to vector<1x1024xf32>
    %mul3A_27 = arith.mulf %mul3A_26, %broadcast_in_dim3A_16 : vector<1x1024xf32>
    %sub3A = arith.subf %mul3A_24, %mul3A_27 : vector<1x1024xf32>
    %add3A = arith.constant 1.000000e+00 : f32
    %add3A_28 = vector.broadcast %add3A : f32 to vector<1x1024xf32>
    %add3A_29 = arith.addf %sub3A, %add3A_28 : vector<1x1024xf32>
    %reduce_sum3A_30 = vector.shape_cast %add3A_29 : vector<1x1024xf32> to vector<1x1x1024xf32>
    %reduce_sum3A_31 = arith.constant dense<0.000000e+00> : vector<1xf32>
    %reduce_sum3A_32 = vector.multi_reduction <add>, %reduce_sum3A_30, %reduce_sum3A_31 [1, 2] : vector<1x1x1024xf32> to vector<1xf32>
    %reduce_sum3A_33 = vector.shape_cast %reduce_sum3A_32 : vector<1xf32> to vector<1x1x1xf32>
    %reduce_sum3A_34 = vector.extract %reduce_sum3A_33[0, 0, 0] : f32 from vector<1x1x1xf32>
    %mul3A_35 = arith.constant 4.76837158E-7 : f32
    %mul3A_36 = arith.mulf %reduce_sum3A_34, %mul3A_35 : f32
    %add3A_37 = arith.constant 0.000000e+00 : f32
    %add3A_38 = arith.addf %add3A_37, %mul3A_36 : f32
    %get3A_39 = arith.constant 1 : index
    %get3A_40 = arith.constant 0 : index
    %get3A_41 = arith.constant 0 : index
    %get3A_42 = vector.load %arg1[%get3A_39, %get3A_40, %get3A_41] : memref<8x64x1024xf32, #tpu.memory_space<vmem>>, vector<1x64x1024xf32>
    %get3A_43 = vector.shape_cast %get3A_42 : vector<1x64x1024xf32> to vector<64x1024xf32>
    %mul3A_44 = arith.mulf %get3A_43, %get3A_43 : vector<64x1024xf32>
    %reduce_sum3A_45 = arith.constant dense<0.000000e+00> : vector<1024xf32>
    %reduce_sum3A_46 = vector.multi_reduction <add>, %mul3A_44, %reduce_sum3A_45 [0] : vector<64x1024xf32> to vector<1024xf32>
    %broadcast_in_dim3A_47 = vector.shape_cast %reduce_sum3A_46 : vector<1024xf32> to vector<1x1024xf32>
    %sqrt3A_48 = math.sqrt %broadcast_in_dim3A_47 : vector<1x1024xf32>
    %max3A_49 = arith.constant 9.99999996E-13 : f32
    %max3A_50 = vector.broadcast %max3A_49 : f32 to vector<1x1024xf32>
    %max3A_51 = arith.maximumf %sqrt3A_48, %max3A_50 : vector<1x1024xf32>
    %div3A_52 = arith.constant 1.000000e+00 : f32
    %div3A_53 = vector.broadcast %div3A_52 : f32 to vector<1x1024xf32>
    %div3A_54 = arith.divf %div3A_53, %max3A_51 : vector<1x1024xf32>
    %mul3A_55 = vector.broadcast %div3A_54 : vector<1x1024xf32> to vector<64x1024xf32>
    %mul3A_56 = arith.mulf %get3A_43, %mul3A_55 : vector<64x1024xf32>
    %get3A_57 = arith.constant 0 : index
    %get3A_58 = arith.constant 0 : index
    %get3A_59 = vector.load %arg2[%get3A_57, %get3A_58] : memref<64x1024xf32, #tpu.memory_space<vmem>>, vector<64x1024xf32>
    %dot_general3A_60 = arith.constant dense<0.000000e+00> : vector<1024x1024xf32>
    %dot_general3A_61 = tpu.matmul %get3A_59, %mul3A_56, %dot_general3A_60 {dimension_numbers = #tpu.dot_dimension_numbers<[0], [0], [1], [1], [0, 1, 1, 1], [], []>, transpose_lhs_hint = false} : vector<64x1024xf32>, vector<64x1024xf32>, vector<1024x1024xf32> -> vector<1024x1024xf32>
    %reduce_max3A_62 = arith.constant dense<0xFF800000> : vector<1024xf32>
    %reduce_max3A_63 = vector.multi_reduction <maximumf>, %dot_general3A_61, %reduce_max3A_62 [0] : vector<1024x1024xf32> to vector<1024xf32>
    %broadcast_in_dim3A_64 = vector.shape_cast %reduce_max3A_63 : vector<1024xf32> to vector<1x1024xf32>
    %argmax3A_65 = tpu.reduce_index %dot_general3A_61 {axis = 0 : i32, kind = #tpu.reduction_kind<arg_max>} : vector<1024x1024xf32> -> vector<1024xi32>
    %broadcast_in_dim3A_66 = vector.shape_cast %argmax3A_65 : vector<1024xi32> to vector<1x1024xi32>
    %swap3A_67 = arith.constant 1 : index
    %swap3A_68 = arith.constant 0 : index
    %swap3A_69 = arith.constant 0 : index
    %swap3A_70 = vector.load %arg3[%swap3A_67, %swap3A_68, %swap3A_69] : memref<8x1x1024xi32, #tpu.memory_space<vmem>>, vector<1x1x1024xi32>
    %swap3A_71 = vector.shape_cast %swap3A_70 : vector<1x1x1024xi32> to vector<1x1024xi32>
    %swap3A_72 = vector.shape_cast %broadcast_in_dim3A_66 : vector<1x1024xi32> to vector<1x1x1024xi32>
    tpu.vector_store %arg3[%swap3A_67, %swap3A_68, %swap3A_69], %swap3A_72 {strides = array<i32>} : memref<8x1x1024xi32, #tpu.memory_space<vmem>>, vector<1x1x1024xi32>,
    %mul3A_73 = arith.mulf %div3A_54, %div3A_54 : vector<1x1024xf32>
    %mul3A_74 = arith.mulf %broadcast_in_dim3A_47, %mul3A_73 : vector<1x1024xf32>
    %mul3A_75 = arith.constant 2.000000e+00 : f32
    %mul3A_76 = vector.broadcast %mul3A_75 : f32 to vector<1x1024xf32>
    %mul3A_77 = arith.mulf %mul3A_76, %broadcast_in_dim3A_64 : vector<1x1024xf32>
    %sub3A_78 = arith.subf %mul3A_74, %mul3A_77 : vector<1x1024xf32>
    %add3A_79 = arith.constant 1.000000e+00 : f32
    %add3A_80 = vector.broadcast %add3A_79 : f32 to vector<1x1024xf32>
    %add3A_81 = arith.addf %sub3A_78, %add3A_80 : vector<1x1024xf32>
    %reduce_sum3A_82 = vector.shape_cast %add3A_81 : vector<1x1024xf32> to vector<1x1x1024xf32>
    %reduce_sum3A_83 = arith.constant dense<0.000000e+00> : vector<1xf32>
    %reduce_sum3A_84 = vector.multi_reduction <add>, %reduce_sum3A_82, %reduce_sum3A_83 [1, 2] : vector<1x1x1024xf32> to vector<1xf32>
    %reduce_sum3A_85 = vector.shape_cast %reduce_sum3A_84 : vector<1xf32> to vector<1x1x1xf32>
    %reduce_sum3A_86 = vector.extract %reduce_sum3A_85[0, 0, 0] : f32 from vector<1x1x1xf32>
    %mul3A_87 = arith.constant 4.76837158E-7 : f32
    %mul3A_88 = arith.mulf %reduce_sum3A_86, %mul3A_87 : f32
    %add3A_89 = arith.addf %add3A_38, %mul3A_88 : f32
    %get3A_90 = arith.constant 2 : index
    %get3A_91 = arith.constant 0 : index
    %get3A_92 = arith.constant 0 : index
    %get3A_93 = vector.load %arg1[%get3A_90, %get3A_91, %get3A_92] : memref<8x64x1024xf32, #tpu.memory_space<vmem>>, vector<1x64x1024xf32>
    %get3A_94 = vector.shape_cast %get3A_93 : vector<1x64x1024xf32> to vector<64x1024xf32>
    %mul3A_95 = arith.mulf %get3A_94, %get3A_94 : vector<64x1024xf32>
    %reduce_sum3A_96 = arith.constant dense<0.000000e+00> : vector<1024xf32>
    %reduce_sum3A_97 = vector.multi_reduction <add>, %mul3A_95, %reduce_sum3A_96 [0] : vector<64x1024xf32> to vector<1024xf32>
    %broadcast_in_dim3A_98 = vector.shape_cast %reduce_sum3A_97 : vector<1024xf32> to vector<1x1024xf32>
    %sqrt3A_99 = math.sqrt %broadcast_in_dim3A_98 : vector<1x1024xf32>
    %max3A_100 = arith.constant 9.99999996E-13 : f32
    %max3A_101 = vector.broadcast %max3A_100 : f32 to vector<1x1024xf32>
    %max3A_102 = arith.maximumf %sqrt3A_99, %max3A_101 : vector<1x1024xf32>
    %div3A_103 = arith.constant 1.000000e+00 : f32
    %div3A_104 = vector.broadcast %div3A_103 : f32 to vector<1x1024xf32>
    %div3A_105 = arith.divf %div3A_104, %max3A_102 : vector<1x1024xf32>
    %mul3A_106 = vector.broadcast %div3A_105 : vector<1x1024xf32> to vector<64x1024xf32>
    %mul3A_107 = arith.mulf %get3A_94, %mul3A_106 : vector<64x1024xf32>
    %get3A_108 = arith.constant 0 : index
    %get3A_109 = arith.constant 0 : index
    %get3A_110 = vector.load %arg2[%get3A_108, %get3A_109] : memref<64x1024xf32, #tpu.memory_space<vmem>>, vector<64x1024xf32>
    %dot_general3A_111 = arith.constant dense<0.000000e+00> : vector<1024x1024xf32>
    %dot_general3A_112 = tpu.matmul %get3A_110, %mul3A_107, %dot_general3A_111 {dimension_numbers = #tpu.dot_dimension_numbers<[0], [0], [1], [1], [0, 1, 1, 1], [], []>, transpose_lhs_hint = false} : vector<64x1024xf32>, vector<64x1024xf32>, vector<1024x1024xf32> -> vector<1024x1024xf32>
    %reduce_max3A_113 = arith.constant dense<0xFF800000> : vector<1024xf32>
    %reduce_max3A_114 = vector.multi_reduction <maximumf>, %dot_general3A_112, %reduce_max3A_113 [0] : vector<1024x1024xf32> to vector<1024xf32>
    %broadcast_in_dim3A_115 = vector.shape_cast %reduce_max3A_114 : vector<1024xf32> to vector<1x1024xf32>
    %argmax3A_116 = tpu.reduce_index %dot_general3A_112 {axis = 0 : i32, kind = #tpu.reduction_kind<arg_max>} : vector<1024x1024xf32> -> vector<1024xi32>
    %broadcast_in_dim3A_117 = vector.shape_cast %argmax3A_116 : vector<1024xi32> to vector<1x1024xi32>
    %swap3A_118 = arith.constant 2 : index
    %swap3A_119 = arith.constant 0 : index
    %swap3A_120 = arith.constant 0 : index
    %swap3A_121 = vector.load %arg3[%swap3A_118, %swap3A_119, %swap3A_120] : memref<8x1x1024xi32, #tpu.memory_space<vmem>>, vector<1x1x1024xi32>
    %swap3A_122 = vector.shape_cast %swap3A_121 : vector<1x1x1024xi32> to vector<1x1024xi32>
    %swap3A_123 = vector.shape_cast %broadcast_in_dim3A_117 : vector<1x1024xi32> to vector<1x1x1024xi32>
    tpu.vector_store %arg3[%swap3A_118, %swap3A_119, %swap3A_120], %swap3A_123 {strides = array<i32>} : memref<8x1x1024xi32, #tpu.memory_space<vmem>>, vector<1x1x1024xi32>,
    %mul3A_124 = arith.mulf %div3A_105, %div3A_105 : vector<1x1024xf32>
    %mul3A_125 = arith.mulf %broadcast_in_dim3A_98, %mul3A_124 : vector<1x1024xf32>
    %mul3A_126 = arith.constant 2.000000e+00 : f32
    %mul3A_127 = vector.broadcast %mul3A_126 : f32 to vector<1x1024xf32>
    %mul3A_128 = arith.mulf %mul3A_127, %broadcast_in_dim3A_115 : vector<1x1024xf32>
    %sub3A_129 = arith.subf %mul3A_125, %mul3A_128 : vector<1x1024xf32>
    %add3A_130 = arith.constant 1.000000e+00 : f32
    %add3A_131 = vector.broadcast %add3A_130 : f32 to vector<1x1024xf32>
    %add3A_132 = arith.addf %sub3A_129, %add3A_131 : vector<1x1024xf32>
    %reduce_sum3A_133 = vector.shape_cast %add3A_132 : vector<1x1024xf32> to vector<1x1x1024xf32>
    %reduce_sum3A_134 = arith.constant dense<0.000000e+00> : vector<1xf32>
    %reduce_sum3A_135 = vector.multi_reduction <add>, %reduce_sum3A_133, %reduce_sum3A_134 [1, 2] : vector<1x1x1024xf32> to vector<1xf32>
    %reduce_sum3A_136 = vector.shape_cast %reduce_sum3A_135 : vector<1xf32> to vector<1x1x1xf32>
    %reduce_sum3A_137 = vector.extract %reduce_sum3A_136[0, 0, 0] : f32 from vector<1x1x1xf32>
    %mul3A_138 = arith.constant 4.76837158E-7 : f32
    %mul3A_139 = arith.mulf %reduce_sum3A_137, %mul3A_138 : f32
    %add3A_140 = arith.addf %add3A_89, %mul3A_139 : f32
    %get3A_141 = arith.constant 3 : index
    %get3A_142 = arith.constant 0 : index
    %get3A_143 = arith.constant 0 : index
    %get3A_144 = vector.load %arg1[%get3A_141, %get3A_142, %get3A_143] : memref<8x64x1024xf32, #tpu.memory_space<vmem>>, vector<1x64x1024xf32>
    %get3A_145 = vector.shape_cast %get3A_144 : vector<1x64x1024xf32> to vector<64x1024xf32>
    %mul3A_146 = arith.mulf %get3A_145, %get3A_145 : vector<64x1024xf32>
    %reduce_sum3A_147 = arith.constant dense<0.000000e+00> : vector<1024xf32>
    %reduce_sum3A_148 = vector.multi_reduction <add>, %mul3A_146, %reduce_sum3A_147 [0] : vector<64x1024xf32> to vector<1024xf32>
    %broadcast_in_dim3A_149 = vector.shape_cast %reduce_sum3A_148 : vector<1024xf32> to vector<1x1024xf32>
    %sqrt3A_150 = math.sqrt %broadcast_in_dim3A_149 : vector<1x1024xf32>
    %max3A_151 = arith.constant 9.99999996E-13 : f32
    %max3A_152 = vector.broadcast %max3A_151 : f32 to vector<1x1024xf32>
    %max3A_153 = arith.maximumf %sqrt3A_150, %max3A_152 : vector<1x1024xf32>
    %div3A_154 = arith.constant 1.000000e+00 : f32
    %div3A_155 = vector.broadcast %div3A_154 : f32 to vector<1x1024xf32>
    %div3A_156 = arith.divf %div3A_155, %max3A_153 : vector<1x1024xf32>
    %mul3A_157 = vector.broadcast %div3A_156 : vector<1x1024xf32> to vector<64x1024xf32>
    %mul3A_158 = arith.mulf %get3A_145, %mul3A_157 : vector<64x1024xf32>
    %get3A_159 = arith.constant 0 : index
    %get3A_160 = arith.constant 0 : index
    %get3A_161 = vector.load %arg2[%get3A_159, %get3A_160] : memref<64x1024xf32, #tpu.memory_space<vmem>>, vector<64x1024xf32>
    %dot_general3A_162 = arith.constant dense<0.000000e+00> : vector<1024x1024xf32>
    %dot_general3A_163 = tpu.matmul %get3A_161, %mul3A_158, %dot_general3A_162 {dimension_numbers = #tpu.dot_dimension_numbers<[0], [0], [1], [1], [0, 1, 1, 1], [], []>, transpose_lhs_hint = false} : vector<64x1024xf32>, vector<64x1024xf32>, vector<1024x1024xf32> -> vector<1024x1024xf32>
    %reduce_max3A_164 = arith.constant dense<0xFF800000> : vector<1024xf32>
    %reduce_max3A_165 = vector.multi_reduction <maximumf>, %dot_general3A_163, %reduce_max3A_164 [0] : vector<1024x1024xf32> to vector<1024xf32>
    %broadcast_in_dim3A_166 = vector.shape_cast %reduce_max3A_165 : vector<1024xf32> to vector<1x1024xf32>
    %argmax3A_167 = tpu.reduce_index %dot_general3A_163 {axis = 0 : i32, kind = #tpu.reduction_kind<arg_max>} : vector<1024x1024xf32> -> vector<1024xi32>
    %broadcast_in_dim3A_168 = vector.shape_cast %argmax3A_167 : vector<1024xi32> to vector<1x1024xi32>
    %swap3A_169 = arith.constant 3 : index
    %swap3A_170 = arith.constant 0 : index
    %swap3A_171 = arith.constant 0 : index
    %swap3A_172 = vector.load %arg3[%swap3A_169, %swap3A_170, %swap3A_171] : memref<8x1x1024xi32, #tpu.memory_space<vmem>>, vector<1x1x1024xi32>
    %swap3A_173 = vector.shape_cast %swap3A_172 : vector<1x1x1024xi32> to vector<1x1024xi32>
    %swap3A_174 = vector.shape_cast %broadcast_in_dim3A_168 : vector<1x1024xi32> to vector<1x1x1024xi32>
    tpu.vector_store %arg3[%swap3A_169, %swap3A_170, %swap3A_171], %swap3A_174 {strides = array<i32>} : memref<8x1x1024xi32, #tpu.memory_space<vmem>>, vector<1x1x1024xi32>,
    %mul3A_175 = arith.mulf %div3A_156, %div3A_156 : vector<1x1024xf32>
    %mul3A_176 = arith.mulf %broadcast_in_dim3A_149, %mul3A_175 : vector<1x1024xf32>
    %mul3A_177 = arith.constant 2.000000e+00 : f32
    %mul3A_178 = vector.broadcast %mul3A_177 : f32 to vector<1x1024xf32>
    %mul3A_179 = arith.mulf %mul3A_178, %broadcast_in_dim3A_166 : vector<1x1024xf32>
    %sub3A_180 = arith.subf %mul3A_176, %mul3A_179 : vector<1x1024xf32>
    %add3A_181 = arith.constant 1.000000e+00 : f32
    %add3A_182 = vector.broadcast %add3A_181 : f32 to vector<1x1024xf32>
    %add3A_183 = arith.addf %sub3A_180, %add3A_182 : vector<1x1024xf32>
    %reduce_sum3A_184 = vector.shape_cast %add3A_183 : vector<1x1024xf32> to vector<1x1x1024xf32>
    %reduce_sum3A_185 = arith.constant dense<0.000000e+00> : vector<1xf32>
    %reduce_sum3A_186 = vector.multi_reduction <add>, %reduce_sum3A_184, %reduce_sum3A_185 [1, 2] : vector<1x1x1024xf32> to vector<1xf32>
    %reduce_sum3A_187 = vector.shape_cast %reduce_sum3A_186 : vector<1xf32> to vector<1x1x1xf32>
    %reduce_sum3A_188 = vector.extract %reduce_sum3A_187[0, 0, 0] : f32 from vector<1x1x1xf32>
    %mul3A_189 = arith.constant 4.76837158E-7 : f32
    %mul3A_190 = arith.mulf %reduce_sum3A_188, %mul3A_189 : f32
    %add3A_191 = arith.addf %add3A_140, %mul3A_190 : f32
    %get3A_192 = arith.constant 4 : index
    %get3A_193 = arith.constant 0 : index
    %get3A_194 = arith.constant 0 : index
    %get3A_195 = vector.load %arg1[%get3A_192, %get3A_193, %get3A_194] : memref<8x64x1024xf32, #tpu.memory_space<vmem>>, vector<1x64x1024xf32>
    %get3A_196 = vector.shape_cast %get3A_195 : vector<1x64x1024xf32> to vector<64x1024xf32>
    %mul3A_197 = arith.mulf %get3A_196, %get3A_196 : vector<64x1024xf32>
    %reduce_sum3A_198 = arith.constant dense<0.000000e+00> : vector<1024xf32>
    %reduce_sum3A_199 = vector.multi_reduction <add>, %mul3A_197, %reduce_sum3A_198 [0] : vector<64x1024xf32> to vector<1024xf32>
    %broadcast_in_dim3A_200 = vector.shape_cast %reduce_sum3A_199 : vector<1024xf32> to vector<1x1024xf32>
    %sqrt3A_201 = math.sqrt %broadcast_in_dim3A_200 : vector<1x1024xf32>
    %max3A_202 = arith.constant 9.99999996E-13 : f32
    %max3A_203 = vector.broadcast %max3A_202 : f32 to vector<1x1024xf32>
    %max3A_204 = arith.maximumf %sqrt3A_201, %max3A_203 : vector<1x1024xf32>
    %div3A_205 = arith.constant 1.000000e+00 : f32
    %div3A_206 = vector.broadcast %div3A_205 : f32 to vector<1x1024xf32>
    %div3A_207 = arith.divf %div3A_206, %max3A_204 : vector<1x1024xf32>
    %mul3A_208 = vector.broadcast %div3A_207 : vector<1x1024xf32> to vector<64x1024xf32>
    %mul3A_209 = arith.mulf %get3A_196, %mul3A_208 : vector<64x1024xf32>
    %get3A_210 = arith.constant 0 : index
    %get3A_211 = arith.constant 0 : index
    %get3A_212 = vector.load %arg2[%get3A_210, %get3A_211] : memref<64x1024xf32, #tpu.memory_space<vmem>>, vector<64x1024xf32>
    %dot_general3A_213 = arith.constant dense<0.000000e+00> : vector<1024x1024xf32>
    %dot_general3A_214 = tpu.matmul %get3A_212, %mul3A_209, %dot_general3A_213 {dimension_numbers = #tpu.dot_dimension_numbers<[0], [0], [1], [1], [0, 1, 1, 1], [], []>, transpose_lhs_hint = false} : vector<64x1024xf32>, vector<64x1024xf32>, vector<1024x1024xf32> -> vector<1024x1024xf32>
    %reduce_max3A_215 = arith.constant dense<0xFF800000> : vector<1024xf32>
    %reduce_max3A_216 = vector.multi_reduction <maximumf>, %dot_general3A_214, %reduce_max3A_215 [0] : vector<1024x1024xf32> to vector<1024xf32>
    %broadcast_in_dim3A_217 = vector.shape_cast %reduce_max3A_216 : vector<1024xf32> to vector<1x1024xf32>
    %argmax3A_218 = tpu.reduce_index %dot_general3A_214 {axis = 0 : i32, kind = #tpu.reduction_kind<arg_max>} : vector<1024x1024xf32> -> vector<1024xi32>
    %broadcast_in_dim3A_219 = vector.shape_cast %argmax3A_218 : vector<1024xi32> to vector<1x1024xi32>
    %swap3A_220 = arith.constant 4 : index
    %swap3A_221 = arith.constant 0 : index
    %swap3A_222 = arith.constant 0 : index
    %swap3A_223 = vector.load %arg3[%swap3A_220, %swap3A_221, %swap3A_222] : memref<8x1x1024xi32, #tpu.memory_space<vmem>>, vector<1x1x1024xi32>
    %swap3A_224 = vector.shape_cast %swap3A_223 : vector<1x1x1024xi32> to vector<1x1024xi32>
    %swap3A_225 = vector.shape_cast %broadcast_in_dim3A_219 : vector<1x1024xi32> to vector<1x1x1024xi32>
    tpu.vector_store %arg3[%swap3A_220, %swap3A_221, %swap3A_222], %swap3A_225 {strides = array<i32>} : memref<8x1x1024xi32, #tpu.memory_space<vmem>>, vector<1x1x1024xi32>,
    %mul3A_226 = arith.mulf %div3A_207, %div3A_207 : vector<1x1024xf32>
    %mul3A_227 = arith.mulf %broadcast_in_dim3A_200, %mul3A_226 : vector<1x1024xf32>
    %mul3A_228 = arith.constant 2.000000e+00 : f32
    %mul3A_229 = vector.broadcast %mul3A_228 : f32 to vector<1x1024xf32>
    %mul3A_230 = arith.mulf %mul3A_229, %broadcast_in_dim3A_217 : vector<1x1024xf32>
    %sub3A_231 = arith.subf %mul3A_227, %mul3A_230 : vector<1x1024xf32>
    %add3A_232 = arith.constant 1.000000e+00 : f32
    %add3A_233 = vector.broadcast %add3A_232 : f32 to vector<1x1024xf32>
    %add3A_234 = arith.addf %sub3A_231, %add3A_233 : vector<1x1024xf32>
    %reduce_sum3A_235 = vector.shape_cast %add3A_234 : vector<1x1024xf32> to vector<1x1x1024xf32>
    %reduce_sum3A_236 = arith.constant dense<0.000000e+00> : vector<1xf32>
    %reduce_sum3A_237 = vector.multi_reduction <add>, %reduce_sum3A_235, %reduce_sum3A_236 [1, 2] : vector<1x1x1024xf32> to vector<1xf32>
    %reduce_sum3A_238 = vector.shape_cast %reduce_sum3A_237 : vector<1xf32> to vector<1x1x1xf32>
    %reduce_sum3A_239 = vector.extract %reduce_sum3A_238[0, 0, 0] : f32 from vector<1x1x1xf32>
    %mul3A_240 = arith.constant 4.76837158E-7 : f32
    %mul3A_241 = arith.mulf %reduce_sum3A_239, %mul3A_240 : f32
    %add3A_242 = arith.addf %add3A_191, %mul3A_241 : f32
    %get3A_243 = arith.constant 5 : index
    %get3A_244 = arith.constant 0 : index
    %get3A_245 = arith.constant 0 : index
    %get3A_246 = vector.load %arg1[%get3A_243, %get3A_244, %get3A_245] : memref<8x64x1024xf32, #tpu.memory_space<vmem>>, vector<1x64x1024xf32>
    %get3A_247 = vector.shape_cast %get3A_246 : vector<1x64x1024xf32> to vector<64x1024xf32>
    %mul3A_248 = arith.mulf %get3A_247, %get3A_247 : vector<64x1024xf32>
    %reduce_sum3A_249 = arith.constant dense<0.000000e+00> : vector<1024xf32>
    %reduce_sum3A_250 = vector.multi_reduction <add>, %mul3A_248, %reduce_sum3A_249 [0] : vector<64x1024xf32> to vector<1024xf32>
    %broadcast_in_dim3A_251 = vector.shape_cast %reduce_sum3A_250 : vector<1024xf32> to vector<1x1024xf32>
    %sqrt3A_252 = math.sqrt %broadcast_in_dim3A_251 : vector<1x1024xf32>
    %max3A_253 = arith.constant 9.99999996E-13 : f32
    %max3A_254 = vector.broadcast %max3A_253 : f32 to vector<1x1024xf32>
    %max3A_255 = arith.maximumf %sqrt3A_252, %max3A_254 : vector<1x1024xf32>
    %div3A_256 = arith.constant 1.000000e+00 : f32
    %div3A_257 = vector.broadcast %div3A_256 : f32 to vector<1x1024xf32>
    %div3A_258 = arith.divf %div3A_257, %max3A_255 : vector<1x1024xf32>
    %mul3A_259 = vector.broadcast %div3A_258 : vector<1x1024xf32> to vector<64x1024xf32>
    %mul3A_260 = arith.mulf %get3A_247, %mul3A_259 : vector<64x1024xf32>
    %get3A_261 = arith.constant 0 : index
    %get3A_262 = arith.constant 0 : index
    %get3A_263 = vector.load %arg2[%get3A_261, %get3A_262] : memref<64x1024xf32, #tpu.memory_space<vmem>>, vector<64x1024xf32>
    %dot_general3A_264 = arith.constant dense<0.000000e+00> : vector<1024x1024xf32>
    %dot_general3A_265 = tpu.matmul %get3A_263, %mul3A_260, %dot_general3A_264 {dimension_numbers = #tpu.dot_dimension_numbers<[0], [0], [1], [1], [0, 1, 1, 1], [], []>, transpose_lhs_hint = false} : vector<64x1024xf32>, vector<64x1024xf32>, vector<1024x1024xf32> -> vector<1024x1024xf32>
    %reduce_max3A_266 = arith.constant dense<0xFF800000> : vector<1024xf32>
    %reduce_max3A_267 = vector.multi_reduction <maximumf>, %dot_general3A_265, %reduce_max3A_266 [0] : vector<1024x1024xf32> to vector<1024xf32>
    %broadcast_in_dim3A_268 = vector.shape_cast %reduce_max3A_267 : vector<1024xf32> to vector<1x1024xf32>
    %argmax3A_269 = tpu.reduce_index %dot_general3A_265 {axis = 0 : i32, kind = #tpu.reduction_kind<arg_max>} : vector<1024x1024xf32> -> vector<1024xi32>
    %broadcast_in_dim3A_270 = vector.shape_cast %argmax3A_269 : vector<1024xi32> to vector<1x1024xi32>
    %swap3A_271 = arith.constant 5 : index
    %swap3A_272 = arith.constant 0 : index
    %swap3A_273 = arith.constant 0 : index
    %swap3A_274 = vector.load %arg3[%swap3A_271, %swap3A_272, %swap3A_273] : memref<8x1x1024xi32, #tpu.memory_space<vmem>>, vector<1x1x1024xi32>
    %swap3A_275 = vector.shape_cast %swap3A_274 : vector<1x1x1024xi32> to vector<1x1024xi32>
    %swap3A_276 = vector.shape_cast %broadcast_in_dim3A_270 : vector<1x1024xi32> to vector<1x1x1024xi32>
    tpu.vector_store %arg3[%swap3A_271, %swap3A_272, %swap3A_273], %swap3A_276 {strides = array<i32>} : memref<8x1x1024xi32, #tpu.memory_space<vmem>>, vector<1x1x1024xi32>,
    %mul3A_277 = arith.mulf %div3A_258, %div3A_258 : vector<1x1024xf32>
    %mul3A_278 = arith.mulf %broadcast_in_dim3A_251, %mul3A_277 : vector<1x1024xf32>
    %mul3A_279 = arith.constant 2.000000e+00 : f32
    %mul3A_280 = vector.broadcast %mul3A_279 : f32 to vector<1x1024xf32>
    %mul3A_281 = arith.mulf %mul3A_280, %broadcast_in_dim3A_268 : vector<1x1024xf32>
    %sub3A_282 = arith.subf %mul3A_278, %mul3A_281 : vector<1x1024xf32>
    %add3A_283 = arith.constant 1.000000e+00 : f32
    %add3A_284 = vector.broadcast %add3A_283 : f32 to vector<1x1024xf32>
    %add3A_285 = arith.addf %sub3A_282, %add3A_284 : vector<1x1024xf32>
    %reduce_sum3A_286 = vector.shape_cast %add3A_285 : vector<1x1024xf32> to vector<1x1x1024xf32>
    %reduce_sum3A_287 = arith.constant dense<0.000000e+00> : vector<1xf32>
    %reduce_sum3A_288 = vector.multi_reduction <add>, %reduce_sum3A_286, %reduce_sum3A_287 [1, 2] : vector<1x1x1024xf32> to vector<1xf32>
    %reduce_sum3A_289 = vector.shape_cast %reduce_sum3A_288 : vector<1xf32> to vector<1x1x1xf32>
    %reduce_sum3A_290 = vector.extract %reduce_sum3A_289[0, 0, 0] : f32 from vector<1x1x1xf32>
    %mul3A_291 = arith.constant 4.76837158E-7 : f32
    %mul3A_292 = arith.mulf %reduce_sum3A_290, %mul3A_291 : f32
    %add3A_293 = arith.addf %add3A_242, %mul3A_292 : f32
    %get3A_294 = arith.constant 6 : index
    %get3A_295 = arith.constant 0 : index
    %get3A_296 = arith.constant 0 : index
    %get3A_297 = vector.load %arg1[%get3A_294, %get3A_295, %get3A_296] : memref<8x64x1024xf32, #tpu.memory_space<vmem>>, vector<1x64x1024xf32>
    %get3A_298 = vector.shape_cast %get3A_297 : vector<1x64x1024xf32> to vector<64x1024xf32>
    %mul3A_299 = arith.mulf %get3A_298, %get3A_298 : vector<64x1024xf32>
    %reduce_sum3A_300 = arith.constant dense<0.000000e+00> : vector<1024xf32>
    %reduce_sum3A_301 = vector.multi_reduction <add>, %mul3A_299, %reduce_sum3A_300 [0] : vector<64x1024xf32> to vector<1024xf32>
    %broadcast_in_dim3A_302 = vector.shape_cast %reduce_sum3A_301 : vector<1024xf32> to vector<1x1024xf32>
    %sqrt3A_303 = math.sqrt %broadcast_in_dim3A_302 : vector<1x1024xf32>
    %max3A_304 = arith.constant 9.99999996E-13 : f32
    %max3A_305 = vector.broadcast %max3A_304 : f32 to vector<1x1024xf32>
    %max3A_306 = arith.maximumf %sqrt3A_303, %max3A_305 : vector<1x1024xf32>
    %div3A_307 = arith.constant 1.000000e+00 : f32
    %div3A_308 = vector.broadcast %div3A_307 : f32 to vector<1x1024xf32>
    %div3A_309 = arith.divf %div3A_308, %max3A_306 : vector<1x1024xf32>
    %mul3A_310 = vector.broadcast %div3A_309 : vector<1x1024xf32> to vector<64x1024xf32>
    %mul3A_311 = arith.mulf %get3A_298, %mul3A_310 : vector<64x1024xf32>
    %get3A_312 = arith.constant 0 : index
    %get3A_313 = arith.constant 0 : index
    %get3A_314 = vector.load %arg2[%get3A_312, %get3A_313] : memref<64x1024xf32, #tpu.memory_space<vmem>>, vector<64x1024xf32>
    %dot_general3A_315 = arith.constant dense<0.000000e+00> : vector<1024x1024xf32>
    %dot_general3A_316 = tpu.matmul %get3A_314, %mul3A_311, %dot_general3A_315 {dimension_numbers = #tpu.dot_dimension_numbers<[0], [0], [1], [1], [0, 1, 1, 1], [], []>, transpose_lhs_hint = false} : vector<64x1024xf32>, vector<64x1024xf32>, vector<1024x1024xf32> -> vector<1024x1024xf32>
    %reduce_max3A_317 = arith.constant dense<0xFF800000> : vector<1024xf32>
    %reduce_max3A_318 = vector.multi_reduction <maximumf>, %dot_general3A_316, %reduce_max3A_317 [0] : vector<1024x1024xf32> to vector<1024xf32>
    %broadcast_in_dim3A_319 = vector.shape_cast %reduce_max3A_318 : vector<1024xf32> to vector<1x1024xf32>
    %argmax3A_320 = tpu.reduce_index %dot_general3A_316 {axis = 0 : i32, kind = #tpu.reduction_kind<arg_max>} : vector<1024x1024xf32> -> vector<1024xi32>
    %broadcast_in_dim3A_321 = vector.shape_cast %argmax3A_320 : vector<1024xi32> to vector<1x1024xi32>
    %swap3A_322 = arith.constant 6 : index
    %swap3A_323 = arith.constant 0 : index
    %swap3A_324 = arith.constant 0 : index
    %swap3A_325 = vector.load %arg3[%swap3A_322, %swap3A_323, %swap3A_324] : memref<8x1x1024xi32, #tpu.memory_space<vmem>>, vector<1x1x1024xi32>
    %swap3A_326 = vector.shape_cast %swap3A_325 : vector<1x1x1024xi32> to vector<1x1024xi32>
    %swap3A_327 = vector.shape_cast %broadcast_in_dim3A_321 : vector<1x1024xi32> to vector<1x1x1024xi32>
    tpu.vector_store %arg3[%swap3A_322, %swap3A_323, %swap3A_324], %swap3A_327 {strides = array<i32>} : memref<8x1x1024xi32, #tpu.memory_space<vmem>>, vector<1x1x1024xi32>,
    %mul3A_328 = arith.mulf %div3A_309, %div3A_309 : vector<1x1024xf32>
    %mul3A_329 = arith.mulf %broadcast_in_dim3A_302, %mul3A_328 : vector<1x1024xf32>
    %mul3A_330 = arith.constant 2.000000e+00 : f32
    %mul3A_331 = vector.broadcast %mul3A_330 : f32 to vector<1x1024xf32>
    %mul3A_332 = arith.mulf %mul3A_331, %broadcast_in_dim3A_319 : vector<1x1024xf32>
    %sub3A_333 = arith.subf %mul3A_329, %mul3A_332 : vector<1x1024xf32>
    %add3A_334 = arith.constant 1.000000e+00 : f32
    %add3A_335 = vector.broadcast %add3A_334 : f32 to vector<1x1024xf32>
    %add3A_336 = arith.addf %sub3A_333, %add3A_335 : vector<1x1024xf32>
    %reduce_sum3A_337 = vector.shape_cast %add3A_336 : vector<1x1024xf32> to vector<1x1x1024xf32>
    %reduce_sum3A_338 = arith.constant dense<0.000000e+00> : vector<1xf32>
    %reduce_sum3A_339 = vector.multi_reduction <add>, %reduce_sum3A_337, %reduce_sum3A_338 [1, 2] : vector<1x1x1024xf32> to vector<1xf32>
    %reduce_sum3A_340 = vector.shape_cast %reduce_sum3A_339 : vector<1xf32> to vector<1x1x1xf32>
    %reduce_sum3A_341 = vector.extract %reduce_sum3A_340[0, 0, 0] : f32 from vector<1x1x1xf32>
    %mul3A_342 = arith.constant 4.76837158E-7 : f32
    %mul3A_343 = arith.mulf %reduce_sum3A_341, %mul3A_342 : f32
    %add3A_344 = arith.addf %add3A_293, %mul3A_343 : f32
    %get3A_345 = arith.constant 7 : index
    %get3A_346 = arith.constant 0 : index
    %get3A_347 = arith.constant 0 : index
    %get3A_348 = vector.load %arg1[%get3A_345, %get3A_346, %get3A_347] : memref<8x64x1024xf32, #tpu.memory_space<vmem>>, vector<1x64x1024xf32>
    %get3A_349 = vector.shape_cast %get3A_348 : vector<1x64x1024xf32> to vector<64x1024xf32>
    %mul3A_350 = arith.mulf %get3A_349, %get3A_349 : vector<64x1024xf32>
    %reduce_sum3A_351 = arith.constant dense<0.000000e+00> : vector<1024xf32>
    %reduce_sum3A_352 = vector.multi_reduction <add>, %mul3A_350, %reduce_sum3A_351 [0] : vector<64x1024xf32> to vector<1024xf32>
    %broadcast_in_dim3A_353 = vector.shape_cast %reduce_sum3A_352 : vector<1024xf32> to vector<1x1024xf32>
    %sqrt3A_354 = math.sqrt %broadcast_in_dim3A_353 : vector<1x1024xf32>
    %max3A_355 = arith.constant 9.99999996E-13 : f32
    %max3A_356 = vector.broadcast %max3A_355 : f32 to vector<1x1024xf32>
    %max3A_357 = arith.maximumf %sqrt3A_354, %max3A_356 : vector<1x1024xf32>
    %div3A_358 = arith.constant 1.000000e+00 : f32
    %div3A_359 = vector.broadcast %div3A_358 : f32 to vector<1x1024xf32>
    %div3A_360 = arith.divf %div3A_359, %max3A_357 : vector<1x1024xf32>
    %mul3A_361 = vector.broadcast %div3A_360 : vector<1x1024xf32> to vector<64x1024xf32>
    %mul3A_362 = arith.mulf %get3A_349, %mul3A_361 : vector<64x1024xf32>
    %get3A_363 = arith.constant 0 : index
    %get3A_364 = arith.constant 0 : index
    %get3A_365 = vector.load %arg2[%get3A_363, %get3A_364] : memref<64x1024xf32, #tpu.memory_space<vmem>>, vector<64x1024xf32>
    %dot_general3A_366 = arith.constant dense<0.000000e+00> : vector<1024x1024xf32>
    %dot_general3A_367 = tpu.matmul %get3A_365, %mul3A_362, %dot_general3A_366 {dimension_numbers = #tpu.dot_dimension_numbers<[0], [0], [1], [1], [0, 1, 1, 1], [], []>, transpose_lhs_hint = false} : vector<64x1024xf32>, vector<64x1024xf32>, vector<1024x1024xf32> -> vector<1024x1024xf32>
    %reduce_max3A_368 = arith.constant dense<0xFF800000> : vector<1024xf32>
    %reduce_max3A_369 = vector.multi_reduction <maximumf>, %dot_general3A_367, %reduce_max3A_368 [0] : vector<1024x1024xf32> to vector<1024xf32>
    %broadcast_in_dim3A_370 = vector.shape_cast %reduce_max3A_369 : vector<1024xf32> to vector<1x1024xf32>
    %argmax3A_371 = tpu.reduce_index %dot_general3A_367 {axis = 0 : i32, kind = #tpu.reduction_kind<arg_max>} : vector<1024x1024xf32> -> vector<1024xi32>
    %broadcast_in_dim3A_372 = vector.shape_cast %argmax3A_371 : vector<1024xi32> to vector<1x1024xi32>
    %swap3A_373 = arith.constant 7 : index
    %swap3A_374 = arith.constant 0 : index
    %swap3A_375 = arith.constant 0 : index
    %swap3A_376 = vector.load %arg3[%swap3A_373, %swap3A_374, %swap3A_375] : memref<8x1x1024xi32, #tpu.memory_space<vmem>>, vector<1x1x1024xi32>
    %swap3A_377 = vector.shape_cast %swap3A_376 : vector<1x1x1024xi32> to vector<1x1024xi32>
    %swap3A_378 = vector.shape_cast %broadcast_in_dim3A_372 : vector<1x1024xi32> to vector<1x1x1024xi32>
    tpu.vector_store %arg3[%swap3A_373, %swap3A_374, %swap3A_375], %swap3A_378 {strides = array<i32>} : memref<8x1x1024xi32, #tpu.memory_space<vmem>>, vector<1x1x1024xi32>,
    %mul3A_379 = arith.mulf %div3A_360, %div3A_360 : vector<1x1024xf32>
    %mul3A_380 = arith.mulf %broadcast_in_dim3A_353, %mul3A_379 : vector<1x1024xf32>
    %mul3A_381 = arith.constant 2.000000e+00 : f32
    %mul3A_382 = vector.broadcast %mul3A_381 : f32 to vector<1x1024xf32>
    %mul3A_383 = arith.mulf %mul3A_382, %broadcast_in_dim3A_370 : vector<1x1024xf32>
    %sub3A_384 = arith.subf %mul3A_380, %mul3A_383 : vector<1x1024xf32>
    %add3A_385 = arith.constant 1.000000e+00 : f32
    %add3A_386 = vector.broadcast %add3A_385 : f32 to vector<1x1024xf32>
    %add3A_387 = arith.addf %sub3A_384, %add3A_386 : vector<1x1024xf32>
    %reduce_sum3A_388 = vector.shape_cast %add3A_387 : vector<1x1024xf32> to vector<1x1x1024xf32>
    %reduce_sum3A_389 = arith.constant dense<0.000000e+00> : vector<1xf32>
    %reduce_sum3A_390 = vector.multi_reduction <add>, %reduce_sum3A_388, %reduce_sum3A_389 [1, 2] : vector<1x1x1024xf32> to vector<1xf32>
    %reduce_sum3A_391 = vector.shape_cast %reduce_sum3A_390 : vector<1xf32> to vector<1x1x1xf32>
    %reduce_sum3A_392 = vector.extract %reduce_sum3A_391[0, 0, 0] : f32 from vector<1x1x1xf32>
    %mul3A_393 = arith.constant 4.76837158E-7 : f32
    %mul3A_394 = arith.mulf %reduce_sum3A_392, %mul3A_393 : f32
    %add3A_395 = arith.addf %add3A_344, %mul3A_394 : f32
    %eq3A = arith.constant 0 : i32
    %eq3A_396 = arith.cmpi eq, %arg0, %eq3A : i32
    %convert_element_type3A = arith.extui %eq3A_396 : i1 to i32
    %cond3A = arith.constant 0 : i32
    %cond3A_397 = arith.cmpi ne, %convert_element_type3A, %cond3A : i32
    scf.if %cond3A_397 {
      %swap3A_405 = arith.constant 0.000000e+00 : f32
      %swap3A_406 = arith.constant 0 : index
      %swap3A_407 = arith.constant 0 : index
      %swap3A_408 = memref.load %arg4[%swap3A_406, %swap3A_407] : memref<1x1xf32, #tpu.memory_space<smem>>
      memref.store %swap3A_405, %arg4[%swap3A_406, %swap3A_407] : memref<1x1xf32, #tpu.memory_space<smem>>
    } else {
    }
    %get3A_398 = arith.constant 0 : index
    %get3A_399 = arith.constant 0 : index
    %get3A_400 = memref.load %arg4[%get3A_398, %get3A_399] : memref<1x1xf32, #tpu.memory_space<smem>>
    %add3A_401 = arith.addf %get3A_400, %add3A_395 : f32
    %swap3A_402 = arith.constant 0 : index
    %swap3A_403 = arith.constant 0 : index
    %swap3A_404 = memref.load %arg4[%swap3A_402, %swap3A_403] : memref<1x1xf32, #tpu.memory_space<smem>>
    memref.store %add3A_401, %arg4[%swap3A_402, %swap3A_403] : memref<1x1xf32, #tpu.memory_space<smem>>
    return
  }
  func.func @transform_0(%arg0: i32) -> (i32, i32, i32) {
    %c0_i32 = arith.constant 0 : i32
    %c0_i32_0 = arith.constant 0 : i32
    %c0_i32_1 = arith.constant 0 : i32
    return %arg0, %c0_i32, %c0_i32_0 : i32, i32, i32
  }
  func.func @transform_1(%arg0: i32) -> (i32, i32) {
    %c0_i32 = arith.constant 0 : i32
    %c0_i32_0 = arith.constant 0 : i32
    %c0_i32_1 = arith.constant 0 : i32
    return %c0_i32, %c0_i32_0 : i32, i32
  }
  func.func @transform_2(%arg0: i32) -> (i32, i32, i32) {
    %c0_i32 = arith.constant 0 : i32
    %c0_i32_0 = arith.constant 0 : i32
    %c0_i32_1 = arith.constant 0 : i32
    return %arg0, %c0_i32, %c0_i32_0 : i32, i32, i32
  }
  func.func @transform_3(%arg0: i32) -> (i32, i32) {
    %c0_i32 = arith.constant 0 : i32
    %c0_i32_0 = arith.constant 0 : i32
    %c0_i32_1 = arith.constant 0 : i32
    return %c0_i32, %c0_i32_0 : i32, i32
  }
}

</mosaic_0001>

<sc_bundles>
// kernel: kernel.4.cloned.1.call-start
scs
__scs_entry_jumppad:
0x0: {  	(pc) =	sbr.rel $0x88, $3  }
0x1: {  	(tag) =	ssettag $0x0;
	lr =	simm.s32 $0x1  }
0x2: {  	[smem:$0x3F9F] =	sst lr;
	_ =	strace $0xD0000000  }
0x3: {  	_ = 	snop  }
0x4: {  	_ = 	snop  }
0x5: {  	_ = 	snop  }
0x6: {  	_ = 	snop  }
0x7: {  	_ = 	snop  }
__scs_overlays_trampoline_lowered:
0x8: {  	[smem:$0x3FAE] =	sst s0  }
0x9: {  	[smem:$0x3FAF] =	sst s1  }
0xa: {  	[smem:$0x3FB0] =	sst s2  }
0xb: {  	[smem:$0x3FB1] =	sst s3  }
0xc: {  	[smem:$0x3FB2] =	sst s4  }
0xd: {  	[smem:$0x3FB3] =	sst s5  }
0xe: {  	[smem:$0x3FB4] =	sst s6  }
0xf: {  	[smem:$0x3FB5] =	sst s7  }
0x10: {  	[smem:$0x3FB6] =	sst s8  }
0x11: {  	[smem:$0x3FB7] =	sst s9;
	s0 =	simm.s32 @!p0 $0x0  }
0x12: {  	s1 =	sld [smem:$0x3F9D];
	s0 =	simm.s32 @p0 $0x1  }
0x13: {  	[smem:$0x3FB8] =	sst s0;
	s0 =	simm.s32 @!p1 $0x0  }
0x14: {  	s2 =	sld [smem:$0x3F9C];
	s0 =	simm.s32 @p1 $0x1  }
0x15: {  	[smem:$0x3FB9] =	sst s0;
	s0 =	simm.s32 @!p2 $0x0  }
0x16: {  	s3 =	sld [smem:$0x3FDB];
	s0 =	simm.s32 @p2 $0x1  }
0x17: {  	s4 =	simm.s32 $0x1BF5;
	[smem:$0x3FBB] =	sst s0  }
0x18: {  	s0 =	sld [smem:$0x3F9E];
	_ =	swait.ge [sflag:s4], $0x0  }
0x19: {  	s7 =	sld [smem:$0x3F9F]  }
0x1a: {  	s8 =	sadd.s32 $0xFFFFE003, lr  }
0x1b: {  	s9 =	sadd.s32 $0xFFFFFEF7, lr;
	s5 =	simm.s32 $0xFFFFFFFF;
	p2 =	slt.u32 s8, $0xFFFFF086  }
0x1c: {  	p1 =	slt.u32 s9, $0xF7A;
	s5 =	simm.s32 @!p2 $0x0  }
0x1d: {  	s5 =	simm.s32 @p1 $0x1;
	p0 =	seq.s32 s7, s2  }
0x1e: {  	s7 =	smul.u32 @!p0 $0xF7A, s2;
	p2 =	seq.s32 @!p0 s5, $0x0  }
0x1f: {  	s9 =	smul.u32 $0xF7A, s1;
	s8 =	simm.s32 @!p0 $0x1BF5;
	p2 =	por !p2, p0  }
0x20: {  	[sflag:s8] =	ssyncset.s32 @!p0 $0xFFFFF086;
	s6 =	sadd.s32 @!p0 s3, s7;
	s7 =	simm.s32 @!p0 $0x108  }
0x21: {  	s3 =	sadd.s32 s3, s9;
	s6 =	sadd.s32 @!p0 $0x88, s6;
	s7 =	simm.s32 @p2 $0x1082  }
0x22: {  	[simem:s7], [sflag:s8] =	dma.local @!p0 [hbm:s6], $0xF7A  }
0x23: {  	s9 =	sor.u32 $0xD0000000, s2;
	s6 =	simm.s32 $0x108;
	_ =	swait.ge @!p0 [sflag:s8], $0x0  }
0x24: {  	s3 =	sadd.s32 $0x88, s3;
	s6 =	simm.s32 @!p1 $0x1082;
	[sflag:s4] =	ssyncset.s32 $0xFFFFF086  }
0x25: {  	[simem:s6], [sflag:s4] =	dma.local [hbm:s3], $0xF7A  }
0x26: {  	[smem:$0x3F9F] =	sst s1;
	(tag) =	ssettag s2;
	_ =	strace s9  }
0x27: {  	s1 =	sld [smem:$0x3FAF]  }
0x28: {  	s2 =	sld [smem:$0x3FB0]  }
0x29: {  	s4 =	sld [smem:$0x3FB2]  }
0x2a: {  	p0 =	seq.s32 s5, $0x0;
	s5 =	sld [smem:$0x3FB3]  }
0x2b: {  	s6 =	sld [smem:$0x3FB4]  }
0x2c: {  	s7 =	sld [smem:$0x3FB5]  }
0x2d: {  	s3 =	simm.s32 $0x108;
	s8 =	sld [smem:$0x3FB6]  }
0x2e: {  	s3 =	simm.s32 @!p0 $0x1082;
	s9 =	sld [smem:$0x3FB7]  }
0x2f: {  	lr =	sadd.s32 s0, s3;
	s0 =	sld [smem:$0x3FAE]  }
0x30: {  	s3 =	sld [smem:$0x3FB1]  }
0x31: {  	[smem:$0x3FBA] =	sst s10  }
0x32: {  	s10 =	sld [smem:$0x3FB8];
	_ =	sdelay $0x3  }
0x33: {  	p0 =	seq.s32 s10, $0x1;
	s10 =	sld [smem:$0x3FBA];
	_ =	sdelay $0x3  }
0x34: {  	[smem:$0x3FBA] =	sst s10  }
0x35: {  	s10 =	sld [smem:$0x3FB9];
	_ =	sdelay $0x3  }
0x36: {  	p1 =	seq.s32 s10, $0x1;
	s10 =	sld [smem:$0x3FBA];
	_ =	sdelay $0x3  }
0x37: {  	[smem:$0x3FBA] =	sst s10  }
0x38: {  	s10 =	sld [smem:$0x3FBB]  }
0x39: {  	_ = 	snop;
	(pc) =	sbr.ind lr, $3  }
0x3a: {  	_ = 	snop  }
0x3b: {  	_ = 	snop  }
0x3c: {  	p2 =	seq.s32 s10, $0x1;
	s10 =	sld [smem:$0x3FBA]  }
0x3d: {  	_ =	shalt  }
0x3e: {  	_ =	shalt  }
0x3f: {  	_ =	shalt  }
0x40: {  	_ =	shalt  }
0x41: {  	_ =	shalt  }
0x42: {  	_ =	shalt  }
0x43: {  	_ =	shalt  }
0x44: {  	_ =	shalt  }
0x45: {  	_ =	shalt  }
0x46: {  	_ =	shalt  }
0x47: {  	_ =	shalt  }
0x48: {  	_ =	shalt  }
0x49: {  	_ =	shalt  }
0x4a: {  	_ =	shalt  }
0x4b: {  	_ =	shalt  }
0x4c: {  	_ =	shalt  }
0x4d: {  	_ =	shalt  }
0x4e: {  	_ =	shalt  }
0x4f: {  	_ =	shalt  }
0x50: {  	_ =	shalt  }
0x51: {  	_ =	shalt  }
0x52: {  	_ =	shalt  }
0x53: {  	_ =	shalt  }
0x54: {  	_ =	shalt  }
0x55: {  	_ =	shalt  }
0x56: {  	_ =	shalt  }
0x57: {  	_ =	shalt  }
0x58: {  	_ =	shalt  }
0x59: {  	_ =	shalt  }
0x5a: {  	_ =	shalt  }
0x5b: {  	_ =	shalt  }
0x5c: {  	_ =	shalt  }
0x5d: {  	_ =	shalt  }
0x5e: {  	_ =	shalt  }
0x5f: {  	_ =	shalt  }
0x60: {  	_ =	shalt  }
0x61: {  	_ =	shalt  }
0x62: {  	_ =	shalt  }
0x63: {  	_ =	shalt  }
0x64: {  	_ =	shalt  }
0x65: {  	_ =	shalt  }
0x66: {  	_ =	shalt  }
0x67: {  	_ =	shalt  }
0x68: {  	_ =	shalt  }
0x69: {  	_ =	shalt  }
0x6a: {  	_ =	shalt  }
0x6b: {  	_ =	shalt  }
0x6c: {  	_ =	shalt  }
0x6d: {  	_ =	shalt  }
0x6e: {  	_ =	shalt  }
0x6f: {  	_ =	shalt  }
0x70: {  	_ =	shalt  }
0x71: {  	_ =	shalt  }
0x72: {  	_ =	shalt  }
0x73: {  	_ =	shalt  }
0x74: {  	_ =	shalt  }
0x75: {  	_ =	shalt  }
0x76: {  	_ =	shalt  }
0x77: {  	_ =	shalt  }
0x78: {  	_ =	shalt  }
0x79: {  	_ =	shalt  }
0x7a: {  	_ =	shalt  }
0x7b: {  	_ =	shalt  }
0x7c: {  	_ =	shalt  }
0x7d: {  	_ =	shalt  }
0x7e: {  	_ =	shalt  }
0x7f: {  	_ =	shalt  }
0x80: {  	_ =	shalt  }
0x81: {  	_ =	shalt  }
0x82: {  	_ =	shalt  }
0x83: {  	_ =	shalt  }
0x84: {  	_ =	shalt  }
0x85: {  	_ =	shalt  }
0x86: {  	_ =	shalt  }
0x87: {  	_ =	shalt  }
.Lfunc_end0:
.L_simem_size_0:
called_computation_lowered:
.L_overlay_start_0:
0x88: {  	s2 =	sld [smem:$0x3FD9]  }
0x89: {  	s3 =	sld [smem:$0x3FFE];
	_ =	sdelay $0x1  }
0x8a: {  	s1 =	srdreg.scid  }
0x8b: {  	s0 =	sand.u32 $0x1, s1  }
0x8c: {  	s14 =	sshll.u32 s0, $0xA;
	s2 =	sadd.s32 s3, s2  }
0x8d: {  	s2 =	sadd.s32 s2, s14  }
0x8e: {  	[smem:$0x3FC6] =	sst s2  }
0x8f: {  	_ = 	snop  }
0x90: {  	s2 =	sld [smem:$0x3FD0];
	_ =	sdelay $0x2  }
0x91: {  	s15 =	simm.s32 $0xA;
	s4 =	simm.s32 $0x10  }
0x92: {  	[smem:s4], [sflag:s15] =	dma.local [hbm:s2], $0x1  }
0x93: {  	_ =	swait.eq [sflag:s15], $0x1  }
0x94: {  	[sflag:s15] =	ssyncset.done $0x0  }
0x95: {  	[sflag:s15] =	ssyncadd.s32 $0xFFFFFFFF  }
0x96: {  	s16 =	sld [smem:$0x10];
	(tm) =	ssettm $0x1  }
0x97: {  	s17 =	sld [smem:$0x3FFB];
	_ =	sdelay $0x3  }
0x98: {  	_ =	strace s17  }
0x99: {  	s3 =	sld [smem:$0x3FFC];
	_ =	sdelay $0x3  }
0x9a: {  	_ =	strace s3  }
0x9b: {  	s3 =	sld [smem:$0x3FFD];
	_ =	sdelay $0x3  }
0x9c: {  	_ =	strace s3  }
0x9d: {  	_ =	strace $0x8FFFFFFF  }
0x9e: {  	s18 =	sld [smem:$0x3FDB];
	_ =	sdelay $0x1  }
0x9f: {  	s19 =	simm.s32 $_scs_section_size  }
0xa0: {  	s5 =	simm.s32 $_size__tile_overlayer_lowered;
	s6 =	simm.s32 $_tile_overlayer_lowered  }
0xa1: {  	s22 =	simm.s32 $0x1BFF;
	s21 =	sshll.u32 s6, $0x1;
	s3 =	sadd.s32 s19, s18  }
0xa2: {  	s7 =	simm.s32 $0x0;
	s20 =	sshll.u32 s5, $0x1;
	s5 =	sadd.s32 s21, s3  }
0xa3: {  	[timem:s7], [sflag:s22] =	dma.local [hbm:s5], s20  }
0xa4: {  	_ =	swait.ge [sflag:s22], s20  }
0xa5: {  	s4 =	ssub.s32 $0x0, s20;
	[sflag:s22] =	ssyncset.done $0x0  }
0xa6: {  	[sflag:s22] =	ssyncadd.s32 s4;
	_ =	sdelay $0x1  }
0xa7: {  	s23 =	simm.s32 $0x1B8B  }
0xa8: {  	_ =	swait.ge [sflag:s23], $0x1  }
0xa9: {  	[sflag:s23] =	ssyncset.done $0x0  }
0xaa: {  	s25 =	simm.s32 $0x1B8E;
	s24 =	sld [smem:$0x3FFE];
	[sflag:s23] =	ssyncadd.s32 $0xFFFFFFFF  }
0xab: {  	s26 =	simm.s32 $execute0_lowered;
	[smem:$0x3FD2] =	sst s25  }
0xac: {  	s5 =	sshll.u32 s26, $0x1;
	_ =	strace $0x80000046;
	[dreg:$0x1] =	wrdreg $0xFFFFFFFF  }
0xad: {  	s28 =	simm.s32 $_size_execute0_lowered;
	s3 =	sadd.s32 s3, s5;
	[dreg:$0x0] =	wrdreg $0x0  }
0xae: {  	s5 =	sshll.u32 s28, $0x1;
	[dreg:$0x2] =	wrdreg s3  }
0xaf: {  	[dreg:$0x3] =	wrdreg s5  }
0xb0: {  	[dreg:$0x4] =	wrdreg $0xC0  }
0xb1: {  	_ =	task [dreg:s7], $0x5FFFF  }
0xb2: {  	[dreg:$0x1] =	wrdreg $0xFFFFFFFF  }
0xb3: {  	[dreg:$0x0] =	wrdreg $0x60  }
0xb4: {  	[dreg:$0x2] =	wrdreg s24  }
0xb5: {  	[dreg:$0x3] =	wrdreg s16  }
0xb6: {  	[dreg:$0x4] =	wrdreg $0x9  }
0xb7: {  	_ =	task.clear_ibuf [dreg:s7], $0x5FFFF;
	_ =	strace $0x90000046  }
0xb8: {  	s29 =	simm.s32 $0x9;
	_ =	strace $0x80000048  }
0xb9: {  	_ =	swait.ge [sflag:s29], $0x1  }
0xba: {  	[sflag:s29] =	ssyncadd.s32 $0xFFFFFFFF  }
0xbb: {  	_ =	strace $0x90000048  }
0xbc: {  	_ =	sfence  }
0xbd: {  	s30 =	sld [smem:$0x0];
	_ =	sdelay $0x2  }
0xbe: {  	s31 =	sshll.u32 s1, $0xD;
	s1 =	sshrl.u32 s1, $0x2  }
0xbf: {  	s3 =	sand.u32 $0x4000, s31;
	s1 =	sadd.s32 s1, s30  }
0xc0: {  	s0 =	sor.u32 s3, s0;
	s1 =	sshll.u32 s1, $0x11  }
0xc1: {  	s0 =	sor.u32 s1, s0  }
0xc2: {  	s0 =	sadd.s32 $0x8F2B, s0  }
0xc3: {  	[sflag:s0] =	ssyncadd.remote.s32 $0x1  }
0xc4: {  	_ =	sfence.sel $0xFFFF  }
0xc5: {  	[dreg:$0x0] =	wrdreg $0xFFFFFFFF;
	(pc) =	sbr.abs _section_cstart, $3  }
0xc6: {  	[dreg:$0x1] =	wrdreg $0xFFFFFFFF  }
0xc7: {  	_ =	task.clear_ibuf [dreg:s7], $0x2FFFF;
	_ =	strace $0x9FFFFFFF  }
0xc8: {  	(tm) =	ssettm $0x7FFFFFFF  }
0xc9: {  	_ =	shalt  }
tec
execute0_lowered:
.L_overlay_start_1:
0x0: {  	(tag) =	ssettag $0x1  }
0x1: {  	s4 =	rddreg [dreg:$0x0]  }
0x2: {  	s5 =	rddreg [dreg:$0x1]  }
0x3: {  	s0 =	rddreg [dreg:$0x2];
	s2 =	simm.s32 $0x0  }
0x4: {  	s3 =	srdreg.scid;
	s1 =	stileid.u32;
	s10 =	simm.s32 $0x1  }
0x5: {  	s11 =	simm.s32 $0x10000;
	s12 =	simm.s32 $0x10400;
	s13 =	simm.s32 $0x0  }
0x6: {  	[smem:$0x7FF] =	sst s2;
	s6 =	sand.u32 $0x1, s3;
	s7 =	sshll.u32 s1, $0x1  }
0x7: {  	s3 =	sadd.s32 $0xE00, s4;
	_ =	strace $0x80000047;
	s7 =	sor.u32 s6, s7  }
0x8: {  	s6 =	ssub.s32 $0x2, s6;
	s8 =	sshll.u32 s7, $0x7;
	s7 =	sshll.u32 s7, $0xD  }
0x9: {  	s9 =	sshrl.u32 s6, $0x1;
	s8 =	sadd.s32 s8, s4;
	s4 =	sadd.s32 s5, s7  }
0xa: {  	s9 =	ssub.s32 s6, s9;
	s5 =	sadd.s32 $0x2E00, s8;
	s6 =	sadd.s32 $0x800, s4  }
0xb: {  	s7 =	sadd.s32 $0x1000, s4;
	s8 =	sadd.s32 $0x1800, s4;
	s9 =	smax.u32 s9, $0x1  }
.LBB2_1:
0xc: {  	[tilespmem:s2], [sflag:$0x1] =	stream.linear.gather [hbm4b:s3+s2], $0x10000, $0x38;
	[tilespmem:$0x14400] =	vst v63  }
0xd: {  	_ =	swait.ge [sflag:s10], $0x10000  }
0xe: {  	[sflag:s10] =	ssyncset.done $0x0  }
0xf: {  	[sflag:s10] =	ssyncadd.s32 $0xFFFF0000  }
0x10: {  	[tilespmem:s11], [sflag:$0x1] =	stream.linear.gather [hbm4b:s5+s2], $0x400, $0x38;
	[tilespmem:$0x14400] =	vst v63  }
0x11: {  	_ =	swait.ge [sflag:s10], $0x400  }
0x12: {  	[sflag:s10] =	ssyncset.done $0x0  }
0x13: {  	s14 =	simm.s32 $0x10040;
	[sflag:s10] =	ssyncadd.s32 $0xFFFFFC00  }
0x14: {  	v7 =	vld [tilespmem:s14+$0x30]  }
0x15: {  	v5 =	vld [tilespmem:s14+$0xFFFFFFD0]  }
0x16: {  	v4 =	vld [tilespmem:s14+$0xFFFFFFE0]  }
0x17: {  	v3 =	vld [tilespmem:s14+$0xFFFFFFF0]  }
0x18: {  	v2 =	vld [tilespmem:s14+$0x0]  }
0x19: {  	v1 =	vld [tilespmem:s14+$0x10]  }
0x1a: {  	v0 =	vld [tilespmem:s14+$0x20]  }
0x1b: {  	v6 =	vld [tilespmem:s14+$0xFFFFFFC0]  }
0x1c: {  	v8 =	vld.idx.msk [tilespmem:v7+s2+$0x0], $0xffff  }
0x1d: {  	v9 =	vld.idx.msk [tilespmem:v5+s2+$0x0], $0xffff  }
0x1e: {  	v10 =	vld.idx.msk [tilespmem:v4+s2+$0x0], $0xffff  }
0x1f: {  	v11 =	vadd.s32 $0x400, v7;
	v12 =	vld.idx.msk [tilespmem:v3+s2+$0x0], $0xffff  }
0x20: {  	s14 =	simm.s32 $0x12400;
	v13 =	vadd.s32 $0x400, v5;
	v14 =	vld.idx.msk [tilespmem:v2+s2+$0x0], $0xffff  }
0x21: {  	v15 =	vadd.s32 $0x400, v4;
	v16 =	vld.idx.msk [tilespmem:v1+s2+$0x0], $0xffff;
	[tilespmem:s14+$0xFFFFE070] =	vst v8  }
0x22: {  	v17 =	vadd.s32 $0x400, v3;
	v18 =	vld.idx.msk [tilespmem:v0+s2+$0x0], $0xffff;
	[tilespmem:s14+$0xFFFFE010] =	vst v9  }
0x23: {  	v38 =	vadd.s32 $0x400, v0;
	[tilespmem:s14+$0xFFFFE020] =	vst v10;
	v10 =	vld.idx.msk [tilespmem:v6+s2+$0x0], $0xffff  }
0x24: {  	v8 =	vadd.s32 $0x400, v2;
	[tilespmem:s14+$0xFFFFE030] =	vst v12;
	v9 =	vld.idx.msk [tilespmem:v11+s2+$0x0], $0xffff  }
0x25: {  	[tilespmem:s14+$0xFFFFE040] =	vst v14;
	v11 =	vadd.s32 $0x400, v1;
	v13 =	vld.idx.msk [tilespmem:v13+s2+$0x0], $0xffff  }
0x26: {  	v37 =	vadd.s32 $0x400, v6;
	[tilespmem:s14+$0xFFFFE050] =	vst v16;
	v15 =	vld.idx.msk [tilespmem:v15+s2+$0x0], $0xffff  }
0x27: {  	v36 =	vadd.s32 $0x800, v7;
	[tilespmem:s14+$0xFFFFE060] =	vst v18;
	v17 =	vld.idx.msk [tilespmem:v17+s2+$0x0], $0xffff  }
0x28: {  	v39 =	vadd.s32 $0x800, v5;
	v41 =	vld.idx.msk [tilespmem:v38+s2+$0x0], $0xffff;
	[tilespmem:s14+$0xFFFFE000] =	vst v10  }
0x29: {  	v8 =	vld.idx.msk [tilespmem:v8+s2+$0x0], $0xffff;
	v10 =	vadd.s32 $0x800, v3;
	[tilespmem:s14+$0xFFFFE0F0] =	vst v9  }
0x2a: {  	v9 =	vadd.s32 $0x800, v4;
	v11 =	vld.idx.msk [tilespmem:v11+s2+$0x0], $0xffff;
	[tilespmem:s14+$0xFFFFE090] =	vst v13  }
0x2b: {  	v40 =	vadd.s32 $0x800, v2;
	v14 =	vld.idx.msk [tilespmem:v37+s2+$0x0], $0xffff;
	[tilespmem:s14+$0xFFFFE0A0] =	vst v15  }
0x2c: {  	v43 =	vadd.s32 $0x800, v6;
	[tilespmem:s14+$0xFFFFE0B0] =	vst v17;
	v12 =	vld.idx.msk [tilespmem:v36+s2+$0x0], $0xffff  }
0x2d: {  	v42 =	vadd.s32 $0xC00, v7;
	[tilespmem:s14+$0xFFFFE0E0] =	vst v41;
	v18 =	vld.idx.msk [tilespmem:v39+s2+$0x0], $0xffff  }
0x2e: {  	v44 =	vadd.s32 $0xC00, v5;
	[tilespmem:s14+$0xFFFFE0C0] =	vst v8;
	v10 =	vld.idx.msk [tilespmem:v10+s2+$0x0], $0xffff  }
0x2f: {  	v8 =	vadd.s32 $0x800, v1;
	v9 =	vld.idx.msk [tilespmem:v9+s2+$0x0], $0xffff;
	[tilespmem:s14+$0xFFFFE0D0] =	vst v11  }
0x30: {  	v11 =	vadd.s32 $0x800, v0;
	v13 =	vld.idx.msk [tilespmem:v40+s2+$0x0], $0xffff;
	[tilespmem:s14+$0xFFFFE080] =	vst v14  }
0x31: {  	v46 =	vadd.s32 $0xC00, v3;
	[tilespmem:s14+$0xFFFFE170] =	vst v12;
	v17 =	vld.idx.msk [tilespmem:v43+s2+$0x0], $0xffff  }
0x32: {  	v45 =	vadd.s32 $0xC00, v4;
	[tilespmem:s14+$0xFFFFE110] =	vst v18;
	v16 =	vld.idx.msk [tilespmem:v42+s2+$0x0], $0xffff  }
0x33: {  	v47 =	vadd.s32 $0x1000, v7;
	v12 =	vld.idx.msk [tilespmem:v44+s2+$0x0], $0xffff;
	[tilespmem:s14+$0xFFFFE130] =	vst v10  }
0x34: {  	v50 =	vadd.s32 $0x1000, v5;
	v8 =	vld.idx.msk [tilespmem:v8+s2+$0x0], $0xffff;
	[tilespmem:s14+$0xFFFFE120] =	vst v9  }
0x35: {  	v10 =	vadd.s32 $0xC00, v2;
	v11 =	vld.idx.msk [tilespmem:v11+s2+$0x0], $0xffff;
	[tilespmem:s14+$0xFFFFE140] =	vst v13  }
0x36: {  	v9 =	vadd.s32 $0xC00, v6;
	v15 =	vld.idx.msk [tilespmem:v46+s2+$0x0], $0xffff;
	[tilespmem:s14+$0xFFFFE100] =	vst v17  }
0x37: {  	v48 =	vadd.s32 $0xC00, v1;
	v14 =	vld.idx.msk [tilespmem:v45+s2+$0x0], $0xffff;
	[tilespmem:s14+$0xFFFFE1F0] =	vst v16  }
0x38: {  	v49 =	vadd.s32 $0xC00, v0;
	[tilespmem:s14+$0xFFFFE190] =	vst v12;
	v18 =	vld.idx.msk [tilespmem:v47+s2+$0x0], $0xffff  }
0x39: {  	v52 =	vadd.s32 $0x1000, v3;
	v17 =	vld.idx.msk [tilespmem:v50+s2+$0x0], $0xffff;
	[tilespmem:s14+$0xFFFFE150] =	vst v8  }
0x3a: {  	v8 =	vadd.s32 $0x1000, v4;
	v10 =	vld.idx.msk [tilespmem:v10+s2+$0x0], $0xffff;
	[tilespmem:s14+$0xFFFFE160] =	vst v11  }
0x3b: {  	v9 =	vld.idx.msk [tilespmem:v9+s2+$0x0], $0xffff;
	v11 =	vadd.s32 $0x1400, v7;
	[tilespmem:s14+$0xFFFFE1B0] =	vst v15  }
0x3c: {  	v53 =	vadd.s32 $0x1000, v2;
	v13 =	vld.idx.msk [tilespmem:v48+s2+$0x0], $0xffff;
	[tilespmem:s14+$0xFFFFE1A0] =	vst v14  }
0x3d: {  	v51 =	vadd.s32 $0x1000, v6;
	v16 =	vld.idx.msk [tilespmem:v49+s2+$0x0], $0xffff;
	[tilespmem:s14+$0xFFFFE270] =	vst v18  }
0x3e: {  	v54 =	vadd.s32 $0x1000, v1;
	v14 =	vld.idx.msk [tilespmem:v52+s2+$0x0], $0xffff;
	[tilespmem:s14+$0xFFFFE210] =	vst v17  }
0x3f: {  	v8 =	vld.idx.msk [tilespmem:v8+s2+$0x0], $0xffff;
	[tilespmem:s14+$0xFFFFE1C0] =	vst v10;
	v10 =	vadd.s32 $0x1400, v5  }
0x40: {  	[tilespmem:s14+$0xFFFFE180] =	vst v9;
	v9 =	vadd.s32 $0x1000, v0;
	v11 =	vld.idx.msk [tilespmem:v11+s2+$0x0], $0xffff  }
0x41: {  	v57 =	vadd.s32 $0x1400, v4;
	[tilespmem:s14+$0xFFFFE1D0] =	vst v13;
	v15 =	vld.idx.msk [tilespmem:v53+s2+$0x0], $0xffff  }
0x42: {  	v55 =	vadd.s32 $0x1800, v7;
	v12 =	vld.idx.msk [tilespmem:v51+s2+$0x0], $0xffff;
	[tilespmem:s14+$0xFFFFE1E0] =	vst v16  }
0x43: {  	v56 =	vadd.s32 $0x1400, v6;
	v18 =	vld.idx.msk [tilespmem:v54+s2+$0x0], $0xffff;
	[tilespmem:s14+$0xFFFFE230] =	vst v14  }
0x44: {  	v58 =	vadd.s32 $0x1400, v1;
	[tilespmem:s14+$0xFFFFE220] =	vst v8;
	v10 =	vld.idx.msk [tilespmem:v10+s2+$0x0], $0xffff  }
0x45: {  	v8 =	vadd.s32 $0x1400, v3;
	v9 =	vld.idx.msk [tilespmem:v9+s2+$0x0], $0xffff;
	[tilespmem:s14+$0xFFFFE2F0] =	vst v11  }
0x46: {  	v11 =	vadd.s32 $0x1400, v2;
	v17 =	vld.idx.msk [tilespmem:v57+s2+$0x0], $0xffff;
	[tilespmem:s14+$0xFFFFE240] =	vst v15  }
0x47: {  	v59 =	vadd.s32 $0x1400, v0;
	[tilespmem:s14+$0xFFFFE200] =	vst v12;
	v13 =	vld.idx.msk [tilespmem:v55+s2+$0x0], $0xffff  }
0x48: {  	v60 =	vadd.s32 $0x1C00, v7;
	[tilespmem:s14+$0xFFFFE250] =	vst v18;
	v16 =	vld.idx.msk [tilespmem:v56+s2+$0x0], $0xffff  }
0x49: {  	v61 =	vadd.s32 $0x1800, v6;
	v12 =	vld.idx.msk [tilespmem:v58+s2+$0x0], $0xffff;
	[tilespmem:s14+$0xFFFFE290] =	vst v10  }
0x4a: {  	v21 =	vadd.s32 $0x1800, v1;
	v8 =	vld.idx.msk [tilespmem:v8+s2+$0x0], $0xffff;
	[tilespmem:s14+$0xFFFFE260] =	vst v9  }
0x4b: {  	v10 =	vadd.s32 $0x1800, v4;
	v11 =	vld.idx.msk [tilespmem:v11+s2+$0x0], $0xffff;
	[tilespmem:s14+$0xFFFFE2A0] =	vst v17  }
0x4c: {  	v9 =	vadd.s32 $0x1800, v5;
	[tilespmem:s14+$0xFFFFE370] =	vst v13;
	v14 =	vld.idx.msk [tilespmem:v59+s2+$0x0], $0xffff  }
0x4d: {  	v62 =	vadd.s32 $0x1800, v3;
	[tilespmem:s14+$0xFFFFE280] =	vst v16;
	v15 =	vld.idx.msk [tilespmem:v60+s2+$0x0], $0xffff  }
0x4e: {  	v63 =	vadd.s32 $0x1800, v2;
	[tilespmem:s14+$0xFFFFE2D0] =	vst v12;
	v18 =	vld.idx.msk [tilespmem:v61+s2+$0x0], $0xffff  }
0x4f: {  	v17 =	vld.idx.msk [tilespmem:v21+s2+$0x0], $0xffff;
	[tilespmem:s14+$0xFFFFE2B0] =	vst v8;
	v8 =	vadd.s32 $0x2000, v7  }
0x50: {  	v22 =	vadd.s32 $0x1C00, v6;
	v10 =	vld.idx.msk [tilespmem:v10+s2+$0x0], $0xffff;
	[tilespmem:s14+$0xFFFFE2C0] =	vst v11  }
0x51: {  	v9 =	vld.idx.msk [tilespmem:v9+s2+$0x0], $0xffff;
	v11 =	vadd.s32 $0x1800, v0;
	[tilespmem:s14+$0xFFFFE2E0] =	vst v14  }
0x52: {  	v24 =	vadd.s32 $0x1C00, v4;
	v13 =	vld.idx.msk [tilespmem:v62+s2+$0x0], $0xffff;
	[tilespmem:s14+$0xFFFFE3F0] =	vst v15  }
0x53: {  	v26 =	vadd.s32 $0x1C00, v1;
	v16 =	vld.idx.msk [tilespmem:v63+s2+$0x0], $0xffff;
	[tilespmem:s14+$0xFFFFE300] =	vst v18  }
0x54: {  	v23 =	vadd.s32 $0x1C00, v5;
	[tilespmem:s14+$0xFFFFE350] =	vst v17;
	v8 =	vld.idx.msk [tilespmem:v8+s2+$0x0], $0xffff  }
0x55: {  	v25 =	vadd.s32 $0x1C00, v3;
	v12 =	vld.idx.msk [tilespmem:v22+s2+$0x0], $0xffff;
	[tilespmem:s14+$0xFFFFE320] =	vst v10  }
0x56: {  	[tilespmem:s14+$0xFFFFE310] =	vst v9;
	v9 =	vadd.s32 $0x1C00, v2;
	v11 =	vld.idx.msk [tilespmem:v11+s2+$0x0], $0xffff  }
0x57: {  	v10 =	vadd.s32 $0x2400, v7;
	[tilespmem:s14+$0xFFFFE330] =	vst v13;
	v15 =	vld.idx.msk [tilespmem:v24+s2+$0x0], $0xffff  }
0x58: {  	v28 =	vadd.s32 $0x2000, v6;
	v13 =	vld.idx.msk [tilespmem:v26+s2+$0x0], $0xffff;
	[tilespmem:s14+$0xFFFFE340] =	vst v16  }
0x59: {  	v27 =	vadd.s32 $0x1C00, v0;
	v14 =	vld.idx.msk [tilespmem:v23+s2+$0x0], $0xffff;
	[tilespmem:s14+$0x70] =	vst v8  }
0x5a: {  	v33 =	vadd.s32 $0x2000, v1;
	v18 =	vld.idx.msk [tilespmem:v25+s2+$0x0], $0xffff;
	[tilespmem:s14+$0xFFFFE380] =	vst v12  }
0x5b: {  	v29 =	vadd.s32 $0x2000, v3;
	v9 =	vld.idx.msk [tilespmem:v9+s2+$0x0], $0xffff;
	[tilespmem:s14+$0xFFFFE360] =	vst v11  }
0x5c: {  	v8 =	vadd.s32 $0x2000, v5;
	v10 =	vld.idx.msk [tilespmem:v10+s2+$0x0], $0xffff;
	[tilespmem:s14+$0xFFFFE3A0] =	vst v15  }
0x5d: {  	v11 =	vadd.s32 $0x2000, v4;
	v17 =	vld.idx.msk [tilespmem:v28+s2+$0x0], $0xffff;
	[tilespmem:s14+$0xFFFFE3D0] =	vst v13  }
0x5e: {  	v31 =	vadd.s32 $0x2800, v7;
	[tilespmem:s14+$0xFFFFE390] =	vst v14;
	v30 =	vld.idx.msk [tilespmem:v27+s2+$0x0], $0xffff  }
0x5f: {  	v32 =	vadd.s32 $0x2000, v2;
	[tilespmem:s14+$0xFFFFE3B0] =	vst v18;
	v36 =	vld.idx.msk [tilespmem:v33+s2+$0x0], $0xffff  }
0x60: {  	v38 =	vadd.s32 $0x2400, v1;
	v12 =	vld.idx.msk [tilespmem:v29+s2+$0x0], $0xffff;
	[tilespmem:s14+$0xFFFFE3C0] =	vst v9  }
0x61: {  	v8 =	vld.idx.msk [tilespmem:v8+s2+$0x0], $0xffff;
	v9 =	vadd.s32 $0x2000, v0;
	[tilespmem:s14+$0xF0] =	vst v10  }
0x62: {  	v11 =	vld.idx.msk [tilespmem:v11+s2+$0x0], $0xffff;
	v10 =	vadd.s32 $0x2400, v6;
	[tilespmem:s14+$0x0] =	vst v17  }
0x63: {  	v34 =	vadd.s32 $0x2400, v5;
	v16 =	vld.idx.msk [tilespmem:v31+s2+$0x0], $0xffff;
	[tilespmem:s14+$0xFFFFE3E0] =	vst v30  }
0x64: {  	v35 =	vadd.s32 $0x2400, v4;
	v15 =	vld.idx.msk [tilespmem:v32+s2+$0x0], $0xffff;
	[tilespmem:s14+$0x50] =	vst v36  }
0x65: {  	v37 =	vadd.s32 $0x2C00, v7;
	[tilespmem:s14+$0x30] =	vst v12;
	v12 =	vld.idx.msk [tilespmem:v38+s2+$0x0], $0xffff  }
0x66: {  	[tilespmem:s14+$0x10] =	vst v8;
	v8 =	vadd.s32 $0x2400, v3;
	v9 =	vld.idx.msk [tilespmem:v9+s2+$0x0], $0xffff  }
0x67: {  	[tilespmem:s14+$0x20] =	vst v11;
	v11 =	vadd.s32 $0x2400, v2;
	v10 =	vld.idx.msk [tilespmem:v10+s2+$0x0], $0xffff  }
0x68: {  	v39 =	vadd.s32 $0x2400, v0;
	v13 =	vld.idx.msk [tilespmem:v34+s2+$0x0], $0xffff;
	[tilespmem:s14+$0x170] =	vst v16  }
0x69: {  	v40 =	vadd.s32 $0x2800, v6;
	v14 =	vld.idx.msk [tilespmem:v35+s2+$0x0], $0xffff;
	[tilespmem:s14+$0x40] =	vst v15  }
0x6a: {  	v41 =	vadd.s32 $0x2800, v5;
	v18 =	vld.idx.msk [tilespmem:v37+s2+$0x0], $0xffff;
	[tilespmem:s14+$0xD0] =	vst v12  }
0x6b: {  	v44 =	vadd.s32 $0x2800, v1;
	v8 =	vld.idx.msk [tilespmem:v8+s2+$0x0], $0xffff;
	[tilespmem:s14+$0x60] =	vst v9  }
0x6c: {  	v11 =	vld.idx.msk [tilespmem:v11+s2+$0x0], $0xffff;
	v9 =	vadd.s32 $0x3000, v7;
	[tilespmem:s14+$0x80] =	vst v10  }
0x6d: {  	v10 =	vadd.s32 $0x2800, v4;
	[tilespmem:s14+$0x90] =	vst v13;
	v16 =	vld.idx.msk [tilespmem:v39+s2+$0x0], $0xffff  }
0x6e: {  	v42 =	vadd.s32 $0x2800, v3;
	[tilespmem:s14+$0xA0] =	vst v14;
	v15 =	vld.idx.msk [tilespmem:v40+s2+$0x0], $0xffff  }
0x6f: {  	v43 =	vadd.s32 $0x2800, v2;
	v17 =	vld.idx.msk [tilespmem:v41+s2+$0x0], $0xffff;
	[tilespmem:s14+$0x1F0] =	vst v18  }
0x70: {  	v46 =	vadd.s32 $0x2C00, v5;
	v18 =	vld.idx.msk [tilespmem:v44+s2+$0x0], $0xffff;
	[tilespmem:s14+$0xB0] =	vst v8  }
0x71: {  	v8 =	vadd.s32 $0x2800, v0;
	v9 =	vld.idx.msk [tilespmem:v9+s2+$0x0], $0xffff;
	[tilespmem:s14+$0xC0] =	vst v11  }
0x72: {  	v11 =	vadd.s32 $0x2C00, v6;
	v10 =	vld.idx.msk [tilespmem:v10+s2+$0x0], $0xffff;
	[tilespmem:s14+$0xE0] =	vst v16  }
0x73: {  	v45 =	vadd.s32 $0x3400, v7;
	v13 =	vld.idx.msk [tilespmem:v42+s2+$0x0], $0xffff;
	[tilespmem:s14+$0x100] =	vst v15  }
0x74: {  	v47 =	vadd.s32 $0x2C00, v4;
	v14 =	vld.idx.msk [tilespmem:v43+s2+$0x0], $0xffff;
	[tilespmem:s14+$0x110] =	vst v17  }
0x75: {  	v48 =	vadd.s32 $0x2C00, v3;
	v16 =	vld.idx.msk [tilespmem:v46+s2+$0x0], $0xffff;
	[tilespmem:s14+$0x150] =	vst v18  }
0x76: {  	v8 =	vld.idx.msk [tilespmem:v8+s2+$0x0], $0xffff;
	[tilespmem:s14+$0x270] =	vst v9;
	v9 =	vadd.s32 $0x2C00, v2  }
0x77: {  	v11 =	vld.idx.msk [tilespmem:v11+s2+$0x0], $0xffff;
	[tilespmem:s14+$0x120] =	vst v10;
	v10 =	vadd.s32 $0x2C00, v1  }
0x78: {  	v49 =	vadd.s32 $0x2C00, v0;
	[tilespmem:s14+$0x130] =	vst v13;
	v12 =	vld.idx.msk [tilespmem:v45+s2+$0x0], $0xffff  }
0x79: {  	v51 =	vadd.s32 $0x3000, v6;
	v15 =	vld.idx.msk [tilespmem:v47+s2+$0x0], $0xffff;
	[tilespmem:s14+$0x140] =	vst v14  }
0x7a: {  	v50 =	vadd.s32 $0x3800, v7;
	v17 =	vld.idx.msk [tilespmem:v48+s2+$0x0], $0xffff;
	[tilespmem:s14+$0x190] =	vst v16  }
0x7b: {  	v52 =	vadd.s32 $0x3000, v3;
	[tilespmem:s14+$0x160] =	vst v8;
	v9 =	vld.idx.msk [tilespmem:v9+s2+$0x0], $0xffff  }
0x7c: {  	v8 =	vadd.s32 $0x3000, v5;
	[tilespmem:s14+$0x180] =	vst v11;
	v10 =	vld.idx.msk [tilespmem:v10+s2+$0x0], $0xffff  }
0x7d: {  	v11 =	vadd.s32 $0x3000, v4;
	v13 =	vld.idx.msk [tilespmem:v49+s2+$0x0], $0xffff;
	[tilespmem:s14+$0x2F0] =	vst v12  }
0x7e: {  	v53 =	vadd.s32 $0x3000, v2;
	[tilespmem:s14+$0x1A0] =	vst v15;
	v18 =	vld.idx.msk [tilespmem:v51+s2+$0x0], $0xffff  }
0x7f: {  	v54 =	vadd.s32 $0x3000, v1;
	[tilespmem:s14+$0x1B0] =	vst v17;
	v14 =	vld.idx.msk [tilespmem:v50+s2+$0x0], $0xffff  }
0x80: {  	v7 =	vadd.s32 $0x3C00, v7;
	v12 =	vld.idx.msk [tilespmem:v52+s2+$0x0], $0xffff;
	[tilespmem:s14+$0x1C0] =	vst v9  }
0x81: {  	v57 =	vadd.s32 $0x3400, v3;
	v8 =	vld.idx.msk [tilespmem:v8+s2+$0x0], $0xffff;
	[tilespmem:s14+$0x1D0] =	vst v10  }
0x82: {  	v9 =	vadd.s32 $0x3000, v0;
	v11 =	vld.idx.msk [tilespmem:v11+s2+$0x0], $0xffff;
	[tilespmem:s14+$0x1E0] =	vst v13  }
0x83: {  	v10 =	vadd.s32 $0x3400, v6;
	v16 =	vld.idx.msk [tilespmem:v53+s2+$0x0], $0xffff;
	[tilespmem:s14+$0x200] =	vst v18  }
0x84: {  	v55 =	vadd.s32 $0x3400, v5;
	v15 =	vld.idx.msk [tilespmem:v54+s2+$0x0], $0xffff;
	[tilespmem:s14+$0x370] =	vst v14  }
0x85: {  	v56 =	vadd.s32 $0x3400, v4;
	[tilespmem:s14+$0x230] =	vst v12;
	v7 =	vld.idx.msk [tilespmem:v7+s2+$0x0], $0xffff  }
0x86: {  	v17 =	vld.idx.msk [tilespmem:v57+s2+$0x0], $0xffff;
	[tilespmem:s14+$0x210] =	vst v8;
	v8 =	vadd.s32 $0x3400, v2  }
0x87: {  	v9 =	vld.idx.msk [tilespmem:v9+s2+$0x0], $0xffff;
	[tilespmem:s14+$0x220] =	vst v11;
	v11 =	vadd.s32 $0x3400, v1  }
0x88: {  	v58 =	vadd.s32 $0x3400, v0;
	v10 =	vld.idx.msk [tilespmem:v10+s2+$0x0], $0xffff  }
0x89: {  	v59 =	vadd.s32 $0x3800, v6;
	v13 =	vld.idx.msk [tilespmem:v55+s2+$0x0], $0xffff;
	[tilespmem:s14+$0x240] =	vst v16  }
0x8a: {  	v60 =	vadd.s32 $0x3800, v5;
	v14 =	vld.idx.msk [tilespmem:v56+s2+$0x0], $0xffff;
	[tilespmem:s14+$0x250] =	vst v15  }
0x8b: {  	[tilespmem:s14+$0x3F0] =	vst v7;
	v7 =	vadd.s32 $0x3800, v4;
	v8 =	vld.idx.msk [tilespmem:v8+s2+$0x0], $0xffff  }
0x8c: {  	[tilespmem:s14+$0x260] =	vst v9;
	v9 =	vadd.s32 $0x3800, v3;
	v11 =	vld.idx.msk [tilespmem:v11+s2+$0x0], $0xffff  }
0x8d: {  	[tilespmem:s14+$0x280] =	vst v10;
	v10 =	vadd.s32 $0x3800, v2;
	v12 =	vld.idx.msk [tilespmem:v58+s2+$0x0], $0xffff  }
0x8e: {  	v61 =	vadd.s32 $0x3800, v1;
	[tilespmem:s14+$0x290] =	vst v13;
	v16 =	vld.idx.msk [tilespmem:v59+s2+$0x0], $0xffff  }
0x8f: {  	v62 =	vadd.s32 $0x3800, v0;
	[tilespmem:s14+$0x2A0] =	vst v14;
	v15 =	vld.idx.msk [tilespmem:v60+s2+$0x0], $0xffff  }
0x90: {  	v6 =	vadd.s32 $0x3C00, v6;
	[tilespmem:s14+$0x2B0] =	vst v17;
	v7 =	vld.idx.msk [tilespmem:v7+s2+$0x0], $0xffff  }
0x91: {  	v5 =	vadd.s32 $0x3C00, v5;
	[tilespmem:s14+$0x2C0] =	vst v8;
	v8 =	vld.idx.msk [tilespmem:v9+s2+$0x0], $0xffff  }
0x92: {  	v4 =	vadd.s32 $0x3C00, v4;
	[tilespmem:s14+$0x2D0] =	vst v11;
	v9 =	vld.idx.msk [tilespmem:v10+s2+$0x0], $0xffff  }
0x93: {  	v3 =	vadd.s32 $0x3C00, v3;
	[tilespmem:s14+$0x2E0] =	vst v12;
	v10 =	vld.idx.msk [tilespmem:v61+s2+$0x0], $0xffff  }
0x94: {  	v11 =	vadd.s32 $0x3C00, v2;
	[tilespmem:s14+$0x300] =	vst v16;
	v12 =	vld.idx.msk [tilespmem:v62+s2+$0x0], $0xffff  }
0x95: {  	v1 =	vadd.s32 $0x3C00, v1;
	[tilespmem:s14+$0x310] =	vst v15;
	v6 =	vld.idx.msk [tilespmem:v6+s2+$0x0], $0xffff  }
0x96: {  	v63 =	vadd.s32 $0x3C00, v0;
	v2 =	vld.idx.msk [tilespmem:v5+s2+$0x0], $0xffff;
	[tilespmem:s14+$0x320] =	vst v7  }
0x97: {  	v0 =	vld.idx.msk [tilespmem:v4+s2+$0x0], $0xffff;
	[tilespmem:s14+$0x330] =	vst v8  }
0x98: {  	[tilespmem:s14+$0x340] =	vst v9;
	v3 =	vld.idx.msk [tilespmem:v3+s2+$0x0], $0xffff  }
0x99: {  	[tilespmem:s14+$0x350] =	vst v10;
	v7 =	vld.idx.msk [tilespmem:v11+s2+$0x0], $0xffff  }
0x9a: {  	[tilespmem:s14+$0x360] =	vst v12;
	v8 =	vld.idx.msk [tilespmem:v1+s2+$0x0], $0xffff  }
0x9b: {  	s15 =	simm.s32 $0x0;
	s16 =	simm.s32 $0x100C0;
	[tilespmem:s14+$0x380] =	vst v6;
	v1 =	vld.idx.msk [tilespmem:v63+s2+$0x0], $0xffff  }
.LBB2_2:
0x9c: {  	_ = 	snop  }
0x9d: {  	v6 =	vld [tilespmem:s16+$0x30];
	[tilespmem:s14+$0x390] =	vst v2  }
0x9e: {  	[tilespmem:s14+$0x3A0] =	vst v0;
	v0 =	vld [tilespmem:s16+$0xFFFFFFC0]  }
0x9f: {  	v2 =	vld [tilespmem:s16+$0xFFFFFFD0]  }
0xa0: {  	[tilespmem:s14+$0x3B0] =	vst v3;
	v5 =	vld [tilespmem:s16+$0xFFFFFFE0]  }
0xa1: {  	[tilespmem:s14+$0x3C0] =	vst v7;
	v3 =	vld [tilespmem:s16+$0xFFFFFFF0]  }
0xa2: {  	[tilespmem:s14+$0x3D0] =	vst v8;
	v4 =	vld [tilespmem:s16+$0x0]  }
0xa3: {  	[tilespmem:s14+$0x3E0] =	vst v1;
	v59 =	vld [tilespmem:s16+$0x10]  }
0xa4: {  	v1 =	vld [tilespmem:s16+$0x20];
	_ =	sdelay $0x1  }
0xa5: {  	v17 =	vld.idx.msk [tilespmem:v6+s2+$0x0], $0xffff  }
0xa6: {  	v47 =	vld.idx.msk [tilespmem:v0+s2+$0x0], $0xffff  }
0xa7: {  	v8 =	vadd.s32 $0x2400, v0;
	v18 =	vld.idx.msk [tilespmem:v2+s2+$0x0], $0xffff  }
0xa8: {  	v25 =	vadd.s32 $0x400, v6;
	v7 =	vadd.s32 $0x1C00, v1;
	[tilespmem:$0x1FE00] =	vst v8;
	v23 =	vld.idx.msk [tilespmem:v5+s2+$0x0], $0xffff  }
0xa9: {  	s14 =	sadd.s32 $0x400, s14;
	v53 =	vadd.s32 $0x400, v0;
	[tilespmem:$0x1FDF0] =	vst v7;
	v27 =	vld.idx.msk [tilespmem:v3+s2+$0x0], $0xffff  }
0xaa: {  	v22 =	vadd.s32 $0x400, v2;
	v41 =	vld.idx.msk [tilespmem:v4+s2+$0x0], $0xffff;
	[tilespmem:s14+$0xFFFFE070] =	vst v17  }
0xab: {  	v29 =	vadd.s32 $0x400, v5;
	v43 =	vld.idx.msk [tilespmem:v59+s2+$0x0], $0xffff;
	[tilespmem:s14+$0xFFFFE000] =	vst v47  }
0xac: {  	v31 =	vadd.s32 $0x400, v3;
	v45 =	vld.idx.msk [tilespmem:v1+s2+$0x0], $0xffff;
	[tilespmem:s14+$0xFFFFE010] =	vst v18  }
0xad: {  	v32 =	vadd.s32 $0x400, v4;
	v46 =	vld.idx.msk [tilespmem:v25+s2+$0x0], $0xffff;
	[tilespmem:s14+$0xFFFFE020] =	vst v23  }
0xae: {  	v40 =	vadd.s32 $0x400, v59;
	[tilespmem:s14+$0xFFFFE030] =	vst v27;
	v11 =	vld.idx.msk [tilespmem:v53+s2+$0x0], $0xffff  }
0xaf: {  	[tilespmem:s14+$0xFFFFE040] =	vst v41;
	v48 =	vld.idx.msk [tilespmem:v22+s2+$0x0], $0xffff  }
0xb0: {  	v42 =	vadd.s32 $0x400, v1;
	[tilespmem:s14+$0xFFFFE050] =	vst v43;
	v50 =	vld.idx.msk [tilespmem:v29+s2+$0x0], $0xffff  }
0xb1: {  	v49 =	vadd.s32 $0x800, v6;
	[tilespmem:s14+$0xFFFFE060] =	vst v45;
	v51 =	vld.idx.msk [tilespmem:v31+s2+$0x0], $0xffff  }
0xb2: {  	v12 =	vld.idx.msk [tilespmem:v32+s2+$0x0], $0xffff;
	[tilespmem:s14+$0xFFFFE0F0] =	vst v46  }
0xb3: {  	v44 =	vld.idx.msk [tilespmem:v40+s2+$0x0], $0xffff;
	[tilespmem:s14+$0xFFFFE080] =	vst v11  }
0xb4: {  	[tilespmem:s14+$0xFFFFE090] =	vst v48  }
0xb5: {  	v9 =	vld.idx.msk [tilespmem:v42+s2+$0x0], $0xffff;
	[tilespmem:s14+$0xFFFFE0A0] =	vst v50  }
0xb6: {  	v10 =	vld.idx.msk [tilespmem:v49+s2+$0x0], $0xffff;
	[tilespmem:s14+$0xFFFFE0B0] =	vst v51  }
0xb7: {  	[tilespmem:s14+$0xFFFFE0C0] =	vst v12  }
0xb8: {  	v36 =	vadd.s32 $0x800, v2;
	v11 =	vadd.s32 $0x2800, v4;
	[tilespmem:s14+$0xFFFFE0D0] =	vst v44  }
0xb9: {  	[tilespmem:$0x1FE80] =	vst v11  }
0xba: {  	[tilespmem:s14+$0xFFFFE0E0] =	vst v9  }
0xbb: {  	v13 =	vadd.s32 $0x800, v0;
	v11 =	vadd.s32 $0x2800, v59;
	[tilespmem:s14+$0xFFFFE170] =	vst v10  }
0xbc: {  	v44 =	vadd.s32 $0x2C00, v59;
	[tilespmem:$0x1FE90] =	vst v11  }
0xbd: {  	v8 =	vld.idx.msk [tilespmem:v36+s2+$0x0], $0xffff;
	v36 =	vadd.s32 $0x2400, v5;
	[tilespmem:$0x1FEF0] =	vst v44  }
0xbe: {  	v37 =	vadd.s32 $0x800, v5;
	v44 =	vadd.s32 $0x3000, v2;
	[tilespmem:$0x1FE10] =	vst v36  }
0xbf: {  	v38 =	vadd.s32 $0x800, v3;
	v36 =	vadd.s32 $0x2400, v3;
	[tilespmem:$0x1FF20] =	vst v44  }
0xc0: {  	v39 =	vadd.s32 $0x800, v4;
	v13 =	vld.idx.msk [tilespmem:v13+s2+$0x0], $0xffff;
	v44 =	vadd.s32 $0x3000, v4;
	[tilespmem:$0x1FE20] =	vst v36  }
0xc1: {  	v14 =	vadd.s32 $0x800, v1;
	v36 =	vadd.s32 $0x2400, v59;
	[tilespmem:$0x1FF50] =	vst v44  }
0xc2: {  	v44 =	vadd.s32 $0x3000, v1;
	[tilespmem:$0x1FE30] =	vst v36  }
0xc3: {  	v37 =	vld.idx.msk [tilespmem:v37+s2+$0x0], $0xffff;
	v36 =	vadd.s32 $0x2400, v1;
	[tilespmem:$0x1FF70] =	vst v44  }
0xc4: {  	v12 =	vld.idx.msk [tilespmem:v38+s2+$0x0], $0xffff;
	[tilespmem:$0x1FE40] =	vst v36  }
0xc5: {  	v7 =	vadd.s32 $0xC00, v6;
	v39 =	vld.idx.msk [tilespmem:v39+s2+$0x0], $0xffff;
	v36 =	vadd.s32 $0x2800, v0;
	[tilespmem:s14+$0xFFFFE100] =	vst v13  }
0xc6: {  	v14 =	vld.idx.msk [tilespmem:v14+s2+$0x0], $0xffff;
	[tilespmem:$0x1FE50] =	vst v36  }
0xc7: {  	[tilespmem:s14+$0xFFFFE110] =	vst v8  }
0xc8: {  	[tilespmem:s14+$0xFFFFE120] =	vst v37  }
0xc9: {  	[tilespmem:s14+$0xFFFFE130] =	vst v12  }
0xca: {  	v11 =	vld.idx.msk [tilespmem:v7+s2+$0x0], $0xffff;
	[tilespmem:s14+$0xFFFFE140] =	vst v39  }
0xcb: {  	v36 =	vadd.s32 $0x2800, v2;
	[tilespmem:s14+$0xFFFFE160] =	vst v14  }
0xcc: {  	v8 =	vadd.s32 $0x2C00, v5;
	[tilespmem:$0x1FE60] =	vst v36  }
0xcd: {  	v37 =	vadd.s32 $0x2C00, v4;
	[tilespmem:$0x1FEC0] =	vst v8  }
0xce: {  	[tilespmem:$0x1FEE0] =	vst v37  }
0xcf: {  	v36 =	vadd.s32 $0x2800, v5;
	[tilespmem:s14+$0xFFFFE1F0] =	vst v11  }
0xd0: {  	v8 =	vadd.s32 $0x2C00, v3;
	[tilespmem:$0x1FE70] =	vst v36  }
0xd1: {  	v19 =	vadd.s32 $0xC00, v5;
	v37 =	vadd.s32 $0x3000, v0;
	[tilespmem:$0x1FED0] =	vst v8  }
0xd2: {  	v21 =	vadd.s32 $0xC00, v3;
	v11 =	vadd.s32 $0x3400, v5;
	[tilespmem:$0x1FF10] =	vst v37  }
0xd3: {  	v24 =	vadd.s32 $0xC00, v1;
	v36 =	vadd.s32 $0x2C00, v1;
	[tilespmem:$0x1FFA0] =	vst v11  }
0xd4: {  	v15 =	vadd.s32 $0x800, v59;
	v37 =	vadd.s32 $0x3000, v3;
	[tilespmem:$0x1FF00] =	vst v36  }
0xd5: {  	v20 =	vadd.s32 $0xC00, v2;
	v11 =	vadd.s32 $0x3400, v3;
	[tilespmem:$0x1FF40] =	vst v37  }
0xd6: {  	v12 =	vld.idx.msk [tilespmem:v19+s2+$0x0], $0xffff;
	v36 =	vadd.s32 $0x3000, v5;
	[tilespmem:$0x1FFB0] =	vst v11  }
0xd7: {  	v19 =	vld.idx.msk [tilespmem:v21+s2+$0x0], $0xffff;
	v37 =	vadd.s32 $0x3400, v0;
	[tilespmem:$0x1FF30] =	vst v36  }
0xd8: {  	v16 =	vadd.s32 $0xC00, v0;
	v9 =	vadd.s32 $0x1000, v6;
	v44 =	vld.idx.msk [tilespmem:v24+s2+$0x0], $0xffff;
	v11 =	vadd.s32 $0x3400, v4;
	[tilespmem:$0x1FF80] =	vst v37  }
0xd9: {  	v54 =	vadd.s32 $0x1000, v0;
	v56 =	vadd.s32 $0x1400, v0;
	v8 =	vld.idx.msk [tilespmem:v15+s2+$0x0], $0xffff;
	v36 =	vadd.s32 $0x3000, v59;
	[tilespmem:$0x1FFC0] =	vst v11  }
0xda: {  	v57 =	vadd.s32 $0x1800, v0;
	v61 =	vadd.s32 $0x1C00, v0;
	v30 =	vadd.s32 $0x1000, v5;
	v15 =	vld.idx.msk [tilespmem:v20+s2+$0x0], $0xffff;
	[tilespmem:$0x1FF60] =	vst v36  }
0xdb: {  	v33 =	vadd.s32 $0xC00, v4;
	v28 =	vadd.s32 $0xC00, v59;
	v26 =	vadd.s32 $0x1000, v2;
	[tilespmem:s14+$0xFFFFE1A0] =	vst v12  }
0xdc: {  	v62 =	vadd.s32 $0x1C00, v5;
	v23 =	vadd.s32 $0x1400, v5;
	v53 =	vadd.s32 $0x2000, v5;
	[tilespmem:s14+$0xFFFFE1B0] =	vst v19  }
0xdd: {  	v29 =	vadd.s32 $0x1800, v5;
	v46 =	vadd.s32 $0x2000, v0;
	v7 =	vadd.s32 $0x2C00, v0;
	v9 =	vld.idx.msk [tilespmem:v9+s2+$0x0], $0xffff;
	[tilespmem:s14+$0xFFFFE1E0] =	vst v44  }
0xde: {  	v13 =	vadd.s32 $0x1400, v6;
	v21 =	vadd.s32 $0x3800, v0;
	v20 =	vadd.s32 $0x3C00, v0;
	v11 =	vld.idx.msk [tilespmem:v16+s2+$0x0], $0xffff;
	[tilespmem:s14+$0xFFFFE150] =	vst v8  }
0xdf: {  	v0 =	vadd.s32 $0x3C00, v5;
	v37 =	vadd.s32 $0x3800, v5;
	v8 =	vadd.s32 $0x3400, v59;
	[tilespmem:s14+$0xFFFFE190] =	vst v15;
	v5 =	vld.idx.msk [tilespmem:v30+s2+$0x0], $0xffff  }
0xe0: {  	v35 =	vadd.s32 $0x1000, v1;
	[tilespmem:$0x1FFD0] =	vst v8;
	v8 =	vadd.s32 $0x3400, v1;
	v36 =	vld.idx.msk [tilespmem:v28+s2+$0x0], $0xffff  }
0xe1: {  	v34 =	vadd.s32 $0x1000, v3;
	[tilespmem:$0x1FFE0] =	vst v8;
	v8 =	vld.idx.msk [tilespmem:v33+s2+$0x0], $0xffff  }
0xe2: {  	v18 =	vadd.s32 $0x1000, v59;
	[tilespmem:s14+$0xFFFFE270] =	vst v9;
	v15 =	vld.idx.msk [tilespmem:v26+s2+$0x0], $0xffff  }
0xe3: {  	v17 =	vadd.s32 $0x1400, v2;
	v9 =	vld.idx.msk [tilespmem:v13+s2+$0x0], $0xffff;
	[tilespmem:s14+$0xFFFFE180] =	vst v11  }
0xe4: {  	v52 =	vadd.s32 $0x1000, v4;
	v63 =	vadd.s32 $0x1C00, v4;
	v11 =	vld.idx.msk [tilespmem:v54+s2+$0x0], $0xffff;
	[tilespmem:s14+$0xFFFFE220] =	vst v5  }
0xe5: {  	v25 =	vadd.s32 $0x1400, v4;
	v27 =	vadd.s32 $0x1400, v59;
	v54 =	vadd.s32 $0x1800, v6;
	v5 =	vld.idx.msk [tilespmem:v35+s2+$0x0], $0xffff;
	[tilespmem:s14+$0xFFFFE1D0] =	vst v36  }
0xe6: {  	v41 =	vadd.s32 $0x1800, v4;
	v22 =	vadd.s32 $0x1400, v1;
	v32 =	vadd.s32 $0x1800, v59;
	[tilespmem:s14+$0xFFFFE1C0] =	vst v8;
	v8 =	vld.idx.msk [tilespmem:v34+s2+$0x0], $0xffff  }
0xe7: {  	v40 =	vadd.s32 $0x1C00, v59;
	v42 =	vadd.s32 $0x2000, v59;
	v33 =	vadd.s32 $0x3800, v3;
	[tilespmem:s14+$0xFFFFE210] =	vst v15;
	v18 =	vld.idx.msk [tilespmem:v18+s2+$0x0], $0xffff  }
0xe8: {  	v50 =	vadd.s32 $0x2000, v4;
	v38 =	vadd.s32 $0x2400, v4;
	v19 =	vadd.s32 $0x3C00, v4;
	[tilespmem:$0x1FFF0] =	vst v33;
	v15 =	vld.idx.msk [tilespmem:v17+s2+$0x0], $0xffff  }
0xe9: {  	v28 =	vadd.s32 $0x3800, v59;
	v33 =	vadd.s32 $0x3800, v4;
	v4 =	vadd.s32 $0x3C00, v59;
	[tilespmem:s14+$0xFFFFE2F0] =	vst v9;
	v59 =	vld.idx.msk [tilespmem:v52+s2+$0x0], $0xffff  }
0xea: {  	v9 =	vld.idx.msk [tilespmem:v54+s2+$0x0], $0xffff  }
0xeb: {  	v55 =	vadd.s32 $0x1400, v3;
	[tilespmem:s14+$0xFFFFE200] =	vst v11;
	v52 =	vld [tilespmem:$0x1FE00]  }
0xec: {  	v11 =	vld.idx.msk [tilespmem:v56+s2+$0x0], $0xffff  }
0xed: {  	v56 =	vld [tilespmem:$0x1FE50];
	[tilespmem:s14+$0xFFFFE260] =	vst v5  }
0xee: {  	v26 =	vld.idx.msk [tilespmem:v22+s2+$0x0], $0xffff  }
0xef: {  	[tilespmem:s14+$0xFFFFE230] =	vst v8;
	v8 =	vld.idx.msk [tilespmem:v23+s2+$0x0], $0xffff  }
0xf0: {  	[tilespmem:s14+$0xFFFFE250] =	vst v18;
	v24 =	vld.idx.msk [tilespmem:v55+s2+$0x0], $0xffff  }
0xf1: {  	v5 =	vld.idx.msk [tilespmem:v27+s2+$0x0], $0xffff  }
0xf2: {  	[tilespmem:$0x1FEA0] =	vst v7;
	v23 =	vadd.s32 $0x1C00, v6;
	v55 =	vld [tilespmem:$0x1FE30]  }
0xf3: {  	v58 =	vadd.s32 $0x1800, v2;
	[tilespmem:s14+$0xFFFFE240] =	vst v59;
	v59 =	vld [tilespmem:$0x1FEA0]  }
0xf4: {  	v25 =	vld.idx.msk [tilespmem:v25+s2+$0x0], $0xffff;
	[tilespmem:s14+$0xFFFFE280] =	vst v11  }
0xf5: {  	v11 =	vld.idx.msk [tilespmem:v57+s2+$0x0], $0xffff  }
0xf6: {  	v31 =	vadd.s32 $0x1800, v3;
	[tilespmem:s14+$0xFFFFE370] =	vst v9;
	v57 =	vld [tilespmem:$0x1FE60]  }
0xf7: {  	[tilespmem:s14+$0xFFFFE290] =	vst v15;
	v9 =	vld.idx.msk [tilespmem:v23+s2+$0x0], $0xffff  }
0xf8: {  	[tilespmem:s14+$0xFFFFE2A0] =	vst v8;
	v8 =	vld.idx.msk [tilespmem:v58+s2+$0x0], $0xffff  }
0xf9: {  	v58 =	vld [tilespmem:$0x1FE80]  }
0xfa: {  	[tilespmem:s14+$0xFFFFE2B0] =	vst v24;
	v30 =	vld.idx.msk [tilespmem:v29+s2+$0x0], $0xffff  }
0xfb: {  	v43 =	vadd.s32 $0x1800, v1;
	[tilespmem:s14+$0xFFFFE2D0] =	vst v5;
	v34 =	vld.idx.msk [tilespmem:v31+s2+$0x0], $0xffff  }
0xfc: {  	v27 =	vadd.s32 $0x2000, v6;
	[tilespmem:s14+$0xFFFFE2C0] =	vst v25;
	v35 =	vld.idx.msk [tilespmem:v32+s2+$0x0], $0xffff  }
0xfd: {  	v45 =	vadd.s32 $0x1C00, v2;
	v5 =	vld.idx.msk [tilespmem:v41+s2+$0x0], $0xffff;
	[tilespmem:s14+$0xFFFFE300] =	vst v11  }
0xfe: {  	[tilespmem:s14+$0xFFFFE2E0] =	vst v26;
	v11 =	vld.idx.msk [tilespmem:v61+s2+$0x0], $0xffff  }
0xff: {  	v61 =	vld [tilespmem:$0x1FF00];
	[tilespmem:s14+$0xFFFFE3F0] =	vst v9  }
0x100: {  	v60 =	vadd.s32 $0x1C00, v3;
	[tilespmem:s14+$0xFFFFE310] =	vst v8;
	v8 =	vld.idx.msk [tilespmem:v43+s2+$0x0], $0xffff  }
0x101: {  	v9 =	vld.idx.msk [tilespmem:v27+s2+$0x0], $0xffff  }
0x102: {  	[tilespmem:s14+$0xFFFFE320] =	vst v30;
	v41 =	vld.idx.msk [tilespmem:v45+s2+$0x0], $0xffff  }
0x103: {  	v43 =	vld.idx.msk [tilespmem:v62+s2+$0x0], $0xffff  }
0x104: {  	[tilespmem:s14+$0xFFFFE330] =	vst v34;
	v62 =	vld [tilespmem:$0x1FF60]  }
0x105: {  	[tilespmem:s14+$0xFFFFE340] =	vst v5;
	v5 =	vld.idx.msk [tilespmem:v60+s2+$0x0], $0xffff  }
0x106: {  	v47 =	vadd.s32 $0x2000, v2;
	v60 =	vld [tilespmem:$0x1FED0]  }
0x107: {  	[tilespmem:s14+$0xFFFFE350] =	vst v35;
	v44 =	vld.idx.msk [tilespmem:v63+s2+$0x0], $0xffff  }
0x108: {  	v36 =	vadd.s32 $0x2400, v6;
	[tilespmem:s14+$0xFFFFE380] =	vst v11;
	v11 =	vld [tilespmem:$0x1FDF0]  }
0x109: {  	v46 =	vld.idx.msk [tilespmem:v46+s2+$0x0], $0xffff;
	[tilespmem:s14+$0x70] =	vst v9  }
0x10a: {  	v9 =	vld.idx.msk [tilespmem:v40+s2+$0x0], $0xffff;
	[tilespmem:s14+$0xFFFFE390] =	vst v41  }
0x10b: {  	v48 =	vadd.s32 $0x2000, v3;
	[tilespmem:s14+$0xFFFFE3A0] =	vst v43;
	v47 =	vld.idx.msk [tilespmem:v47+s2+$0x0], $0xffff  }
0x10c: {  	v49 =	vadd.s32 $0x2400, v2;
	[tilespmem:s14+$0xFFFFE3B0] =	vst v5;
	v5 =	vld.idx.msk [tilespmem:v53+s2+$0x0], $0xffff  }
0x10d: {  	[tilespmem:s14+$0xFFFFE360] =	vst v8;
	v8 =	vld.idx.msk [tilespmem:v36+s2+$0x0], $0xffff  }
0x10e: {  	v53 =	vld [tilespmem:$0x1FE10];
	[tilespmem:s14+$0xFFFFE3C0] =	vst v44  }
0x10f: {  	[tilespmem:s14+$0xFFFFE3D0] =	vst v9;
	v9 =	vld.idx.msk [tilespmem:v50+s2+$0x0], $0xffff  }
0x110: {  	v45 =	vadd.s32 $0x2800, v6;
	v48 =	vld.idx.msk [tilespmem:v48+s2+$0x0], $0xffff;
	[tilespmem:s14+$0x10] =	vst v47  }
0x111: {  	[tilespmem:s14+$0x20] =	vst v5;
	v5 =	vld.idx.msk [tilespmem:v49+s2+$0x0], $0xffff  }
0x112: {  	[tilespmem:s14+$0x0] =	vst v46;
	v11 =	vld.idx.msk [tilespmem:v11+s2+$0x0], $0xffff  }
0x113: {  	v51 =	vadd.s32 $0x2000, v1;
	v14 =	vld.idx.msk [tilespmem:v52+s2+$0x0], $0xffff;
	[tilespmem:s14+$0xF0] =	vst v8  }
0x114: {  	[tilespmem:s14+$0x40] =	vst v9;
	v9 =	vld [tilespmem:$0x1FE20]  }
0x115: {  	v8 =	vld.idx.msk [tilespmem:v45+s2+$0x0], $0xffff  }
0x116: {  	v50 =	vadd.s32 $0x2C00, v6;
	[tilespmem:s14+$0x90] =	vst v5;
	v5 =	vld [tilespmem:$0x1FE40]  }
0x117: {  	[tilespmem:s14+$0xFFFFE3E0] =	vst v11;
	v11 =	vld.idx.msk [tilespmem:v42+s2+$0x0], $0xffff  }
0x118: {  	v51 =	vld.idx.msk [tilespmem:v51+s2+$0x0], $0xffff  }
0x119: {  	v15 =	vld.idx.msk [tilespmem:v53+s2+$0x0], $0xffff;
	[tilespmem:s14+$0x80] =	vst v14  }
0x11a: {  	v14 =	vld.idx.msk [tilespmem:v56+s2+$0x0], $0xffff;
	[tilespmem:s14+$0x170] =	vst v8  }
0x11b: {  	[tilespmem:s14+$0x30] =	vst v48;
	v8 =	vld.idx.msk [tilespmem:v50+s2+$0x0], $0xffff  }
0x11c: {  	[tilespmem:s14+$0x50] =	vst v11;
	v9 =	vld.idx.msk [tilespmem:v9+s2+$0x0], $0xffff  }
0x11d: {  	v7 =	vadd.s32 $0x2C00, v2;
	v54 =	vadd.s32 $0x3000, v6;
	v11 =	vld.idx.msk [tilespmem:v38+s2+$0x0], $0xffff;
	[tilespmem:s14+$0x60] =	vst v51  }
0x11e: {  	[tilespmem:$0x1FEB0] =	vst v7;
	v5 =	vld.idx.msk [tilespmem:v5+s2+$0x0], $0xffff  }
0x11f: {  	[tilespmem:s14+$0xA0] =	vst v15;
	v15 =	vld.idx.msk [tilespmem:v57+s2+$0x0], $0xffff  }
0x120: {  	v7 =	vadd.s32 $0x2800, v1;
	v13 =	vld.idx.msk [tilespmem:v55+s2+$0x0], $0xffff;
	[tilespmem:s14+$0x1F0] =	vst v8  }
0x121: {  	[tilespmem:s14+$0xB0] =	vst v9;
	v9 =	vld [tilespmem:$0x1FE70]  }
0x122: {  	v10 =	vadd.s32 $0x2800, v3;
	v8 =	vld.idx.msk [tilespmem:v54+s2+$0x0], $0xffff;
	[tilespmem:s14+$0xC0] =	vst v11  }
0x123: {  	v11 =	vadd.s32 $0x3400, v6;
	[tilespmem:s14+$0xE0] =	vst v5;
	v5 =	vld [tilespmem:$0x1FE90]  }
0x124: {  	v12 =	vld.idx.msk [tilespmem:v58+s2+$0x0], $0xffff  }
0x125: {  	[tilespmem:s14+$0x100] =	vst v14;
	v7 =	vld.idx.msk [tilespmem:v7+s2+$0x0], $0xffff  }
0x126: {  	[tilespmem:s14+$0xD0] =	vst v13;
	v13 =	vld.idx.msk [tilespmem:v59+s2+$0x0], $0xffff  }
0x127: {  	v10 =	vld.idx.msk [tilespmem:v10+s2+$0x0], $0xffff;
	[tilespmem:s14+$0x270] =	vst v8  }
0x128: {  	v8 =	vld.idx.msk [tilespmem:v11+s2+$0x0], $0xffff  }
0x129: {  	v9 =	vld.idx.msk [tilespmem:v9+s2+$0x0], $0xffff  }
0x12a: {  	v11 =	vadd.s32 $0x3800, v6;
	[tilespmem:s14+$0x160] =	vst v7;
	v7 =	vld [tilespmem:$0x1FEF0]  }
0x12b: {  	[tilespmem:s14+$0x140] =	vst v12;
	v5 =	vld.idx.msk [tilespmem:v5+s2+$0x0], $0xffff  }
0x12c: {  	[tilespmem:s14+$0x130] =	vst v10;
	v10 =	vld [tilespmem:$0x1FEC0]  }
0x12d: {  	v12 =	vld.idx.msk [tilespmem:v60+s2+$0x0], $0xffff;
	[tilespmem:s14+$0x2F0] =	vst v8  }
0x12e: {  	[tilespmem:s14+$0x120] =	vst v9;
	v9 =	vld [tilespmem:$0x1FEB0]  }
0x12f: {  	v8 =	vld.idx.msk [tilespmem:v11+s2+$0x0], $0xffff  }
0x130: {  	[tilespmem:s14+$0x150] =	vst v5;
	v5 =	vld [tilespmem:$0x1FEE0]  }
0x131: {  	[tilespmem:s14+$0x180] =	vst v13;
	v13 =	vld.idx.msk [tilespmem:v61+s2+$0x0], $0xffff  }
0x132: {  	v7 =	vld.idx.msk [tilespmem:v7+s2+$0x0], $0xffff  }
0x133: {  	v11 =	vld [tilespmem:$0x1FF30]  }
0x134: {  	[tilespmem:s14+$0x110] =	vst v15;
	v6 =	vadd.s32 $0x3C00, v6;
	v10 =	vld.idx.msk [tilespmem:v10+s2+$0x0], $0xffff  }
0x135: {  	[tilespmem:s14+$0x370] =	vst v8;
	v8 =	vld [tilespmem:$0x1FF70]  }
0x136: {  	v9 =	vld.idx.msk [tilespmem:v9+s2+$0x0], $0xffff  }
0x137: {  	[tilespmem:s14+$0x1D0] =	vst v7;
	v7 =	vld [tilespmem:$0x1FF50]  }
0x138: {  	v5 =	vld.idx.msk [tilespmem:v5+s2+$0x0], $0xffff  }
0x139: {  	v6 =	vld.idx.msk [tilespmem:v6+s2+$0x0], $0xffff  }
0x13a: {  	[tilespmem:s14+$0x1A0] =	vst v10;
	v10 =	vld [tilespmem:$0x1FF20]  }
0x13b: {  	[tilespmem:s14+$0x190] =	vst v9;
	v9 =	vld [tilespmem:$0x1FF10]  }
0x13c: {  	v11 =	vld.idx.msk [tilespmem:v11+s2+$0x0], $0xffff  }
0x13d: {  	[tilespmem:s14+$0x1C0] =	vst v5;
	v5 =	vld [tilespmem:$0x1FF40]  }
0x13e: {  	[tilespmem:s14+$0x3F0] =	vst v6;
	v6 =	vld [tilespmem:$0x1FFD0]  }
0x13f: {  	[tilespmem:s14+$0x1B0] =	vst v12;
	v7 =	vld.idx.msk [tilespmem:v7+s2+$0x0], $0xffff  }
0x140: {  	[tilespmem:s14+$0x1E0] =	vst v13;
	v12 =	vld.idx.msk [tilespmem:v62+s2+$0x0], $0xffff  }
0x141: {  	v8 =	vld.idx.msk [tilespmem:v8+s2+$0x0], $0xffff  }
0x142: {  	v10 =	vld.idx.msk [tilespmem:v10+s2+$0x0], $0xffff  }
0x143: {  	v9 =	vld.idx.msk [tilespmem:v9+s2+$0x0], $0xffff  }
0x144: {  	v39 =	vadd.s32 $0x3400, v2;
	[tilespmem:s14+$0x240] =	vst v7;
	v7 =	vld [tilespmem:$0x1FFB0]  }
0x145: {  	[tilespmem:$0x1FF90] =	vst v39;
	v5 =	vld.idx.msk [tilespmem:v5+s2+$0x0], $0xffff  }
0x146: {  	[tilespmem:s14+$0x220] =	vst v11;
	v11 =	vld [tilespmem:$0x1FFC0]  }
0x147: {  	[tilespmem:s14+$0x210] =	vst v10;
	v10 =	vld [tilespmem:$0x1FF90]  }
0x148: {  	[tilespmem:s14+$0x200] =	vst v9;
	v9 =	vld [tilespmem:$0x1FF80];
	_ =	sdelay $0x1  }
0x149: {  	[tilespmem:s14+$0x230] =	vst v5;
	v5 =	vld [tilespmem:$0x1FFA0]  }
0x14a: {  	[tilespmem:s14+$0x260] =	vst v8;
	v8 =	vld [tilespmem:$0x1FFE0]  }
0x14b: {  	[tilespmem:s14+$0x250] =	vst v12;
	v7 =	vld.idx.msk [tilespmem:v7+s2+$0x0], $0xffff  }
0x14c: {  	v6 =	vld.idx.msk [tilespmem:v6+s2+$0x0], $0xffff  }
0x14d: {  	v11 =	vld.idx.msk [tilespmem:v11+s2+$0x0], $0xffff  }
0x14e: {  	v10 =	vld.idx.msk [tilespmem:v10+s2+$0x0], $0xffff  }
0x14f: {  	v9 =	vld.idx.msk [tilespmem:v9+s2+$0x0], $0xffff  }
0x150: {  	[tilespmem:s14+$0x2B0] =	vst v7;
	v7 =	vld [tilespmem:$0x1FFF0]  }
0x151: {  	v39 =	vadd.s32 $0x3800, v2;
	[tilespmem:s14+$0x2D0] =	vst v6;
	v5 =	vld.idx.msk [tilespmem:v5+s2+$0x0], $0xffff  }
0x152: {  	v6 =	vld.idx.msk [tilespmem:v28+s2+$0x0], $0xffff  }
0x153: {  	v8 =	vld.idx.msk [tilespmem:v8+s2+$0x0], $0xffff;
	[tilespmem:s14+$0x2C0] =	vst v11  }
0x154: {  	v11 =	vld.idx.msk [tilespmem:v33+s2+$0x0], $0xffff;
	[tilespmem:s14+$0x280] =	vst v9  }
0x155: {  	v16 =	vadd.s32 $0x3C00, v2;
	v2 =	vadd.s32 $0x3800, v1;
	[tilespmem:s14+$0x290] =	vst v10;
	v9 =	vld.idx.msk [tilespmem:v21+s2+$0x0], $0xffff  }
0x156: {  	v10 =	vld.idx.msk [tilespmem:v39+s2+$0x0], $0xffff;
	[tilespmem:s14+$0x2A0] =	vst v5  }
0x157: {  	[tilespmem:s14+$0x350] =	vst v6;
	v5 =	vld.idx.msk [tilespmem:v37+s2+$0x0], $0xffff  }
0x158: {  	[tilespmem:s14+$0x2E0] =	vst v8;
	v7 =	vld.idx.msk [tilespmem:v7+s2+$0x0], $0xffff  }
0x159: {  	v8 =	vld.idx.msk [tilespmem:v4+s2+$0x0], $0xffff;
	[tilespmem:s14+$0x340] =	vst v11  }
0x15a: {  	s15 =	sadd.s32 $0x8, s15;
	v3 =	vadd.s32 $0x3C00, v3;
	[tilespmem:s14+$0x300] =	vst v9;
	v9 =	vld.idx.msk [tilespmem:v2+s2+$0x0], $0xffff  }
0x15b: {  	p0 =	slt.u32 s15, $0x38;
	v1 =	vadd.s32 $0x3C00, v1;
	[tilespmem:s14+$0x310] =	vst v10;
	v63 =	vld.idx.msk [tilespmem:v20+s2+$0x0], $0xffff  }
.Ltmp0:
0x15c: {  	v2 =	vld.idx.msk [tilespmem:v16+s2+$0x0], $0xffff;
	[tilespmem:s14+$0x320] =	vst v5;
	(pc) =	sbr.rel @p0 .LBB2_2-.Ltmp0, $4  }
0x15d: {  	[tilespmem:s14+$0x330] =	vst v7;
	v7 =	vld.idx.msk [tilespmem:v19+s2+$0x0], $0xffff  }
0x15e: {  	v0 =	vld.idx.msk [tilespmem:v0+s2+$0x0], $0xffff  }
0x15f: {  	v3 =	vld.idx.msk [tilespmem:v3+s2+$0x0], $0xffff;
	[tilespmem:s14+$0x360] =	vst v9  }
0x160: {  	s16 =	sadd.s32 $0x80, s16;
	[tilespmem:s14+$0x380] =	vst v63;
	v1 =	vld.idx.msk [tilespmem:v1+s2+$0x0], $0xffff  }
0x161: {  	[tilespmem:s14+$0x390] =	vst v2  }
0x162: {  	[tilespmem:s14+$0x3D0] =	vst v8  }
0x163: {  	[tilespmem:s14+$0x3C0] =	vst v7  }
0x164: {  	[tilespmem:s14+$0x3A0] =	vst v0  }
0x165: {  	[tilespmem:s14+$0x3B0] =	vst v3  }
0x166: {  	[tilespmem:s14+$0x3E0] =	vst v1  }
0x167: {  	[hbm4b:s4+s2] =	stream.linear.scatter [tilespmem:s12], [sflag:$0x1], $0x4000, $0x38;
	[tilespmem:$0x14400] =	vst v63  }
0x168: {  	_ =	swait.ge [sflag:s10], $0x4000  }
0x169: {  	[sflag:s10] =	ssyncset.done $0x0  }
0x16a: {  	s31 =	simm.s32 $0x10040;
	[sflag:s10] =	ssyncadd.s32 $0xFFFFC000  }
0x16b: {  	v7 =	vld [tilespmem:s31+$0x30]  }
0x16c: {  	v5 =	vld [tilespmem:s31+$0xFFFFFFD0]  }
0x16d: {  	v4 =	vld [tilespmem:s31+$0xFFFFFFE0]  }
0x16e: {  	v3 =	vld [tilespmem:s31+$0xFFFFFFF0]  }
0x16f: {  	v2 =	vld [tilespmem:s31+$0x0]  }
0x170: {  	v6 =	vld [tilespmem:s31+$0xFFFFFFC0];
	v8 =	vadd.s32 $0x4000, v7  }
0x171: {  	v0 =	vld [tilespmem:s31+$0x10];
	v9 =	vadd.s32 $0x4000, v5  }
0x172: {  	v1 =	vld [tilespmem:s31+$0x20];
	v10 =	vadd.s32 $0x4000, v4  }
0x173: {  	v11 =	vadd.s32 $0x4000, v3  }
0x174: {  	v12 =	vadd.s32 $0x4000, v2  }
0x175: {  	v16 =	vadd.s32 $0x4000, v6;
	v8 =	vld.idx.msk [tilespmem:v8+s2+$0x0], $0xffff  }
0x176: {  	v13 =	vadd.s32 $0x4000, v0;
	v9 =	vld.idx.msk [tilespmem:v9+s2+$0x0], $0xffff  }
0x177: {  	v14 =	vadd.s32 $0x4000, v1;
	v10 =	vld.idx.msk [tilespmem:v10+s2+$0x0], $0xffff  }
0x178: {  	v15 =	vadd.s32 $0x4400, v7;
	v11 =	vld.idx.msk [tilespmem:v11+s2+$0x0], $0xffff  }
0x179: {  	s14 =	simm.s32 $0x12400;
	v17 =	vadd.s32 $0x4400, v5;
	v12 =	vld.idx.msk [tilespmem:v12+s2+$0x0], $0xffff  }
0x17a: {  	v18 =	vadd.s32 $0x4400, v4;
	v16 =	vld.idx.msk [tilespmem:v16+s2+$0x0], $0xffff;
	[tilespmem:s14+$0xFFFFE070] =	vst v8  }
0x17b: {  	v35 =	vadd.s32 $0x4400, v6;
	v13 =	vld.idx.msk [tilespmem:v13+s2+$0x0], $0xffff;
	[tilespmem:s14+$0xFFFFE010] =	vst v9  }
0x17c: {  	v14 =	vld.idx.msk [tilespmem:v14+s2+$0x0], $0xffff;
	v8 =	vadd.s32 $0x4400, v3;
	[tilespmem:s14+$0xFFFFE020] =	vst v10  }
0x17d: {  	v9 =	vadd.s32 $0x4400, v2;
	[tilespmem:s14+$0xFFFFE030] =	vst v11;
	v15 =	vld.idx.msk [tilespmem:v15+s2+$0x0], $0xffff  }
0x17e: {  	v10 =	vadd.s32 $0x4400, v0;
	[tilespmem:s14+$0xFFFFE040] =	vst v12;
	v17 =	vld.idx.msk [tilespmem:v17+s2+$0x0], $0xffff  }
0x17f: {  	v11 =	vadd.s32 $0x4800, v7;
	[tilespmem:s14+$0xFFFFE000] =	vst v16;
	v18 =	vld.idx.msk [tilespmem:v18+s2+$0x0], $0xffff  }
0x180: {  	v38 =	vadd.s32 $0x4800, v4;
	[tilespmem:s14+$0xFFFFE050] =	vst v13;
	v12 =	vld.idx.msk [tilespmem:v35+s2+$0x0], $0xffff  }
0x181: {  	v36 =	vadd.s32 $0x4400, v1;
	[tilespmem:s14+$0xFFFFE060] =	vst v14;
	v8 =	vld.idx.msk [tilespmem:v8+s2+$0x0], $0xffff  }
0x182: {  	v37 =	vadd.s32 $0x4800, v5;
	v9 =	vld.idx.msk [tilespmem:v9+s2+$0x0], $0xffff;
	[tilespmem:s14+$0xFFFFE0F0] =	vst v15  }
0x183: {  	v39 =	vadd.s32 $0x4800, v3;
	v10 =	vld.idx.msk [tilespmem:v10+s2+$0x0], $0xffff;
	[tilespmem:s14+$0xFFFFE090] =	vst v17  }
0x184: {  	v40 =	vadd.s32 $0x4800, v2;
	[tilespmem:s14+$0xFFFFE0A0] =	vst v18;
	v11 =	vld.idx.msk [tilespmem:v11+s2+$0x0], $0xffff  }
0x185: {  	v41 =	vadd.s32 $0x4C00, v7;
	[tilespmem:s14+$0xFFFFE080] =	vst v12;
	v15 =	vld.idx.msk [tilespmem:v38+s2+$0x0], $0xffff  }
0x186: {  	v42 =	vadd.s32 $0x4C00, v4;
	v13 =	vld.idx.msk [tilespmem:v36+s2+$0x0], $0xffff;
	[tilespmem:s14+$0xFFFFE0B0] =	vst v8  }
0x187: {  	v14 =	vld.idx.msk [tilespmem:v37+s2+$0x0], $0xffff;
	v8 =	vadd.s32 $0x4800, v6;
	[tilespmem:s14+$0xFFFFE0C0] =	vst v9  }
0x188: {  	v9 =	vadd.s32 $0x4800, v0;
	[tilespmem:s14+$0xFFFFE0D0] =	vst v10;
	v16 =	vld.idx.msk [tilespmem:v39+s2+$0x0], $0xffff  }
0x189: {  	v10 =	vadd.s32 $0x4800, v1;
	v17 =	vld.idx.msk [tilespmem:v40+s2+$0x0], $0xffff;
	[tilespmem:s14+$0xFFFFE170] =	vst v11  }
0x18a: {  	v11 =	vadd.s32 $0x4C00, v5;
	[tilespmem:s14+$0xFFFFE120] =	vst v15;
	v18 =	vld.idx.msk [tilespmem:v41+s2+$0x0], $0xffff  }
0x18b: {  	v43 =	vadd.s32 $0x4C00, v3;
	[tilespmem:s14+$0xFFFFE0E0] =	vst v13;
	v12 =	vld.idx.msk [tilespmem:v42+s2+$0x0], $0xffff  }
0x18c: {  	v46 =	vadd.s32 $0x4C00, v2;
	[tilespmem:s14+$0xFFFFE110] =	vst v14;
	v8 =	vld.idx.msk [tilespmem:v8+s2+$0x0], $0xffff  }
0x18d: {  	v44 =	vadd.s32 $0x5000, v7;
	v9 =	vld.idx.msk [tilespmem:v9+s2+$0x0], $0xffff;
	[tilespmem:s14+$0xFFFFE130] =	vst v16  }
0x18e: {  	v45 =	vadd.s32 $0x4C00, v6;
	v10 =	vld.idx.msk [tilespmem:v10+s2+$0x0], $0xffff;
	[tilespmem:s14+$0xFFFFE140] =	vst v17  }
0x18f: {  	v47 =	vadd.s32 $0x4C00, v0;
	v11 =	vld.idx.msk [tilespmem:v11+s2+$0x0], $0xffff;
	[tilespmem:s14+$0xFFFFE1F0] =	vst v18  }
0x190: {  	v48 =	vadd.s32 $0x4C00, v1;
	v13 =	vld.idx.msk [tilespmem:v43+s2+$0x0], $0xffff;
	[tilespmem:s14+$0xFFFFE1A0] =	vst v12  }
0x191: {  	v49 =	vadd.s32 $0x5000, v3;
	v16 =	vld.idx.msk [tilespmem:v46+s2+$0x0], $0xffff;
	[tilespmem:s14+$0xFFFFE100] =	vst v8  }
0x192: {  	v14 =	vld.idx.msk [tilespmem:v44+s2+$0x0], $0xffff;
	v8 =	vadd.s32 $0x5000, v5;
	[tilespmem:s14+$0xFFFFE150] =	vst v9  }
0x193: {  	v9 =	vadd.s32 $0x5000, v4;
	[tilespmem:s14+$0xFFFFE160] =	vst v10;
	v15 =	vld.idx.msk [tilespmem:v45+s2+$0x0], $0xffff  }
0x194: {  	v10 =	vadd.s32 $0x5400, v7;
	v17 =	vld.idx.msk [tilespmem:v47+s2+$0x0], $0xffff;
	[tilespmem:s14+$0xFFFFE190] =	vst v11  }
0x195: {  	v18 =	vld.idx.msk [tilespmem:v48+s2+$0x0], $0xffff;
	v11 =	vadd.s32 $0x5000, v6;
	[tilespmem:s14+$0xFFFFE1B0] =	vst v13  }
0x196: {  	v52 =	vadd.s32 $0x5000, v1;
	[tilespmem:s14+$0xFFFFE1C0] =	vst v16;
	v12 =	vld.idx.msk [tilespmem:v49+s2+$0x0], $0xffff  }
0x197: {  	v50 =	vadd.s32 $0x5000, v2;
	[tilespmem:s14+$0xFFFFE270] =	vst v14;
	v8 =	vld.idx.msk [tilespmem:v8+s2+$0x0], $0xffff  }
0x198: {  	v51 =	vadd.s32 $0x5000, v0;
	v9 =	vld.idx.msk [tilespmem:v9+s2+$0x0], $0xffff;
	[tilespmem:s14+$0xFFFFE180] =	vst v15  }
0x199: {  	v53 =	vadd.s32 $0x5400, v5;
	v10 =	vld.idx.msk [tilespmem:v10+s2+$0x0], $0xffff;
	[tilespmem:s14+$0xFFFFE1D0] =	vst v17  }
0x19a: {  	v54 =	vadd.s32 $0x5800, v7;
	[tilespmem:s14+$0xFFFFE1E0] =	vst v18;
	v11 =	vld.idx.msk [tilespmem:v11+s2+$0x0], $0xffff  }
0x19b: {  	v55 =	vadd.s32 $0x5400, v6;
	v15 =	vld.idx.msk [tilespmem:v52+s2+$0x0], $0xffff;
	[tilespmem:s14+$0xFFFFE230] =	vst v12  }
0x19c: {  	v56 =	vadd.s32 $0x5400, v1;
	v13 =	vld.idx.msk [tilespmem:v50+s2+$0x0], $0xffff;
	[tilespmem:s14+$0xFFFFE210] =	vst v8  }
0x19d: {  	v14 =	vld.idx.msk [tilespmem:v51+s2+$0x0], $0xffff;
	v8 =	vadd.s32 $0x5400, v4;
	[tilespmem:s14+$0xFFFFE220] =	vst v9  }
0x19e: {  	v9 =	vadd.s32 $0x5400, v3;
	[tilespmem:s14+$0xFFFFE2F0] =	vst v10;
	v16 =	vld.idx.msk [tilespmem:v53+s2+$0x0], $0xffff  }
0x19f: {  	v10 =	vadd.s32 $0x5400, v2;
	v17 =	vld.idx.msk [tilespmem:v54+s2+$0x0], $0xffff;
	[tilespmem:s14+$0xFFFFE200] =	vst v11  }
0x1a0: {  	v11 =	vadd.s32 $0x5400, v0;
	[tilespmem:s14+$0xFFFFE260] =	vst v15;
	v18 =	vld.idx.msk [tilespmem:v55+s2+$0x0], $0xffff  }
0x1a1: {  	v59 =	vadd.s32 $0x5800, v5;
	[tilespmem:s14+$0xFFFFE240] =	vst v13;
	v12 =	vld.idx.msk [tilespmem:v56+s2+$0x0], $0xffff  }
0x1a2: {  	v57 =	vadd.s32 $0x5C00, v7;
	[tilespmem:s14+$0xFFFFE250] =	vst v14;
	v8 =	vld.idx.msk [tilespmem:v8+s2+$0x0], $0xffff  }
0x1a3: {  	v58 =	vadd.s32 $0x5800, v6;
	v9 =	vld.idx.msk [tilespmem:v9+s2+$0x0], $0xffff;
	[tilespmem:s14+$0xFFFFE290] =	vst v16  }
0x1a4: {  	v60 =	vadd.s32 $0x5800, v4;
	v10 =	vld.idx.msk [tilespmem:v10+s2+$0x0], $0xffff;
	[tilespmem:s14+$0xFFFFE370] =	vst v17  }
0x1a5: {  	v61 =	vadd.s32 $0x5800, v3;
	v11 =	vld.idx.msk [tilespmem:v11+s2+$0x0], $0xffff;
	[tilespmem:s14+$0xFFFFE280] =	vst v18  }
0x1a6: {  	v62 =	vadd.s32 $0x5800, v2;
	v15 =	vld.idx.msk [tilespmem:v59+s2+$0x0], $0xffff;
	[tilespmem:s14+$0xFFFFE2E0] =	vst v12  }
0x1a7: {  	v63 =	vadd.s32 $0x5C00, v5;
	v13 =	vld.idx.msk [tilespmem:v57+s2+$0x0], $0xffff;
	[tilespmem:s14+$0xFFFFE2A0] =	vst v8  }
0x1a8: {  	v14 =	vld.idx.msk [tilespmem:v58+s2+$0x0], $0xffff;
	v8 =	vadd.s32 $0x5800, v0;
	[tilespmem:s14+$0xFFFFE2B0] =	vst v9  }
0x1a9: {  	v9 =	vadd.s32 $0x6000, v7;
	[tilespmem:s14+$0xFFFFE2C0] =	vst v10;
	v16 =	vld.idx.msk [tilespmem:v60+s2+$0x0], $0xffff  }
0x1aa: {  	v10 =	vadd.s32 $0x5800, v1;
	v17 =	vld.idx.msk [tilespmem:v61+s2+$0x0], $0xffff;
	[tilespmem:s14+$0xFFFFE2D0] =	vst v11  }
0x1ab: {  	v18 =	vld.idx.msk [tilespmem:v62+s2+$0x0], $0xffff;
	v11 =	vadd.s32 $0x5C00, v6;
	[tilespmem:s14+$0xFFFFE310] =	vst v15  }
0x1ac: {  	v23 =	vadd.s32 $0x5C00, v2;
	[tilespmem:s14+$0xFFFFE3F0] =	vst v13;
	v12 =	vld.idx.msk [tilespmem:v63+s2+$0x0], $0xffff  }
0x1ad: {  	v21 =	vadd.s32 $0x5C00, v4;
	[tilespmem:s14+$0xFFFFE300] =	vst v14;
	v8 =	vld.idx.msk [tilespmem:v8+s2+$0x0], $0xffff  }
0x1ae: {  	v22 =	vadd.s32 $0x5C00, v3;
	v9 =	vld.idx.msk [tilespmem:v9+s2+$0x0], $0xffff;
	[tilespmem:s14+$0xFFFFE320] =	vst v16  }
0x1af: {  	v24 =	vadd.s32 $0x6400, v7;
	v10 =	vld.idx.msk [tilespmem:v10+s2+$0x0], $0xffff;
	[tilespmem:s14+$0xFFFFE330] =	vst v17  }
0x1b0: {  	v25 =	vadd.s32 $0x5C00, v0;
	[tilespmem:s14+$0xFFFFE340] =	vst v18;
	v11 =	vld.idx.msk [tilespmem:v11+s2+$0x0], $0xffff  }
0x1b1: {  	v26 =	vadd.s32 $0x5C00, v1;
	v15 =	vld.idx.msk [tilespmem:v23+s2+$0x0], $0xffff;
	[tilespmem:s14+$0xFFFFE390] =	vst v12  }
0x1b2: {  	v29 =	vadd.s32 $0x6000, v2;
	v13 =	vld.idx.msk [tilespmem:v21+s2+$0x0], $0xffff;
	[tilespmem:s14+$0xFFFFE350] =	vst v8  }
0x1b3: {  	v14 =	vld.idx.msk [tilespmem:v22+s2+$0x0], $0xffff;
	v8 =	vadd.s32 $0x6000, v6;
	[tilespmem:s14+$0x70] =	vst v9  }
0x1b4: {  	v9 =	vadd.s32 $0x6000, v5;
	[tilespmem:s14+$0xFFFFE360] =	vst v10;
	v16 =	vld.idx.msk [tilespmem:v24+s2+$0x0], $0xffff  }
0x1b5: {  	v10 =	vadd.s32 $0x6000, v4;
	v17 =	vld.idx.msk [tilespmem:v25+s2+$0x0], $0xffff;
	[tilespmem:s14+$0xFFFFE380] =	vst v11  }
0x1b6: {  	v27 =	vld.idx.msk [tilespmem:v26+s2+$0x0], $0xffff;
	v11 =	vadd.s32 $0x6000, v3;
	[tilespmem:s14+$0xFFFFE3C0] =	vst v15  }
0x1b7: {  	v28 =	vadd.s32 $0x6800, v7;
	[tilespmem:s14+$0xFFFFE3A0] =	vst v13;
	v13 =	vld.idx.msk [tilespmem:v29+s2+$0x0], $0xffff  }
0x1b8: {  	v31 =	vadd.s32 $0x6000, v1;
	[tilespmem:s14+$0xFFFFE3B0] =	vst v14;
	v8 =	vld.idx.msk [tilespmem:v8+s2+$0x0], $0xffff  }
0x1b9: {  	v30 =	vadd.s32 $0x6000, v0;
	v9 =	vld.idx.msk [tilespmem:v9+s2+$0x0], $0xffff;
	[tilespmem:s14+$0xF0] =	vst v16  }
0x1ba: {  	v32 =	vadd.s32 $0x6400, v6;
	v10 =	vld.idx.msk [tilespmem:v10+s2+$0x0], $0xffff;
	[tilespmem:s14+$0xFFFFE3D0] =	vst v17  }
0x1bb: {  	v33 =	vadd.s32 $0x6400, v5;
	[tilespmem:s14+$0xFFFFE3E0] =	vst v27;
	v11 =	vld.idx.msk [tilespmem:v11+s2+$0x0], $0xffff  }
0x1bc: {  	v34 =	vadd.s32 $0x6400, v4;
	v18 =	vld.idx.msk [tilespmem:v28+s2+$0x0], $0xffff;
	[tilespmem:s14+$0x40] =	vst v13  }
0x1bd: {  	v35 =	vadd.s32 $0x6C00, v7;
	v15 =	vld.idx.msk [tilespmem:v31+s2+$0x0], $0xffff;
	[tilespmem:s14+$0x0] =	vst v8  }
0x1be: {  	v36 =	vadd.s32 $0x6400, v1;
	v8 =	vld.idx.msk [tilespmem:v30+s2+$0x0], $0xffff;
	[tilespmem:s14+$0x10] =	vst v9  }
0x1bf: {  	v9 =	vadd.s32 $0x6400, v3;
	[tilespmem:s14+$0x20] =	vst v10;
	v16 =	vld.idx.msk [tilespmem:v32+s2+$0x0], $0xffff  }
0x1c0: {  	v10 =	vadd.s32 $0x6400, v2;
	v17 =	vld.idx.msk [tilespmem:v33+s2+$0x0], $0xffff;
	[tilespmem:s14+$0x30] =	vst v11  }
0x1c1: {  	v12 =	vld.idx.msk [tilespmem:v34+s2+$0x0], $0xffff;
	v11 =	vadd.s32 $0x6400, v0;
	[tilespmem:s14+$0x170] =	vst v18  }
0x1c2: {  	v37 =	vadd.s32 $0x6800, v6;
	[tilespmem:s14+$0x60] =	vst v15;
	v14 =	vld.idx.msk [tilespmem:v35+s2+$0x0], $0xffff  }
0x1c3: {  	v39 =	vadd.s32 $0x6800, v4;
	v18 =	vld.idx.msk [tilespmem:v36+s2+$0x0], $0xffff;
	[tilespmem:s14+$0x50] =	vst v8  }
0x1c4: {  	v38 =	vadd.s32 $0x7000, v7;
	v9 =	vld.idx.msk [tilespmem:v9+s2+$0x0], $0xffff;
	[tilespmem:s14+$0x80] =	vst v16  }
0x1c5: {  	v8 =	vadd.s32 $0x6800, v5;
	v10 =	vld.idx.msk [tilespmem:v10+s2+$0x0], $0xffff;
	[tilespmem:s14+$0x90] =	vst v17  }
0x1c6: {  	v40 =	vadd.s32 $0x6800, v3;
	[tilespmem:s14+$0xA0] =	vst v12;
	v11 =	vld.idx.msk [tilespmem:v11+s2+$0x0], $0xffff  }
0x1c7: {  	v41 =	vadd.s32 $0x6800, v2;
	v13 =	vld.idx.msk [tilespmem:v37+s2+$0x0], $0xffff;
	[tilespmem:s14+$0x1F0] =	vst v14  }
0x1c8: {  	v42 =	vadd.s32 $0x6800, v0;
	v16 =	vld.idx.msk [tilespmem:v39+s2+$0x0], $0xffff;
	[tilespmem:s14+$0xE0] =	vst v18  }
0x1c9: {  	v44 =	vadd.s32 $0x6C00, v4;
	v15 =	vld.idx.msk [tilespmem:v38+s2+$0x0], $0xffff;
	[tilespmem:s14+$0xB0] =	vst v9  }
0x1ca: {  	v8 =	vld.idx.msk [tilespmem:v8+s2+$0x0], $0xffff;
	v9 =	vadd.s32 $0x6800, v1;
	[tilespmem:s14+$0xC0] =	vst v10  }
0x1cb: {  	v10 =	vadd.s32 $0x6C00, v6;
	v17 =	vld.idx.msk [tilespmem:v40+s2+$0x0], $0xffff;
	[tilespmem:s14+$0xD0] =	vst v11  }
0x1cc: {  	v43 =	vadd.s32 $0x6C00, v5;
	v12 =	vld.idx.msk [tilespmem:v41+s2+$0x0], $0xffff;
	[tilespmem:s14+$0x100] =	vst v13  }
0x1cd: {  	v11 =	vadd.s32 $0x7400, v7;
	[tilespmem:s14+$0x120] =	vst v16;
	v14 =	vld.idx.msk [tilespmem:v42+s2+$0x0], $0xffff  }
0x1ce: {  	v45 =	vadd.s32 $0x6C00, v2;
	v13 =	vld.idx.msk [tilespmem:v44+s2+$0x0], $0xffff;
	[tilespmem:s14+$0x270] =	vst v15  }
0x1cf: {  	v46 =	vadd.s32 $0x6C00, v0;
	[tilespmem:s14+$0x110] =	vst v8;
	v9 =	vld.idx.msk [tilespmem:v9+s2+$0x0], $0xffff  }
0x1d0: {  	v8 =	vadd.s32 $0x6C00, v3;
	v10 =	vld.idx.msk [tilespmem:v10+s2+$0x0], $0xffff;
	[tilespmem:s14+$0x130] =	vst v17  }
0x1d1: {  	v47 =	vadd.s32 $0x6C00, v1;
	v18 =	vld.idx.msk [tilespmem:v43+s2+$0x0], $0xffff;
	[tilespmem:s14+$0x140] =	vst v12  }
0x1d2: {  	v49 =	vadd.s32 $0x7000, v6;
	v11 =	vld.idx.msk [tilespmem:v11+s2+$0x0], $0xffff;
	[tilespmem:s14+$0x150] =	vst v14  }
0x1d3: {  	v48 =	vadd.s32 $0x7800, v7;
	v15 =	vld.idx.msk [tilespmem:v45+s2+$0x0], $0xffff;
	[tilespmem:s14+$0x1A0] =	vst v13  }
0x1d4: {  	v50 =	vadd.s32 $0x7000, v2;
	v16 =	vld.idx.msk [tilespmem:v46+s2+$0x0], $0xffff;
	[tilespmem:s14+$0x160] =	vst v9  }
0x1d5: {  	v8 =	vld.idx.msk [tilespmem:v8+s2+$0x0], $0xffff;
	v9 =	vadd.s32 $0x7000, v5;
	[tilespmem:s14+$0x180] =	vst v10  }
0x1d6: {  	v10 =	vadd.s32 $0x7000, v4;
	v17 =	vld.idx.msk [tilespmem:v47+s2+$0x0], $0xffff;
	[tilespmem:s14+$0x190] =	vst v18  }
0x1d7: {  	v51 =	vadd.s32 $0x7000, v0;
	v14 =	vld.idx.msk [tilespmem:v49+s2+$0x0], $0xffff;
	[tilespmem:s14+$0x2F0] =	vst v11  }
0x1d8: {  	v11 =	vadd.s32 $0x7000, v3;
	[tilespmem:s14+$0x1C0] =	vst v15;
	v12 =	vld.idx.msk [tilespmem:v48+s2+$0x0], $0xffff  }
0x1d9: {  	v52 =	vadd.s32 $0x7400, v6;
	v54 =	vld.idx.msk [tilespmem:v50+s2+$0x0], $0xffff;
	[tilespmem:s14+$0x1D0] =	vst v16  }
0x1da: {  	v7 =	vadd.s32 $0x7C00, v7;
	[tilespmem:s14+$0x1B0] =	vst v8;
	v8 =	vld.idx.msk [tilespmem:v9+s2+$0x0], $0xffff  }
0x1db: {  	v9 =	vadd.s32 $0x7000, v1;
	v10 =	vld.idx.msk [tilespmem:v10+s2+$0x0], $0xffff;
	[tilespmem:s14+$0x1E0] =	vst v17  }
0x1dc: {  	v53 =	vadd.s32 $0x7400, v5;
	v13 =	vld.idx.msk [tilespmem:v51+s2+$0x0], $0xffff;
	[tilespmem:s14+$0x200] =	vst v14  }
0x1dd: {  	v55 =	vadd.s32 $0x7400, v4;
	v11 =	vld.idx.msk [tilespmem:v11+s2+$0x0], $0xffff;
	[tilespmem:s14+$0x370] =	vst v12  }
0x1de: {  	v56 =	vadd.s32 $0x7400, v3;
	v15 =	vld.idx.msk [tilespmem:v52+s2+$0x0], $0xffff;
	[tilespmem:s14+$0x240] =	vst v54  }
0x1df: {  	v57 =	vadd.s32 $0x7800, v6;
	v7 =	vld.idx.msk [tilespmem:v7+s2+$0x0], $0xffff;
	[tilespmem:s14+$0x210] =	vst v8  }
0x1e0: {  	v8 =	vadd.s32 $0x7400, v2;
	v9 =	vld.idx.msk [tilespmem:v9+s2+$0x0], $0xffff;
	[tilespmem:s14+$0x220] =	vst v10  }
0x1e1: {  	v10 =	vadd.s32 $0x7400, v0;
	[tilespmem:s14+$0x250] =	vst v13;
	v16 =	vld.idx.msk [tilespmem:v53+s2+$0x0], $0xffff  }
0x1e2: {  	v12 =	vld.idx.msk [tilespmem:v55+s2+$0x0], $0xffff;
	[tilespmem:s14+$0x230] =	vst v11;
	v11 =	vadd.s32 $0x7400, v1  }
0x1e3: {  	v58 =	vadd.s32 $0x7800, v5;
	[tilespmem:s14+$0x280] =	vst v15;
	v14 =	vld.idx.msk [tilespmem:v56+s2+$0x0], $0xffff  }
0x1e4: {  	v17 =	vld.idx.msk [tilespmem:v57+s2+$0x0], $0xffff;
	[tilespmem:s14+$0x3F0] =	vst v7;
	v7 =	vadd.s32 $0x7800, v4  }
0x1e5: {  	v8 =	vld.idx.msk [tilespmem:v8+s2+$0x0], $0xffff;
	[tilespmem:s14+$0x260] =	vst v9;
	v9 =	vadd.s32 $0x7800, v3  }
0x1e6: {  	v59 =	vadd.s32 $0x7800, v2;
	v10 =	vld.idx.msk [tilespmem:v10+s2+$0x0], $0xffff;
	[tilespmem:s14+$0x290] =	vst v16  }
0x1e7: {  	v60 =	vadd.s32 $0x7800, v0;
	[tilespmem:s14+$0x2A0] =	vst v12;
	v11 =	vld.idx.msk [tilespmem:v11+s2+$0x0], $0xffff  }
0x1e8: {  	v6 =	vadd.s32 $0x7C00, v6;
	v13 =	vld.idx.msk [tilespmem:v58+s2+$0x0], $0xffff;
	[tilespmem:s14+$0x2B0] =	vst v14  }
0x1e9: {  	v61 =	vadd.s32 $0x7800, v1;
	[tilespmem:s14+$0x300] =	vst v17;
	v7 =	vld.idx.msk [tilespmem:v7+s2+$0x0], $0xffff  }
0x1ea: {  	v5 =	vadd.s32 $0x7C00, v5;
	[tilespmem:s14+$0x2C0] =	vst v8;
	v9 =	vld.idx.msk [tilespmem:v9+s2+$0x0], $0xffff  }
0x1eb: {  	v4 =	vadd.s32 $0x7C00, v4;
	[tilespmem:s14+$0x2D0] =	vst v10;
	v10 =	vld.idx.msk [tilespmem:v59+s2+$0x0], $0xffff  }
0x1ec: {  	v62 =	vld.idx.msk [tilespmem:v60+s2+$0x0], $0xffff;
	[tilespmem:s14+$0x2E0] =	vst v11;
	v11 =	vadd.s32 $0x7C00, v3  }
0x1ed: {  	v63 =	vadd.s32 $0x7C00, v2;
	v3 =	vld.idx.msk [tilespmem:v6+s2+$0x0], $0xffff  }
0x1ee: {  	[tilespmem:s14+$0x310] =	vst v13;
	v8 =	vld.idx.msk [tilespmem:v61+s2+$0x0], $0xffff  }
0x1ef: {  	v6 =	vld.idx.msk [tilespmem:v5+s2+$0x0], $0xffff;
	[tilespmem:s14+$0x320] =	vst v7  }
0x1f0: {  	[tilespmem:s14+$0x330] =	vst v9;
	v7 =	vld.idx.msk [tilespmem:v4+s2+$0x0], $0xffff  }
0x1f1: {  	[tilespmem:s14+$0x340] =	vst v10;
	v9 =	vld.idx.msk [tilespmem:v11+s2+$0x0], $0xffff  }
0x1f2: {  	s15 =	simm.s32 $0x0;
	s16 =	simm.s32 $0x100C0;
	v2 =	vadd.s32 $0x7C00, v0;
	v0 =	vadd.s32 $0x7C00, v1;
	[tilespmem:s14+$0x350] =	vst v62;
	v10 =	vld.idx.msk [tilespmem:v63+s2+$0x0], $0xffff  }
.LBB2_4:
0x1f3: {  	v1 =	vld [tilespmem:s16+$0x30]  }
0x1f4: {  	v4 =	vld [tilespmem:s16+$0xFFFFFFD0]  }
0x1f5: {  	v5 =	vld [tilespmem:s16+$0xFFFFFFE0]  }
0x1f6: {  	v47 =	vld [tilespmem:s16+$0xFFFFFFF0]  }
0x1f7: {  	v48 =	vld [tilespmem:s16+$0x0];
	[tilespmem:s14+$0x360] =	vst v8  }
0x1f8: {  	v51 =	vld [tilespmem:s16+$0x10];
	[tilespmem:s14+$0x380] =	vst v3  }
0x1f9: {  	v11 =	vld.idx.msk [tilespmem:v2+s2+$0x0], $0xffff;
	[tilespmem:s14+$0x390] =	vst v6  }
0x1fa: {  	[tilespmem:s14+$0x3A0] =	vst v7;
	v6 =	vadd.s32 $0x4000, v1;
	v55 =	vld [tilespmem:s16+$0x20]  }
0x1fb: {  	[tilespmem:s14+$0x3B0] =	vst v9;
	v7 =	vadd.s32 $0x4000, v4;
	v9 =	vld [tilespmem:s16+$0xFFFFFFC0]  }
0x1fc: {  	v8 =	vadd.s32 $0x4000, v5;
	v14 =	vld.idx.msk [tilespmem:v0+s2+$0x0], $0xffff  }
0x1fd: {  	[tilespmem:s14+$0x3C0] =	vst v10;
	v10 =	vadd.s32 $0x4000, v47  }
0x1fe: {  	v12 =	vadd.s32 $0x4000, v48  }
0x1ff: {  	v13 =	vadd.s32 $0x4000, v51;
	[tilespmem:s14+$0x3D0] =	vst v11;
	v0 =	vadd.s32 $0x6000, v4;
	v15 =	vld.idx.msk [tilespmem:v6+s2+$0x0], $0xffff  }
0x200: {  	[tilespmem:$0x1FC00] =	vst v0;
	v17 =	vld.idx.msk [tilespmem:v7+s2+$0x0], $0xffff;
	v18 =	vadd.s32 $0x4000, v55  }
0x201: {  	v22 =	vadd.s32 $0x4000, v9;
	v23 =	vld.idx.msk [tilespmem:v8+s2+$0x0], $0xffff;
	[tilespmem:s14+$0x3E0] =	vst v14;
	v2 =	vadd.s32 $0x6400, v9  }
0x202: {  	v24 =	vadd.s32 $0x4400, v1;
	v27 =	vld.idx.msk [tilespmem:v10+s2+$0x0], $0xffff;
	[tilespmem:$0x1FC10] =	vst v2;
	v2 =	vadd.s32 $0x6400, v4  }
0x203: {  	v21 =	vadd.s32 $0x4400, v4;
	v28 =	vld.idx.msk [tilespmem:v12+s2+$0x0], $0xffff;
	s14 =	sadd.s32 $0x400, s14;
	[tilespmem:$0x1FC20] =	vst v2  }
0x204: {  	v25 =	vadd.s32 $0x4400, v5;
	v34 =	vld.idx.msk [tilespmem:v13+s2+$0x0], $0xffff;
	[tilespmem:s14+$0xFFFFE070] =	vst v15  }
0x205: {  	v29 =	vadd.s32 $0x4400, v47;
	v36 =	vld.idx.msk [tilespmem:v18+s2+$0x0], $0xffff;
	[tilespmem:s14+$0xFFFFE010] =	vst v17  }
0x206: {  	v32 =	vadd.s32 $0x4400, v48;
	v45 =	vld.idx.msk [tilespmem:v22+s2+$0x0], $0xffff;
	[tilespmem:s14+$0xFFFFE020] =	vst v23  }
0x207: {  	v35 =	vadd.s32 $0x4400, v51;
	[tilespmem:s14+$0xFFFFE030] =	vst v27;
	v44 =	vld.idx.msk [tilespmem:v24+s2+$0x0], $0xffff  }
0x208: {  	[tilespmem:s14+$0xFFFFE040] =	vst v28;
	v46 =	vld.idx.msk [tilespmem:v21+s2+$0x0], $0xffff  }
0x209: {  	[tilespmem:s14+$0xFFFFE050] =	vst v34;
	v50 =	vld.idx.msk [tilespmem:v25+s2+$0x0], $0xffff  }
0x20a: {  	v52 =	vld.idx.msk [tilespmem:v29+s2+$0x0], $0xffff;
	[tilespmem:s14+$0xFFFFE060] =	vst v36  }
0x20b: {  	v43 =	vadd.s32 $0x4400, v9;
	v38 =	vld.idx.msk [tilespmem:v32+s2+$0x0], $0xffff;
	[tilespmem:s14+$0xFFFFE000] =	vst v45  }
0x20c: {  	v42 =	vadd.s32 $0x4400, v55;
	v7 =	vld.idx.msk [tilespmem:v35+s2+$0x0], $0xffff;
	[tilespmem:s14+$0xFFFFE0F0] =	vst v44  }
0x20d: {  	v49 =	vadd.s32 $0x4800, v1;
	[tilespmem:s14+$0xFFFFE090] =	vst v46  }
0x20e: {  	[tilespmem:s14+$0xFFFFE0A0] =	vst v50  }
0x20f: {  	v53 =	vadd.s32 $0x4800, v4;
	[tilespmem:s14+$0xFFFFE0B0] =	vst v52  }
0x210: {  	v39 =	vadd.s32 $0x4800, v5;
	v3 =	vld.idx.msk [tilespmem:v43+s2+$0x0], $0xffff;
	[tilespmem:s14+$0xFFFFE0C0] =	vst v38  }
0x211: {  	v40 =	vadd.s32 $0x4800, v47;
	v6 =	vld.idx.msk [tilespmem:v42+s2+$0x0], $0xffff;
	[tilespmem:s14+$0xFFFFE0D0] =	vst v7;
	v7 =	vadd.s32 $0x6400, v51  }
0x212: {  	v10 =	vld.idx.msk [tilespmem:v49+s2+$0x0], $0xffff;
	[tilespmem:$0x1FC30] =	vst v7;
	v7 =	vadd.s32 $0x6800, v9  }
0x213: {  	[tilespmem:$0x1FC40] =	vst v7;
	v7 =	vadd.s32 $0x6800, v4  }
0x214: {  	v8 =	vld.idx.msk [tilespmem:v53+s2+$0x0], $0xffff;
	[tilespmem:$0x1FC50] =	vst v7  }
0x215: {  	v2 =	vld.idx.msk [tilespmem:v39+s2+$0x0], $0xffff;
	[tilespmem:s14+$0xFFFFE080] =	vst v3  }
0x216: {  	v11 =	vld.idx.msk [tilespmem:v40+s2+$0x0], $0xffff;
	[tilespmem:s14+$0xFFFFE0E0] =	vst v6  }
0x217: {  	v6 =	vadd.s32 $0x6800, v55;
	[tilespmem:s14+$0xFFFFE170] =	vst v10  }
0x218: {  	[tilespmem:$0x1FC90] =	vst v6  }
0x219: {  	v41 =	vadd.s32 $0x4800, v48;
	[tilespmem:s14+$0xFFFFE110] =	vst v8  }
0x21a: {  	[tilespmem:s14+$0xFFFFE120] =	vst v2  }
0x21b: {  	v10 =	vadd.s32 $0x6800, v47;
	[tilespmem:s14+$0xFFFFE130] =	vst v11  }
0x21c: {  	v6 =	vadd.s32 $0x6C00, v4;
	[tilespmem:$0x1FC60] =	vst v10  }
0x21d: {  	v2 =	vadd.s32 $0x6C00, v47;
	[tilespmem:$0x1FCB0] =	vst v6  }
0x21e: {  	v16 =	vadd.s32 $0x4800, v9;
	v7 =	vld.idx.msk [tilespmem:v41+s2+$0x0], $0xffff;
	v11 =	vadd.s32 $0x6C00, v55;
	[tilespmem:$0x1FCD0] =	vst v2  }
0x21f: {  	v0 =	vadd.s32 $0x4C00, v1;
	v10 =	vadd.s32 $0x6800, v48;
	[tilespmem:$0x1FD00] =	vst v11  }
0x220: {  	v20 =	vadd.s32 $0x4C00, v5;
	v6 =	vadd.s32 $0x6C00, v5;
	[tilespmem:$0x1FC70] =	vst v10  }
0x221: {  	v2 =	vadd.s32 $0x6C00, v48;
	[tilespmem:$0x1FCC0] =	vst v6  }
0x222: {  	[tilespmem:$0x1FCE0] =	vst v2  }
0x223: {  	v26 =	vadd.s32 $0x4800, v51;
	v10 =	vld.idx.msk [tilespmem:v16+s2+$0x0], $0xffff;
	v16 =	vadd.s32 $0x6C00, v9;
	[tilespmem:s14+$0xFFFFE140] =	vst v7  }
0x224: {  	v0 =	vld.idx.msk [tilespmem:v0+s2+$0x0], $0xffff;
	v2 =	vadd.s32 $0x6C00, v51;
	[tilespmem:$0x1FCA0] =	vst v16  }
0x225: {  	v30 =	vadd.s32 $0x4800, v55;
	v11 =	vld.idx.msk [tilespmem:v20+s2+$0x0], $0xffff;
	v7 =	vadd.s32 $0x7000, v48;
	[tilespmem:$0x1FCF0] =	vst v2  }
0x226: {  	v16 =	vadd.s32 $0x6800, v51;
	[tilespmem:$0x1FD50] =	vst v7  }
0x227: {  	v19 =	vadd.s32 $0x4C00, v4;
	v7 =	vadd.s32 $0x7400, v9;
	[tilespmem:$0x1FC80] =	vst v16  }
0x228: {  	v31 =	vadd.s32 $0x4C00, v47;
	v6 =	vld.idx.msk [tilespmem:v26+s2+$0x0], $0xffff;
	[tilespmem:$0x1FD80] =	vst v7  }
0x229: {  	[tilespmem:s14+$0xFFFFE1F0] =	vst v0  }
0x22a: {  	v8 =	vadd.s32 $0x5000, v1;
	v2 =	vld.idx.msk [tilespmem:v30+s2+$0x0], $0xffff;
	[tilespmem:s14+$0xFFFFE1A0] =	vst v11  }
0x22b: {  	v12 =	vadd.s32 $0x4C00, v48;
	v0 =	vadd.s32 $0x7400, v4;
	[tilespmem:s14+$0xFFFFE100] =	vst v10  }
0x22c: {  	v33 =	vadd.s32 $0x4C00, v9;
	v16 =	vld.idx.msk [tilespmem:v19+s2+$0x0], $0xffff;
	[tilespmem:$0x1FD90] =	vst v0  }
0x22d: {  	v13 =	vadd.s32 $0x4C00, v51;
	v7 =	vld.idx.msk [tilespmem:v31+s2+$0x0], $0xffff;
	v0 =	vadd.s32 $0x7400, v5;
	[tilespmem:s14+$0xFFFFE150] =	vst v6  }
0x22e: {  	v37 =	vadd.s32 $0x4C00, v55;
	[tilespmem:$0x1FDA0] =	vst v0  }
0x22f: {  	v54 =	vadd.s32 $0x5000, v5;
	v8 =	vld.idx.msk [tilespmem:v8+s2+$0x0], $0xffff;
	v0 =	vadd.s32 $0x7400, v47;
	[tilespmem:s14+$0xFFFFE160] =	vst v2  }
0x230: {  	v14 =	vadd.s32 $0x5000, v4;
	v6 =	vld.idx.msk [tilespmem:v12+s2+$0x0], $0xffff;
	[tilespmem:$0x1FDB0] =	vst v0  }
0x231: {  	v56 =	vadd.s32 $0x5000, v47;
	v10 =	vld.idx.msk [tilespmem:v33+s2+$0x0], $0xffff;
	[tilespmem:s14+$0xFFFFE190] =	vst v16  }
0x232: {  	v58 =	vadd.s32 $0x5000, v9;
	v13 =	vld.idx.msk [tilespmem:v13+s2+$0x0], $0xffff;
	v0 =	vadd.s32 $0x7400, v48;
	[tilespmem:s14+$0xFFFFE1B0] =	vst v7  }
0x233: {  	v57 =	vadd.s32 $0x5000, v55;
	v12 =	vadd.s32 $0x5400, v1;
	v11 =	vld.idx.msk [tilespmem:v37+s2+$0x0], $0xffff;
	[tilespmem:$0x1FDC0] =	vst v0;
	v0 =	vadd.s32 $0x7400, v51  }
0x234: {  	v15 =	vadd.s32 $0x5000, v48;
	v18 =	vadd.s32 $0x5000, v51;
	v7 =	vld.idx.msk [tilespmem:v54+s2+$0x0], $0xffff;
	[tilespmem:$0x1FDD0] =	vst v0;
	v0 =	vadd.s32 $0x7800, v5  }
0x235: {  	v25 =	vadd.s32 $0x5400, v55;
	v36 =	vadd.s32 $0x5800, v55;
	v43 =	vadd.s32 $0x5C00, v55;
	v14 =	vld.idx.msk [tilespmem:v14+s2+$0x0], $0xffff;
	[tilespmem:$0x1FDE0] =	vst v0  }
0x236: {  	v53 =	vadd.s32 $0x6000, v55;
	v41 =	vadd.s32 $0x6400, v55;
	v20 =	vadd.s32 $0x7800, v55;
	[tilespmem:s14+$0xFFFFE1C0] =	vst v6;
	v6 =	vld.idx.msk [tilespmem:v56+s2+$0x0], $0xffff  }
0x237: {  	v31 =	vadd.s32 $0x7000, v55;
	v33 =	vadd.s32 $0x7400, v55;
	v0 =	vadd.s32 $0x7C00, v55;
	[tilespmem:s14+$0xFFFFE270] =	vst v8;
	v55 =	vld [tilespmem:$0x1FC30]  }
0x238: {  	[tilespmem:s14+$0xFFFFE180] =	vst v10;
	v8 =	vld.idx.msk [tilespmem:v12+s2+$0x0], $0xffff  }
0x239: {  	v17 =	vadd.s32 $0x5400, v4;
	v10 =	vld.idx.msk [tilespmem:v58+s2+$0x0], $0xffff  }
0x23a: {  	v23 =	vadd.s32 $0x5400, v5;
	[tilespmem:s14+$0xFFFFE1D0] =	vst v13;
	v58 =	vld.idx.msk [tilespmem:v15+s2+$0x0], $0xffff  }
0x23b: {  	v24 =	vadd.s32 $0x5400, v47;
	[tilespmem:s14+$0xFFFFE1E0] =	vst v11;
	v11 =	vld.idx.msk [tilespmem:v18+s2+$0x0], $0xffff  }
0x23c: {  	v56 =	vadd.s32 $0x5800, v1;
	[tilespmem:s14+$0xFFFFE220] =	vst v7;
	v7 =	vld.idx.msk [tilespmem:v57+s2+$0x0], $0xffff  }
0x23d: {  	[tilespmem:s14+$0xFFFFE210] =	vst v14;
	v57 =	vld [tilespmem:$0x1FC50]  }
0x23e: {  	v14 =	vld.idx.msk [tilespmem:v17+s2+$0x0], $0xffff  }
0x23f: {  	v22 =	vadd.s32 $0x5400, v9;
	[tilespmem:s14+$0xFFFFE230] =	vst v6;
	v6 =	vld.idx.msk [tilespmem:v23+s2+$0x0], $0xffff  }
0x240: {  	v27 =	vadd.s32 $0x5400, v48;
	[tilespmem:s14+$0xFFFFE2F0] =	vst v8;
	v24 =	vld.idx.msk [tilespmem:v24+s2+$0x0], $0xffff  }
0x241: {  	v21 =	vadd.s32 $0x5400, v51;
	v8 =	vld.idx.msk [tilespmem:v56+s2+$0x0], $0xffff  }
0x242: {  	[tilespmem:s14+$0xFFFFE200] =	vst v10;
	v56 =	vld [tilespmem:$0x1FC40]  }
0x243: {  	v28 =	vadd.s32 $0x5800, v4;
	v30 =	vadd.s32 $0x7000, v9;
	[tilespmem:s14+$0xFFFFE240] =	vst v58;
	v58 =	vld [tilespmem:$0x1FC90]  }
0x244: {  	v60 =	vadd.s32 $0x5800, v5;
	[tilespmem:$0x1FD10] =	vst v30;
	v10 =	vld.idx.msk [tilespmem:v22+s2+$0x0], $0xffff  }
0x245: {  	[tilespmem:s14+$0xFFFFE250] =	vst v11;
	v11 =	vld.idx.msk [tilespmem:v27+s2+$0x0], $0xffff  }
0x246: {  	v23 =	vadd.s32 $0x5C00, v1;
	[tilespmem:s14+$0xFFFFE260] =	vst v7;
	v7 =	vld.idx.msk [tilespmem:v21+s2+$0x0], $0xffff  }
0x247: {  	v61 =	vadd.s32 $0x5800, v47;
	[tilespmem:s14+$0xFFFFE290] =	vst v14;
	v25 =	vld.idx.msk [tilespmem:v25+s2+$0x0], $0xffff  }
0x248: {  	v29 =	vadd.s32 $0x5800, v48;
	v30 =	vadd.s32 $0x7000, v5;
	[tilespmem:s14+$0xFFFFE2A0] =	vst v6;
	v6 =	vld.idx.msk [tilespmem:v28+s2+$0x0], $0xffff  }
0x249: {  	[tilespmem:$0x1FD30] =	vst v30;
	v28 =	vld.idx.msk [tilespmem:v60+s2+$0x0], $0xffff  }
0x24a: {  	v59 =	vadd.s32 $0x5800, v9;
	v60 =	vld [tilespmem:$0x1FCF0];
	[tilespmem:s14+$0xFFFFE370] =	vst v8  }
0x24b: {  	v32 =	vadd.s32 $0x5800, v51;
	[tilespmem:s14+$0xFFFFE2B0] =	vst v24;
	v8 =	vld.idx.msk [tilespmem:v23+s2+$0x0], $0xffff  }
0x24c: {  	v63 =	vadd.s32 $0x5C00, v5;
	[tilespmem:s14+$0xFFFFE2C0] =	vst v11;
	v11 =	vld.idx.msk [tilespmem:v61+s2+$0x0], $0xffff  }
0x24d: {  	v35 =	vadd.s32 $0x5C00, v47;
	[tilespmem:s14+$0xFFFFE2D0] =	vst v7;
	v7 =	vld.idx.msk [tilespmem:v29+s2+$0x0], $0xffff  }
0x24e: {  	[tilespmem:s14+$0xFFFFE280] =	vst v10;
	v61 =	vld [tilespmem:$0x1FD00]  }
0x24f: {  	v62 =	vadd.s32 $0x5C00, v4;
	v10 =	vld.idx.msk [tilespmem:v59+s2+$0x0], $0xffff;
	[tilespmem:s14+$0xFFFFE2E0] =	vst v25  }
0x250: {  	v27 =	vadd.s32 $0x6000, v1;
	v32 =	vld.idx.msk [tilespmem:v32+s2+$0x0], $0xffff;
	[tilespmem:s14+$0xFFFFE320] =	vst v28  }
0x251: {  	[tilespmem:s14+$0xFFFFE330] =	vst v11;
	v11 =	vld.idx.msk [tilespmem:v63+s2+$0x0], $0xffff  }
0x252: {  	v46 =	vadd.s32 $0x6000, v5;
	[tilespmem:s14+$0xFFFFE340] =	vst v7;
	v7 =	vld.idx.msk [tilespmem:v35+s2+$0x0], $0xffff  }
0x253: {  	v34 =	vadd.s32 $0x5C00, v9;
	[tilespmem:s14+$0xFFFFE310] =	vst v6;
	v6 =	vld.idx.msk [tilespmem:v36+s2+$0x0], $0xffff  }
0x254: {  	v37 =	vld.idx.msk [tilespmem:v62+s2+$0x0], $0xffff;
	[tilespmem:s14+$0xFFFFE3F0] =	vst v8  }
0x255: {  	v44 =	vadd.s32 $0x5C00, v48;
	[tilespmem:s14+$0xFFFFE300] =	vst v10;
	v8 =	vld.idx.msk [tilespmem:v27+s2+$0x0], $0xffff  }
0x256: {  	v45 =	vadd.s32 $0x5C00, v51;
	[tilespmem:s14+$0xFFFFE3A0] =	vst v11;
	v11 =	vld [tilespmem:$0x1FC00]  }
0x257: {  	[tilespmem:s14+$0xFFFFE3B0] =	vst v7;
	v7 =	vld.idx.msk [tilespmem:v46+s2+$0x0], $0xffff  }
0x258: {  	[tilespmem:s14+$0xFFFFE350] =	vst v32;
	v10 =	vld.idx.msk [tilespmem:v34+s2+$0x0], $0xffff  }
0x259: {  	v59 =	vld [tilespmem:$0x1FCA0];
	[tilespmem:s14+$0xFFFFE360] =	vst v6  }
0x25a: {  	v44 =	vld.idx.msk [tilespmem:v44+s2+$0x0], $0xffff;
	[tilespmem:s14+$0xFFFFE390] =	vst v37  }
0x25b: {  	v36 =	vadd.s32 $0x6400, v1;
	[tilespmem:s14+$0x70] =	vst v8;
	v8 =	vld.idx.msk [tilespmem:v45+s2+$0x0], $0xffff  }
0x25c: {  	v50 =	vadd.s32 $0x6000, v47;
	[tilespmem:s14+$0x20] =	vst v7;
	v7 =	vld [tilespmem:$0x1FC20]  }
0x25d: {  	v42 =	vadd.s32 $0x6000, v48;
	v30 =	vadd.s32 $0x7000, v51;
	[tilespmem:s14+$0xFFFFE380] =	vst v10;
	v10 =	vld.idx.msk [tilespmem:v43+s2+$0x0], $0xffff  }
0x25e: {  	[tilespmem:$0x1FD60] =	vst v30;
	v11 =	vld.idx.msk [tilespmem:v11+s2+$0x0], $0xffff  }
0x25f: {  	[tilespmem:$0x1FD70] =	vst v31;
	v62 =	vld [tilespmem:$0x1FD60]  }
0x260: {  	v52 =	vadd.s32 $0x6000, v51;
	v49 =	vadd.s32 $0x6000, v9;
	v31 =	vadd.s32 $0x7800, v9;
	v6 =	vld.idx.msk [tilespmem:v36+s2+$0x0], $0xffff;
	[tilespmem:s14+$0xFFFFE3C0] =	vst v44  }
0x261: {  	v2 =	vadd.s32 $0x7C00, v51;
	v16 =	vadd.s32 $0x7C00, v9;
	v9 =	vadd.s32 $0x7800, v51;
	v51 =	vld.idx.msk [tilespmem:v50+s2+$0x0], $0xffff;
	[tilespmem:s14+$0xFFFFE3D0] =	vst v8  }
0x262: {  	v45 =	vadd.s32 $0x6800, v1;
	v8 =	vld.idx.msk [tilespmem:v42+s2+$0x0], $0xffff;
	[tilespmem:s14+$0xFFFFE3E0] =	vst v10  }
0x263: {  	v38 =	vadd.s32 $0x6400, v47;
	[tilespmem:s14+$0x10] =	vst v11;
	v11 =	vld.idx.msk [tilespmem:v53+s2+$0x0], $0xffff  }
0x264: {  	v7 =	vld.idx.msk [tilespmem:v7+s2+$0x0], $0xffff  }
0x265: {  	v49 =	vld.idx.msk [tilespmem:v49+s2+$0x0], $0xffff;
	[tilespmem:s14+$0xF0] =	vst v6  }
0x266: {  	v39 =	vadd.s32 $0x6400, v5;
	v10 =	vld.idx.msk [tilespmem:v52+s2+$0x0], $0xffff;
	[tilespmem:s14+$0x30] =	vst v51  }
0x267: {  	v40 =	vadd.s32 $0x6400, v48;
	v6 =	vld.idx.msk [tilespmem:v45+s2+$0x0], $0xffff;
	[tilespmem:s14+$0x40] =	vst v8  }
0x268: {  	v52 =	vadd.s32 $0x6C00, v1;
	v8 =	vld.idx.msk [tilespmem:v38+s2+$0x0], $0xffff;
	[tilespmem:s14+$0x60] =	vst v11  }
0x269: {  	[tilespmem:s14+$0x90] =	vst v7;
	v7 =	vld.idx.msk [tilespmem:v41+s2+$0x0], $0xffff  }
0x26a: {  	v53 =	vld [tilespmem:$0x1FC10]  }
0x26b: {  	v54 =	vld.idx.msk [tilespmem:v39+s2+$0x0], $0xffff;
	[tilespmem:s14+$0x50] =	vst v10  }
0x26c: {  	v3 =	vadd.s32 $0x6800, v5;
	v10 =	vld.idx.msk [tilespmem:v40+s2+$0x0], $0xffff;
	[tilespmem:s14+$0x170] =	vst v6  }
0x26d: {  	v6 =	vld.idx.msk [tilespmem:v52+s2+$0x0], $0xffff  }
0x26e: {  	v11 =	vadd.s32 $0x7000, v1;
	[tilespmem:s14+$0xE0] =	vst v7;
	v7 =	vld [tilespmem:$0x1FC80]  }
0x26f: {  	[tilespmem:s14+$0xB0] =	vst v8;
	v8 =	vld [tilespmem:$0x1FC60]  }
0x270: {  	[tilespmem:s14+$0xA0] =	vst v54;
	v12 =	vld.idx.msk [tilespmem:v55+s2+$0x0], $0xffff  }
0x271: {  	[tilespmem:s14+$0x0] =	vst v49;
	v3 =	vld.idx.msk [tilespmem:v3+s2+$0x0], $0xffff  }
0x272: {  	[tilespmem:s14+$0x1F0] =	vst v6;
	v13 =	vld.idx.msk [tilespmem:v53+s2+$0x0], $0xffff  }
0x273: {  	v6 =	vld.idx.msk [tilespmem:v11+s2+$0x0], $0xffff  }
0x274: {  	[tilespmem:s14+$0xC0] =	vst v10;
	v11 =	vld [tilespmem:$0x1FC70]  }
0x275: {  	v10 =	vadd.s32 $0x7400, v1;
	[tilespmem:s14+$0xD0] =	vst v12;
	v14 =	vld.idx.msk [tilespmem:v57+s2+$0x0], $0xffff  }
0x276: {  	v7 =	vld.idx.msk [tilespmem:v7+s2+$0x0], $0xffff  }
0x277: {  	v8 =	vld.idx.msk [tilespmem:v8+s2+$0x0], $0xffff;
	[tilespmem:s14+$0x80] =	vst v13  }
0x278: {  	v13 =	vld.idx.msk [tilespmem:v56+s2+$0x0], $0xffff  }
0x279: {  	[tilespmem:s14+$0x270] =	vst v6;
	v6 =	vld [tilespmem:$0x1FCB0]  }
0x27a: {  	[tilespmem:s14+$0x120] =	vst v3;
	v3 =	vld.idx.msk [tilespmem:v10+s2+$0x0], $0xffff  }
0x27b: {  	v10 =	vadd.s32 $0x7800, v1;
	[tilespmem:s14+$0x150] =	vst v7;
	v7 =	vld [tilespmem:$0x1FCE0]  }
0x27c: {  	v11 =	vld.idx.msk [tilespmem:v11+s2+$0x0], $0xffff  }
0x27d: {  	[tilespmem:s14+$0x130] =	vst v8;
	v8 =	vld [tilespmem:$0x1FCC0]  }
0x27e: {  	v12 =	vld.idx.msk [tilespmem:v58+s2+$0x0], $0xffff;
	[tilespmem:s14+$0x100] =	vst v13  }
0x27f: {  	v13 =	vld.idx.msk [tilespmem:v59+s2+$0x0], $0xffff;
	[tilespmem:s14+$0x2F0] =	vst v3  }
0x280: {  	v3 =	vld.idx.msk [tilespmem:v10+s2+$0x0], $0xffff  }
0x281: {  	[tilespmem:s14+$0x140] =	vst v11;
	v11 =	vld [tilespmem:$0x1FCD0]  }
0x282: {  	v10 =	vld [tilespmem:$0x1FD30]  }
0x283: {  	v26 =	vadd.s32 $0x7000, v4;
	[tilespmem:s14+$0x110] =	vst v14;
	v7 =	vld.idx.msk [tilespmem:v7+s2+$0x0], $0xffff  }
0x284: {  	[tilespmem:$0x1FD20] =	vst v26;
	v26 =	vadd.s32 $0x7000, v47;
	v6 =	vld.idx.msk [tilespmem:v6+s2+$0x0], $0xffff  }
0x285: {  	[tilespmem:$0x1FD40] =	vst v26;
	v8 =	vld.idx.msk [tilespmem:v8+s2+$0x0], $0xffff  }
0x286: {  	[tilespmem:s14+$0x160] =	vst v12;
	v12 =	vld.idx.msk [tilespmem:v60+s2+$0x0], $0xffff  }
0x287: {  	[tilespmem:s14+$0x180] =	vst v13;
	v13 =	vld.idx.msk [tilespmem:v61+s2+$0x0], $0xffff  }
0x288: {  	v1 =	vadd.s32 $0x7C00, v1;
	[tilespmem:s14+$0x1C0] =	vst v7;
	v7 =	vld [tilespmem:$0x1FD40]  }
0x289: {  	v11 =	vld.idx.msk [tilespmem:v11+s2+$0x0], $0xffff  }
0x28a: {  	[tilespmem:s14+$0x190] =	vst v6;
	v6 =	vld [tilespmem:$0x1FD10]  }
0x28b: {  	[tilespmem:s14+$0x1A0] =	vst v8;
	v8 =	vld [tilespmem:$0x1FD20]  }
0x28c: {  	[tilespmem:s14+$0x370] =	vst v3;
	v3 =	vld [tilespmem:$0x1FD70]  }
0x28d: {  	v1 =	vld.idx.msk [tilespmem:v1+s2+$0x0], $0xffff  }
0x28e: {  	[tilespmem:s14+$0x1B0] =	vst v11;
	v11 =	vld [tilespmem:$0x1FD50]  }
0x28f: {  	v10 =	vld.idx.msk [tilespmem:v10+s2+$0x0], $0xffff  }
0x290: {  	[tilespmem:s14+$0x1D0] =	vst v12;
	v7 =	vld.idx.msk [tilespmem:v7+s2+$0x0], $0xffff  }
0x291: {  	v12 =	vld.idx.msk [tilespmem:v62+s2+$0x0], $0xffff  }
0x292: {  	v6 =	vld.idx.msk [tilespmem:v6+s2+$0x0], $0xffff  }
0x293: {  	v8 =	vld.idx.msk [tilespmem:v8+s2+$0x0], $0xffff  }
0x294: {  	[tilespmem:s14+$0x3F0] =	vst v1;
	v1 =	vld [tilespmem:$0x1FDD0]  }
0x295: {  	[tilespmem:s14+$0x230] =	vst v7;
	v7 =	vld [tilespmem:$0x1FDA0]  }
0x296: {  	v11 =	vld.idx.msk [tilespmem:v11+s2+$0x0], $0xffff  }
0x297: {  	[tilespmem:s14+$0x200] =	vst v6;
	v6 =	vld [tilespmem:$0x1FD80]  }
0x298: {  	[tilespmem:s14+$0x210] =	vst v8;
	v8 =	vld [tilespmem:$0x1FD90]  }
0x299: {  	[tilespmem:s14+$0x220] =	vst v10;
	v10 =	vld [tilespmem:$0x1FDB0]  }
0x29a: {  	[tilespmem:s14+$0x1E0] =	vst v13  }
0x29b: {  	[tilespmem:s14+$0x240] =	vst v11;
	v11 =	vld [tilespmem:$0x1FDC0]  }
0x29c: {  	v3 =	vld.idx.msk [tilespmem:v3+s2+$0x0], $0xffff  }
0x29d: {  	[tilespmem:s14+$0x250] =	vst v12;
	v7 =	vld.idx.msk [tilespmem:v7+s2+$0x0], $0xffff  }
0x29e: {  	v1 =	vld.idx.msk [tilespmem:v1+s2+$0x0], $0xffff  }
0x29f: {  	v6 =	vld.idx.msk [tilespmem:v6+s2+$0x0], $0xffff  }
0x2a0: {  	v8 =	vld.idx.msk [tilespmem:v8+s2+$0x0], $0xffff  }
0x2a1: {  	v10 =	vld.idx.msk [tilespmem:v10+s2+$0x0], $0xffff  }
0x2a2: {  	v26 =	vadd.s32 $0x7800, v4;
	[tilespmem:s14+$0x2A0] =	vst v7;
	v7 =	vld [tilespmem:$0x1FDE0]  }
0x2a3: {  	v30 =	vadd.s32 $0x7800, v47;
	[tilespmem:s14+$0x260] =	vst v3;
	v11 =	vld.idx.msk [tilespmem:v11+s2+$0x0], $0xffff  }
0x2a4: {  	v19 =	vadd.s32 $0x7800, v48;
	v3 =	vld.idx.msk [tilespmem:v33+s2+$0x0], $0xffff;
	[tilespmem:s14+$0x2D0] =	vst v1  }
0x2a5: {  	v1 =	vld.idx.msk [tilespmem:v9+s2+$0x0], $0xffff;
	[tilespmem:s14+$0x280] =	vst v6  }
0x2a6: {  	v6 =	vld.idx.msk [tilespmem:v31+s2+$0x0], $0xffff;
	[tilespmem:s14+$0x290] =	vst v8  }
0x2a7: {  	v63 =	vld.idx.msk [tilespmem:v26+s2+$0x0], $0xffff;
	[tilespmem:s14+$0x2B0] =	vst v10  }
0x2a8: {  	v4 =	vadd.s32 $0x7C00, v4;
	v10 =	vld.idx.msk [tilespmem:v30+s2+$0x0], $0xffff;
	[tilespmem:s14+$0x2C0] =	vst v11  }
0x2a9: {  	v47 =	vadd.s32 $0x7C00, v47;
	v11 =	vld.idx.msk [tilespmem:v19+s2+$0x0], $0xffff  }
0x2aa: {  	s15 =	sadd.s32 $0x8, s15;
	v48 =	vadd.s32 $0x7C00, v48;
	[tilespmem:s14+$0x2E0] =	vst v3;
	v7 =	vld.idx.msk [tilespmem:v7+s2+$0x0], $0xffff  }
0x2ab: {  	p0 =	slt.u32 s15, $0x38;
	v5 =	vadd.s32 $0x7C00, v5;
	v8 =	vld.idx.msk [tilespmem:v20+s2+$0x0], $0xffff;
	[tilespmem:s14+$0x300] =	vst v6  }
.Ltmp1:
0x2ac: {  	v3 =	vld.idx.msk [tilespmem:v16+s2+$0x0], $0xffff;
	[tilespmem:s14+$0x310] =	vst v63;
	(pc) =	sbr.rel @p0 .LBB2_4-.Ltmp1, $4  }
0x2ad: {  	v6 =	vld.idx.msk [tilespmem:v4+s2+$0x0], $0xffff;
	[tilespmem:s14+$0x330] =	vst v10  }
0x2ae: {  	v9 =	vld.idx.msk [tilespmem:v47+s2+$0x0], $0xffff;
	[tilespmem:s14+$0x340] =	vst v11  }
0x2af: {  	v10 =	vld.idx.msk [tilespmem:v48+s2+$0x0], $0xffff;
	[tilespmem:s14+$0x320] =	vst v7  }
0x2b0: {  	s16 =	sadd.s32 $0x80, s16;
	[tilespmem:s14+$0x350] =	vst v1;
	v7 =	vld.idx.msk [tilespmem:v5+s2+$0x0], $0xffff  }
0x2b1: {  	_ =	sdelay $0x2  }
0x2b2: {  	[tilespmem:s14+$0x360] =	vst v8  }
0x2b3: {  	[tilespmem:s14+$0x380] =	vst v3;
	v1 =	vld.idx.msk [tilespmem:v2+s2+$0x0], $0xffff  }
0x2b4: {  	[tilespmem:s14+$0x390] =	vst v6;
	v0 =	vld.idx.msk [tilespmem:v0+s2+$0x0], $0xffff  }
0x2b5: {  	[tilespmem:s14+$0x3B0] =	vst v9  }
0x2b6: {  	[tilespmem:s14+$0x3C0] =	vst v10  }
0x2b7: {  	[tilespmem:s14+$0x3A0] =	vst v7  }
0x2b8: {  	[tilespmem:s14+$0x3D0] =	vst v1  }
0x2b9: {  	[tilespmem:s14+$0x3E0] =	vst v0  }
0x2ba: {  	[hbm4b:s6+s2] =	stream.linear.scatter [tilespmem:s12], [sflag:$0x1], $0x4000, $0x38;
	[tilespmem:$0x14400] =	vst v63  }
0x2bb: {  	_ =	swait.ge [sflag:s10], $0x4000  }
0x2bc: {  	[sflag:s10] =	ssyncset.done $0x0  }
0x2bd: {  	s31 =	simm.s32 $0x10040;
	[sflag:s10] =	ssyncadd.s32 $0xFFFFC000  }
0x2be: {  	v7 =	vld [tilespmem:s31+$0x30]  }
0x2bf: {  	v5 =	vld [tilespmem:s31+$0xFFFFFFD0]  }
0x2c0: {  	v4 =	vld [tilespmem:s31+$0xFFFFFFE0]  }
0x2c1: {  	v3 =	vld [tilespmem:s31+$0xFFFFFFF0]  }
0x2c2: {  	v2 =	vld [tilespmem:s31+$0x0]  }
0x2c3: {  	v6 =	vld [tilespmem:s31+$0xFFFFFFC0];
	v8 =	vadd.s32 $0x8000, v7  }
0x2c4: {  	v0 =	vld [tilespmem:s31+$0x10];
	v9 =	vadd.s32 $0x8000, v5  }
0x2c5: {  	v1 =	vld [tilespmem:s31+$0x20];
	v10 =	vadd.s32 $0x8000, v4  }
0x2c6: {  	v11 =	vadd.s32 $0x8000, v3  }
0x2c7: {  	v12 =	vadd.s32 $0x8000, v2  }
0x2c8: {  	v16 =	vadd.s32 $0x8000, v6;
	v8 =	vld.idx.msk [tilespmem:v8+s2+$0x0], $0xffff  }
0x2c9: {  	v13 =	vadd.s32 $0x8000, v0;
	v9 =	vld.idx.msk [tilespmem:v9+s2+$0x0], $0xffff  }
0x2ca: {  	v14 =	vadd.s32 $0x8000, v1;
	v10 =	vld.idx.msk [tilespmem:v10+s2+$0x0], $0xffff  }
0x2cb: {  	v15 =	vadd.s32 $0x8400, v7;
	v11 =	vld.idx.msk [tilespmem:v11+s2+$0x0], $0xffff  }
0x2cc: {  	s14 =	simm.s32 $0x12400;
	v17 =	vadd.s32 $0x8400, v5;
	v12 =	vld.idx.msk [tilespmem:v12+s2+$0x0], $0xffff  }
0x2cd: {  	v18 =	vadd.s32 $0x8400, v4;
	v16 =	vld.idx.msk [tilespmem:v16+s2+$0x0], $0xffff;
	[tilespmem:s14+$0xFFFFE070] =	vst v8  }
0x2ce: {  	v35 =	vadd.s32 $0x8400, v6;
	v13 =	vld.idx.msk [tilespmem:v13+s2+$0x0], $0xffff;
	[tilespmem:s14+$0xFFFFE010] =	vst v9  }
0x2cf: {  	v14 =	vld.idx.msk [tilespmem:v14+s2+$0x0], $0xffff;
	v8 =	vadd.s32 $0x8400, v3;
	[tilespmem:s14+$0xFFFFE020] =	vst v10  }
0x2d0: {  	v9 =	vadd.s32 $0x8400, v2;
	[tilespmem:s14+$0xFFFFE030] =	vst v11;
	v15 =	vld.idx.msk [tilespmem:v15+s2+$0x0], $0xffff  }
0x2d1: {  	v10 =	vadd.s32 $0x8400, v0;
	[tilespmem:s14+$0xFFFFE040] =	vst v12;
	v17 =	vld.idx.msk [tilespmem:v17+s2+$0x0], $0xffff  }
0x2d2: {  	v11 =	vadd.s32 $0x8800, v7;
	[tilespmem:s14+$0xFFFFE000] =	vst v16;
	v18 =	vld.idx.msk [tilespmem:v18+s2+$0x0], $0xffff  }
0x2d3: {  	v38 =	vadd.s32 $0x8800, v4;
	[tilespmem:s14+$0xFFFFE050] =	vst v13;
	v12 =	vld.idx.msk [tilespmem:v35+s2+$0x0], $0xffff  }
0x2d4: {  	v36 =	vadd.s32 $0x8400, v1;
	[tilespmem:s14+$0xFFFFE060] =	vst v14;
	v8 =	vld.idx.msk [tilespmem:v8+s2+$0x0], $0xffff  }
0x2d5: {  	v37 =	vadd.s32 $0x8800, v5;
	v9 =	vld.idx.msk [tilespmem:v9+s2+$0x0], $0xffff;
	[tilespmem:s14+$0xFFFFE0F0] =	vst v15  }
0x2d6: {  	v39 =	vadd.s32 $0x8800, v3;
	v10 =	vld.idx.msk [tilespmem:v10+s2+$0x0], $0xffff;
	[tilespmem:s14+$0xFFFFE090] =	vst v17  }
0x2d7: {  	v40 =	vadd.s32 $0x8800, v2;
	[tilespmem:s14+$0xFFFFE0A0] =	vst v18;
	v11 =	vld.idx.msk [tilespmem:v11+s2+$0x0], $0xffff  }
0x2d8: {  	v41 =	vadd.s32 $0x8C00, v7;
	[tilespmem:s14+$0xFFFFE080] =	vst v12;
	v15 =	vld.idx.msk [tilespmem:v38+s2+$0x0], $0xffff  }
0x2d9: {  	v42 =	vadd.s32 $0x8C00, v4;
	v13 =	vld.idx.msk [tilespmem:v36+s2+$0x0], $0xffff;
	[tilespmem:s14+$0xFFFFE0B0] =	vst v8  }
0x2da: {  	v14 =	vld.idx.msk [tilespmem:v37+s2+$0x0], $0xffff;
	v8 =	vadd.s32 $0x8800, v6;
	[tilespmem:s14+$0xFFFFE0C0] =	vst v9  }
0x2db: {  	v9 =	vadd.s32 $0x8800, v0;
	[tilespmem:s14+$0xFFFFE0D0] =	vst v10;
	v16 =	vld.idx.msk [tilespmem:v39+s2+$0x0], $0xffff  }
0x2dc: {  	v10 =	vadd.s32 $0x8800, v1;
	v17 =	vld.idx.msk [tilespmem:v40+s2+$0x0], $0xffff;
	[tilespmem:s14+$0xFFFFE170] =	vst v11  }
0x2dd: {  	v11 =	vadd.s32 $0x8C00, v5;
	[tilespmem:s14+$0xFFFFE120] =	vst v15;
	v18 =	vld.idx.msk [tilespmem:v41+s2+$0x0], $0xffff  }
0x2de: {  	v43 =	vadd.s32 $0x8C00, v3;
	[tilespmem:s14+$0xFFFFE0E0] =	vst v13;
	v12 =	vld.idx.msk [tilespmem:v42+s2+$0x0], $0xffff  }
0x2df: {  	v46 =	vadd.s32 $0x8C00, v2;
	[tilespmem:s14+$0xFFFFE110] =	vst v14;
	v8 =	vld.idx.msk [tilespmem:v8+s2+$0x0], $0xffff  }
0x2e0: {  	v44 =	vadd.s32 $0x9000, v7;
	v9 =	vld.idx.msk [tilespmem:v9+s2+$0x0], $0xffff;
	[tilespmem:s14+$0xFFFFE130] =	vst v16  }
0x2e1: {  	v45 =	vadd.s32 $0x8C00, v6;
	v10 =	vld.idx.msk [tilespmem:v10+s2+$0x0], $0xffff;
	[tilespmem:s14+$0xFFFFE140] =	vst v17  }
0x2e2: {  	v47 =	vadd.s32 $0x8C00, v0;
	v11 =	vld.idx.msk [tilespmem:v11+s2+$0x0], $0xffff;
	[tilespmem:s14+$0xFFFFE1F0] =	vst v18  }
0x2e3: {  	v48 =	vadd.s32 $0x8C00, v1;
	v13 =	vld.idx.msk [tilespmem:v43+s2+$0x0], $0xffff;
	[tilespmem:s14+$0xFFFFE1A0] =	vst v12  }
0x2e4: {  	v49 =	vadd.s32 $0x9000, v3;
	v16 =	vld.idx.msk [tilespmem:v46+s2+$0x0], $0xffff;
	[tilespmem:s14+$0xFFFFE100] =	vst v8  }
0x2e5: {  	v14 =	vld.idx.msk [tilespmem:v44+s2+$0x0], $0xffff;
	v8 =	vadd.s32 $0x9000, v5;
	[tilespmem:s14+$0xFFFFE150] =	vst v9  }
0x2e6: {  	v9 =	vadd.s32 $0x9000, v4;
	[tilespmem:s14+$0xFFFFE160] =	vst v10;
	v15 =	vld.idx.msk [tilespmem:v45+s2+$0x0], $0xffff  }
0x2e7: {  	v10 =	vadd.s32 $0x9400, v7;
	v17 =	vld.idx.msk [tilespmem:v47+s2+$0x0], $0xffff;
	[tilespmem:s14+$0xFFFFE190] =	vst v11  }
0x2e8: {  	v18 =	vld.idx.msk [tilespmem:v48+s2+$0x0], $0xffff;
	v11 =	vadd.s32 $0x9000, v6;
	[tilespmem:s14+$0xFFFFE1B0] =	vst v13  }
0x2e9: {  	v52 =	vadd.s32 $0x9000, v1;
	[tilespmem:s14+$0xFFFFE1C0] =	vst v16;
	v12 =	vld.idx.msk [tilespmem:v49+s2+$0x0], $0xffff  }
0x2ea: {  	v50 =	vadd.s32 $0x9000, v2;
	[tilespmem:s14+$0xFFFFE270] =	vst v14;
	v8 =	vld.idx.msk [tilespmem:v8+s2+$0x0], $0xffff  }
0x2eb: {  	v51 =	vadd.s32 $0x9000, v0;
	v9 =	vld.idx.msk [tilespmem:v9+s2+$0x0], $0xffff;
	[tilespmem:s14+$0xFFFFE180] =	vst v15  }
0x2ec: {  	v53 =	vadd.s32 $0x9400, v5;
	v10 =	vld.idx.msk [tilespmem:v10+s2+$0x0], $0xffff;
	[tilespmem:s14+$0xFFFFE1D0] =	vst v17  }
0x2ed: {  	v54 =	vadd.s32 $0x9800, v7;
	[tilespmem:s14+$0xFFFFE1E0] =	vst v18;
	v11 =	vld.idx.msk [tilespmem:v11+s2+$0x0], $0xffff  }
0x2ee: {  	v55 =	vadd.s32 $0x9400, v6;
	v15 =	vld.idx.msk [tilespmem:v52+s2+$0x0], $0xffff;
	[tilespmem:s14+$0xFFFFE230] =	vst v12  }
0x2ef: {  	v56 =	vadd.s32 $0x9400, v1;
	v13 =	vld.idx.msk [tilespmem:v50+s2+$0x0], $0xffff;
	[tilespmem:s14+$0xFFFFE210] =	vst v8  }
0x2f0: {  	v14 =	vld.idx.msk [tilespmem:v51+s2+$0x0], $0xffff;
	v8 =	vadd.s32 $0x9400, v4;
	[tilespmem:s14+$0xFFFFE220] =	vst v9  }
0x2f1: {  	v9 =	vadd.s32 $0x9400, v3;
	[tilespmem:s14+$0xFFFFE2F0] =	vst v10;
	v16 =	vld.idx.msk [tilespmem:v53+s2+$0x0], $0xffff  }
0x2f2: {  	v10 =	vadd.s32 $0x9400, v2;
	v17 =	vld.idx.msk [tilespmem:v54+s2+$0x0], $0xffff;
	[tilespmem:s14+$0xFFFFE200] =	vst v11  }
0x2f3: {  	v11 =	vadd.s32 $0x9400, v0;
	[tilespmem:s14+$0xFFFFE260] =	vst v15;
	v18 =	vld.idx.msk [tilespmem:v55+s2+$0x0], $0xffff  }
0x2f4: {  	v59 =	vadd.s32 $0x9800, v5;
	[tilespmem:s14+$0xFFFFE240] =	vst v13;
	v12 =	vld.idx.msk [tilespmem:v56+s2+$0x0], $0xffff  }
0x2f5: {  	v57 =	vadd.s32 $0x9C00, v7;
	[tilespmem:s14+$0xFFFFE250] =	vst v14;
	v8 =	vld.idx.msk [tilespmem:v8+s2+$0x0], $0xffff  }
0x2f6: {  	v58 =	vadd.s32 $0x9800, v6;
	v9 =	vld.idx.msk [tilespmem:v9+s2+$0x0], $0xffff;
	[tilespmem:s14+$0xFFFFE290] =	vst v16  }
0x2f7: {  	v60 =	vadd.s32 $0x9800, v4;
	v10 =	vld.idx.msk [tilespmem:v10+s2+$0x0], $0xffff;
	[tilespmem:s14+$0xFFFFE370] =	vst v17  }
0x2f8: {  	v61 =	vadd.s32 $0x9800, v3;
	v11 =	vld.idx.msk [tilespmem:v11+s2+$0x0], $0xffff;
	[tilespmem:s14+$0xFFFFE280] =	vst v18  }
0x2f9: {  	v62 =	vadd.s32 $0x9800, v2;
	v15 =	vld.idx.msk [tilespmem:v59+s2+$0x0], $0xffff;
	[tilespmem:s14+$0xFFFFE2E0] =	vst v12  }
0x2fa: {  	v63 =	vadd.s32 $0x9C00, v5;
	v13 =	vld.idx.msk [tilespmem:v57+s2+$0x0], $0xffff;
	[tilespmem:s14+$0xFFFFE2A0] =	vst v8  }
0x2fb: {  	v14 =	vld.idx.msk [tilespmem:v58+s2+$0x0], $0xffff;
	v8 =	vadd.s32 $0x9800, v0;
	[tilespmem:s14+$0xFFFFE2B0] =	vst v9  }
0x2fc: {  	v9 =	vadd.s32 $0xA000, v7;
	[tilespmem:s14+$0xFFFFE2C0] =	vst v10;
	v16 =	vld.idx.msk [tilespmem:v60+s2+$0x0], $0xffff  }
0x2fd: {  	v10 =	vadd.s32 $0x9800, v1;
	v17 =	vld.idx.msk [tilespmem:v61+s2+$0x0], $0xffff;
	[tilespmem:s14+$0xFFFFE2D0] =	vst v11  }
0x2fe: {  	v18 =	vld.idx.msk [tilespmem:v62+s2+$0x0], $0xffff;
	v11 =	vadd.s32 $0x9C00, v6;
	[tilespmem:s14+$0xFFFFE310] =	vst v15  }
0x2ff: {  	v23 =	vadd.s32 $0x9C00, v2;
	[tilespmem:s14+$0xFFFFE3F0] =	vst v13;
	v12 =	vld.idx.msk [tilespmem:v63+s2+$0x0], $0xffff  }
0x300: {  	v21 =	vadd.s32 $0x9C00, v4;
	[tilespmem:s14+$0xFFFFE300] =	vst v14;
	v8 =	vld.idx.msk [tilespmem:v8+s2+$0x0], $0xffff  }
0x301: {  	v22 =	vadd.s32 $0x9C00, v3;
	v9 =	vld.idx.msk [tilespmem:v9+s2+$0x0], $0xffff;
	[tilespmem:s14+$0xFFFFE320] =	vst v16  }
0x302: {  	v24 =	vadd.s32 $0xA400, v7;
	v10 =	vld.idx.msk [tilespmem:v10+s2+$0x0], $0xffff;
	[tilespmem:s14+$0xFFFFE330] =	vst v17  }
0x303: {  	v25 =	vadd.s32 $0x9C00, v0;
	[tilespmem:s14+$0xFFFFE340] =	vst v18;
	v11 =	vld.idx.msk [tilespmem:v11+s2+$0x0], $0xffff  }
0x304: {  	v26 =	vadd.s32 $0x9C00, v1;
	v15 =	vld.idx.msk [tilespmem:v23+s2+$0x0], $0xffff;
	[tilespmem:s14+$0xFFFFE390] =	vst v12  }
0x305: {  	v29 =	vadd.s32 $0xA000, v2;
	v13 =	vld.idx.msk [tilespmem:v21+s2+$0x0], $0xffff;
	[tilespmem:s14+$0xFFFFE350] =	vst v8  }
0x306: {  	v14 =	vld.idx.msk [tilespmem:v22+s2+$0x0], $0xffff;
	v8 =	vadd.s32 $0xA000, v6;
	[tilespmem:s14+$0x70] =	vst v9  }
0x307: {  	v9 =	vadd.s32 $0xA000, v5;
	[tilespmem:s14+$0xFFFFE360] =	vst v10;
	v16 =	vld.idx.msk [tilespmem:v24+s2+$0x0], $0xffff  }
0x308: {  	v10 =	vadd.s32 $0xA000, v4;
	v17 =	vld.idx.msk [tilespmem:v25+s2+$0x0], $0xffff;
	[tilespmem:s14+$0xFFFFE380] =	vst v11  }
0x309: {  	v27 =	vld.idx.msk [tilespmem:v26+s2+$0x0], $0xffff;
	v11 =	vadd.s32 $0xA000, v3;
	[tilespmem:s14+$0xFFFFE3C0] =	vst v15  }
0x30a: {  	v28 =	vadd.s32 $0xA800, v7;
	[tilespmem:s14+$0xFFFFE3A0] =	vst v13;
	v13 =	vld.idx.msk [tilespmem:v29+s2+$0x0], $0xffff  }
0x30b: {  	v31 =	vadd.s32 $0xA000, v1;
	[tilespmem:s14+$0xFFFFE3B0] =	vst v14;
	v8 =	vld.idx.msk [tilespmem:v8+s2+$0x0], $0xffff  }
0x30c: {  	v30 =	vadd.s32 $0xA000, v0;
	v9 =	vld.idx.msk [tilespmem:v9+s2+$0x0], $0xffff;
	[tilespmem:s14+$0xF0] =	vst v16  }
0x30d: {  	v32 =	vadd.s32 $0xA400, v6;
	v10 =	vld.idx.msk [tilespmem:v10+s2+$0x0], $0xffff;
	[tilespmem:s14+$0xFFFFE3D0] =	vst v17  }
0x30e: {  	v33 =	vadd.s32 $0xA400, v5;
	[tilespmem:s14+$0xFFFFE3E0] =	vst v27;
	v11 =	vld.idx.msk [tilespmem:v11+s2+$0x0], $0xffff  }
0x30f: {  	v34 =	vadd.s32 $0xA400, v4;
	v18 =	vld.idx.msk [tilespmem:v28+s2+$0x0], $0xffff;
	[tilespmem:s14+$0x40] =	vst v13  }
0x310: {  	v35 =	vadd.s32 $0xAC00, v7;
	v15 =	vld.idx.msk [tilespmem:v31+s2+$0x0], $0xffff;
	[tilespmem:s14+$0x0] =	vst v8  }
0x311: {  	v36 =	vadd.s32 $0xA400, v1;
	v8 =	vld.idx.msk [tilespmem:v30+s2+$0x0], $0xffff;
	[tilespmem:s14+$0x10] =	vst v9  }
0x312: {  	v9 =	vadd.s32 $0xA400, v3;
	[tilespmem:s14+$0x20] =	vst v10;
	v16 =	vld.idx.msk [tilespmem:v32+s2+$0x0], $0xffff  }
0x313: {  	v10 =	vadd.s32 $0xA400, v2;
	v17 =	vld.idx.msk [tilespmem:v33+s2+$0x0], $0xffff;
	[tilespmem:s14+$0x30] =	vst v11  }
0x314: {  	v12 =	vld.idx.msk [tilespmem:v34+s2+$0x0], $0xffff;
	v11 =	vadd.s32 $0xA400, v0;
	[tilespmem:s14+$0x170] =	vst v18  }
0x315: {  	v37 =	vadd.s32 $0xA800, v6;
	[tilespmem:s14+$0x60] =	vst v15;
	v14 =	vld.idx.msk [tilespmem:v35+s2+$0x0], $0xffff  }
0x316: {  	v39 =	vadd.s32 $0xA800, v4;
	v18 =	vld.idx.msk [tilespmem:v36+s2+$0x0], $0xffff;
	[tilespmem:s14+$0x50] =	vst v8  }
0x317: {  	v38 =	vadd.s32 $0xB000, v7;
	v9 =	vld.idx.msk [tilespmem:v9+s2+$0x0], $0xffff;
	[tilespmem:s14+$0x80] =	vst v16  }
0x318: {  	v8 =	vadd.s32 $0xA800, v5;
	v10 =	vld.idx.msk [tilespmem:v10+s2+$0x0], $0xffff;
	[tilespmem:s14+$0x90] =	vst v17  }
0x319: {  	v40 =	vadd.s32 $0xA800, v3;
	[tilespmem:s14+$0xA0] =	vst v12;
	v11 =	vld.idx.msk [tilespmem:v11+s2+$0x0], $0xffff  }
0x31a: {  	v41 =	vadd.s32 $0xA800, v2;
	v13 =	vld.idx.msk [tilespmem:v37+s2+$0x0], $0xffff;
	[tilespmem:s14+$0x1F0] =	vst v14  }
0x31b: {  	v42 =	vadd.s32 $0xA800, v0;
	v16 =	vld.idx.msk [tilespmem:v39+s2+$0x0], $0xffff;
	[tilespmem:s14+$0xE0] =	vst v18  }
0x31c: {  	v44 =	vadd.s32 $0xAC00, v4;
	v15 =	vld.idx.msk [tilespmem:v38+s2+$0x0], $0xffff;
	[tilespmem:s14+$0xB0] =	vst v9  }
0x31d: {  	v8 =	vld.idx.msk [tilespmem:v8+s2+$0x0], $0xffff;
	v9 =	vadd.s32 $0xA800, v1;
	[tilespmem:s14+$0xC0] =	vst v10  }
0x31e: {  	v10 =	vadd.s32 $0xAC00, v6;
	v17 =	vld.idx.msk [tilespmem:v40+s2+$0x0], $0xffff;
	[tilespmem:s14+$0xD0] =	vst v11  }
0x31f: {  	v43 =	vadd.s32 $0xAC00, v5;
	v12 =	vld.idx.msk [tilespmem:v41+s2+$0x0], $0xffff;
	[tilespmem:s14+$0x100] =	vst v13  }
0x320: {  	v11 =	vadd.s32 $0xB400, v7;
	[tilespmem:s14+$0x120] =	vst v16;
	v14 =	vld.idx.msk [tilespmem:v42+s2+$0x0], $0xffff  }
0x321: {  	v45 =	vadd.s32 $0xAC00, v2;
	v13 =	vld.idx.msk [tilespmem:v44+s2+$0x0], $0xffff;
	[tilespmem:s14+$0x270] =	vst v15  }
0x322: {  	v46 =	vadd.s32 $0xAC00, v0;
	[tilespmem:s14+$0x110] =	vst v8;
	v9 =	vld.idx.msk [tilespmem:v9+s2+$0x0], $0xffff  }
0x323: {  	v8 =	vadd.s32 $0xAC00, v3;
	v10 =	vld.idx.msk [tilespmem:v10+s2+$0x0], $0xffff;
	[tilespmem:s14+$0x130] =	vst v17  }
0x324: {  	v47 =	vadd.s32 $0xAC00, v1;
	v18 =	vld.idx.msk [tilespmem:v43+s2+$0x0], $0xffff;
	[tilespmem:s14+$0x140] =	vst v12  }
0x325: {  	v49 =	vadd.s32 $0xB000, v6;
	v11 =	vld.idx.msk [tilespmem:v11+s2+$0x0], $0xffff;
	[tilespmem:s14+$0x150] =	vst v14  }
0x326: {  	v48 =	vadd.s32 $0xB800, v7;
	v15 =	vld.idx.msk [tilespmem:v45+s2+$0x0], $0xffff;
	[tilespmem:s14+$0x1A0] =	vst v13  }
0x327: {  	v50 =	vadd.s32 $0xB000, v2;
	v16 =	vld.idx.msk [tilespmem:v46+s2+$0x0], $0xffff;
	[tilespmem:s14+$0x160] =	vst v9  }
0x328: {  	v8 =	vld.idx.msk [tilespmem:v8+s2+$0x0], $0xffff;
	v9 =	vadd.s32 $0xB000, v5;
	[tilespmem:s14+$0x180] =	vst v10  }
0x329: {  	v10 =	vadd.s32 $0xB000, v4;
	v17 =	vld.idx.msk [tilespmem:v47+s2+$0x0], $0xffff;
	[tilespmem:s14+$0x190] =	vst v18  }
0x32a: {  	v51 =	vadd.s32 $0xB000, v0;
	v14 =	vld.idx.msk [tilespmem:v49+s2+$0x0], $0xffff;
	[tilespmem:s14+$0x2F0] =	vst v11  }
0x32b: {  	v11 =	vadd.s32 $0xB000, v3;
	[tilespmem:s14+$0x1C0] =	vst v15;
	v12 =	vld.idx.msk [tilespmem:v48+s2+$0x0], $0xffff  }
0x32c: {  	v52 =	vadd.s32 $0xB400, v6;
	v54 =	vld.idx.msk [tilespmem:v50+s2+$0x0], $0xffff;
	[tilespmem:s14+$0x1D0] =	vst v16  }
0x32d: {  	v7 =	vadd.s32 $0xBC00, v7;
	[tilespmem:s14+$0x1B0] =	vst v8;
	v8 =	vld.idx.msk [tilespmem:v9+s2+$0x0], $0xffff  }
0x32e: {  	v9 =	vadd.s32 $0xB000, v1;
	v10 =	vld.idx.msk [tilespmem:v10+s2+$0x0], $0xffff;
	[tilespmem:s14+$0x1E0] =	vst v17  }
0x32f: {  	v53 =	vadd.s32 $0xB400, v5;
	v13 =	vld.idx.msk [tilespmem:v51+s2+$0x0], $0xffff;
	[tilespmem:s14+$0x200] =	vst v14  }
0x330: {  	v55 =	vadd.s32 $0xB400, v4;
	v11 =	vld.idx.msk [tilespmem:v11+s2+$0x0], $0xffff;
	[tilespmem:s14+$0x370] =	vst v12  }
0x331: {  	v56 =	vadd.s32 $0xB400, v3;
	v15 =	vld.idx.msk [tilespmem:v52+s2+$0x0], $0xffff;
	[tilespmem:s14+$0x240] =	vst v54  }
0x332: {  	v57 =	vadd.s32 $0xB800, v6;
	v7 =	vld.idx.msk [tilespmem:v7+s2+$0x0], $0xffff;
	[tilespmem:s14+$0x210] =	vst v8  }
0x333: {  	v8 =	vadd.s32 $0xB400, v2;
	v9 =	vld.idx.msk [tilespmem:v9+s2+$0x0], $0xffff;
	[tilespmem:s14+$0x220] =	vst v10  }
0x334: {  	v10 =	vadd.s32 $0xB400, v0;
	[tilespmem:s14+$0x250] =	vst v13;
	v16 =	vld.idx.msk [tilespmem:v53+s2+$0x0], $0xffff  }
0x335: {  	v12 =	vld.idx.msk [tilespmem:v55+s2+$0x0], $0xffff;
	[tilespmem:s14+$0x230] =	vst v11;
	v11 =	vadd.s32 $0xB400, v1  }
0x336: {  	v58 =	vadd.s32 $0xB800, v5;
	[tilespmem:s14+$0x280] =	vst v15;
	v14 =	vld.idx.msk [tilespmem:v56+s2+$0x0], $0xffff  }
0x337: {  	v17 =	vld.idx.msk [tilespmem:v57+s2+$0x0], $0xffff;
	[tilespmem:s14+$0x3F0] =	vst v7;
	v7 =	vadd.s32 $0xB800, v4  }
0x338: {  	v8 =	vld.idx.msk [tilespmem:v8+s2+$0x0], $0xffff;
	[tilespmem:s14+$0x260] =	vst v9;
	v9 =	vadd.s32 $0xB800, v3  }
0x339: {  	v59 =	vadd.s32 $0xB800, v2;
	v10 =	vld.idx.msk [tilespmem:v10+s2+$0x0], $0xffff;
	[tilespmem:s14+$0x290] =	vst v16  }
0x33a: {  	v60 =	vadd.s32 $0xB800, v0;
	[tilespmem:s14+$0x2A0] =	vst v12;
	v11 =	vld.idx.msk [tilespmem:v11+s2+$0x0], $0xffff  }
0x33b: {  	v6 =	vadd.s32 $0xBC00, v6;
	v13 =	vld.idx.msk [tilespmem:v58+s2+$0x0], $0xffff;
	[tilespmem:s14+$0x2B0] =	vst v14  }
0x33c: {  	v61 =	vadd.s32 $0xB800, v1;
	[tilespmem:s14+$0x300] =	vst v17;
	v7 =	vld.idx.msk [tilespmem:v7+s2+$0x0], $0xffff  }
0x33d: {  	v5 =	vadd.s32 $0xBC00, v5;
	[tilespmem:s14+$0x2C0] =	vst v8;
	v9 =	vld.idx.msk [tilespmem:v9+s2+$0x0], $0xffff  }
0x33e: {  	v4 =	vadd.s32 $0xBC00, v4;
	[tilespmem:s14+$0x2D0] =	vst v10;
	v10 =	vld.idx.msk [tilespmem:v59+s2+$0x0], $0xffff  }
0x33f: {  	v62 =	vld.idx.msk [tilespmem:v60+s2+$0x0], $0xffff;
	[tilespmem:s14+$0x2E0] =	vst v11;
	v11 =	vadd.s32 $0xBC00, v3  }
0x340: {  	v63 =	vadd.s32 $0xBC00, v2;
	v3 =	vld.idx.msk [tilespmem:v6+s2+$0x0], $0xffff  }
0x341: {  	[tilespmem:s14+$0x310] =	vst v13;
	v8 =	vld.idx.msk [tilespmem:v61+s2+$0x0], $0xffff  }
0x342: {  	v6 =	vld.idx.msk [tilespmem:v5+s2+$0x0], $0xffff;
	[tilespmem:s14+$0x320] =	vst v7  }
0x343: {  	[tilespmem:s14+$0x330] =	vst v9;
	v7 =	vld.idx.msk [tilespmem:v4+s2+$0x0], $0xffff  }
0x344: {  	[tilespmem:s14+$0x340] =	vst v10;
	v9 =	vld.idx.msk [tilespmem:v11+s2+$0x0], $0xffff  }
0x345: {  	s15 =	simm.s32 $0x0;
	s16 =	simm.s32 $0x100C0;
	v2 =	vadd.s32 $0xBC00, v0;
	v0 =	vadd.s32 $0xBC00, v1;
	[tilespmem:s14+$0x350] =	vst v62;
	v10 =	vld.idx.msk [tilespmem:v63+s2+$0x0], $0xffff  }
.LBB2_6:
0x346: {  	v1 =	vld [tilespmem:s16+$0x30]  }
0x347: {  	v4 =	vld [tilespmem:s16+$0xFFFFFFD0]  }
0x348: {  	v5 =	vld [tilespmem:s16+$0xFFFFFFE0]  }
0x349: {  	v47 =	vld [tilespmem:s16+$0xFFFFFFF0]  }
0x34a: {  	v48 =	vld [tilespmem:s16+$0x0];
	[tilespmem:s14+$0x360] =	vst v8  }
0x34b: {  	v51 =	vld [tilespmem:s16+$0x10];
	[tilespmem:s14+$0x380] =	vst v3  }
0x34c: {  	v11 =	vld.idx.msk [tilespmem:v2+s2+$0x0], $0xffff;
	[tilespmem:s14+$0x390] =	vst v6  }
0x34d: {  	[tilespmem:s14+$0x3A0] =	vst v7;
	v6 =	vadd.s32 $0x8000, v1;
	v55 =	vld [tilespmem:s16+$0x20]  }
0x34e: {  	[tilespmem:s14+$0x3B0] =	vst v9;
	v7 =	vadd.s32 $0x8000, v4;
	v9 =	vld [tilespmem:s16+$0xFFFFFFC0]  }
0x34f: {  	v8 =	vadd.s32 $0x8000, v5;
	v14 =	vld.idx.msk [tilespmem:v0+s2+$0x0], $0xffff  }
0x350: {  	[tilespmem:s14+$0x3C0] =	vst v10;
	v10 =	vadd.s32 $0x8000, v47  }
0x351: {  	v12 =	vadd.s32 $0x8000, v48  }
0x352: {  	v13 =	vadd.s32 $0x8000, v51;
	[tilespmem:s14+$0x3D0] =	vst v11;
	v0 =	vadd.s32 $0xA000, v4;
	v15 =	vld.idx.msk [tilespmem:v6+s2+$0x0], $0xffff  }
0x353: {  	[tilespmem:$0x1FA10] =	vst v0;
	v17 =	vld.idx.msk [tilespmem:v7+s2+$0x0], $0xffff;
	v18 =	vadd.s32 $0x8000, v55  }
0x354: {  	v22 =	vadd.s32 $0x8000, v9;
	v23 =	vld.idx.msk [tilespmem:v8+s2+$0x0], $0xffff;
	[tilespmem:s14+$0x3E0] =	vst v14;
	v2 =	vadd.s32 $0xA400, v9  }
0x355: {  	v24 =	vadd.s32 $0x8400, v1;
	v27 =	vld.idx.msk [tilespmem:v10+s2+$0x0], $0xffff;
	[tilespmem:$0x1FA20] =	vst v2;
	v2 =	vadd.s32 $0xA400, v4  }
0x356: {  	v21 =	vadd.s32 $0x8400, v4;
	v28 =	vld.idx.msk [tilespmem:v12+s2+$0x0], $0xffff;
	s14 =	sadd.s32 $0x400, s14;
	[tilespmem:$0x1FA30] =	vst v2  }
0x357: {  	v25 =	vadd.s32 $0x8400, v5;
	v34 =	vld.idx.msk [tilespmem:v13+s2+$0x0], $0xffff;
	[tilespmem:s14+$0xFFFFE070] =	vst v15  }
0x358: {  	v29 =	vadd.s32 $0x8400, v47;
	v36 =	vld.idx.msk [tilespmem:v18+s2+$0x0], $0xffff;
	[tilespmem:s14+$0xFFFFE010] =	vst v17  }
0x359: {  	v32 =	vadd.s32 $0x8400, v48;
	v45 =	vld.idx.msk [tilespmem:v22+s2+$0x0], $0xffff;
	[tilespmem:s14+$0xFFFFE020] =	vst v23  }
0x35a: {  	v35 =	vadd.s32 $0x8400, v51;
	[tilespmem:s14+$0xFFFFE030] =	vst v27;
	v44 =	vld.idx.msk [tilespmem:v24+s2+$0x0], $0xffff  }
0x35b: {  	[tilespmem:s14+$0xFFFFE040] =	vst v28;
	v46 =	vld.idx.msk [tilespmem:v21+s2+$0x0], $0xffff  }
0x35c: {  	[tilespmem:s14+$0xFFFFE050] =	vst v34;
	v50 =	vld.idx.msk [tilespmem:v25+s2+$0x0], $0xffff  }
0x35d: {  	v52 =	vld.idx.msk [tilespmem:v29+s2+$0x0], $0xffff;
	[tilespmem:s14+$0xFFFFE060] =	vst v36  }
0x35e: {  	v43 =	vadd.s32 $0x8400, v9;
	v38 =	vld.idx.msk [tilespmem:v32+s2+$0x0], $0xffff;
	[tilespmem:s14+$0xFFFFE000] =	vst v45  }
0x35f: {  	v42 =	vadd.s32 $0x8400, v55;
	v7 =	vld.idx.msk [tilespmem:v35+s2+$0x0], $0xffff;
	[tilespmem:s14+$0xFFFFE0F0] =	vst v44  }
0x360: {  	v49 =	vadd.s32 $0x8800, v1;
	[tilespmem:s14+$0xFFFFE090] =	vst v46  }
0x361: {  	[tilespmem:s14+$0xFFFFE0A0] =	vst v50  }
0x362: {  	v53 =	vadd.s32 $0x8800, v4;
	[tilespmem:s14+$0xFFFFE0B0] =	vst v52  }
0x363: {  	v39 =	vadd.s32 $0x8800, v5;
	v3 =	vld.idx.msk [tilespmem:v43+s2+$0x0], $0xffff;
	[tilespmem:s14+$0xFFFFE0C0] =	vst v38  }
0x364: {  	v40 =	vadd.s32 $0x8800, v47;
	v6 =	vld.idx.msk [tilespmem:v42+s2+$0x0], $0xffff;
	[tilespmem:s14+$0xFFFFE0D0] =	vst v7;
	v7 =	vadd.s32 $0xA400, v51  }
0x365: {  	v10 =	vld.idx.msk [tilespmem:v49+s2+$0x0], $0xffff;
	[tilespmem:$0x1FA40] =	vst v7;
	v7 =	vadd.s32 $0xA800, v9  }
0x366: {  	[tilespmem:$0x1FA50] =	vst v7;
	v7 =	vadd.s32 $0xA800, v4  }
0x367: {  	v8 =	vld.idx.msk [tilespmem:v53+s2+$0x0], $0xffff;
	[tilespmem:$0x1FA60] =	vst v7  }
0x368: {  	v2 =	vld.idx.msk [tilespmem:v39+s2+$0x0], $0xffff;
	[tilespmem:s14+$0xFFFFE080] =	vst v3  }
0x369: {  	v11 =	vld.idx.msk [tilespmem:v40+s2+$0x0], $0xffff;
	[tilespmem:s14+$0xFFFFE0E0] =	vst v6  }
0x36a: {  	v6 =	vadd.s32 $0xA800, v55;
	[tilespmem:s14+$0xFFFFE170] =	vst v10  }
0x36b: {  	[tilespmem:$0x1FAA0] =	vst v6  }
0x36c: {  	v41 =	vadd.s32 $0x8800, v48;
	[tilespmem:s14+$0xFFFFE110] =	vst v8  }
0x36d: {  	[tilespmem:s14+$0xFFFFE120] =	vst v2  }
0x36e: {  	v10 =	vadd.s32 $0xA800, v47;
	[tilespmem:s14+$0xFFFFE130] =	vst v11  }
0x36f: {  	v6 =	vadd.s32 $0xAC00, v4;
	[tilespmem:$0x1FA70] =	vst v10  }
0x370: {  	v2 =	vadd.s32 $0xAC00, v47;
	[tilespmem:$0x1FAC0] =	vst v6  }
0x371: {  	v16 =	vadd.s32 $0x8800, v9;
	v7 =	vld.idx.msk [tilespmem:v41+s2+$0x0], $0xffff;
	v11 =	vadd.s32 $0xAC00, v55;
	[tilespmem:$0x1FAE0] =	vst v2  }
0x372: {  	v0 =	vadd.s32 $0x8C00, v1;
	v10 =	vadd.s32 $0xA800, v48;
	[tilespmem:$0x1FB10] =	vst v11  }
0x373: {  	v20 =	vadd.s32 $0x8C00, v5;
	v6 =	vadd.s32 $0xAC00, v5;
	[tilespmem:$0x1FA80] =	vst v10  }
0x374: {  	v2 =	vadd.s32 $0xAC00, v48;
	[tilespmem:$0x1FAD0] =	vst v6  }
0x375: {  	[tilespmem:$0x1FAF0] =	vst v2  }
0x376: {  	v26 =	vadd.s32 $0x8800, v51;
	v10 =	vld.idx.msk [tilespmem:v16+s2+$0x0], $0xffff;
	v16 =	vadd.s32 $0xAC00, v9;
	[tilespmem:s14+$0xFFFFE140] =	vst v7  }
0x377: {  	v0 =	vld.idx.msk [tilespmem:v0+s2+$0x0], $0xffff;
	v2 =	vadd.s32 $0xAC00, v51;
	[tilespmem:$0x1FAB0] =	vst v16  }
0x378: {  	v30 =	vadd.s32 $0x8800, v55;
	v11 =	vld.idx.msk [tilespmem:v20+s2+$0x0], $0xffff;
	v7 =	vadd.s32 $0xB000, v48;
	[tilespmem:$0x1FB00] =	vst v2  }
0x379: {  	v16 =	vadd.s32 $0xA800, v51;
	[tilespmem:$0x1FB60] =	vst v7  }
0x37a: {  	v19 =	vadd.s32 $0x8C00, v4;
	v7 =	vadd.s32 $0xB400, v9;
	[tilespmem:$0x1FA90] =	vst v16  }
0x37b: {  	v31 =	vadd.s32 $0x8C00, v47;
	v6 =	vld.idx.msk [tilespmem:v26+s2+$0x0], $0xffff;
	[tilespmem:$0x1FB90] =	vst v7  }
0x37c: {  	[tilespmem:s14+$0xFFFFE1F0] =	vst v0  }
0x37d: {  	v8 =	vadd.s32 $0x9000, v1;
	v2 =	vld.idx.msk [tilespmem:v30+s2+$0x0], $0xffff;
	[tilespmem:s14+$0xFFFFE1A0] =	vst v11  }
0x37e: {  	v12 =	vadd.s32 $0x8C00, v48;
	v0 =	vadd.s32 $0xB400, v4;
	[tilespmem:s14+$0xFFFFE100] =	vst v10  }
0x37f: {  	v33 =	vadd.s32 $0x8C00, v9;
	v16 =	vld.idx.msk [tilespmem:v19+s2+$0x0], $0xffff;
	[tilespmem:$0x1FBA0] =	vst v0  }
0x380: {  	v13 =	vadd.s32 $0x8C00, v51;
	v7 =	vld.idx.msk [tilespmem:v31+s2+$0x0], $0xffff;
	v0 =	vadd.s32 $0xB400, v5;
	[tilespmem:s14+$0xFFFFE150] =	vst v6  }
0x381: {  	v37 =	vadd.s32 $0x8C00, v55;
	[tilespmem:$0x1FBB0] =	vst v0  }
0x382: {  	v54 =	vadd.s32 $0x9000, v5;
	v8 =	vld.idx.msk [tilespmem:v8+s2+$0x0], $0xffff;
	v0 =	vadd.s32 $0xB400, v47;
	[tilespmem:s14+$0xFFFFE160] =	vst v2  }
0x383: {  	v14 =	vadd.s32 $0x9000, v4;
	v6 =	vld.idx.msk [tilespmem:v12+s2+$0x0], $0xffff;
	[tilespmem:$0x1FBC0] =	vst v0  }
0x384: {  	v56 =	vadd.s32 $0x9000, v47;
	v10 =	vld.idx.msk [tilespmem:v33+s2+$0x0], $0xffff;
	[tilespmem:s14+$0xFFFFE190] =	vst v16  }
0x385: {  	v58 =	vadd.s32 $0x9000, v9;
	v13 =	vld.idx.msk [tilespmem:v13+s2+$0x0], $0xffff;
	v0 =	vadd.s32 $0xB400, v48;
	[tilespmem:s14+$0xFFFFE1B0] =	vst v7  }
0x386: {  	v57 =	vadd.s32 $0x9000, v55;
	v12 =	vadd.s32 $0x9400, v1;
	v11 =	vld.idx.msk [tilespmem:v37+s2+$0x0], $0xffff;
	[tilespmem:$0x1FBD0] =	vst v0;
	v0 =	vadd.s32 $0xB400, v51  }
0x387: {  	v15 =	vadd.s32 $0x9000, v48;
	v18 =	vadd.s32 $0x9000, v51;
	v7 =	vld.idx.msk [tilespmem:v54+s2+$0x0], $0xffff;
	[tilespmem:$0x1FBE0] =	vst v0;
	v0 =	vadd.s32 $0xB800, v5  }
0x388: {  	v25 =	vadd.s32 $0x9400, v55;
	v36 =	vadd.s32 $0x9800, v55;
	v43 =	vadd.s32 $0x9C00, v55;
	v14 =	vld.idx.msk [tilespmem:v14+s2+$0x0], $0xffff;
	[tilespmem:$0x1FBF0] =	vst v0  }
0x389: {  	v53 =	vadd.s32 $0xA000, v55;
	v41 =	vadd.s32 $0xA400, v55;
	v20 =	vadd.s32 $0xB800, v55;
	[tilespmem:s14+$0xFFFFE1C0] =	vst v6;
	v6 =	vld.idx.msk [tilespmem:v56+s2+$0x0], $0xffff  }
0x38a: {  	v31 =	vadd.s32 $0xB000, v55;
	v33 =	vadd.s32 $0xB400, v55;
	v0 =	vadd.s32 $0xBC00, v55;
	[tilespmem:s14+$0xFFFFE270] =	vst v8;
	v55 =	vld [tilespmem:$0x1FA40]  }
0x38b: {  	[tilespmem:s14+$0xFFFFE180] =	vst v10;
	v8 =	vld.idx.msk [tilespmem:v12+s2+$0x0], $0xffff  }
0x38c: {  	v17 =	vadd.s32 $0x9400, v4;
	v10 =	vld.idx.msk [tilespmem:v58+s2+$0x0], $0xffff  }
0x38d: {  	v23 =	vadd.s32 $0x9400, v5;
	[tilespmem:s14+$0xFFFFE1D0] =	vst v13;
	v58 =	vld.idx.msk [tilespmem:v15+s2+$0x0], $0xffff  }
0x38e: {  	v24 =	vadd.s32 $0x9400, v47;
	[tilespmem:s14+$0xFFFFE1E0] =	vst v11;
	v11 =	vld.idx.msk [tilespmem:v18+s2+$0x0], $0xffff  }
0x38f: {  	v56 =	vadd.s32 $0x9800, v1;
	[tilespmem:s14+$0xFFFFE220] =	vst v7;
	v7 =	vld.idx.msk [tilespmem:v57+s2+$0x0], $0xffff  }
0x390: {  	[tilespmem:s14+$0xFFFFE210] =	vst v14;
	v57 =	vld [tilespmem:$0x1FA60]  }
0x391: {  	v14 =	vld.idx.msk [tilespmem:v17+s2+$0x0], $0xffff  }
0x392: {  	v22 =	vadd.s32 $0x9400, v9;
	[tilespmem:s14+$0xFFFFE230] =	vst v6;
	v6 =	vld.idx.msk [tilespmem:v23+s2+$0x0], $0xffff  }
0x393: {  	v27 =	vadd.s32 $0x9400, v48;
	[tilespmem:s14+$0xFFFFE2F0] =	vst v8;
	v24 =	vld.idx.msk [tilespmem:v24+s2+$0x0], $0xffff  }
0x394: {  	v21 =	vadd.s32 $0x9400, v51;
	v8 =	vld.idx.msk [tilespmem:v56+s2+$0x0], $0xffff  }
0x395: {  	[tilespmem:s14+$0xFFFFE200] =	vst v10;
	v56 =	vld [tilespmem:$0x1FA50]  }
0x396: {  	v28 =	vadd.s32 $0x9800, v4;
	v30 =	vadd.s32 $0xB000, v9;
	[tilespmem:s14+$0xFFFFE240] =	vst v58;
	v58 =	vld [tilespmem:$0x1FAA0]  }
0x397: {  	v60 =	vadd.s32 $0x9800, v5;
	[tilespmem:$0x1FB20] =	vst v30;
	v10 =	vld.idx.msk [tilespmem:v22+s2+$0x0], $0xffff  }
0x398: {  	[tilespmem:s14+$0xFFFFE250] =	vst v11;
	v11 =	vld.idx.msk [tilespmem:v27+s2+$0x0], $0xffff  }
0x399: {  	v23 =	vadd.s32 $0x9C00, v1;
	[tilespmem:s14+$0xFFFFE260] =	vst v7;
	v7 =	vld.idx.msk [tilespmem:v21+s2+$0x0], $0xffff  }
0x39a: {  	v61 =	vadd.s32 $0x9800, v47;
	[tilespmem:s14+$0xFFFFE290] =	vst v14;
	v25 =	vld.idx.msk [tilespmem:v25+s2+$0x0], $0xffff  }
0x39b: {  	v29 =	vadd.s32 $0x9800, v48;
	v30 =	vadd.s32 $0xB000, v5;
	[tilespmem:s14+$0xFFFFE2A0] =	vst v6;
	v6 =	vld.idx.msk [tilespmem:v28+s2+$0x0], $0xffff  }
0x39c: {  	[tilespmem:$0x1FB40] =	vst v30;
	v28 =	vld.idx.msk [tilespmem:v60+s2+$0x0], $0xffff  }
0x39d: {  	v59 =	vadd.s32 $0x9800, v9;
	v60 =	vld [tilespmem:$0x1FB00];
	[tilespmem:s14+$0xFFFFE370] =	vst v8  }
0x39e: {  	v32 =	vadd.s32 $0x9800, v51;
	[tilespmem:s14+$0xFFFFE2B0] =	vst v24;
	v8 =	vld.idx.msk [tilespmem:v23+s2+$0x0], $0xffff  }
0x39f: {  	v63 =	vadd.s32 $0x9C00, v5;
	[tilespmem:s14+$0xFFFFE2C0] =	vst v11;
	v11 =	vld.idx.msk [tilespmem:v61+s2+$0x0], $0xffff  }
0x3a0: {  	v35 =	vadd.s32 $0x9C00, v47;
	[tilespmem:s14+$0xFFFFE2D0] =	vst v7;
	v7 =	vld.idx.msk [tilespmem:v29+s2+$0x0], $0xffff  }
0x3a1: {  	[tilespmem:s14+$0xFFFFE280] =	vst v10;
	v61 =	vld [tilespmem:$0x1FB10]  }
0x3a2: {  	v62 =	vadd.s32 $0x9C00, v4;
	v10 =	vld.idx.msk [tilespmem:v59+s2+$0x0], $0xffff;
	[tilespmem:s14+$0xFFFFE2E0] =	vst v25  }
0x3a3: {  	v27 =	vadd.s32 $0xA000, v1;
	v32 =	vld.idx.msk [tilespmem:v32+s2+$0x0], $0xffff;
	[tilespmem:s14+$0xFFFFE320] =	vst v28  }
0x3a4: {  	[tilespmem:s14+$0xFFFFE330] =	vst v11;
	v11 =	vld.idx.msk [tilespmem:v63+s2+$0x0], $0xffff  }
0x3a5: {  	v46 =	vadd.s32 $0xA000, v5;
	[tilespmem:s14+$0xFFFFE340] =	vst v7;
	v7 =	vld.idx.msk [tilespmem:v35+s2+$0x0], $0xffff  }
0x3a6: {  	v34 =	vadd.s32 $0x9C00, v9;
	[tilespmem:s14+$0xFFFFE310] =	vst v6;
	v6 =	vld.idx.msk [tilespmem:v36+s2+$0x0], $0xffff  }
0x3a7: {  	v37 =	vld.idx.msk [tilespmem:v62+s2+$0x0], $0xffff;
	[tilespmem:s14+$0xFFFFE3F0] =	vst v8  }
0x3a8: {  	v44 =	vadd.s32 $0x9C00, v48;
	[tilespmem:s14+$0xFFFFE300] =	vst v10;
	v8 =	vld.idx.msk [tilespmem:v27+s2+$0x0], $0xffff  }
0x3a9: {  	v45 =	vadd.s32 $0x9C00, v51;
	[tilespmem:s14+$0xFFFFE3A0] =	vst v11;
	v11 =	vld [tilespmem:$0x1FA10]  }
0x3aa: {  	[tilespmem:s14+$0xFFFFE3B0] =	vst v7;
	v7 =	vld.idx.msk [tilespmem:v46+s2+$0x0], $0xffff  }
0x3ab: {  	[tilespmem:s14+$0xFFFFE350] =	vst v32;
	v10 =	vld.idx.msk [tilespmem:v34+s2+$0x0], $0xffff  }
0x3ac: {  	v59 =	vld [tilespmem:$0x1FAB0];
	[tilespmem:s14+$0xFFFFE360] =	vst v6  }
0x3ad: {  	v44 =	vld.idx.msk [tilespmem:v44+s2+$0x0], $0xffff;
	[tilespmem:s14+$0xFFFFE390] =	vst v37  }
0x3ae: {  	v36 =	vadd.s32 $0xA400, v1;
	[tilespmem:s14+$0x70] =	vst v8;
	v8 =	vld.idx.msk [tilespmem:v45+s2+$0x0], $0xffff  }
0x3af: {  	v50 =	vadd.s32 $0xA000, v47;
	[tilespmem:s14+$0x20] =	vst v7;
	v7 =	vld [tilespmem:$0x1FA30]  }
0x3b0: {  	v42 =	vadd.s32 $0xA000, v48;
	v30 =	vadd.s32 $0xB000, v51;
	[tilespmem:s14+$0xFFFFE380] =	vst v10;
	v10 =	vld.idx.msk [tilespmem:v43+s2+$0x0], $0xffff  }
0x3b1: {  	[tilespmem:$0x1FB70] =	vst v30;
	v11 =	vld.idx.msk [tilespmem:v11+s2+$0x0], $0xffff  }
0x3b2: {  	[tilespmem:$0x1FB80] =	vst v31;
	v62 =	vld [tilespmem:$0x1FB70]  }
0x3b3: {  	v52 =	vadd.s32 $0xA000, v51;
	v49 =	vadd.s32 $0xA000, v9;
	v31 =	vadd.s32 $0xB800, v9;
	v6 =	vld.idx.msk [tilespmem:v36+s2+$0x0], $0xffff;
	[tilespmem:s14+$0xFFFFE3C0] =	vst v44  }
0x3b4: {  	v2 =	vadd.s32 $0xBC00, v51;
	v16 =	vadd.s32 $0xBC00, v9;
	v9 =	vadd.s32 $0xB800, v51;
	v51 =	vld.idx.msk [tilespmem:v50+s2+$0x0], $0xffff;
	[tilespmem:s14+$0xFFFFE3D0] =	vst v8  }
0x3b5: {  	v45 =	vadd.s32 $0xA800, v1;
	v8 =	vld.idx.msk [tilespmem:v42+s2+$0x0], $0xffff;
	[tilespmem:s14+$0xFFFFE3E0] =	vst v10  }
0x3b6: {  	v38 =	vadd.s32 $0xA400, v47;
	[tilespmem:s14+$0x10] =	vst v11;
	v11 =	vld.idx.msk [tilespmem:v53+s2+$0x0], $0xffff  }
0x3b7: {  	v7 =	vld.idx.msk [tilespmem:v7+s2+$0x0], $0xffff  }
0x3b8: {  	v49 =	vld.idx.msk [tilespmem:v49+s2+$0x0], $0xffff;
	[tilespmem:s14+$0xF0] =	vst v6  }
0x3b9: {  	v39 =	vadd.s32 $0xA400, v5;
	v10 =	vld.idx.msk [tilespmem:v52+s2+$0x0], $0xffff;
	[tilespmem:s14+$0x30] =	vst v51  }
0x3ba: {  	v40 =	vadd.s32 $0xA400, v48;
	v6 =	vld.idx.msk [tilespmem:v45+s2+$0x0], $0xffff;
	[tilespmem:s14+$0x40] =	vst v8  }
0x3bb: {  	v52 =	vadd.s32 $0xAC00, v1;
	v8 =	vld.idx.msk [tilespmem:v38+s2+$0x0], $0xffff;
	[tilespmem:s14+$0x60] =	vst v11  }
0x3bc: {  	[tilespmem:s14+$0x90] =	vst v7;
	v7 =	vld.idx.msk [tilespmem:v41+s2+$0x0], $0xffff  }
0x3bd: {  	v53 =	vld [tilespmem:$0x1FA20]  }
0x3be: {  	v54 =	vld.idx.msk [tilespmem:v39+s2+$0x0], $0xffff;
	[tilespmem:s14+$0x50] =	vst v10  }
0x3bf: {  	v3 =	vadd.s32 $0xA800, v5;
	v10 =	vld.idx.msk [tilespmem:v40+s2+$0x0], $0xffff;
	[tilespmem:s14+$0x170] =	vst v6  }
0x3c0: {  	v6 =	vld.idx.msk [tilespmem:v52+s2+$0x0], $0xffff  }
0x3c1: {  	v11 =	vadd.s32 $0xB000, v1;
	[tilespmem:s14+$0xE0] =	vst v7;
	v7 =	vld [tilespmem:$0x1FA90]  }
0x3c2: {  	[tilespmem:s14+$0xB0] =	vst v8;
	v8 =	vld [tilespmem:$0x1FA70]  }
0x3c3: {  	[tilespmem:s14+$0xA0] =	vst v54;
	v12 =	vld.idx.msk [tilespmem:v55+s2+$0x0], $0xffff  }
0x3c4: {  	[tilespmem:s14+$0x0] =	vst v49;
	v3 =	vld.idx.msk [tilespmem:v3+s2+$0x0], $0xffff  }
0x3c5: {  	[tilespmem:s14+$0x1F0] =	vst v6;
	v13 =	vld.idx.msk [tilespmem:v53+s2+$0x0], $0xffff  }
0x3c6: {  	v6 =	vld.idx.msk [tilespmem:v11+s2+$0x0], $0xffff  }
0x3c7: {  	[tilespmem:s14+$0xC0] =	vst v10;
	v11 =	vld [tilespmem:$0x1FA80]  }
0x3c8: {  	v10 =	vadd.s32 $0xB400, v1;
	[tilespmem:s14+$0xD0] =	vst v12;
	v14 =	vld.idx.msk [tilespmem:v57+s2+$0x0], $0xffff  }
0x3c9: {  	v7 =	vld.idx.msk [tilespmem:v7+s2+$0x0], $0xffff  }
0x3ca: {  	v8 =	vld.idx.msk [tilespmem:v8+s2+$0x0], $0xffff;
	[tilespmem:s14+$0x80] =	vst v13  }
0x3cb: {  	v13 =	vld.idx.msk [tilespmem:v56+s2+$0x0], $0xffff  }
0x3cc: {  	[tilespmem:s14+$0x270] =	vst v6;
	v6 =	vld [tilespmem:$0x1FAC0]  }
0x3cd: {  	[tilespmem:s14+$0x120] =	vst v3;
	v3 =	vld.idx.msk [tilespmem:v10+s2+$0x0], $0xffff  }
0x3ce: {  	v10 =	vadd.s32 $0xB800, v1;
	[tilespmem:s14+$0x150] =	vst v7;
	v7 =	vld [tilespmem:$0x1FAF0]  }
0x3cf: {  	v11 =	vld.idx.msk [tilespmem:v11+s2+$0x0], $0xffff  }
0x3d0: {  	[tilespmem:s14+$0x130] =	vst v8;
	v8 =	vld [tilespmem:$0x1FAD0]  }
0x3d1: {  	v12 =	vld.idx.msk [tilespmem:v58+s2+$0x0], $0xffff;
	[tilespmem:s14+$0x100] =	vst v13  }
0x3d2: {  	v13 =	vld.idx.msk [tilespmem:v59+s2+$0x0], $0xffff;
	[tilespmem:s14+$0x2F0] =	vst v3  }
0x3d3: {  	v3 =	vld.idx.msk [tilespmem:v10+s2+$0x0], $0xffff  }
0x3d4: {  	[tilespmem:s14+$0x140] =	vst v11;
	v11 =	vld [tilespmem:$0x1FAE0]  }
0x3d5: {  	v10 =	vld [tilespmem:$0x1FB40]  }
0x3d6: {  	v26 =	vadd.s32 $0xB000, v4;
	[tilespmem:s14+$0x110] =	vst v14;
	v7 =	vld.idx.msk [tilespmem:v7+s2+$0x0], $0xffff  }
0x3d7: {  	[tilespmem:$0x1FB30] =	vst v26;
	v26 =	vadd.s32 $0xB000, v47;
	v6 =	vld.idx.msk [tilespmem:v6+s2+$0x0], $0xffff  }
0x3d8: {  	[tilespmem:$0x1FB50] =	vst v26;
	v8 =	vld.idx.msk [tilespmem:v8+s2+$0x0], $0xffff  }
0x3d9: {  	[tilespmem:s14+$0x160] =	vst v12;
	v12 =	vld.idx.msk [tilespmem:v60+s2+$0x0], $0xffff  }
0x3da: {  	[tilespmem:s14+$0x180] =	vst v13;
	v13 =	vld.idx.msk [tilespmem:v61+s2+$0x0], $0xffff  }
0x3db: {  	v1 =	vadd.s32 $0xBC00, v1;
	[tilespmem:s14+$0x1C0] =	vst v7;
	v7 =	vld [tilespmem:$0x1FB50]  }
0x3dc: {  	v11 =	vld.idx.msk [tilespmem:v11+s2+$0x0], $0xffff  }
0x3dd: {  	[tilespmem:s14+$0x190] =	vst v6;
	v6 =	vld [tilespmem:$0x1FB20]  }
0x3de: {  	[tilespmem:s14+$0x1A0] =	vst v8;
	v8 =	vld [tilespmem:$0x1FB30]  }
0x3df: {  	[tilespmem:s14+$0x370] =	vst v3;
	v3 =	vld [tilespmem:$0x1FB80]  }
0x3e0: {  	v1 =	vld.idx.msk [tilespmem:v1+s2+$0x0], $0xffff  }
0x3e1: {  	[tilespmem:s14+$0x1B0] =	vst v11;
	v11 =	vld [tilespmem:$0x1FB60]  }
0x3e2: {  	v10 =	vld.idx.msk [tilespmem:v10+s2+$0x0], $0xffff  }
0x3e3: {  	[tilespmem:s14+$0x1D0] =	vst v12;
	v7 =	vld.idx.msk [tilespmem:v7+s2+$0x0], $0xffff  }
0x3e4: {  	v12 =	vld.idx.msk [tilespmem:v62+s2+$0x0], $0xffff  }
0x3e5: {  	v6 =	vld.idx.msk [tilespmem:v6+s2+$0x0], $0xffff  }
0x3e6: {  	v8 =	vld.idx.msk [tilespmem:v8+s2+$0x0], $0xffff  }
0x3e7: {  	[tilespmem:s14+$0x3F0] =	vst v1;
	v1 =	vld [tilespmem:$0x1FBE0]  }
0x3e8: {  	[tilespmem:s14+$0x230] =	vst v7;
	v7 =	vld [tilespmem:$0x1FBB0]  }
0x3e9: {  	v11 =	vld.idx.msk [tilespmem:v11+s2+$0x0], $0xffff  }
0x3ea: {  	[tilespmem:s14+$0x200] =	vst v6;
	v6 =	vld [tilespmem:$0x1FB90]  }
0x3eb: {  	[tilespmem:s14+$0x210] =	vst v8;
	v8 =	vld [tilespmem:$0x1FBA0]  }
0x3ec: {  	[tilespmem:s14+$0x220] =	vst v10;
	v10 =	vld [tilespmem:$0x1FBC0]  }
0x3ed: {  	[tilespmem:s14+$0x1E0] =	vst v13  }
0x3ee: {  	[tilespmem:s14+$0x240] =	vst v11;
	v11 =	vld [tilespmem:$0x1FBD0]  }
0x3ef: {  	v3 =	vld.idx.msk [tilespmem:v3+s2+$0x0], $0xffff  }
0x3f0: {  	[tilespmem:s14+$0x250] =	vst v12;
	v7 =	vld.idx.msk [tilespmem:v7+s2+$0x0], $0xffff  }
0x3f1: {  	v1 =	vld.idx.msk [tilespmem:v1+s2+$0x0], $0xffff  }
0x3f2: {  	v6 =	vld.idx.msk [tilespmem:v6+s2+$0x0], $0xffff  }
0x3f3: {  	v8 =	vld.idx.msk [tilespmem:v8+s2+$0x0], $0xffff  }
0x3f4: {  	v10 =	vld.idx.msk [tilespmem:v10+s2+$0x0], $0xffff  }
0x3f5: {  	v26 =	vadd.s32 $0xB800, v4;
	[tilespmem:s14+$0x2A0] =	vst v7;
	v7 =	vld [tilespmem:$0x1FBF0]  }
0x3f6: {  	v30 =	vadd.s32 $0xB800, v47;
	[tilespmem:s14+$0x260] =	vst v3;
	v11 =	vld.idx.msk [tilespmem:v11+s2+$0x0], $0xffff  }
0x3f7: {  	v19 =	vadd.s32 $0xB800, v48;
	v3 =	vld.idx.msk [tilespmem:v33+s2+$0x0], $0xffff;
	[tilespmem:s14+$0x2D0] =	vst v1  }
0x3f8: {  	v1 =	vld.idx.msk [tilespmem:v9+s2+$0x0], $0xffff;
	[tilespmem:s14+$0x280] =	vst v6  }
0x3f9: {  	v6 =	vld.idx.msk [tilespmem:v31+s2+$0x0], $0xffff;
	[tilespmem:s14+$0x290] =	vst v8  }
0x3fa: {  	v63 =	vld.idx.msk [tilespmem:v26+s2+$0x0], $0xffff;
	[tilespmem:s14+$0x2B0] =	vst v10  }
0x3fb: {  	v4 =	vadd.s32 $0xBC00, v4;
	v10 =	vld.idx.msk [tilespmem:v30+s2+$0x0], $0xffff;
	[tilespmem:s14+$0x2C0] =	vst v11  }
0x3fc: {  	v47 =	vadd.s32 $0xBC00, v47;
	v11 =	vld.idx.msk [tilespmem:v19+s2+$0x0], $0xffff  }
0x3fd: {  	s15 =	sadd.s32 $0x8, s15;
	v48 =	vadd.s32 $0xBC00, v48;
	[tilespmem:s14+$0x2E0] =	vst v3;
	v7 =	vld.idx.msk [tilespmem:v7+s2+$0x0], $0xffff  }
0x3fe: {  	p0 =	slt.u32 s15, $0x38;
	v5 =	vadd.s32 $0xBC00, v5;
	v8 =	vld.idx.msk [tilespmem:v20+s2+$0x0], $0xffff;
	[tilespmem:s14+$0x300] =	vst v6  }
.Ltmp2:
0x3ff: {  	v3 =	vld.idx.msk [tilespmem:v16+s2+$0x0], $0xffff;
	[tilespmem:s14+$0x310] =	vst v63;
	(pc) =	sbr.rel @p0 .LBB2_6-.Ltmp2, $4  }
0x400: {  	v6 =	vld.idx.msk [tilespmem:v4+s2+$0x0], $0xffff;
	[tilespmem:s14+$0x330] =	vst v10  }
0x401: {  	v9 =	vld.idx.msk [tilespmem:v47+s2+$0x0], $0xffff;
	[tilespmem:s14+$0x340] =	vst v11  }
0x402: {  	v10 =	vld.idx.msk [tilespmem:v48+s2+$0x0], $0xffff;
	[tilespmem:s14+$0x320] =	vst v7  }
0x403: {  	s16 =	sadd.s32 $0x80, s16;
	[tilespmem:s14+$0x350] =	vst v1;
	v7 =	vld.idx.msk [tilespmem:v5+s2+$0x0], $0xffff  }
0x404: {  	_ =	sdelay $0x2  }
0x405: {  	[tilespmem:s14+$0x360] =	vst v8  }
0x406: {  	[tilespmem:s14+$0x380] =	vst v3;
	v1 =	vld.idx.msk [tilespmem:v2+s2+$0x0], $0xffff  }
0x407: {  	[tilespmem:s14+$0x390] =	vst v6;
	v0 =	vld.idx.msk [tilespmem:v0+s2+$0x0], $0xffff  }
0x408: {  	[tilespmem:s14+$0x3B0] =	vst v9  }
0x409: {  	[tilespmem:s14+$0x3C0] =	vst v10  }
0x40a: {  	[tilespmem:s14+$0x3A0] =	vst v7  }
0x40b: {  	[tilespmem:s14+$0x3D0] =	vst v1  }
0x40c: {  	[tilespmem:s14+$0x3E0] =	vst v0  }
0x40d: {  	[hbm4b:s7+s2] =	stream.linear.scatter [tilespmem:s12], [sflag:$0x1], $0x4000, $0x38;
	[tilespmem:$0x14400] =	vst v63  }
0x40e: {  	_ =	swait.ge [sflag:s10], $0x4000  }
0x40f: {  	[sflag:s10] =	ssyncset.done $0x0  }
0x410: {  	s31 =	simm.s32 $0x10040;
	[sflag:s10] =	ssyncadd.s32 $0xFFFFC000  }
0x411: {  	v7 =	vld [tilespmem:s31+$0x30]  }
0x412: {  	v5 =	vld [tilespmem:s31+$0xFFFFFFD0]  }
0x413: {  	v4 =	vld [tilespmem:s31+$0xFFFFFFE0]  }
0x414: {  	v3 =	vld [tilespmem:s31+$0xFFFFFFF0]  }
0x415: {  	v2 =	vld [tilespmem:s31+$0x0]  }
0x416: {  	v6 =	vld [tilespmem:s31+$0xFFFFFFC0];
	v8 =	vadd.s32 $0xC000, v7  }
0x417: {  	v0 =	vld [tilespmem:s31+$0x10];
	v9 =	vadd.s32 $0xC000, v5  }
0x418: {  	v1 =	vld [tilespmem:s31+$0x20];
	v10 =	vadd.s32 $0xC000, v4  }
0x419: {  	v11 =	vadd.s32 $0xC000, v3  }
0x41a: {  	v12 =	vadd.s32 $0xC000, v2  }
0x41b: {  	v16 =	vadd.s32 $0xC000, v6;
	v8 =	vld.idx.msk [tilespmem:v8+s2+$0x0], $0xffff  }
0x41c: {  	v13 =	vadd.s32 $0xC000, v0;
	v9 =	vld.idx.msk [tilespmem:v9+s2+$0x0], $0xffff  }
0x41d: {  	v14 =	vadd.s32 $0xC000, v1;
	v10 =	vld.idx.msk [tilespmem:v10+s2+$0x0], $0xffff  }
0x41e: {  	v15 =	vadd.s32 $0xC400, v7;
	v11 =	vld.idx.msk [tilespmem:v11+s2+$0x0], $0xffff  }
0x41f: {  	s14 =	simm.s32 $0x12400;
	v17 =	vadd.s32 $0xC400, v5;
	v12 =	vld.idx.msk [tilespmem:v12+s2+$0x0], $0xffff  }
0x420: {  	v18 =	vadd.s32 $0xC400, v4;
	v16 =	vld.idx.msk [tilespmem:v16+s2+$0x0], $0xffff;
	[tilespmem:s14+$0xFFFFE070] =	vst v8  }
0x421: {  	v35 =	vadd.s32 $0xC400, v6;
	v13 =	vld.idx.msk [tilespmem:v13+s2+$0x0], $0xffff;
	[tilespmem:s14+$0xFFFFE010] =	vst v9  }
0x422: {  	v14 =	vld.idx.msk [tilespmem:v14+s2+$0x0], $0xffff;
	v8 =	vadd.s32 $0xC400, v3;
	[tilespmem:s14+$0xFFFFE020] =	vst v10  }
0x423: {  	v9 =	vadd.s32 $0xC400, v2;
	[tilespmem:s14+$0xFFFFE030] =	vst v11;
	v15 =	vld.idx.msk [tilespmem:v15+s2+$0x0], $0xffff  }
0x424: {  	v10 =	vadd.s32 $0xC400, v0;
	[tilespmem:s14+$0xFFFFE040] =	vst v12;
	v17 =	vld.idx.msk [tilespmem:v17+s2+$0x0], $0xffff  }
0x425: {  	v11 =	vadd.s32 $0xC800, v7;
	[tilespmem:s14+$0xFFFFE000] =	vst v16;
	v18 =	vld.idx.msk [tilespmem:v18+s2+$0x0], $0xffff  }
0x426: {  	v38 =	vadd.s32 $0xC800, v4;
	[tilespmem:s14+$0xFFFFE050] =	vst v13;
	v12 =	vld.idx.msk [tilespmem:v35+s2+$0x0], $0xffff  }
0x427: {  	v36 =	vadd.s32 $0xC400, v1;
	[tilespmem:s14+$0xFFFFE060] =	vst v14;
	v8 =	vld.idx.msk [tilespmem:v8+s2+$0x0], $0xffff  }
0x428: {  	v37 =	vadd.s32 $0xC800, v5;
	v9 =	vld.idx.msk [tilespmem:v9+s2+$0x0], $0xffff;
	[tilespmem:s14+$0xFFFFE0F0] =	vst v15  }
0x429: {  	v39 =	vadd.s32 $0xC800, v3;
	v10 =	vld.idx.msk [tilespmem:v10+s2+$0x0], $0xffff;
	[tilespmem:s14+$0xFFFFE090] =	vst v17  }
0x42a: {  	v40 =	vadd.s32 $0xC800, v2;
	[tilespmem:s14+$0xFFFFE0A0] =	vst v18;
	v11 =	vld.idx.msk [tilespmem:v11+s2+$0x0], $0xffff  }
0x42b: {  	v41 =	vadd.s32 $0xCC00, v7;
	[tilespmem:s14+$0xFFFFE080] =	vst v12;
	v15 =	vld.idx.msk [tilespmem:v38+s2+$0x0], $0xffff  }
0x42c: {  	v42 =	vadd.s32 $0xCC00, v4;
	v13 =	vld.idx.msk [tilespmem:v36+s2+$0x0], $0xffff;
	[tilespmem:s14+$0xFFFFE0B0] =	vst v8  }
0x42d: {  	v14 =	vld.idx.msk [tilespmem:v37+s2+$0x0], $0xffff;
	v8 =	vadd.s32 $0xC800, v6;
	[tilespmem:s14+$0xFFFFE0C0] =	vst v9  }
0x42e: {  	v9 =	vadd.s32 $0xC800, v0;
	[tilespmem:s14+$0xFFFFE0D0] =	vst v10;
	v16 =	vld.idx.msk [tilespmem:v39+s2+$0x0], $0xffff  }
0x42f: {  	v10 =	vadd.s32 $0xC800, v1;
	v17 =	vld.idx.msk [tilespmem:v40+s2+$0x0], $0xffff;
	[tilespmem:s14+$0xFFFFE170] =	vst v11  }
0x430: {  	v11 =	vadd.s32 $0xCC00, v5;
	[tilespmem:s14+$0xFFFFE120] =	vst v15;
	v18 =	vld.idx.msk [tilespmem:v41+s2+$0x0], $0xffff  }
0x431: {  	v43 =	vadd.s32 $0xCC00, v3;
	[tilespmem:s14+$0xFFFFE0E0] =	vst v13;
	v12 =	vld.idx.msk [tilespmem:v42+s2+$0x0], $0xffff  }
0x432: {  	v46 =	vadd.s32 $0xCC00, v2;
	[tilespmem:s14+$0xFFFFE110] =	vst v14;
	v8 =	vld.idx.msk [tilespmem:v8+s2+$0x0], $0xffff  }
0x433: {  	v44 =	vadd.s32 $0xD000, v7;
	v9 =	vld.idx.msk [tilespmem:v9+s2+$0x0], $0xffff;
	[tilespmem:s14+$0xFFFFE130] =	vst v16  }
0x434: {  	v45 =	vadd.s32 $0xCC00, v6;
	v10 =	vld.idx.msk [tilespmem:v10+s2+$0x0], $0xffff;
	[tilespmem:s14+$0xFFFFE140] =	vst v17  }
0x435: {  	v47 =	vadd.s32 $0xCC00, v0;
	v11 =	vld.idx.msk [tilespmem:v11+s2+$0x0], $0xffff;
	[tilespmem:s14+$0xFFFFE1F0] =	vst v18  }
0x436: {  	v48 =	vadd.s32 $0xCC00, v1;
	v13 =	vld.idx.msk [tilespmem:v43+s2+$0x0], $0xffff;
	[tilespmem:s14+$0xFFFFE1A0] =	vst v12  }
0x437: {  	v49 =	vadd.s32 $0xD000, v3;
	v16 =	vld.idx.msk [tilespmem:v46+s2+$0x0], $0xffff;
	[tilespmem:s14+$0xFFFFE100] =	vst v8  }
0x438: {  	v14 =	vld.idx.msk [tilespmem:v44+s2+$0x0], $0xffff;
	v8 =	vadd.s32 $0xD000, v5;
	[tilespmem:s14+$0xFFFFE150] =	vst v9  }
0x439: {  	v9 =	vadd.s32 $0xD000, v4;
	[tilespmem:s14+$0xFFFFE160] =	vst v10;
	v15 =	vld.idx.msk [tilespmem:v45+s2+$0x0], $0xffff  }
0x43a: {  	v10 =	vadd.s32 $0xD400, v7;
	v17 =	vld.idx.msk [tilespmem:v47+s2+$0x0], $0xffff;
	[tilespmem:s14+$0xFFFFE190] =	vst v11  }
0x43b: {  	v18 =	vld.idx.msk [tilespmem:v48+s2+$0x0], $0xffff;
	v11 =	vadd.s32 $0xD000, v6;
	[tilespmem:s14+$0xFFFFE1B0] =	vst v13  }
0x43c: {  	v52 =	vadd.s32 $0xD000, v1;
	[tilespmem:s14+$0xFFFFE1C0] =	vst v16;
	v12 =	vld.idx.msk [tilespmem:v49+s2+$0x0], $0xffff  }
0x43d: {  	v50 =	vadd.s32 $0xD000, v2;
	[tilespmem:s14+$0xFFFFE270] =	vst v14;
	v8 =	vld.idx.msk [tilespmem:v8+s2+$0x0], $0xffff  }
0x43e: {  	v51 =	vadd.s32 $0xD000, v0;
	v9 =	vld.idx.msk [tilespmem:v9+s2+$0x0], $0xffff;
	[tilespmem:s14+$0xFFFFE180] =	vst v15  }
0x43f: {  	v53 =	vadd.s32 $0xD400, v5;
	v10 =	vld.idx.msk [tilespmem:v10+s2+$0x0], $0xffff;
	[tilespmem:s14+$0xFFFFE1D0] =	vst v17  }
0x440: {  	v54 =	vadd.s32 $0xD800, v7;
	[tilespmem:s14+$0xFFFFE1E0] =	vst v18;
	v11 =	vld.idx.msk [tilespmem:v11+s2+$0x0], $0xffff  }
0x441: {  	v55 =	vadd.s32 $0xD400, v6;
	v15 =	vld.idx.msk [tilespmem:v52+s2+$0x0], $0xffff;
	[tilespmem:s14+$0xFFFFE230] =	vst v12  }
0x442: {  	v56 =	vadd.s32 $0xD400, v1;
	v13 =	vld.idx.msk [tilespmem:v50+s2+$0x0], $0xffff;
	[tilespmem:s14+$0xFFFFE210] =	vst v8  }
0x443: {  	v14 =	vld.idx.msk [tilespmem:v51+s2+$0x0], $0xffff;
	v8 =	vadd.s32 $0xD400, v4;
	[tilespmem:s14+$0xFFFFE220] =	vst v9  }
0x444: {  	v9 =	vadd.s32 $0xD400, v3;
	[tilespmem:s14+$0xFFFFE2F0] =	vst v10;
	v16 =	vld.idx.msk [tilespmem:v53+s2+$0x0], $0xffff  }
0x445: {  	v10 =	vadd.s32 $0xD400, v2;
	v17 =	vld.idx.msk [tilespmem:v54+s2+$0x0], $0xffff;
	[tilespmem:s14+$0xFFFFE200] =	vst v11  }
0x446: {  	v11 =	vadd.s32 $0xD400, v0;
	[tilespmem:s14+$0xFFFFE260] =	vst v15;
	v18 =	vld.idx.msk [tilespmem:v55+s2+$0x0], $0xffff  }
0x447: {  	v59 =	vadd.s32 $0xD800, v5;
	[tilespmem:s14+$0xFFFFE240] =	vst v13;
	v12 =	vld.idx.msk [tilespmem:v56+s2+$0x0], $0xffff  }
0x448: {  	v57 =	vadd.s32 $0xDC00, v7;
	[tilespmem:s14+$0xFFFFE250] =	vst v14;
	v8 =	vld.idx.msk [tilespmem:v8+s2+$0x0], $0xffff  }
0x449: {  	v58 =	vadd.s32 $0xD800, v6;
	v9 =	vld.idx.msk [tilespmem:v9+s2+$0x0], $0xffff;
	[tilespmem:s14+$0xFFFFE290] =	vst v16  }
0x44a: {  	v60 =	vadd.s32 $0xD800, v4;
	v10 =	vld.idx.msk [tilespmem:v10+s2+$0x0], $0xffff;
	[tilespmem:s14+$0xFFFFE370] =	vst v17  }
0x44b: {  	v61 =	vadd.s32 $0xD800, v3;
	v11 =	vld.idx.msk [tilespmem:v11+s2+$0x0], $0xffff;
	[tilespmem:s14+$0xFFFFE280] =	vst v18  }
0x44c: {  	v62 =	vadd.s32 $0xD800, v2;
	v15 =	vld.idx.msk [tilespmem:v59+s2+$0x0], $0xffff;
	[tilespmem:s14+$0xFFFFE2E0] =	vst v12  }
0x44d: {  	v63 =	vadd.s32 $0xDC00, v5;
	v13 =	vld.idx.msk [tilespmem:v57+s2+$0x0], $0xffff;
	[tilespmem:s14+$0xFFFFE2A0] =	vst v8  }
0x44e: {  	v14 =	vld.idx.msk [tilespmem:v58+s2+$0x0], $0xffff;
	v8 =	vadd.s32 $0xD800, v0;
	[tilespmem:s14+$0xFFFFE2B0] =	vst v9  }
0x44f: {  	v9 =	vadd.s32 $0xE000, v7;
	[tilespmem:s14+$0xFFFFE2C0] =	vst v10;
	v16 =	vld.idx.msk [tilespmem:v60+s2+$0x0], $0xffff  }
0x450: {  	v10 =	vadd.s32 $0xD800, v1;
	v17 =	vld.idx.msk [tilespmem:v61+s2+$0x0], $0xffff;
	[tilespmem:s14+$0xFFFFE2D0] =	vst v11  }
0x451: {  	v18 =	vld.idx.msk [tilespmem:v62+s2+$0x0], $0xffff;
	v11 =	vadd.s32 $0xDC00, v6;
	[tilespmem:s14+$0xFFFFE310] =	vst v15  }
0x452: {  	v23 =	vadd.s32 $0xDC00, v2;
	[tilespmem:s14+$0xFFFFE3F0] =	vst v13;
	v12 =	vld.idx.msk [tilespmem:v63+s2+$0x0], $0xffff  }
0x453: {  	v21 =	vadd.s32 $0xDC00, v4;
	[tilespmem:s14+$0xFFFFE300] =	vst v14;
	v8 =	vld.idx.msk [tilespmem:v8+s2+$0x0], $0xffff  }
0x454: {  	v22 =	vadd.s32 $0xDC00, v3;
	v9 =	vld.idx.msk [tilespmem:v9+s2+$0x0], $0xffff;
	[tilespmem:s14+$0xFFFFE320] =	vst v16  }
0x455: {  	v24 =	vadd.s32 $0xE400, v7;
	v10 =	vld.idx.msk [tilespmem:v10+s2+$0x0], $0xffff;
	[tilespmem:s14+$0xFFFFE330] =	vst v17  }
0x456: {  	v25 =	vadd.s32 $0xDC00, v0;
	[tilespmem:s14+$0xFFFFE340] =	vst v18;
	v11 =	vld.idx.msk [tilespmem:v11+s2+$0x0], $0xffff  }
0x457: {  	v26 =	vadd.s32 $0xDC00, v1;
	v15 =	vld.idx.msk [tilespmem:v23+s2+$0x0], $0xffff;
	[tilespmem:s14+$0xFFFFE390] =	vst v12  }
0x458: {  	v29 =	vadd.s32 $0xE000, v2;
	v13 =	vld.idx.msk [tilespmem:v21+s2+$0x0], $0xffff;
	[tilespmem:s14+$0xFFFFE350] =	vst v8  }
0x459: {  	v14 =	vld.idx.msk [tilespmem:v22+s2+$0x0], $0xffff;
	v8 =	vadd.s32 $0xE000, v6;
	[tilespmem:s14+$0x70] =	vst v9  }
0x45a: {  	v9 =	vadd.s32 $0xE000, v5;
	[tilespmem:s14+$0xFFFFE360] =	vst v10;
	v16 =	vld.idx.msk [tilespmem:v24+s2+$0x0], $0xffff  }
0x45b: {  	v10 =	vadd.s32 $0xE000, v4;
	v17 =	vld.idx.msk [tilespmem:v25+s2+$0x0], $0xffff;
	[tilespmem:s14+$0xFFFFE380] =	vst v11  }
0x45c: {  	v27 =	vld.idx.msk [tilespmem:v26+s2+$0x0], $0xffff;
	v11 =	vadd.s32 $0xE000, v3;
	[tilespmem:s14+$0xFFFFE3C0] =	vst v15  }
0x45d: {  	v28 =	vadd.s32 $0xE800, v7;
	[tilespmem:s14+$0xFFFFE3A0] =	vst v13;
	v13 =	vld.idx.msk [tilespmem:v29+s2+$0x0], $0xffff  }
0x45e: {  	v31 =	vadd.s32 $0xE000, v1;
	[tilespmem:s14+$0xFFFFE3B0] =	vst v14;
	v8 =	vld.idx.msk [tilespmem:v8+s2+$0x0], $0xffff  }
0x45f: {  	v30 =	vadd.s32 $0xE000, v0;
	v9 =	vld.idx.msk [tilespmem:v9+s2+$0x0], $0xffff;
	[tilespmem:s14+$0xF0] =	vst v16  }
0x460: {  	v32 =	vadd.s32 $0xE400, v6;
	v10 =	vld.idx.msk [tilespmem:v10+s2+$0x0], $0xffff;
	[tilespmem:s14+$0xFFFFE3D0] =	vst v17  }
0x461: {  	v33 =	vadd.s32 $0xE400, v5;
	[tilespmem:s14+$0xFFFFE3E0] =	vst v27;
	v11 =	vld.idx.msk [tilespmem:v11+s2+$0x0], $0xffff  }
0x462: {  	v34 =	vadd.s32 $0xE400, v4;
	v18 =	vld.idx.msk [tilespmem:v28+s2+$0x0], $0xffff;
	[tilespmem:s14+$0x40] =	vst v13  }
0x463: {  	v35 =	vadd.s32 $0xEC00, v7;
	v15 =	vld.idx.msk [tilespmem:v31+s2+$0x0], $0xffff;
	[tilespmem:s14+$0x0] =	vst v8  }
0x464: {  	v36 =	vadd.s32 $0xE400, v1;
	v8 =	vld.idx.msk [tilespmem:v30+s2+$0x0], $0xffff;
	[tilespmem:s14+$0x10] =	vst v9  }
0x465: {  	v9 =	vadd.s32 $0xE400, v3;
	[tilespmem:s14+$0x20] =	vst v10;
	v16 =	vld.idx.msk [tilespmem:v32+s2+$0x0], $0xffff  }
0x466: {  	v10 =	vadd.s32 $0xE400, v2;
	v17 =	vld.idx.msk [tilespmem:v33+s2+$0x0], $0xffff;
	[tilespmem:s14+$0x30] =	vst v11  }
0x467: {  	v12 =	vld.idx.msk [tilespmem:v34+s2+$0x0], $0xffff;
	v11 =	vadd.s32 $0xE400, v0;
	[tilespmem:s14+$0x170] =	vst v18  }
0x468: {  	v37 =	vadd.s32 $0xE800, v6;
	[tilespmem:s14+$0x60] =	vst v15;
	v14 =	vld.idx.msk [tilespmem:v35+s2+$0x0], $0xffff  }
0x469: {  	v39 =	vadd.s32 $0xE800, v4;
	v18 =	vld.idx.msk [tilespmem:v36+s2+$0x0], $0xffff;
	[tilespmem:s14+$0x50] =	vst v8  }
0x46a: {  	v38 =	vadd.s32 $0xF000, v7;
	v9 =	vld.idx.msk [tilespmem:v9+s2+$0x0], $0xffff;
	[tilespmem:s14+$0x80] =	vst v16  }
0x46b: {  	v8 =	vadd.s32 $0xE800, v5;
	v10 =	vld.idx.msk [tilespmem:v10+s2+$0x0], $0xffff;
	[tilespmem:s14+$0x90] =	vst v17  }
0x46c: {  	v40 =	vadd.s32 $0xE800, v3;
	[tilespmem:s14+$0xA0] =	vst v12;
	v11 =	vld.idx.msk [tilespmem:v11+s2+$0x0], $0xffff  }
0x46d: {  	v41 =	vadd.s32 $0xE800, v2;
	v13 =	vld.idx.msk [tilespmem:v37+s2+$0x0], $0xffff;
	[tilespmem:s14+$0x1F0] =	vst v14  }
0x46e: {  	v42 =	vadd.s32 $0xE800, v0;
	v16 =	vld.idx.msk [tilespmem:v39+s2+$0x0], $0xffff;
	[tilespmem:s14+$0xE0] =	vst v18  }
0x46f: {  	v44 =	vadd.s32 $0xEC00, v4;
	v15 =	vld.idx.msk [tilespmem:v38+s2+$0x0], $0xffff;
	[tilespmem:s14+$0xB0] =	vst v9  }
0x470: {  	v8 =	vld.idx.msk [tilespmem:v8+s2+$0x0], $0xffff;
	v9 =	vadd.s32 $0xE800, v1;
	[tilespmem:s14+$0xC0] =	vst v10  }
0x471: {  	v10 =	vadd.s32 $0xEC00, v6;
	v17 =	vld.idx.msk [tilespmem:v40+s2+$0x0], $0xffff;
	[tilespmem:s14+$0xD0] =	vst v11  }
0x472: {  	v43 =	vadd.s32 $0xEC00, v5;
	v12 =	vld.idx.msk [tilespmem:v41+s2+$0x0], $0xffff;
	[tilespmem:s14+$0x100] =	vst v13  }
0x473: {  	v11 =	vadd.s32 $0xF400, v7;
	[tilespmem:s14+$0x120] =	vst v16;
	v14 =	vld.idx.msk [tilespmem:v42+s2+$0x0], $0xffff  }
0x474: {  	v45 =	vadd.s32 $0xEC00, v2;
	v13 =	vld.idx.msk [tilespmem:v44+s2+$0x0], $0xffff;
	[tilespmem:s14+$0x270] =	vst v15  }
0x475: {  	v46 =	vadd.s32 $0xEC00, v0;
	[tilespmem:s14+$0x110] =	vst v8;
	v9 =	vld.idx.msk [tilespmem:v9+s2+$0x0], $0xffff  }
0x476: {  	v8 =	vadd.s32 $0xEC00, v3;
	v10 =	vld.idx.msk [tilespmem:v10+s2+$0x0], $0xffff;
	[tilespmem:s14+$0x130] =	vst v17  }
0x477: {  	v47 =	vadd.s32 $0xEC00, v1;
	v18 =	vld.idx.msk [tilespmem:v43+s2+$0x0], $0xffff;
	[tilespmem:s14+$0x140] =	vst v12  }
0x478: {  	v49 =	vadd.s32 $0xF000, v6;
	v11 =	vld.idx.msk [tilespmem:v11+s2+$0x0], $0xffff;
	[tilespmem:s14+$0x150] =	vst v14  }
0x479: {  	v48 =	vadd.s32 $0xF800, v7;
	v15 =	vld.idx.msk [tilespmem:v45+s2+$0x0], $0xffff;
	[tilespmem:s14+$0x1A0] =	vst v13  }
0x47a: {  	v50 =	vadd.s32 $0xF000, v2;
	v16 =	vld.idx.msk [tilespmem:v46+s2+$0x0], $0xffff;
	[tilespmem:s14+$0x160] =	vst v9  }
0x47b: {  	v8 =	vld.idx.msk [tilespmem:v8+s2+$0x0], $0xffff;
	v9 =	vadd.s32 $0xF000, v5;
	[tilespmem:s14+$0x180] =	vst v10  }
0x47c: {  	v10 =	vadd.s32 $0xF000, v4;
	v17 =	vld.idx.msk [tilespmem:v47+s2+$0x0], $0xffff;
	[tilespmem:s14+$0x190] =	vst v18  }
0x47d: {  	v51 =	vadd.s32 $0xF000, v0;
	v14 =	vld.idx.msk [tilespmem:v49+s2+$0x0], $0xffff;
	[tilespmem:s14+$0x2F0] =	vst v11  }
0x47e: {  	v11 =	vadd.s32 $0xF000, v3;
	[tilespmem:s14+$0x1C0] =	vst v15;
	v12 =	vld.idx.msk [tilespmem:v48+s2+$0x0], $0xffff  }
0x47f: {  	v52 =	vadd.s32 $0xF400, v6;
	v54 =	vld.idx.msk [tilespmem:v50+s2+$0x0], $0xffff;
	[tilespmem:s14+$0x1D0] =	vst v16  }
0x480: {  	v7 =	vadd.s32 $0xFC00, v7;
	[tilespmem:s14+$0x1B0] =	vst v8;
	v8 =	vld.idx.msk [tilespmem:v9+s2+$0x0], $0xffff  }
0x481: {  	v9 =	vadd.s32 $0xF000, v1;
	v10 =	vld.idx.msk [tilespmem:v10+s2+$0x0], $0xffff;
	[tilespmem:s14+$0x1E0] =	vst v17  }
0x482: {  	v53 =	vadd.s32 $0xF400, v5;
	v13 =	vld.idx.msk [tilespmem:v51+s2+$0x0], $0xffff;
	[tilespmem:s14+$0x200] =	vst v14  }
0x483: {  	v55 =	vadd.s32 $0xF400, v4;
	v11 =	vld.idx.msk [tilespmem:v11+s2+$0x0], $0xffff;
	[tilespmem:s14+$0x370] =	vst v12  }
0x484: {  	v56 =	vadd.s32 $0xF400, v3;
	v15 =	vld.idx.msk [tilespmem:v52+s2+$0x0], $0xffff;
	[tilespmem:s14+$0x240] =	vst v54  }
0x485: {  	v57 =	vadd.s32 $0xF800, v6;
	v7 =	vld.idx.msk [tilespmem:v7+s2+$0x0], $0xffff;
	[tilespmem:s14+$0x210] =	vst v8  }
0x486: {  	v8 =	vadd.s32 $0xF400, v2;
	v9 =	vld.idx.msk [tilespmem:v9+s2+$0x0], $0xffff;
	[tilespmem:s14+$0x220] =	vst v10  }
0x487: {  	v10 =	vadd.s32 $0xF400, v0;
	[tilespmem:s14+$0x250] =	vst v13;
	v16 =	vld.idx.msk [tilespmem:v53+s2+$0x0], $0xffff  }
0x488: {  	v12 =	vld.idx.msk [tilespmem:v55+s2+$0x0], $0xffff;
	[tilespmem:s14+$0x230] =	vst v11;
	v11 =	vadd.s32 $0xF400, v1  }
0x489: {  	v58 =	vadd.s32 $0xF800, v5;
	[tilespmem:s14+$0x280] =	vst v15;
	v14 =	vld.idx.msk [tilespmem:v56+s2+$0x0], $0xffff  }
0x48a: {  	v17 =	vld.idx.msk [tilespmem:v57+s2+$0x0], $0xffff;
	[tilespmem:s14+$0x3F0] =	vst v7;
	v7 =	vadd.s32 $0xF800, v4  }
0x48b: {  	v8 =	vld.idx.msk [tilespmem:v8+s2+$0x0], $0xffff;
	[tilespmem:s14+$0x260] =	vst v9;
	v9 =	vadd.s32 $0xF800, v3  }
0x48c: {  	v59 =	vadd.s32 $0xF800, v2;
	v10 =	vld.idx.msk [tilespmem:v10+s2+$0x0], $0xffff;
	[tilespmem:s14+$0x290] =	vst v16  }
0x48d: {  	v60 =	vadd.s32 $0xF800, v0;
	[tilespmem:s14+$0x2A0] =	vst v12;
	v11 =	vld.idx.msk [tilespmem:v11+s2+$0x0], $0xffff  }
0x48e: {  	v6 =	vadd.s32 $0xFC00, v6;
	v13 =	vld.idx.msk [tilespmem:v58+s2+$0x0], $0xffff;
	[tilespmem:s14+$0x2B0] =	vst v14  }
0x48f: {  	v61 =	vadd.s32 $0xF800, v1;
	[tilespmem:s14+$0x300] =	vst v17;
	v7 =	vld.idx.msk [tilespmem:v7+s2+$0x0], $0xffff  }
0x490: {  	v5 =	vadd.s32 $0xFC00, v5;
	[tilespmem:s14+$0x2C0] =	vst v8;
	v9 =	vld.idx.msk [tilespmem:v9+s2+$0x0], $0xffff  }
0x491: {  	v4 =	vadd.s32 $0xFC00, v4;
	[tilespmem:s14+$0x2D0] =	vst v10;
	v10 =	vld.idx.msk [tilespmem:v59+s2+$0x0], $0xffff  }
0x492: {  	v62 =	vld.idx.msk [tilespmem:v60+s2+$0x0], $0xffff;
	[tilespmem:s14+$0x2E0] =	vst v11;
	v11 =	vadd.s32 $0xFC00, v3  }
0x493: {  	v63 =	vadd.s32 $0xFC00, v2;
	v3 =	vld.idx.msk [tilespmem:v6+s2+$0x0], $0xffff  }
0x494: {  	[tilespmem:s14+$0x310] =	vst v13;
	v8 =	vld.idx.msk [tilespmem:v61+s2+$0x0], $0xffff  }
0x495: {  	v6 =	vld.idx.msk [tilespmem:v5+s2+$0x0], $0xffff;
	[tilespmem:s14+$0x320] =	vst v7  }
0x496: {  	[tilespmem:s14+$0x330] =	vst v9;
	v7 =	vld.idx.msk [tilespmem:v4+s2+$0x0], $0xffff  }
0x497: {  	[tilespmem:s14+$0x340] =	vst v10;
	v9 =	vld.idx.msk [tilespmem:v11+s2+$0x0], $0xffff  }
0x498: {  	s15 =	simm.s32 $0x0;
	s16 =	simm.s32 $0x100C0;
	v2 =	vadd.s32 $0xFC00, v0;
	v0 =	vadd.s32 $0xFC00, v1;
	[tilespmem:s14+$0x350] =	vst v62;
	v10 =	vld.idx.msk [tilespmem:v63+s2+$0x0], $0xffff  }
.LBB2_8:
0x499: {  	v1 =	vld [tilespmem:s16+$0x30]  }
0x49a: {  	v4 =	vld [tilespmem:s16+$0xFFFFFFD0]  }
0x49b: {  	v5 =	vld [tilespmem:s16+$0xFFFFFFE0]  }
0x49c: {  	v47 =	vld [tilespmem:s16+$0xFFFFFFF0]  }
0x49d: {  	v48 =	vld [tilespmem:s16+$0x0];
	[tilespmem:s14+$0x360] =	vst v8  }
0x49e: {  	v51 =	vld [tilespmem:s16+$0x10];
	[tilespmem:s14+$0x380] =	vst v3  }
0x49f: {  	v11 =	vld.idx.msk [tilespmem:v2+s2+$0x0], $0xffff;
	[tilespmem:s14+$0x390] =	vst v6  }
0x4a0: {  	[tilespmem:s14+$0x3A0] =	vst v7;
	v6 =	vadd.s32 $0xC000, v1;
	v55 =	vld [tilespmem:s16+$0x20]  }
0x4a1: {  	[tilespmem:s14+$0x3B0] =	vst v9;
	v7 =	vadd.s32 $0xC000, v4;
	v9 =	vld [tilespmem:s16+$0xFFFFFFC0]  }
0x4a2: {  	v8 =	vadd.s32 $0xC000, v5;
	v14 =	vld.idx.msk [tilespmem:v0+s2+$0x0], $0xffff  }
0x4a3: {  	[tilespmem:s14+$0x3C0] =	vst v10;
	v10 =	vadd.s32 $0xC000, v47  }
0x4a4: {  	v12 =	vadd.s32 $0xC000, v48  }
0x4a5: {  	v13 =	vadd.s32 $0xC000, v51;
	[tilespmem:s14+$0x3D0] =	vst v11;
	v0 =	vadd.s32 $0xE000, v4;
	v15 =	vld.idx.msk [tilespmem:v6+s2+$0x0], $0xffff  }
0x4a6: {  	[tilespmem:$0x1F820] =	vst v0;
	v17 =	vld.idx.msk [tilespmem:v7+s2+$0x0], $0xffff;
	v18 =	vadd.s32 $0xC000, v55  }
0x4a7: {  	v22 =	vadd.s32 $0xC000, v9;
	v23 =	vld.idx.msk [tilespmem:v8+s2+$0x0], $0xffff;
	[tilespmem:s14+$0x3E0] =	vst v14;
	v2 =	vadd.s32 $0xE400, v9  }
0x4a8: {  	v24 =	vadd.s32 $0xC400, v1;
	v27 =	vld.idx.msk [tilespmem:v10+s2+$0x0], $0xffff;
	[tilespmem:$0x1F830] =	vst v2;
	v2 =	vadd.s32 $0xE400, v4  }
0x4a9: {  	v21 =	vadd.s32 $0xC400, v4;
	v28 =	vld.idx.msk [tilespmem:v12+s2+$0x0], $0xffff;
	s14 =	sadd.s32 $0x400, s14;
	[tilespmem:$0x1F840] =	vst v2  }
0x4aa: {  	v25 =	vadd.s32 $0xC400, v5;
	v34 =	vld.idx.msk [tilespmem:v13+s2+$0x0], $0xffff;
	[tilespmem:s14+$0xFFFFE070] =	vst v15  }
0x4ab: {  	v29 =	vadd.s32 $0xC400, v47;
	v36 =	vld.idx.msk [tilespmem:v18+s2+$0x0], $0xffff;
	[tilespmem:s14+$0xFFFFE010] =	vst v17  }
0x4ac: {  	v32 =	vadd.s32 $0xC400, v48;
	v45 =	vld.idx.msk [tilespmem:v22+s2+$0x0], $0xffff;
	[tilespmem:s14+$0xFFFFE020] =	vst v23  }
0x4ad: {  	v35 =	vadd.s32 $0xC400, v51;
	[tilespmem:s14+$0xFFFFE030] =	vst v27;
	v44 =	vld.idx.msk [tilespmem:v24+s2+$0x0], $0xffff  }
0x4ae: {  	[tilespmem:s14+$0xFFFFE040] =	vst v28;
	v46 =	vld.idx.msk [tilespmem:v21+s2+$0x0], $0xffff  }
0x4af: {  	[tilespmem:s14+$0xFFFFE050] =	vst v34;
	v50 =	vld.idx.msk [tilespmem:v25+s2+$0x0], $0xffff  }
0x4b0: {  	v52 =	vld.idx.msk [tilespmem:v29+s2+$0x0], $0xffff;
	[tilespmem:s14+$0xFFFFE060] =	vst v36  }
0x4b1: {  	v43 =	vadd.s32 $0xC400, v9;
	v38 =	vld.idx.msk [tilespmem:v32+s2+$0x0], $0xffff;
	[tilespmem:s14+$0xFFFFE000] =	vst v45  }
0x4b2: {  	v42 =	vadd.s32 $0xC400, v55;
	v7 =	vld.idx.msk [tilespmem:v35+s2+$0x0], $0xffff;
	[tilespmem:s14+$0xFFFFE0F0] =	vst v44  }
0x4b3: {  	v49 =	vadd.s32 $0xC800, v1;
	[tilespmem:s14+$0xFFFFE090] =	vst v46  }
0x4b4: {  	[tilespmem:s14+$0xFFFFE0A0] =	vst v50  }
0x4b5: {  	v53 =	vadd.s32 $0xC800, v4;
	[tilespmem:s14+$0xFFFFE0B0] =	vst v52  }
0x4b6: {  	v39 =	vadd.s32 $0xC800, v5;
	v3 =	vld.idx.msk [tilespmem:v43+s2+$0x0], $0xffff;
	[tilespmem:s14+$0xFFFFE0C0] =	vst v38  }
0x4b7: {  	v40 =	vadd.s32 $0xC800, v47;
	v6 =	vld.idx.msk [tilespmem:v42+s2+$0x0], $0xffff;
	[tilespmem:s14+$0xFFFFE0D0] =	vst v7;
	v7 =	vadd.s32 $0xE400, v51  }
0x4b8: {  	v10 =	vld.idx.msk [tilespmem:v49+s2+$0x0], $0xffff;
	[tilespmem:$0x1F850] =	vst v7;
	v7 =	vadd.s32 $0xE800, v9  }
0x4b9: {  	[tilespmem:$0x1F860] =	vst v7;
	v7 =	vadd.s32 $0xE800, v4  }
0x4ba: {  	v8 =	vld.idx.msk [tilespmem:v53+s2+$0x0], $0xffff;
	[tilespmem:$0x1F870] =	vst v7  }
0x4bb: {  	v2 =	vld.idx.msk [tilespmem:v39+s2+$0x0], $0xffff;
	[tilespmem:s14+$0xFFFFE080] =	vst v3  }
0x4bc: {  	v11 =	vld.idx.msk [tilespmem:v40+s2+$0x0], $0xffff;
	[tilespmem:s14+$0xFFFFE0E0] =	vst v6  }
0x4bd: {  	v6 =	vadd.s32 $0xE800, v55;
	[tilespmem:s14+$0xFFFFE170] =	vst v10  }
0x4be: {  	[tilespmem:$0x1F8B0] =	vst v6  }
0x4bf: {  	v41 =	vadd.s32 $0xC800, v48;
	[tilespmem:s14+$0xFFFFE110] =	vst v8  }
0x4c0: {  	[tilespmem:s14+$0xFFFFE120] =	vst v2  }
0x4c1: {  	v10 =	vadd.s32 $0xE800, v47;
	[tilespmem:s14+$0xFFFFE130] =	vst v11  }
0x4c2: {  	v6 =	vadd.s32 $0xEC00, v4;
	[tilespmem:$0x1F880] =	vst v10  }
0x4c3: {  	v2 =	vadd.s32 $0xEC00, v47;
	[tilespmem:$0x1F8D0] =	vst v6  }
0x4c4: {  	v16 =	vadd.s32 $0xC800, v9;
	v7 =	vld.idx.msk [tilespmem:v41+s2+$0x0], $0xffff;
	v11 =	vadd.s32 $0xEC00, v55;
	[tilespmem:$0x1F8F0] =	vst v2  }
0x4c5: {  	v0 =	vadd.s32 $0xCC00, v1;
	v10 =	vadd.s32 $0xE800, v48;
	[tilespmem:$0x1F920] =	vst v11  }
0x4c6: {  	v20 =	vadd.s32 $0xCC00, v5;
	v6 =	vadd.s32 $0xEC00, v5;
	[tilespmem:$0x1F890] =	vst v10  }
0x4c7: {  	v2 =	vadd.s32 $0xEC00, v48;
	[tilespmem:$0x1F8E0] =	vst v6  }
0x4c8: {  	[tilespmem:$0x1F900] =	vst v2  }
0x4c9: {  	v26 =	vadd.s32 $0xC800, v51;
	v10 =	vld.idx.msk [tilespmem:v16+s2+$0x0], $0xffff;
	v16 =	vadd.s32 $0xEC00, v9;
	[tilespmem:s14+$0xFFFFE140] =	vst v7  }
0x4ca: {  	v0 =	vld.idx.msk [tilespmem:v0+s2+$0x0], $0xffff;
	v2 =	vadd.s32 $0xEC00, v51;
	[tilespmem:$0x1F8C0] =	vst v16  }
0x4cb: {  	v30 =	vadd.s32 $0xC800, v55;
	v11 =	vld.idx.msk [tilespmem:v20+s2+$0x0], $0xffff;
	v7 =	vadd.s32 $0xF000, v48;
	[tilespmem:$0x1F910] =	vst v2  }
0x4cc: {  	v16 =	vadd.s32 $0xE800, v51;
	[tilespmem:$0x1F970] =	vst v7  }
0x4cd: {  	v19 =	vadd.s32 $0xCC00, v4;
	v7 =	vadd.s32 $0xF400, v9;
	[tilespmem:$0x1F8A0] =	vst v16  }
0x4ce: {  	v31 =	vadd.s32 $0xCC00, v47;
	v6 =	vld.idx.msk [tilespmem:v26+s2+$0x0], $0xffff;
	[tilespmem:$0x1F9A0] =	vst v7  }
0x4cf: {  	[tilespmem:s14+$0xFFFFE1F0] =	vst v0  }
0x4d0: {  	v8 =	vadd.s32 $0xD000, v1;
	v2 =	vld.idx.msk [tilespmem:v30+s2+$0x0], $0xffff;
	[tilespmem:s14+$0xFFFFE1A0] =	vst v11  }
0x4d1: {  	v12 =	vadd.s32 $0xCC00, v48;
	v0 =	vadd.s32 $0xF400, v4;
	[tilespmem:s14+$0xFFFFE100] =	vst v10  }
0x4d2: {  	v33 =	vadd.s32 $0xCC00, v9;
	v16 =	vld.idx.msk [tilespmem:v19+s2+$0x0], $0xffff;
	[tilespmem:$0x1F9B0] =	vst v0  }
0x4d3: {  	v13 =	vadd.s32 $0xCC00, v51;
	v7 =	vld.idx.msk [tilespmem:v31+s2+$0x0], $0xffff;
	v0 =	vadd.s32 $0xF400, v5;
	[tilespmem:s14+$0xFFFFE150] =	vst v6  }
0x4d4: {  	v37 =	vadd.s32 $0xCC00, v55;
	[tilespmem:$0x1F9C0] =	vst v0  }
0x4d5: {  	v54 =	vadd.s32 $0xD000, v5;
	v8 =	vld.idx.msk [tilespmem:v8+s2+$0x0], $0xffff;
	v0 =	vadd.s32 $0xF400, v47;
	[tilespmem:s14+$0xFFFFE160] =	vst v2  }
0x4d6: {  	v14 =	vadd.s32 $0xD000, v4;
	v6 =	vld.idx.msk [tilespmem:v12+s2+$0x0], $0xffff;
	[tilespmem:$0x1F9D0] =	vst v0  }
0x4d7: {  	v56 =	vadd.s32 $0xD000, v47;
	v10 =	vld.idx.msk [tilespmem:v33+s2+$0x0], $0xffff;
	[tilespmem:s14+$0xFFFFE190] =	vst v16  }
0x4d8: {  	v58 =	vadd.s32 $0xD000, v9;
	v13 =	vld.idx.msk [tilespmem:v13+s2+$0x0], $0xffff;
	v0 =	vadd.s32 $0xF400, v48;
	[tilespmem:s14+$0xFFFFE1B0] =	vst v7  }
0x4d9: {  	v57 =	vadd.s32 $0xD000, v55;
	v12 =	vadd.s32 $0xD400, v1;
	v11 =	vld.idx.msk [tilespmem:v37+s2+$0x0], $0xffff;
	[tilespmem:$0x1F9E0] =	vst v0;
	v0 =	vadd.s32 $0xF400, v51  }
0x4da: {  	v15 =	vadd.s32 $0xD000, v48;
	v18 =	vadd.s32 $0xD000, v51;
	v7 =	vld.idx.msk [tilespmem:v54+s2+$0x0], $0xffff;
	[tilespmem:$0x1F9F0] =	vst v0;
	v0 =	vadd.s32 $0xF800, v5  }
0x4db: {  	v25 =	vadd.s32 $0xD400, v55;
	v36 =	vadd.s32 $0xD800, v55;
	v43 =	vadd.s32 $0xDC00, v55;
	v14 =	vld.idx.msk [tilespmem:v14+s2+$0x0], $0xffff;
	[tilespmem:$0x1FA00] =	vst v0  }
0x4dc: {  	v53 =	vadd.s32 $0xE000, v55;
	v41 =	vadd.s32 $0xE400, v55;
	v20 =	vadd.s32 $0xF800, v55;
	[tilespmem:s14+$0xFFFFE1C0] =	vst v6;
	v6 =	vld.idx.msk [tilespmem:v56+s2+$0x0], $0xffff  }
0x4dd: {  	v31 =	vadd.s32 $0xF000, v55;
	v33 =	vadd.s32 $0xF400, v55;
	v0 =	vadd.s32 $0xFC00, v55;
	[tilespmem:s14+$0xFFFFE270] =	vst v8;
	v55 =	vld [tilespmem:$0x1F850]  }
0x4de: {  	[tilespmem:s14+$0xFFFFE180] =	vst v10;
	v8 =	vld.idx.msk [tilespmem:v12+s2+$0x0], $0xffff  }
0x4df: {  	v17 =	vadd.s32 $0xD400, v4;
	v10 =	vld.idx.msk [tilespmem:v58+s2+$0x0], $0xffff  }
0x4e0: {  	v23 =	vadd.s32 $0xD400, v5;
	[tilespmem:s14+$0xFFFFE1D0] =	vst v13;
	v58 =	vld.idx.msk [tilespmem:v15+s2+$0x0], $0xffff  }
0x4e1: {  	v24 =	vadd.s32 $0xD400, v47;
	[tilespmem:s14+$0xFFFFE1E0] =	vst v11;
	v11 =	vld.idx.msk [tilespmem:v18+s2+$0x0], $0xffff  }
0x4e2: {  	v56 =	vadd.s32 $0xD800, v1;
	[tilespmem:s14+$0xFFFFE220] =	vst v7;
	v7 =	vld.idx.msk [tilespmem:v57+s2+$0x0], $0xffff  }
0x4e3: {  	[tilespmem:s14+$0xFFFFE210] =	vst v14;
	v57 =	vld [tilespmem:$0x1F870]  }
0x4e4: {  	v14 =	vld.idx.msk [tilespmem:v17+s2+$0x0], $0xffff  }
0x4e5: {  	v22 =	vadd.s32 $0xD400, v9;
	[tilespmem:s14+$0xFFFFE230] =	vst v6;
	v6 =	vld.idx.msk [tilespmem:v23+s2+$0x0], $0xffff  }
0x4e6: {  	v27 =	vadd.s32 $0xD400, v48;
	[tilespmem:s14+$0xFFFFE2F0] =	vst v8;
	v24 =	vld.idx.msk [tilespmem:v24+s2+$0x0], $0xffff  }
0x4e7: {  	v21 =	vadd.s32 $0xD400, v51;
	v8 =	vld.idx.msk [tilespmem:v56+s2+$0x0], $0xffff  }
0x4e8: {  	[tilespmem:s14+$0xFFFFE200] =	vst v10;
	v56 =	vld [tilespmem:$0x1F860]  }
0x4e9: {  	v28 =	vadd.s32 $0xD800, v4;
	v30 =	vadd.s32 $0xF000, v9;
	[tilespmem:s14+$0xFFFFE240] =	vst v58;
	v58 =	vld [tilespmem:$0x1F8B0]  }
0x4ea: {  	v60 =	vadd.s32 $0xD800, v5;
	[tilespmem:$0x1F930] =	vst v30;
	v10 =	vld.idx.msk [tilespmem:v22+s2+$0x0], $0xffff  }
0x4eb: {  	[tilespmem:s14+$0xFFFFE250] =	vst v11;
	v11 =	vld.idx.msk [tilespmem:v27+s2+$0x0], $0xffff  }
0x4ec: {  	v23 =	vadd.s32 $0xDC00, v1;
	[tilespmem:s14+$0xFFFFE260] =	vst v7;
	v7 =	vld.idx.msk [tilespmem:v21+s2+$0x0], $0xffff  }
0x4ed: {  	v61 =	vadd.s32 $0xD800, v47;
	[tilespmem:s14+$0xFFFFE290] =	vst v14;
	v25 =	vld.idx.msk [tilespmem:v25+s2+$0x0], $0xffff  }
0x4ee: {  	v29 =	vadd.s32 $0xD800, v48;
	v30 =	vadd.s32 $0xF000, v5;
	[tilespmem:s14+$0xFFFFE2A0] =	vst v6;
	v6 =	vld.idx.msk [tilespmem:v28+s2+$0x0], $0xffff  }
0x4ef: {  	[tilespmem:$0x1F950] =	vst v30;
	v28 =	vld.idx.msk [tilespmem:v60+s2+$0x0], $0xffff  }
0x4f0: {  	v59 =	vadd.s32 $0xD800, v9;
	v60 =	vld [tilespmem:$0x1F910];
	[tilespmem:s14+$0xFFFFE370] =	vst v8  }
0x4f1: {  	v32 =	vadd.s32 $0xD800, v51;
	[tilespmem:s14+$0xFFFFE2B0] =	vst v24;
	v8 =	vld.idx.msk [tilespmem:v23+s2+$0x0], $0xffff  }
0x4f2: {  	v63 =	vadd.s32 $0xDC00, v5;
	[tilespmem:s14+$0xFFFFE2C0] =	vst v11;
	v11 =	vld.idx.msk [tilespmem:v61+s2+$0x0], $0xffff  }
0x4f3: {  	v35 =	vadd.s32 $0xDC00, v47;
	[tilespmem:s14+$0xFFFFE2D0] =	vst v7;
	v7 =	vld.idx.msk [tilespmem:v29+s2+$0x0], $0xffff  }
0x4f4: {  	[tilespmem:s14+$0xFFFFE280] =	vst v10;
	v61 =	vld [tilespmem:$0x1F920]  }
0x4f5: {  	v62 =	vadd.s32 $0xDC00, v4;
	v10 =	vld.idx.msk [tilespmem:v59+s2+$0x0], $0xffff;
	[tilespmem:s14+$0xFFFFE2E0] =	vst v25  }
0x4f6: {  	v27 =	vadd.s32 $0xE000, v1;
	v32 =	vld.idx.msk [tilespmem:v32+s2+$0x0], $0xffff;
	[tilespmem:s14+$0xFFFFE320] =	vst v28  }
0x4f7: {  	[tilespmem:s14+$0xFFFFE330] =	vst v11;
	v11 =	vld.idx.msk [tilespmem:v63+s2+$0x0], $0xffff  }
0x4f8: {  	v46 =	vadd.s32 $0xE000, v5;
	[tilespmem:s14+$0xFFFFE340] =	vst v7;
	v7 =	vld.idx.msk [tilespmem:v35+s2+$0x0], $0xffff  }
0x4f9: {  	v34 =	vadd.s32 $0xDC00, v9;
	[tilespmem:s14+$0xFFFFE310] =	vst v6;
	v6 =	vld.idx.msk [tilespmem:v36+s2+$0x0], $0xffff  }
0x4fa: {  	v37 =	vld.idx.msk [tilespmem:v62+s2+$0x0], $0xffff;
	[tilespmem:s14+$0xFFFFE3F0] =	vst v8  }
0x4fb: {  	v44 =	vadd.s32 $0xDC00, v48;
	[tilespmem:s14+$0xFFFFE300] =	vst v10;
	v8 =	vld.idx.msk [tilespmem:v27+s2+$0x0], $0xffff  }
0x4fc: {  	v45 =	vadd.s32 $0xDC00, v51;
	[tilespmem:s14+$0xFFFFE3A0] =	vst v11;
	v11 =	vld [tilespmem:$0x1F820]  }
0x4fd: {  	[tilespmem:s14+$0xFFFFE3B0] =	vst v7;
	v7 =	vld.idx.msk [tilespmem:v46+s2+$0x0], $0xffff  }
0x4fe: {  	[tilespmem:s14+$0xFFFFE350] =	vst v32;
	v10 =	vld.idx.msk [tilespmem:v34+s2+$0x0], $0xffff  }
0x4ff: {  	v59 =	vld [tilespmem:$0x1F8C0];
	[tilespmem:s14+$0xFFFFE360] =	vst v6  }
0x500: {  	v44 =	vld.idx.msk [tilespmem:v44+s2+$0x0], $0xffff;
	[tilespmem:s14+$0xFFFFE390] =	vst v37  }
0x501: {  	v36 =	vadd.s32 $0xE400, v1;
	[tilespmem:s14+$0x70] =	vst v8;
	v8 =	vld.idx.msk [tilespmem:v45+s2+$0x0], $0xffff  }
0x502: {  	v50 =	vadd.s32 $0xE000, v47;
	[tilespmem:s14+$0x20] =	vst v7;
	v7 =	vld [tilespmem:$0x1F840]  }
0x503: {  	v42 =	vadd.s32 $0xE000, v48;
	v30 =	vadd.s32 $0xF000, v51;
	[tilespmem:s14+$0xFFFFE380] =	vst v10;
	v10 =	vld.idx.msk [tilespmem:v43+s2+$0x0], $0xffff  }
0x504: {  	[tilespmem:$0x1F980] =	vst v30;
	v11 =	vld.idx.msk [tilespmem:v11+s2+$0x0], $0xffff  }
0x505: {  	[tilespmem:$0x1F990] =	vst v31;
	v62 =	vld [tilespmem:$0x1F980]  }
0x506: {  	v52 =	vadd.s32 $0xE000, v51;
	v49 =	vadd.s32 $0xE000, v9;
	v31 =	vadd.s32 $0xF800, v9;
	v6 =	vld.idx.msk [tilespmem:v36+s2+$0x0], $0xffff;
	[tilespmem:s14+$0xFFFFE3C0] =	vst v44  }
0x507: {  	v2 =	vadd.s32 $0xFC00, v51;
	v16 =	vadd.s32 $0xFC00, v9;
	v9 =	vadd.s32 $0xF800, v51;
	v51 =	vld.idx.msk [tilespmem:v50+s2+$0x0], $0xffff;
	[tilespmem:s14+$0xFFFFE3D0] =	vst v8  }
0x508: {  	v45 =	vadd.s32 $0xE800, v1;
	v8 =	vld.idx.msk [tilespmem:v42+s2+$0x0], $0xffff;
	[tilespmem:s14+$0xFFFFE3E0] =	vst v10  }
0x509: {  	v38 =	vadd.s32 $0xE400, v47;
	[tilespmem:s14+$0x10] =	vst v11;
	v11 =	vld.idx.msk [tilespmem:v53+s2+$0x0], $0xffff  }
0x50a: {  	v7 =	vld.idx.msk [tilespmem:v7+s2+$0x0], $0xffff  }
0x50b: {  	v49 =	vld.idx.msk [tilespmem:v49+s2+$0x0], $0xffff;
	[tilespmem:s14+$0xF0] =	vst v6  }
0x50c: {  	v39 =	vadd.s32 $0xE400, v5;
	v10 =	vld.idx.msk [tilespmem:v52+s2+$0x0], $0xffff;
	[tilespmem:s14+$0x30] =	vst v51  }
0x50d: {  	v40 =	vadd.s32 $0xE400, v48;
	v6 =	vld.idx.msk [tilespmem:v45+s2+$0x0], $0xffff;
	[tilespmem:s14+$0x40] =	vst v8  }
0x50e: {  	v52 =	vadd.s32 $0xEC00, v1;
	v8 =	vld.idx.msk [tilespmem:v38+s2+$0x0], $0xffff;
	[tilespmem:s14+$0x60] =	vst v11  }
0x50f: {  	[tilespmem:s14+$0x90] =	vst v7;
	v7 =	vld.idx.msk [tilespmem:v41+s2+$0x0], $0xffff  }
0x510: {  	v53 =	vld [tilespmem:$0x1F830]  }
0x511: {  	v54 =	vld.idx.msk [tilespmem:v39+s2+$0x0], $0xffff;
	[tilespmem:s14+$0x50] =	vst v10  }
0x512: {  	v3 =	vadd.s32 $0xE800, v5;
	v10 =	vld.idx.msk [tilespmem:v40+s2+$0x0], $0xffff;
	[tilespmem:s14+$0x170] =	vst v6  }
0x513: {  	v6 =	vld.idx.msk [tilespmem:v52+s2+$0x0], $0xffff  }
0x514: {  	v11 =	vadd.s32 $0xF000, v1;
	[tilespmem:s14+$0xE0] =	vst v7;
	v7 =	vld [tilespmem:$0x1F8A0]  }
0x515: {  	[tilespmem:s14+$0xB0] =	vst v8;
	v8 =	vld [tilespmem:$0x1F880]  }
0x516: {  	[tilespmem:s14+$0xA0] =	vst v54;
	v12 =	vld.idx.msk [tilespmem:v55+s2+$0x0], $0xffff  }
0x517: {  	[tilespmem:s14+$0x0] =	vst v49;
	v3 =	vld.idx.msk [tilespmem:v3+s2+$0x0], $0xffff  }
0x518: {  	[tilespmem:s14+$0x1F0] =	vst v6;
	v13 =	vld.idx.msk [tilespmem:v53+s2+$0x0], $0xffff  }
0x519: {  	v6 =	vld.idx.msk [tilespmem:v11+s2+$0x0], $0xffff  }
0x51a: {  	[tilespmem:s14+$0xC0] =	vst v10;
	v11 =	vld [tilespmem:$0x1F890]  }
0x51b: {  	v10 =	vadd.s32 $0xF400, v1;
	[tilespmem:s14+$0xD0] =	vst v12;
	v14 =	vld.idx.msk [tilespmem:v57+s2+$0x0], $0xffff  }
0x51c: {  	v7 =	vld.idx.msk [tilespmem:v7+s2+$0x0], $0xffff  }
0x51d: {  	v8 =	vld.idx.msk [tilespmem:v8+s2+$0x0], $0xffff;
	[tilespmem:s14+$0x80] =	vst v13  }
0x51e: {  	v13 =	vld.idx.msk [tilespmem:v56+s2+$0x0], $0xffff  }
0x51f: {  	[tilespmem:s14+$0x270] =	vst v6;
	v6 =	vld [tilespmem:$0x1F8D0]  }
0x520: {  	[tilespmem:s14+$0x120] =	vst v3;
	v3 =	vld.idx.msk [tilespmem:v10+s2+$0x0], $0xffff  }
0x521: {  	v10 =	vadd.s32 $0xF800, v1;
	[tilespmem:s14+$0x150] =	vst v7;
	v7 =	vld [tilespmem:$0x1F900]  }
0x522: {  	v11 =	vld.idx.msk [tilespmem:v11+s2+$0x0], $0xffff  }
0x523: {  	[tilespmem:s14+$0x130] =	vst v8;
	v8 =	vld [tilespmem:$0x1F8E0]  }
0x524: {  	v12 =	vld.idx.msk [tilespmem:v58+s2+$0x0], $0xffff;
	[tilespmem:s14+$0x100] =	vst v13  }
0x525: {  	v13 =	vld.idx.msk [tilespmem:v59+s2+$0x0], $0xffff;
	[tilespmem:s14+$0x2F0] =	vst v3  }
0x526: {  	v3 =	vld.idx.msk [tilespmem:v10+s2+$0x0], $0xffff  }
0x527: {  	[tilespmem:s14+$0x140] =	vst v11;
	v11 =	vld [tilespmem:$0x1F8F0]  }
0x528: {  	v10 =	vld [tilespmem:$0x1F950]  }
0x529: {  	v26 =	vadd.s32 $0xF000, v4;
	[tilespmem:s14+$0x110] =	vst v14;
	v7 =	vld.idx.msk [tilespmem:v7+s2+$0x0], $0xffff  }
0x52a: {  	[tilespmem:$0x1F940] =	vst v26;
	v26 =	vadd.s32 $0xF000, v47;
	v6 =	vld.idx.msk [tilespmem:v6+s2+$0x0], $0xffff  }
0x52b: {  	[tilespmem:$0x1F960] =	vst v26;
	v8 =	vld.idx.msk [tilespmem:v8+s2+$0x0], $0xffff  }
0x52c: {  	[tilespmem:s14+$0x160] =	vst v12;
	v12 =	vld.idx.msk [tilespmem:v60+s2+$0x0], $0xffff  }
0x52d: {  	[tilespmem:s14+$0x180] =	vst v13;
	v13 =	vld.idx.msk [tilespmem:v61+s2+$0x0], $0xffff  }
0x52e: {  	v1 =	vadd.s32 $0xFC00, v1;
	[tilespmem:s14+$0x1C0] =	vst v7;
	v7 =	vld [tilespmem:$0x1F960]  }
0x52f: {  	v11 =	vld.idx.msk [tilespmem:v11+s2+$0x0], $0xffff  }
0x530: {  	[tilespmem:s14+$0x190] =	vst v6;
	v6 =	vld [tilespmem:$0x1F930]  }
0x531: {  	[tilespmem:s14+$0x1A0] =	vst v8;
	v8 =	vld [tilespmem:$0x1F940]  }
0x532: {  	[tilespmem:s14+$0x370] =	vst v3;
	v3 =	vld [tilespmem:$0x1F990]  }
0x533: {  	v1 =	vld.idx.msk [tilespmem:v1+s2+$0x0], $0xffff  }
0x534: {  	[tilespmem:s14+$0x1B0] =	vst v11;
	v11 =	vld [tilespmem:$0x1F970]  }
0x535: {  	v10 =	vld.idx.msk [tilespmem:v10+s2+$0x0], $0xffff  }
0x536: {  	[tilespmem:s14+$0x1D0] =	vst v12;
	v7 =	vld.idx.msk [tilespmem:v7+s2+$0x0], $0xffff  }
0x537: {  	v12 =	vld.idx.msk [tilespmem:v62+s2+$0x0], $0xffff  }
0x538: {  	v6 =	vld.idx.msk [tilespmem:v6+s2+$0x0], $0xffff  }
0x539: {  	v8 =	vld.idx.msk [tilespmem:v8+s2+$0x0], $0xffff  }
0x53a: {  	[tilespmem:s14+$0x3F0] =	vst v1;
	v1 =	vld [tilespmem:$0x1F9F0]  }
0x53b: {  	[tilespmem:s14+$0x230] =	vst v7;
	v7 =	vld [tilespmem:$0x1F9C0]  }
0x53c: {  	v11 =	vld.idx.msk [tilespmem:v11+s2+$0x0], $0xffff  }
0x53d: {  	[tilespmem:s14+$0x200] =	vst v6;
	v6 =	vld [tilespmem:$0x1F9A0]  }
0x53e: {  	[tilespmem:s14+$0x210] =	vst v8;
	v8 =	vld [tilespmem:$0x1F9B0]  }
0x53f: {  	[tilespmem:s14+$0x220] =	vst v10;
	v10 =	vld [tilespmem:$0x1F9D0]  }
0x540: {  	[tilespmem:s14+$0x1E0] =	vst v13  }
0x541: {  	[tilespmem:s14+$0x240] =	vst v11;
	v11 =	vld [tilespmem:$0x1F9E0]  }
0x542: {  	v3 =	vld.idx.msk [tilespmem:v3+s2+$0x0], $0xffff  }
0x543: {  	[tilespmem:s14+$0x250] =	vst v12;
	v7 =	vld.idx.msk [tilespmem:v7+s2+$0x0], $0xffff  }
0x544: {  	v1 =	vld.idx.msk [tilespmem:v1+s2+$0x0], $0xffff  }
0x545: {  	v6 =	vld.idx.msk [tilespmem:v6+s2+$0x0], $0xffff  }
0x546: {  	v8 =	vld.idx.msk [tilespmem:v8+s2+$0x0], $0xffff  }
0x547: {  	v10 =	vld.idx.msk [tilespmem:v10+s2+$0x0], $0xffff  }
0x548: {  	v26 =	vadd.s32 $0xF800, v4;
	[tilespmem:s14+$0x2A0] =	vst v7;
	v7 =	vld [tilespmem:$0x1FA00]  }
0x549: {  	v30 =	vadd.s32 $0xF800, v47;
	[tilespmem:s14+$0x260] =	vst v3;
	v11 =	vld.idx.msk [tilespmem:v11+s2+$0x0], $0xffff  }
0x54a: {  	v19 =	vadd.s32 $0xF800, v48;
	v3 =	vld.idx.msk [tilespmem:v33+s2+$0x0], $0xffff;
	[tilespmem:s14+$0x2D0] =	vst v1  }
0x54b: {  	v1 =	vld.idx.msk [tilespmem:v9+s2+$0x0], $0xffff;
	[tilespmem:s14+$0x280] =	vst v6  }
0x54c: {  	v6 =	vld.idx.msk [tilespmem:v31+s2+$0x0], $0xffff;
	[tilespmem:s14+$0x290] =	vst v8  }
0x54d: {  	v63 =	vld.idx.msk [tilespmem:v26+s2+$0x0], $0xffff;
	[tilespmem:s14+$0x2B0] =	vst v10  }
0x54e: {  	v4 =	vadd.s32 $0xFC00, v4;
	v10 =	vld.idx.msk [tilespmem:v30+s2+$0x0], $0xffff;
	[tilespmem:s14+$0x2C0] =	vst v11  }
0x54f: {  	v47 =	vadd.s32 $0xFC00, v47;
	v11 =	vld.idx.msk [tilespmem:v19+s2+$0x0], $0xffff  }
0x550: {  	s15 =	sadd.s32 $0x8, s15;
	v48 =	vadd.s32 $0xFC00, v48;
	[tilespmem:s14+$0x2E0] =	vst v3;
	v7 =	vld.idx.msk [tilespmem:v7+s2+$0x0], $0xffff  }
0x551: {  	p0 =	slt.u32 s15, $0x38;
	v5 =	vadd.s32 $0xFC00, v5;
	v8 =	vld.idx.msk [tilespmem:v20+s2+$0x0], $0xffff;
	[tilespmem:s14+$0x300] =	vst v6  }
.Ltmp3:
0x552: {  	v3 =	vld.idx.msk [tilespmem:v16+s2+$0x0], $0xffff;
	[tilespmem:s14+$0x310] =	vst v63;
	(pc) =	sbr.rel @p0 .LBB2_8-.Ltmp3, $4  }
0x553: {  	v6 =	vld.idx.msk [tilespmem:v4+s2+$0x0], $0xffff;
	[tilespmem:s14+$0x330] =	vst v10  }
0x554: {  	v9 =	vld.idx.msk [tilespmem:v47+s2+$0x0], $0xffff;
	[tilespmem:s14+$0x340] =	vst v11  }
0x555: {  	v10 =	vld.idx.msk [tilespmem:v48+s2+$0x0], $0xffff;
	[tilespmem:s14+$0x320] =	vst v7  }
0x556: {  	s16 =	sadd.s32 $0x80, s16;
	[tilespmem:s14+$0x350] =	vst v1;
	v7 =	vld.idx.msk [tilespmem:v5+s2+$0x0], $0xffff  }
0x557: {  	_ =	sdelay $0x2  }
0x558: {  	[tilespmem:s14+$0x360] =	vst v8  }
0x559: {  	[tilespmem:s14+$0x380] =	vst v3;
	v1 =	vld.idx.msk [tilespmem:v2+s2+$0x0], $0xffff  }
0x55a: {  	[tilespmem:s14+$0x390] =	vst v6;
	v0 =	vld.idx.msk [tilespmem:v0+s2+$0x0], $0xffff  }
0x55b: {  	[tilespmem:s14+$0x3B0] =	vst v9  }
0x55c: {  	[tilespmem:s14+$0x3C0] =	vst v10  }
0x55d: {  	s13 =	sadd.s32 $0x1, s13;
	[tilespmem:s14+$0x3A0] =	vst v7  }
0x55e: {  	p0 =	sne.s32 s13, s9;
	[tilespmem:s14+$0x3D0] =	vst v1  }
.Ltmp4:
0x55f: {  	[tilespmem:s14+$0x3E0] =	vst v0;
	(pc) =	sbr.rel @p0 .LBB2_1-.Ltmp4, $4  }
0x560: {  	[hbm4b:s8+s2] =	stream.linear.scatter [tilespmem:s12], [sflag:$0x1], $0x4000, $0x38;
	[tilespmem:$0x14400] =	vst v63  }
0x561: {  	_ =	swait.ge [sflag:s10], $0x4000  }
0x562: {  	[sflag:s10] =	ssyncset.done $0x0  }
0x563: {  	[sflag:s10] =	ssyncadd.s32 $0xFFFFC000  }
0x564: {  	_ =	sfence.sel $0x180000  }
0x565: {  	[bflag:$0x0] =	sbarrier.arrive $0xFFFF  }
0x566: {  	p0 =	sne.s32 s1, $0x0;
	_ =	strace $0x90000047  }
0x567: {  	s0 =	sadd.s32 @!p0 $0x100000, s0;
	[bflag:$0x2] =	sbarrier.arrive $0xFFFF  }
0x568: {  	[sflag:s0] =	ssyncadd.tile.s32 @!p0 $0x1;
	_ =	shalt  }
.Lfunc_end2:
_tile_overlayer_lowered:
.L_overlay_start_2:
0x569: {  	(tag) =	ssettag $0x2  }
0x56a: {  	s0 =	rddreg [dreg:$0x0];
	s2 =	stileid.u32  }
0x56b: {  	s1 =	rddreg [dreg:$0x1];
	p0 =	sne.s32 s2, $0x0  }
0x56c: {  	s3 =	rddreg [dreg:$0x2];
	[bflag:$0x3] =	sbarrier.arrive $0xFFFF;
	s2 =	simm.s32 @!p0 $0x1C01  }
0x56d: {  	[timem:s3], [sflag:s2] =	dma.local @!p0 [hbm:s0], s1  }
0x56e: {  	s0 =	simm.s32 @!p0 $0x1  }
0x56f: {  	_ =	swait.ge @!p0 [sflag:s0], s1  }
0x570: {  	s1 =	ssub.s32 @!p0 $0x0, s1;
	[sflag:s0] =	ssyncset.done @!p0 $0x0  }
0x571: {  	[sflag:s0] =	ssyncadd.s32 @!p0 s1  }
0x572: {  	[bflag:$0x3] =	sbarrier.arrive $0xFFFF  }
0x573: {  	_ =	shalt  }

</sc_bundles>
